<compile_context>
chip_gen: v7x
topology: tpu7x:2x2x1
jax: 0.10.2.dev20260603
libtpu: 0.0.44.dev20260713+nightly
codegen_flags: <defaults>
</compile_context>

<pallas_src>
import functools

import jax
import jax.numpy as jnp
from jax import lax
from jax.experimental import pallas as pl
from jax.experimental.pallas import tpu as pltpu
from jax.experimental.pallas import tpu_sc as plsc

N = 10000
E = 320000
D = 128
NP = 10240
TRASH = NP
NSC = 2
NSUB = 16
EPT = E // (NSC * NSUB)
CH = 80
NCH = EPT // CH
RPT = NP // NSUB

def _dot_t(a, b):
    return lax.dot_general(a, b, (((1,), (1,)), ((), ())),
                           preferred_element_type=jnp.float32)



NSLOT = 4


def _sc_deg_body(src_h, degp, srcb_all, sb0, sb1, sb2, sb3,
                 ones_v, zer, deg_s, s0, s1, s2, s3):
    c = lax.axis_index("c")
    s = lax.axis_index("s")
    slots = (sb0, sb1, sb2, sb3)
    sems = (s0, s1, s2, s3)

    def _fill(i, _):
        ones_v[pl.ds(i * 16, 16)] = jnp.ones((16,), jnp.float32)
        return 0
    lax.fori_loop(0, CH // 16, _fill, 0)

    def _zero(i, _):
        zer[pl.ds(i * 16, 16)] = jnp.zeros((16,), jnp.float32)
        return 0
    lax.fori_loop(0, RPT // 16, _zero, 0)
    pltpu.sync_copy(zer, deg_s.at[pl.ds(s * RPT, RPT)])
    plsc.subcore_barrier()

    base = (c * NSUB + s) * EPT
    pltpu.sync_copy(src_h.at[pl.ds(pl.multiple_of(base, 8), EPT)], srcb_all)

    def _stage(r, k):
        for j in range(CH // 16):
            slots[r][pl.ds(j * 16, 16)] = srcb_all[pl.ds(k * CH + j * 16, 16)]

    def _fire(r):
        pltpu.async_copy(ones_v, deg_s.at[slots[r]], sems[r], add=True)

    def _swait(r):
        pltpu.make_async_copy(ones_v, deg_s.at[slots[r]], sems[r]).wait()

    for k in range(NSLOT):
        _stage(k, k)
        _fire(k)

    def _group(g, _):
        for r in range(NSLOT):
            k = g * NSLOT + r
            _swait(r)
            _stage(r, k)
            _fire(r)
        return 0
    lax.fori_loop(1, (NCH - 1) // NSLOT, _group, 0)

    for k in range(((NCH - 1) // NSLOT) * NSLOT, NCH):
        r = k % NSLOT
        _swait(r)
        _stage(r, k)
        _fire(r)
    for r in range(NSLOT):
        _swait(r)

    plsc.subcore_barrier()
    pltpu.sync_copy(deg_s.at[pl.ds(s * RPT, RPT)],
                    degp.at[c, pl.ds(s * RPT, RPT)])


NSLOT_A = 4


def _sc_agg_body(hp, src_h, dst_h, aggp, *sc):
    srcb = sc[0:NSLOT_A]
    dstb = sc[NSLOT_A:2 * NSLOT_A]
    rows = sc[2 * NSLOT_A:3 * NSLOT_A]
    agg_s = sc[3 * NSLOT_A]
    isem = sc[1 + 3 * NSLOT_A:1 + 4 * NSLOT_A]
    gsem = sc[1 + 4 * NSLOT_A:1 + 5 * NSLOT_A]
    ssem = sc[1 + 5 * NSLOT_A:1 + 6 * NSLOT_A]
    r0 = rows[0]
    c = lax.axis_index("c")
    s = lax.axis_index("s")

    def _zrow(r, _):
        for j in range(D // 16):
            r0[r, pl.ds(j * 16, 16)] = jnp.zeros((16,), jnp.float32)
        return 0
    lax.fori_loop(0, CH, _zrow, 0)

    base = pl.multiple_of((c * NSUB + s) * EPT, 8)
    zsem = list(sc[1 + 4 * NSLOT_A:1 + 6 * NSLOT_A])

    def _fire_idx(r, k):
        off = pl.multiple_of(base + k * CH, 8)
        pltpu.async_copy(src_h.at[pl.ds(off, CH)], srcb[r], isem[r])
        pltpu.async_copy(dst_h.at[pl.ds(off, CH)], dstb[r], isem[r])

    def _wait_idx(r, k):
        off = pl.multiple_of(base + k * CH, 8)
        pltpu.make_async_copy(src_h.at[pl.ds(off, CH)], srcb[r], isem[r]).wait()
        pltpu.make_async_copy(dst_h.at[pl.ds(off, CH)], dstb[r], isem[r]).wait()

    def _stage(r):
        for j in range(CH // 16):
            sv = srcb[r][pl.ds(j * 16, 16)]
            dv = dstb[r][pl.ds(j * 16, 16)]
            dstb[r][pl.ds(j * 16, 16)] = jnp.where(sv == dv, TRASH, dv)

    def _fire_gather(r):
        pltpu.async_copy(hp.at[srcb[r]], rows[r], gsem[r])

    def _wait_gather(r):
        pltpu.make_async_copy(hp.at[srcb[r]], rows[r], gsem[r]).wait()

    def _fire_scatter(r):
        pltpu.async_copy(rows[r], agg_s.at[dstb[r]], ssem[r], add=True)

    def _wait_scatter(r):
        pltpu.make_async_copy(rows[r], agg_s.at[dstb[r]], ssem[r]).wait()

    for t in range(RPT // CH):
        pltpu.async_copy(r0, agg_s.at[pl.ds(s * RPT + t * CH, CH)],
                         zsem[t % len(zsem)])

    @pl.when(s == 0)
    def _ztrash():
        pltpu.sync_copy(r0.at[pl.ds(0, 8)], agg_s.at[pl.ds(NP, 8)])

    for k in range(NSLOT_A):
        _fire_idx(k, k)
    for t in range(RPT // CH):
        pltpu.make_async_copy(r0, agg_s.at[pl.ds(s * RPT + t * CH, CH)],
                              zsem[t % len(zsem)]).wait()
    plsc.subcore_barrier()

    for k in range(1, NSLOT_A):
        _wait_idx(k - 1, k - 1)
        _stage(k - 1)
        _fire_gather(k - 1)
        if k >= 2:
            _wait_gather(k - 2)
            _fire_scatter(k - 2)

    def _step(k, r, rp, rq):
        _wait_scatter(r)
        _fire_idx(r, k)
        _wait_idx(rp, k - 1)
        _stage(rp)
        _fire_gather(rp)
        _wait_gather(rq)
        _fire_scatter(rq)

    def _group(g, _):
        for r in range(NSLOT_A):
            k = g * NSLOT_A + r
            _step(k, r, (r + NSLOT_A - 1) % NSLOT_A, (r + NSLOT_A - 2) % NSLOT_A)
        return 0
    lax.fori_loop(1, NCH // NSLOT_A, _group, 0)

    for k in range((NCH // NSLOT_A) * NSLOT_A, NCH):
        r = k % NSLOT_A
        _step(k, r, (r + NSLOT_A - 1) % NSLOT_A, (r + NSLOT_A - 2) % NSLOT_A)
    rl = (NCH - 1) % NSLOT_A
    rk = (NCH - 2) % NSLOT_A
    _wait_idx(rl, NCH - 1)
    _stage(rl)
    _fire_gather(rl)
    _wait_gather(rk)
    _fire_scatter(rk)
    _wait_gather(rl)
    _fire_scatter(rl)
    for r in range(NSLOT_A):
        _wait_scatter(r)

    plsc.subcore_barrier()
    pltpu.sync_copy(agg_s.at[pl.ds(s * RPT, RPT)],
                    aggp.at[c, pl.ds(s * RPT, RPT)])


@functools.cache
def _sc_kernels():
    mesh = plsc.VectorSubcoreMesh(core_axis_name="c", subcore_axis_name="s",
                                  num_cores=NSC, num_subcores=NSUB)
    sc_deg = pl.kernel(
        _sc_deg_body,
        out_type=jax.ShapeDtypeStruct((NSC, NP), jnp.float32),
        mesh=mesh,
        scratch_types=(
            [pltpu.VMEM((EPT,), jnp.int32)]
            + [pltpu.VMEM((CH,), jnp.int32)] * NSLOT
            + [pltpu.VMEM((CH,), jnp.float32),
               pltpu.VMEM((RPT,), jnp.float32),
               pltpu.VMEM_SHARED((NP,), jnp.float32)]
            + [pltpu.SemaphoreType.DMA] * NSLOT
        ),
    )
    sc_agg = pl.kernel(
        _sc_agg_body,
        out_type=jax.ShapeDtypeStruct((NSC, NP, D), jnp.float32),
        mesh=mesh,
        scratch_types=(
            [pltpu.VMEM((CH,), jnp.int32)] * NSLOT_A
            + [pltpu.VMEM((CH,), jnp.int32)] * NSLOT_A
            + [pltpu.VMEM((CH, D), jnp.float32)] * NSLOT_A
            + [pltpu.VMEM_SHARED((NP + 8, D), jnp.float32)]
            + [pltpu.SemaphoreType.DMA] * (3 * NSLOT_A)
        ),
    )
    return sc_deg, sc_agg



BR = 5120


def _dinv_of(degr):
    deg = degr[0:1, :] + degr[1:2, :]
    dinv = jnp.where(deg > 0, lax.rsqrt(deg), 0.0)
    return dinv.reshape(BR, 1)


def _tc0_body(xr, wc, degr, a0r, h0r):
    xb = xr[...]
    dinv = _dinv_of(degr[...])
    ah = _dot_t(xb, wc[...])
    a0r[...] = ah[:, :D]
    h0r[...] = ah[:, D:] * dinv


def _tc1_body(a0r, aggr, degr, br, wc, a1r, h1r):
    dinv = _dinv_of(degr[...])
    agg = aggr[0] + aggr[1]
    y = jnp.maximum(a0r[...] + dinv * agg + br[...], 0.0)
    ah = _dot_t(y, wc[...])
    a1r[...] = ah[:, :D]
    h1r[...] = ah[:, D:] * dinv


def _tc2_body(a1r, aggr, degr, br, wo, bor, outr):
    dinv = _dinv_of(degr[...])
    agg = aggr[0] + aggr[1]
    y = jnp.maximum(a1r[...] + dinv * agg + br[...], 0.0)
    outr[...] = _dot_t(y, wo[...]) + bor[...]


_row_spec = pl.BlockSpec((BR, D), lambda i: (i, 0))
_w_spec = pl.BlockSpec((D, D), lambda i: (0, 0))
_wc_spec = pl.BlockSpec((2 * D, D), lambda i: (0, 0))
_deg_spec = pl.BlockSpec((2, BR), lambda i: (0, i))
_agg_spec = pl.BlockSpec((NSC, BR, D), lambda i: (0, i, 0))
_b_spec = pl.BlockSpec((1, D), lambda i: (0, 0))
_rows_out = jax.ShapeDtypeStruct((NP, D), jnp.float32)

_tc0 = pl.pallas_call(
    _tc0_body, grid=(NP // BR,),
    in_specs=[_row_spec, _wc_spec, _deg_spec],
    out_specs=[_row_spec, _row_spec],
    out_shape=[_rows_out, _rows_out],
)

_tc1 = pl.pallas_call(
    _tc1_body, grid=(NP // BR,),
    in_specs=[_row_spec, _agg_spec, _deg_spec, _b_spec, _wc_spec],
    out_specs=[_row_spec, _row_spec],
    out_shape=[_rows_out, _rows_out],
)

_tc2 = pl.pallas_call(
    _tc2_body, grid=(NP // BR,),
    in_specs=[_row_spec, _agg_spec, _deg_spec, _b_spec, _w_spec, _b_spec],
    out_specs=_row_spec,
    out_shape=jax.ShapeDtypeStruct((N, D), jnp.float32),
)



@jax.jit
def kernel(x, edge_index, W_in0, W_ng0, b0, W_in1, W_ng1, b1, W_out, b_out):
    sc_deg, sc_agg = _sc_kernels()
    src = edge_index[0]
    dst = edge_index[1]
    degp = sc_deg(src)
    wc0 = jnp.concatenate([W_in0, W_ng0], axis=0)
    wc1 = jnp.concatenate([W_in1, W_ng1], axis=0)
    a0, h0 = _tc0(x, wc0, degp)
    agg0 = sc_agg(h0, src, dst)
    a1, h1 = _tc1(a0, agg0, degp, b0.reshape(1, D), wc1)
    agg1 = sc_agg(h1, src, dst)
    return _tc2(a1, agg1, degp, b1.reshape(1, D), W_out, b_out.reshape(1, D))

# --- scband reference (transcript-rebuilt; emitter-appended) ---
"""Pipeline reference for scband-my-gcn-35940286333262 (READ-ONLY COPY).

The authoritative reference and input builder live on the scoring server;
editing this copy changes nothing except your own understanding.
"""

import jax, jax.numpy as jnp
import numpy as np

N = 10000
E = 320000
D = 128

def setup_inputs(seed: int = 0) -> dict:
    key = jax.random.key(seed)
    ks = jax.random.split(key, 12)
    x = jax.random.normal(ks[0], (N, D), dtype=jnp.float32)
    edge_index = jax.random.randint(ks[1], (2, E), 0, N, dtype=jnp.int32)
    s = 1.0 / np.sqrt(D)
    W_in0 = jax.random.normal(ks[2], (D, D), dtype=jnp.float32) * s
    W_ng0 = jax.random.normal(ks[3], (D, D), dtype=jnp.float32) * s
    b0 = jnp.zeros((D,), dtype=jnp.float32)
    W_in1 = jax.random.normal(ks[4], (D, D), dtype=jnp.float32) * s
    W_ng1 = jax.random.normal(ks[5], (D, D), dtype=jnp.float32) * s
    b1 = jnp.zeros((D,), dtype=jnp.float32)
    W_out = jax.random.normal(ks[6], (D, D), dtype=jnp.float32) * s
    b_out = jnp.zeros((D,), dtype=jnp.float32)
    return {"x": x, "edge_index": edge_index, "W_in0": W_in0, "W_ng0": W_ng0, "b0": b0,
            "W_in1": W_in1, "W_ng1": W_ng1, "b1": b1, "W_out": W_out, "b_out": b_out}

def _laplacian_norm(edge_index, num_nodes, dtype):
    # torch_geometric.utils.get_laplacian(normalization='sym') with edge_weight=None,
    # followed by remove_self_loops and negation (norm = -laplacian_offdiag = A_norm).
    src = edge_index[0]
    dst = edge_index[1]
    ew = jnp.ones(src.shape[0], dtype=dtype)
    deg = jnp.zeros((num_nodes,), dtype=dtype).at[src].add(ew)
    dinv = jnp.where(deg > 0, deg ** -0.5, 0.0)
    norm = dinv[src] * ew * dinv[dst]
    # remove_self_loops drops diagonal entries; equivalent to zero weight on them
    norm = jnp.where(src == dst, 0.0, norm)
    return norm

def _gcn_layer(x, src, dst, norm, W_in, W_ng, b, num_nodes):
    h = x @ W_ng.T
    msg = h[src] * norm[:, None]
    agg = jnp.zeros((num_nodes, h.shape[1]), dtype=x.dtype).at[dst].add(msg)
    return x @ W_in.T + agg + b[None, :]

def reference(x, edge_index, W_in0, W_ng0, b0, W_in1, W_ng1, b1, W_out, b_out):
    num_nodes = x.shape[0]
    src = edge_index[0]
    dst = edge_index[1]
    norm = _laplacian_norm(edge_index, num_nodes, x.dtype)
    h = jax.nn.relu(_gcn_layer(x, src, dst, norm, W_in0, W_ng0, b0, num_nodes))
    h = jax.nn.relu(_gcn_layer(h, src, dst, norm, W_in1, W_ng1, b1, num_nodes))
    out = h @ W_out.T + b_out[None, :]
    return out

if __name__ == "__main__":
    import jax
    _d = setup_inputs()
    print(jax.jit(kernel)(*tuple(_d.values())))

</pallas_src>

<mosaic_0001>
#map = affine_map<(d0, d1) -> (0)>
#map1 = affine_map<(d0, d1) -> (0, 0)>
module attributes {stable_mosaic.version = 14 : i64} {
  func.func @_sc_deg_body(%arg0: i32, %arg1: i32, %arg2: memref<320000xi32, #tpu.memory_space<hbm>>, %arg3: memref<2x10240xf32, #tpu.memory_space<hbm>>, %arg4: memref<10000xi32, #tpu.memory_space<vmem>>, %arg5: memref<80xi32, #tpu.memory_space<vmem>>, %arg6: memref<80xi32, #tpu.memory_space<vmem>>, %arg7: memref<80xi32, #tpu.memory_space<vmem>>, %arg8: memref<80xi32, #tpu.memory_space<vmem>>, %arg9: memref<80xf32, #tpu.memory_space<vmem>>, %arg10: memref<640xf32, #tpu.memory_space<vmem>>, %arg11: memref<10240xf32, #tpu.memory_space<vmem_shared>>, %arg12: memref<!tpu.dma_semaphore, #tpu.memory_space<semaphore_mem>>, %arg13: memref<!tpu.dma_semaphore, #tpu.memory_space<semaphore_mem>>, %arg14: memref<!tpu.dma_semaphore, #tpu.memory_space<semaphore_mem>>, %arg15: memref<!tpu.dma_semaphore, #tpu.memory_space<semaphore_mem>>) attributes {dimension_semantics = [#tpu.dimension_semantics<core_parallel>, #tpu.dimension_semantics<subcore_parallel>], iteration_bounds = array<i64: 2, 16>, scalar_prefetch = 0 : i64, scratch_operands = 12 : i64, tpu.core_type = #tpu.core_type<sc_vector_subcore>, window_params = [{transform_indices = #map}, {transform_indices = #map1}]} {
    %scan3A = arith.constant 0 : i32
    %scan3A_0 = arith.constant 0 : i32
    %scan3A_1 = arith.constant 5 : i32
    %scan3A_2 = arith.addi %scan3A_0, %scan3A_1 : i32
    %scan3A_3 = arith.constant 1 : i32
    %scan3A_4 = scf.for %scan3A_221 = %scan3A_0 to %scan3A_2 step %scan3A_3 iter_args(%scan3A_222 = %scan3A) -> (i32)  : i32 {
      %broadcast_in_dim3A = arith.constant 1.000000e+00 : f32
      %broadcast_in_dim3A_223 = vector.broadcast %broadcast_in_dim3A : f32 to vector<16xf32>
      %mul3A_224 = arith.constant 16 : i32
      %mul3A_225 = arith.muli %scan3A_221, %mul3A_224 : i32
      %swap3A_226 = arith.index_cast %mul3A_225 : i32 to index
      %swap3A_227 = tpu.vector_load %arg9[%swap3A_226] {strides = array<i32>} : memref<80xf32, #tpu.memory_space<vmem>>, vector<16xf32>,
      %swap3A_228 = vector.shape_cast %swap3A_227 : vector<16xf32> to vector<16xf32>
      %swap3A_229 = vector.shape_cast %broadcast_in_dim3A_223 : vector<16xf32> to vector<16xf32>
      tpu.vector_store %arg9[%swap3A_226], %swap3A_229 {strides = array<i32>} : memref<80xf32, #tpu.memory_space<vmem>>, vector<16xf32>,
      %scan3A_230 = arith.constant 0 : i32
      scf.yield %scan3A_230 : i32
    }
    %scan3A_5 = arith.constant 5 : i32
    %scan3A_6 = arith.constant 0 : i32
    %scan3A_7 = arith.constant 0 : i32
    %scan3A_8 = arith.constant 40 : i32
    %scan3A_9 = arith.addi %scan3A_7, %scan3A_8 : i32
    %scan3A_10 = arith.constant 1 : i32
    %scan3A_11 = scf.for %scan3A_221 = %scan3A_7 to %scan3A_9 step %scan3A_10 iter_args(%scan3A_222 = %scan3A_6) -> (i32)  : i32 {
      %broadcast_in_dim3A = arith.constant 0.000000e+00 : f32
      %broadcast_in_dim3A_223 = vector.broadcast %broadcast_in_dim3A : f32 to vector<16xf32>
      %mul3A_224 = arith.constant 16 : i32
      %mul3A_225 = arith.muli %scan3A_221, %mul3A_224 : i32
      %swap3A_226 = arith.index_cast %mul3A_225 : i32 to index
      %swap3A_227 = tpu.vector_load %arg10[%swap3A_226] {strides = array<i32>} : memref<640xf32, #tpu.memory_space<vmem>>, vector<16xf32>,
      %swap3A_228 = vector.shape_cast %swap3A_227 : vector<16xf32> to vector<16xf32>
      %swap3A_229 = vector.shape_cast %broadcast_in_dim3A_223 : vector<16xf32> to vector<16xf32>
      tpu.vector_store %arg10[%swap3A_226], %swap3A_229 {strides = array<i32>} : memref<640xf32, #tpu.memory_space<vmem>>, vector<16xf32>,
      %scan3A_230 = arith.constant 0 : i32
      scf.yield %scan3A_230 : i32
    }
    %scan3A_12 = arith.constant 40 : i32
    %mul3A = arith.constant 640 : i32
    %mul3A_13 = arith.muli %arg1, %mul3A : i32
    "tpu.region"() ({
      %run_scoped3A = tpu.sem_alloc : memref<!tpu.dma_semaphore, #tpu.memory_space<semaphore_mem>>
      %dma_start3A_221 = tpu.memref_slice %arg11[%mul3A_13] : memref<10240xf32, #tpu.memory_space<vmem_shared>> -> memref<640xf32, #tpu.memory_space<vmem_shared>>
      %dma_start3A_222 = tpu.memref_slice %arg11[%mul3A_13] : memref<10240xf32, #tpu.memory_space<vmem_shared>> -> memref<640xf32, #tpu.memory_space<vmem_shared>>
      tpu.enqueue_dma source(%arg10 : memref<640xf32, #tpu.memory_space<vmem>>) target(%dma_start3A_222 : memref<640xf32, #tpu.memory_space<vmem_shared>>) target_semaphore(%run_scoped3A : memref<!tpu.dma_semaphore, #tpu.memory_space<semaphore_mem>>)
      %dma_wait3A_223 = tpu.memref_slice %arg11[%mul3A_13] : memref<10240xf32, #tpu.memory_space<vmem_shared>> -> memref<640xf32, #tpu.memory_space<vmem_shared>>
      %dma_wait3A_224 = tpu.memref_slice %arg11[%mul3A_13] : memref<10240xf32, #tpu.memory_space<vmem_shared>> -> memref<640xf32, #tpu.memory_space<vmem_shared>>
      tpu.wait_dma2 semaphore(%run_scoped3A : memref<!tpu.dma_semaphore, #tpu.memory_space<semaphore_mem>>) src(%arg10 : memref<640xf32, #tpu.memory_space<vmem>>) dst(%dma_wait3A_224 : memref<640xf32, #tpu.memory_space<vmem_shared>>)
      tpu.yield
    }) : () -> ()
    %barrier3A = arith.constant 0 : index
    tpu.barrier barrier_id(%barrier3A)
    %mul3A_14 = arith.constant 16 : i32
    %mul3A_15 = arith.muli %arg0, %mul3A_14 : i32
    %add3A = arith.addi %mul3A_15, %arg1 : i32
    %mul3A_16 = arith.constant 10000 : i32
    %mul3A_17 = arith.muli %add3A, %mul3A_16 : i32
    %multiple_of3A = tpu.assume_multiple %mul3A_17, 8 : i32
    "tpu.region"() ({
      %run_scoped3A = tpu.sem_alloc : memref<!tpu.dma_semaphore, #tpu.memory_space<semaphore_mem>>
      %dma_start3A_221 = tpu.memref_slice %arg2[%multiple_of3A] : memref<320000xi32, #tpu.memory_space<hbm>> -> memref<10000xi32, #tpu.memory_space<hbm>>
      %dma_start3A_222 = tpu.memref_slice %arg2[%multiple_of3A] : memref<320000xi32, #tpu.memory_space<hbm>> -> memref<10000xi32, #tpu.memory_space<hbm>>
      tpu.enqueue_dma source(%dma_start3A_222 : memref<10000xi32, #tpu.memory_space<hbm>>) target(%arg4 : memref<10000xi32, #tpu.memory_space<vmem>>) target_semaphore(%run_scoped3A : memref<!tpu.dma_semaphore, #tpu.memory_space<semaphore_mem>>)
      %dma_wait3A_223 = tpu.memref_slice %arg2[%multiple_of3A] : memref<320000xi32, #tpu.memory_space<hbm>> -> memref<10000xi32, #tpu.memory_space<hbm>>
      %dma_wait3A_224 = tpu.memref_slice %arg2[%multiple_of3A] : memref<320000xi32, #tpu.memory_space<hbm>> -> memref<10000xi32, #tpu.memory_space<hbm>>
      tpu.wait_dma2 semaphore(%run_scoped3A : memref<!tpu.dma_semaphore, #tpu.memory_space<semaphore_mem>>) src(%dma_wait3A_224 : memref<10000xi32, #tpu.memory_space<hbm>>) dst(%arg4 : memref<10000xi32, #tpu.memory_space<vmem>>)
      tpu.yield
    }) : () -> ()
    %get3A = arith.constant 0 : index
    %get3A_18 = tpu.vector_load %arg4[%get3A] {strides = array<i32>} : memref<10000xi32, #tpu.memory_space<vmem>>, vector<16xi32>,
    %get3A_19 = vector.shape_cast %get3A_18 : vector<16xi32> to vector<16xi32>
    %swap3A = arith.constant 0 : index
    %swap3A_20 = tpu.vector_load %arg5[%swap3A] {strides = array<i32>} : memref<80xi32, #tpu.memory_space<vmem>>, vector<16xi32>,
    %swap3A_21 = vector.shape_cast %swap3A_20 : vector<16xi32> to vector<16xi32>
    %swap3A_22 = vector.shape_cast %get3A_19 : vector<16xi32> to vector<16xi32>
    tpu.vector_store %arg5[%swap3A], %swap3A_22 {strides = array<i32>} : memref<80xi32, #tpu.memory_space<vmem>>, vector<16xi32>,
    %get3A_23 = arith.constant 16 : index
    %get3A_24 = tpu.vector_load %arg4[%get3A_23] {strides = array<i32>} : memref<10000xi32, #tpu.memory_space<vmem>>, vector<16xi32>,
    %get3A_25 = vector.shape_cast %get3A_24 : vector<16xi32> to vector<16xi32>
    %swap3A_26 = arith.constant 16 : index
    %swap3A_27 = tpu.vector_load %arg5[%swap3A_26] {strides = array<i32>} : memref<80xi32, #tpu.memory_space<vmem>>, vector<16xi32>,
    %swap3A_28 = vector.shape_cast %swap3A_27 : vector<16xi32> to vector<16xi32>
    %swap3A_29 = vector.shape_cast %get3A_25 : vector<16xi32> to vector<16xi32>
    tpu.vector_store %arg5[%swap3A_26], %swap3A_29 {strides = array<i32>} : memref<80xi32, #tpu.memory_space<vmem>>, vector<16xi32>,
    %get3A_30 = arith.constant 32 : index
    %get3A_31 = tpu.vector_load %arg4[%get3A_30] {strides = array<i32>} : memref<10000xi32, #tpu.memory_space<vmem>>, vector<16xi32>,
    %get3A_32 = vector.shape_cast %get3A_31 : vector<16xi32> to vector<16xi32>
    %swap3A_33 = arith.constant 32 : index
    %swap3A_34 = tpu.vector_load %arg5[%swap3A_33] {strides = array<i32>} : memref<80xi32, #tpu.memory_space<vmem>>, vector<16xi32>,
    %swap3A_35 = vector.shape_cast %swap3A_34 : vector<16xi32> to vector<16xi32>
    %swap3A_36 = vector.shape_cast %get3A_32 : vector<16xi32> to vector<16xi32>
    tpu.vector_store %arg5[%swap3A_33], %swap3A_36 {strides = array<i32>} : memref<80xi32, #tpu.memory_space<vmem>>, vector<16xi32>,
    %get3A_37 = arith.constant 48 : index
    %get3A_38 = tpu.vector_load %arg4[%get3A_37] {strides = array<i32>} : memref<10000xi32, #tpu.memory_space<vmem>>, vector<16xi32>,
    %get3A_39 = vector.shape_cast %get3A_38 : vector<16xi32> to vector<16xi32>
    %swap3A_40 = arith.constant 48 : index
    %swap3A_41 = tpu.vector_load %arg5[%swap3A_40] {strides = array<i32>} : memref<80xi32, #tpu.memory_space<vmem>>, vector<16xi32>,
    %swap3A_42 = vector.shape_cast %swap3A_41 : vector<16xi32> to vector<16xi32>
    %swap3A_43 = vector.shape_cast %get3A_39 : vector<16xi32> to vector<16xi32>
    tpu.vector_store %arg5[%swap3A_40], %swap3A_43 {strides = array<i32>} : memref<80xi32, #tpu.memory_space<vmem>>, vector<16xi32>,
    %get3A_44 = arith.constant 64 : index
    %get3A_45 = tpu.vector_load %arg4[%get3A_44] {strides = array<i32>} : memref<10000xi32, #tpu.memory_space<vmem>>, vector<16xi32>,
    %get3A_46 = vector.shape_cast %get3A_45 : vector<16xi32> to vector<16xi32>
    %swap3A_47 = arith.constant 64 : index
    %swap3A_48 = tpu.vector_load %arg5[%swap3A_47] {strides = array<i32>} : memref<80xi32, #tpu.memory_space<vmem>>, vector<16xi32>,
    %swap3A_49 = vector.shape_cast %swap3A_48 : vector<16xi32> to vector<16xi32>
    %swap3A_50 = vector.shape_cast %get3A_46 : vector<16xi32> to vector<16xi32>
    tpu.vector_store %arg5[%swap3A_47], %swap3A_50 {strides = array<i32>} : memref<80xi32, #tpu.memory_space<vmem>>, vector<16xi32>,
    %dma_start3A = arith.constant 0 : i32
    %dma_start3A_51 = tpu.memref_slice %arg11[%dma_start3A] : memref<10240xf32, #tpu.memory_space<vmem_shared>> -> memref<10240xf32, #tpu.memory_space<vmem_shared>>
    tpu.enqueue_indirect_dma source(%arg9 : memref<80xf32, #tpu.memory_space<vmem>>) target(%dma_start3A_51 : memref<10240xf32, #tpu.memory_space<vmem_shared>>) offsets(%arg5 : memref<80xi32, #tpu.memory_space<vmem>>) semaphore(%arg12 : memref<!tpu.dma_semaphore, #tpu.memory_space<semaphore_mem>>) {add = true}
    %get3A_52 = arith.constant 80 : index
    %get3A_53 = tpu.vector_load %arg4[%get3A_52] {strides = array<i32>} : memref<10000xi32, #tpu.memory_space<vmem>>, vector<16xi32>,
    %get3A_54 = vector.shape_cast %get3A_53 : vector<16xi32> to vector<16xi32>
    %swap3A_55 = arith.constant 0 : index
    %swap3A_56 = tpu.vector_load %arg6[%swap3A_55] {strides = array<i32>} : memref<80xi32, #tpu.memory_space<vmem>>, vector<16xi32>,
    %swap3A_57 = vector.shape_cast %swap3A_56 : vector<16xi32> to vector<16xi32>
    %swap3A_58 = vector.shape_cast %get3A_54 : vector<16xi32> to vector<16xi32>
    tpu.vector_store %arg6[%swap3A_55], %swap3A_58 {strides = array<i32>} : memref<80xi32, #tpu.memory_space<vmem>>, vector<16xi32>,
    %get3A_59 = arith.constant 96 : index
    %get3A_60 = tpu.vector_load %arg4[%get3A_59] {strides = array<i32>} : memref<10000xi32, #tpu.memory_space<vmem>>, vector<16xi32>,
    %get3A_61 = vector.shape_cast %get3A_60 : vector<16xi32> to vector<16xi32>
    %swap3A_62 = arith.constant 16 : index
    %swap3A_63 = tpu.vector_load %arg6[%swap3A_62] {strides = array<i32>} : memref<80xi32, #tpu.memory_space<vmem>>, vector<16xi32>,
    %swap3A_64 = vector.shape_cast %swap3A_63 : vector<16xi32> to vector<16xi32>
    %swap3A_65 = vector.shape_cast %get3A_61 : vector<16xi32> to vector<16xi32>
    tpu.vector_store %arg6[%swap3A_62], %swap3A_65 {strides = array<i32>} : memref<80xi32, #tpu.memory_space<vmem>>, vector<16xi32>,
    %get3A_66 = arith.constant 112 : index
    %get3A_67 = tpu.vector_load %arg4[%get3A_66] {strides = array<i32>} : memref<10000xi32, #tpu.memory_space<vmem>>, vector<16xi32>,
    %get3A_68 = vector.shape_cast %get3A_67 : vector<16xi32> to vector<16xi32>
    %swap3A_69 = arith.constant 32 : index
    %swap3A_70 = tpu.vector_load %arg6[%swap3A_69] {strides = array<i32>} : memref<80xi32, #tpu.memory_space<vmem>>, vector<16xi32>,
    %swap3A_71 = vector.shape_cast %swap3A_70 : vector<16xi32> to vector<16xi32>
    %swap3A_72 = vector.shape_cast %get3A_68 : vector<16xi32> to vector<16xi32>
    tpu.vector_store %arg6[%swap3A_69], %swap3A_72 {strides = array<i32>} : memref<80xi32, #tpu.memory_space<vmem>>, vector<16xi32>,
    %get3A_73 = arith.constant 128 : index
    %get3A_74 = tpu.vector_load %arg4[%get3A_73] {strides = array<i32>} : memref<10000xi32, #tpu.memory_space<vmem>>, vector<16xi32>,
    %get3A_75 = vector.shape_cast %get3A_74 : vector<16xi32> to vector<16xi32>
    %swap3A_76 = arith.constant 48 : index
    %swap3A_77 = tpu.vector_load %arg6[%swap3A_76] {strides = array<i32>} : memref<80xi32, #tpu.memory_space<vmem>>, vector<16xi32>,
    %swap3A_78 = vector.shape_cast %swap3A_77 : vector<16xi32> to vector<16xi32>
    %swap3A_79 = vector.shape_cast %get3A_75 : vector<16xi32> to vector<16xi32>
    tpu.vector_store %arg6[%swap3A_76], %swap3A_79 {strides = array<i32>} : memref<80xi32, #tpu.memory_space<vmem>>, vector<16xi32>,
    %get3A_80 = arith.constant 144 : index
    %get3A_81 = tpu.vector_load %arg4[%get3A_80] {strides = array<i32>} : memref<10000xi32, #tpu.memory_space<vmem>>, vector<16xi32>,
    %get3A_82 = vector.shape_cast %get3A_81 : vector<16xi32> to vector<16xi32>
    %swap3A_83 = arith.constant 64 : index
    %swap3A_84 = tpu.vector_load %arg6[%swap3A_83] {strides = array<i32>} : memref<80xi32, #tpu.memory_space<vmem>>, vector<16xi32>,
    %swap3A_85 = vector.shape_cast %swap3A_84 : vector<16xi32> to vector<16xi32>
    %swap3A_86 = vector.shape_cast %get3A_82 : vector<16xi32> to vector<16xi32>
    tpu.vector_store %arg6[%swap3A_83], %swap3A_86 {strides = array<i32>} : memref<80xi32, #tpu.memory_space<vmem>>, vector<16xi32>,
    %dma_start3A_87 = arith.constant 0 : i32
    %dma_start3A_88 = tpu.memref_slice %arg11[%dma_start3A_87] : memref<10240xf32, #tpu.memory_space<vmem_shared>> -> memref<10240xf32, #tpu.memory_space<vmem_shared>>
    tpu.enqueue_indirect_dma source(%arg9 : memref<80xf32, #tpu.memory_space<vmem>>) target(%dma_start3A_88 : memref<10240xf32, #tpu.memory_space<vmem_shared>>) offsets(%arg6 : memref<80xi32, #tpu.memory_space<vmem>>) semaphore(%arg13 : memref<!tpu.dma_semaphore, #tpu.memory_space<semaphore_mem>>) {add = true}
    %get3A_89 = arith.constant 160 : index
    %get3A_90 = tpu.vector_load %arg4[%get3A_89] {strides = array<i32>} : memref<10000xi32, #tpu.memory_space<vmem>>, vector<16xi32>,
    %get3A_91 = vector.shape_cast %get3A_90 : vector<16xi32> to vector<16xi32>
    %swap3A_92 = arith.constant 0 : index
    %swap3A_93 = tpu.vector_load %arg7[%swap3A_92] {strides = array<i32>} : memref<80xi32, #tpu.memory_space<vmem>>, vector<16xi32>,
    %swap3A_94 = vector.shape_cast %swap3A_93 : vector<16xi32> to vector<16xi32>
    %swap3A_95 = vector.shape_cast %get3A_91 : vector<16xi32> to vector<16xi32>
    tpu.vector_store %arg7[%swap3A_92], %swap3A_95 {strides = array<i32>} : memref<80xi32, #tpu.memory_space<vmem>>, vector<16xi32>,
    %get3A_96 = arith.constant 176 : index
    %get3A_97 = tpu.vector_load %arg4[%get3A_96] {strides = array<i32>} : memref<10000xi32, #tpu.memory_space<vmem>>, vector<16xi32>,
    %get3A_98 = vector.shape_cast %get3A_97 : vector<16xi32> to vector<16xi32>
    %swap3A_99 = arith.constant 16 : index
    %swap3A_100 = tpu.vector_load %arg7[%swap3A_99] {strides = array<i32>} : memref<80xi32, #tpu.memory_space<vmem>>, vector<16xi32>,
    %swap3A_101 = vector.shape_cast %swap3A_100 : vector<16xi32> to vector<16xi32>
    %swap3A_102 = vector.shape_cast %get3A_98 : vector<16xi32> to vector<16xi32>
    tpu.vector_store %arg7[%swap3A_99], %swap3A_102 {strides = array<i32>} : memref<80xi32, #tpu.memory_space<vmem>>, vector<16xi32>,
    %get3A_103 = arith.constant 192 : index
    %get3A_104 = tpu.vector_load %arg4[%get3A_103] {strides = array<i32>} : memref<10000xi32, #tpu.memory_space<vmem>>, vector<16xi32>,
    %get3A_105 = vector.shape_cast %get3A_104 : vector<16xi32> to vector<16xi32>
    %swap3A_106 = arith.constant 32 : index
    %swap3A_107 = tpu.vector_load %arg7[%swap3A_106] {strides = array<i32>} : memref<80xi32, #tpu.memory_space<vmem>>, vector<16xi32>,
    %swap3A_108 = vector.shape_cast %swap3A_107 : vector<16xi32> to vector<16xi32>
    %swap3A_109 = vector.shape_cast %get3A_105 : vector<16xi32> to vector<16xi32>
    tpu.vector_store %arg7[%swap3A_106], %swap3A_109 {strides = array<i32>} : memref<80xi32, #tpu.memory_space<vmem>>, vector<16xi32>,
    %get3A_110 = arith.constant 208 : index
    %get3A_111 = tpu.vector_load %arg4[%get3A_110] {strides = array<i32>} : memref<10000xi32, #tpu.memory_space<vmem>>, vector<16xi32>,
    %get3A_112 = vector.shape_cast %get3A_111 : vector<16xi32> to vector<16xi32>
    %swap3A_113 = arith.constant 48 : index
    %swap3A_114 = tpu.vector_load %arg7[%swap3A_113] {strides = array<i32>} : memref<80xi32, #tpu.memory_space<vmem>>, vector<16xi32>,
    %swap3A_115 = vector.shape_cast %swap3A_114 : vector<16xi32> to vector<16xi32>
    %swap3A_116 = vector.shape_cast %get3A_112 : vector<16xi32> to vector<16xi32>
    tpu.vector_store %arg7[%swap3A_113], %swap3A_116 {strides = array<i32>} : memref<80xi32, #tpu.memory_space<vmem>>, vector<16xi32>,
    %get3A_117 = arith.constant 224 : index
    %get3A_118 = tpu.vector_load %arg4[%get3A_117] {strides = array<i32>} : memref<10000xi32, #tpu.memory_space<vmem>>, vector<16xi32>,
    %get3A_119 = vector.shape_cast %get3A_118 : vector<16xi32> to vector<16xi32>
    %swap3A_120 = arith.constant 64 : index
    %swap3A_121 = tpu.vector_load %arg7[%swap3A_120] {strides = array<i32>} : memref<80xi32, #tpu.memory_space<vmem>>, vector<16xi32>,
    %swap3A_122 = vector.shape_cast %swap3A_121 : vector<16xi32> to vector<16xi32>
    %swap3A_123 = vector.shape_cast %get3A_119 : vector<16xi32> to vector<16xi32>
    tpu.vector_store %arg7[%swap3A_120], %swap3A_123 {strides = array<i32>} : memref<80xi32, #tpu.memory_space<vmem>>, vector<16xi32>,
    %dma_start3A_124 = arith.constant 0 : i32
    %dma_start3A_125 = tpu.memref_slice %arg11[%dma_start3A_124] : memref<10240xf32, #tpu.memory_space<vmem_shared>> -> memref<10240xf32, #tpu.memory_space<vmem_shared>>
    tpu.enqueue_indirect_dma source(%arg9 : memref<80xf32, #tpu.memory_space<vmem>>) target(%dma_start3A_125 : memref<10240xf32, #tpu.memory_space<vmem_shared>>) offsets(%arg7 : memref<80xi32, #tpu.memory_space<vmem>>) semaphore(%arg14 : memref<!tpu.dma_semaphore, #tpu.memory_space<semaphore_mem>>) {add = true}
    %get3A_126 = arith.constant 240 : index
    %get3A_127 = tpu.vector_load %arg4[%get3A_126] {strides = array<i32>} : memref<10000xi32, #tpu.memory_space<vmem>>, vector<16xi32>,
    %get3A_128 = vector.shape_cast %get3A_127 : vector<16xi32> to vector<16xi32>
    %swap3A_129 = arith.constant 0 : index
    %swap3A_130 = tpu.vector_load %arg8[%swap3A_129] {strides = array<i32>} : memref<80xi32, #tpu.memory_space<vmem>>, vector<16xi32>,
    %swap3A_131 = vector.shape_cast %swap3A_130 : vector<16xi32> to vector<16xi32>
    %swap3A_132 = vector.shape_cast %get3A_128 : vector<16xi32> to vector<16xi32>
    tpu.vector_store %arg8[%swap3A_129], %swap3A_132 {strides = array<i32>} : memref<80xi32, #tpu.memory_space<vmem>>, vector<16xi32>,
    %get3A_133 = arith.constant 256 : index
    %get3A_134 = tpu.vector_load %arg4[%get3A_133] {strides = array<i32>} : memref<10000xi32, #tpu.memory_space<vmem>>, vector<16xi32>,
    %get3A_135 = vector.shape_cast %get3A_134 : vector<16xi32> to vector<16xi32>
    %swap3A_136 = arith.constant 16 : index
    %swap3A_137 = tpu.vector_load %arg8[%swap3A_136] {strides = array<i32>} : memref<80xi32, #tpu.memory_space<vmem>>, vector<16xi32>,
    %swap3A_138 = vector.shape_cast %swap3A_137 : vector<16xi32> to vector<16xi32>
    %swap3A_139 = vector.shape_cast %get3A_135 : vector<16xi32> to vector<16xi32>
    tpu.vector_store %arg8[%swap3A_136], %swap3A_139 {strides = array<i32>} : memref<80xi32, #tpu.memory_space<vmem>>, vector<16xi32>,
    %get3A_140 = arith.constant 272 : index
    %get3A_141 = tpu.vector_load %arg4[%get3A_140] {strides = array<i32>} : memref<10000xi32, #tpu.memory_space<vmem>>, vector<16xi32>,
    %get3A_142 = vector.shape_cast %get3A_141 : vector<16xi32> to vector<16xi32>
    %swap3A_143 = arith.constant 32 : index
    %swap3A_144 = tpu.vector_load %arg8[%swap3A_143] {strides = array<i32>} : memref<80xi32, #tpu.memory_space<vmem>>, vector<16xi32>,
    %swap3A_145 = vector.shape_cast %swap3A_144 : vector<16xi32> to vector<16xi32>
    %swap3A_146 = vector.shape_cast %get3A_142 : vector<16xi32> to vector<16xi32>
    tpu.vector_store %arg8[%swap3A_143], %swap3A_146 {strides = array<i32>} : memref<80xi32, #tpu.memory_space<vmem>>, vector<16xi32>,
    %get3A_147 = arith.constant 288 : index
    %get3A_148 = tpu.vector_load %arg4[%get3A_147] {strides = array<i32>} : memref<10000xi32, #tpu.memory_space<vmem>>, vector<16xi32>,
    %get3A_149 = vector.shape_cast %get3A_148 : vector<16xi32> to vector<16xi32>
    %swap3A_150 = arith.constant 48 : index
    %swap3A_151 = tpu.vector_load %arg8[%swap3A_150] {strides = array<i32>} : memref<80xi32, #tpu.memory_space<vmem>>, vector<16xi32>,
    %swap3A_152 = vector.shape_cast %swap3A_151 : vector<16xi32> to vector<16xi32>
    %swap3A_153 = vector.shape_cast %get3A_149 : vector<16xi32> to vector<16xi32>
    tpu.vector_store %arg8[%swap3A_150], %swap3A_153 {strides = array<i32>} : memref<80xi32, #tpu.memory_space<vmem>>, vector<16xi32>,
    %get3A_154 = arith.constant 304 : index
    %get3A_155 = tpu.vector_load %arg4[%get3A_154] {strides = array<i32>} : memref<10000xi32, #tpu.memory_space<vmem>>, vector<16xi32>,
    %get3A_156 = vector.shape_cast %get3A_155 : vector<16xi32> to vector<16xi32>
    %swap3A_157 = arith.constant 64 : index
    %swap3A_158 = tpu.vector_load %arg8[%swap3A_157] {strides = array<i32>} : memref<80xi32, #tpu.memory_space<vmem>>, vector<16xi32>,
    %swap3A_159 = vector.shape_cast %swap3A_158 : vector<16xi32> to vector<16xi32>
    %swap3A_160 = vector.shape_cast %get3A_156 : vector<16xi32> to vector<16xi32>
    tpu.vector_store %arg8[%swap3A_157], %swap3A_160 {strides = array<i32>} : memref<80xi32, #tpu.memory_space<vmem>>, vector<16xi32>,
    %dma_start3A_161 = arith.constant 0 : i32
    %dma_start3A_162 = tpu.memref_slice %arg11[%dma_start3A_161] : memref<10240xf32, #tpu.memory_space<vmem_shared>> -> memref<10240xf32, #tpu.memory_space<vmem_shared>>
    tpu.enqueue_indirect_dma source(%arg9 : memref<80xf32, #tpu.memory_space<vmem>>) target(%dma_start3A_162 : memref<10240xf32, #tpu.memory_space<vmem_shared>>) offsets(%arg8 : memref<80xi32, #tpu.memory_space<vmem>>) semaphore(%arg15 : memref<!tpu.dma_semaphore, #tpu.memory_space<semaphore_mem>>) {add = true}
    %scan3A_163 = arith.constant 0 : i32
    %scan3A_164 = arith.constant 1 : i32
    %scan3A_165 = arith.constant 30 : i32
    %scan3A_166 = arith.addi %scan3A_164, %scan3A_165 : i32
    %scan3A_167 = arith.constant 1 : i32
    %scan3A_168 = scf.for %scan3A_221 = %scan3A_164 to %scan3A_166 step %scan3A_167 iter_args(%scan3A_222 = %scan3A_163) -> (i32)  : i32 {
      %mul3A_223 = arith.constant 4 : i32
      %mul3A_224 = arith.muli %scan3A_221, %mul3A_223 : i32
      %add3A_225 = arith.constant 0 : i32
      %add3A_226 = arith.addi %mul3A_224, %add3A_225 : i32
      %dma_wait3A_227 = arith.constant 0 : i32
      %dma_wait3A_228 = tpu.memref_slice %arg11[%dma_wait3A_227] : memref<10240xf32, #tpu.memory_space<vmem_shared>> -> memref<10240xf32, #tpu.memory_space<vmem_shared>>
      tpu.wait_indirect_dma semaphore(%arg12 : memref<!tpu.dma_semaphore, #tpu.memory_space<semaphore_mem>>) src(%arg9 : memref<80xf32, #tpu.memory_space<vmem>>) dst(%dma_wait3A_228 : memref<10240xf32, #tpu.memory_space<vmem_shared>>)
      %mul3A_229 = arith.constant 80 : i32
      %mul3A_230 = arith.muli %add3A_226, %mul3A_229 : i32
      %add3A_231 = arith.constant 0 : i32
      %add3A_232 = arith.addi %mul3A_230, %add3A_231 : i32
      %get3A_233 = arith.index_cast %add3A_232 : i32 to index
      %get3A_234 = tpu.vector_load %arg4[%get3A_233] {strides = array<i32>} : memref<10000xi32, #tpu.memory_space<vmem>>, vector<16xi32>,
      %get3A_235 = vector.shape_cast %get3A_234 : vector<16xi32> to vector<16xi32>
      %swap3A_236 = arith.constant 0 : index
      %swap3A_237 = tpu.vector_load %arg5[%swap3A_236] {strides = array<i32>} : memref<80xi32, #tpu.memory_space<vmem>>, vector<16xi32>,
      %swap3A_238 = vector.shape_cast %swap3A_237 : vector<16xi32> to vector<16xi32>
      %swap3A_239 = vector.shape_cast %get3A_235 : vector<16xi32> to vector<16xi32>
      tpu.vector_store %arg5[%swap3A_236], %swap3A_239 {strides = array<i32>} : memref<80xi32, #tpu.memory_space<vmem>>, vector<16xi32>,
      %mul3A_240 = arith.constant 80 : i32
      %mul3A_241 = arith.muli %add3A_226, %mul3A_240 : i32
      %add3A_242 = arith.constant 16 : i32
      %add3A_243 = arith.addi %mul3A_241, %add3A_242 : i32
      %get3A_244 = arith.index_cast %add3A_243 : i32 to index
      %get3A_245 = tpu.vector_load %arg4[%get3A_244] {strides = array<i32>} : memref<10000xi32, #tpu.memory_space<vmem>>, vector<16xi32>,
      %get3A_246 = vector.shape_cast %get3A_245 : vector<16xi32> to vector<16xi32>
      %swap3A_247 = arith.constant 16 : index
      %swap3A_248 = tpu.vector_load %arg5[%swap3A_247] {strides = array<i32>} : memref<80xi32, #tpu.memory_space<vmem>>, vector<16xi32>,
      %swap3A_249 = vector.shape_cast %swap3A_248 : vector<16xi32> to vector<16xi32>
      %swap3A_250 = vector.shape_cast %get3A_246 : vector<16xi32> to vector<16xi32>
      tpu.vector_store %arg5[%swap3A_247], %swap3A_250 {strides = array<i32>} : memref<80xi32, #tpu.memory_space<vmem>>, vector<16xi32>,
      %mul3A_251 = arith.constant 80 : i32
      %mul3A_252 = arith.muli %add3A_226, %mul3A_251 : i32
      %add3A_253 = arith.constant 32 : i32
      %add3A_254 = arith.addi %mul3A_252, %add3A_253 : i32
      %get3A_255 = arith.index_cast %add3A_254 : i32 to index
      %get3A_256 = tpu.vector_load %arg4[%get3A_255] {strides = array<i32>} : memref<10000xi32, #tpu.memory_space<vmem>>, vector<16xi32>,
      %get3A_257 = vector.shape_cast %get3A_256 : vector<16xi32> to vector<16xi32>
      %swap3A_258 = arith.constant 32 : index
      %swap3A_259 = tpu.vector_load %arg5[%swap3A_258] {strides = array<i32>} : memref<80xi32, #tpu.memory_space<vmem>>, vector<16xi32>,
      %swap3A_260 = vector.shape_cast %swap3A_259 : vector<16xi32> to vector<16xi32>
      %swap3A_261 = vector.shape_cast %get3A_257 : vector<16xi32> to vector<16xi32>
      tpu.vector_store %arg5[%swap3A_258], %swap3A_261 {strides = array<i32>} : memref<80xi32, #tpu.memory_space<vmem>>, vector<16xi32>,
      %mul3A_262 = arith.constant 80 : i32
      %mul3A_263 = arith.muli %add3A_226, %mul3A_262 : i32
      %add3A_264 = arith.constant 48 : i32
      %add3A_265 = arith.addi %mul3A_263, %add3A_264 : i32
      %get3A_266 = arith.index_cast %add3A_265 : i32 to index
      %get3A_267 = tpu.vector_load %arg4[%get3A_266] {strides = array<i32>} : memref<10000xi32, #tpu.memory_space<vmem>>, vector<16xi32>,
      %get3A_268 = vector.shape_cast %get3A_267 : vector<16xi32> to vector<16xi32>
      %swap3A_269 = arith.constant 48 : index
      %swap3A_270 = tpu.vector_load %arg5[%swap3A_269] {strides = array<i32>} : memref<80xi32, #tpu.memory_space<vmem>>, vector<16xi32>,
      %swap3A_271 = vector.shape_cast %swap3A_270 : vector<16xi32> to vector<16xi32>
      %swap3A_272 = vector.shape_cast %get3A_268 : vector<16xi32> to vector<16xi32>
      tpu.vector_store %arg5[%swap3A_269], %swap3A_272 {strides = array<i32>} : memref<80xi32, #tpu.memory_space<vmem>>, vector<16xi32>,
      %mul3A_273 = arith.constant 80 : i32
      %mul3A_274 = arith.muli %add3A_226, %mul3A_273 : i32
      %add3A_275 = arith.constant 64 : i32
      %add3A_276 = arith.addi %mul3A_274, %add3A_275 : i32
      %get3A_277 = arith.index_cast %add3A_276 : i32 to index
      %get3A_278 = tpu.vector_load %arg4[%get3A_277] {strides = array<i32>} : memref<10000xi32, #tpu.memory_space<vmem>>, vector<16xi32>,
      %get3A_279 = vector.shape_cast %get3A_278 : vector<16xi32> to vector<16xi32>
      %swap3A_280 = arith.constant 64 : index
      %swap3A_281 = tpu.vector_load %arg5[%swap3A_280] {strides = array<i32>} : memref<80xi32, #tpu.memory_space<vmem>>, vector<16xi32>,
      %swap3A_282 = vector.shape_cast %swap3A_281 : vector<16xi32> to vector<16xi32>
      %swap3A_283 = vector.shape_cast %get3A_279 : vector<16xi32> to vector<16xi32>
      tpu.vector_store %arg5[%swap3A_280], %swap3A_283 {strides = array<i32>} : memref<80xi32, #tpu.memory_space<vmem>>, vector<16xi32>,
      %dma_start3A_284 = arith.constant 0 : i32
      %dma_start3A_285 = tpu.memref_slice %arg11[%dma_start3A_284] : memref<10240xf32, #tpu.memory_space<vmem_shared>> -> memref<10240xf32, #tpu.memory_space<vmem_shared>>
      tpu.enqueue_indirect_dma source(%arg9 : memref<80xf32, #tpu.memory_space<vmem>>) target(%dma_start3A_285 : memref<10240xf32, #tpu.memory_space<vmem_shared>>) offsets(%arg5 : memref<80xi32, #tpu.memory_space<vmem>>) semaphore(%arg12 : memref<!tpu.dma_semaphore, #tpu.memory_space<semaphore_mem>>) {add = true}
      %mul3A_286 = arith.constant 4 : i32
      %mul3A_287 = arith.muli %scan3A_221, %mul3A_286 : i32
      %add3A_288 = arith.constant 1 : i32
      %add3A_289 = arith.addi %mul3A_287, %add3A_288 : i32
      %dma_wait3A_290 = arith.constant 0 : i32
      %dma_wait3A_291 = tpu.memref_slice %arg11[%dma_wait3A_290] : memref<10240xf32, #tpu.memory_space<vmem_shared>> -> memref<10240xf32, #tpu.memory_space<vmem_shared>>
      tpu.wait_indirect_dma semaphore(%arg13 : memref<!tpu.dma_semaphore, #tpu.memory_space<semaphore_mem>>) src(%arg9 : memref<80xf32, #tpu.memory_space<vmem>>) dst(%dma_wait3A_291 : memref<10240xf32, #tpu.memory_space<vmem_shared>>)
      %mul3A_292 = arith.constant 80 : i32
      %mul3A_293 = arith.muli %add3A_289, %mul3A_292 : i32
      %add3A_294 = arith.constant 0 : i32
      %add3A_295 = arith.addi %mul3A_293, %add3A_294 : i32
      %get3A_296 = arith.index_cast %add3A_295 : i32 to index
      %get3A_297 = tpu.vector_load %arg4[%get3A_296] {strides = array<i32>} : memref<10000xi32, #tpu.memory_space<vmem>>, vector<16xi32>,
      %get3A_298 = vector.shape_cast %get3A_297 : vector<16xi32> to vector<16xi32>
      %swap3A_299 = arith.constant 0 : index
      %swap3A_300 = tpu.vector_load %arg6[%swap3A_299] {strides = array<i32>} : memref<80xi32, #tpu.memory_space<vmem>>, vector<16xi32>,
      %swap3A_301 = vector.shape_cast %swap3A_300 : vector<16xi32> to vector<16xi32>
      %swap3A_302 = vector.shape_cast %get3A_298 : vector<16xi32> to vector<16xi32>
      tpu.vector_store %arg6[%swap3A_299], %swap3A_302 {strides = array<i32>} : memref<80xi32, #tpu.memory_space<vmem>>, vector<16xi32>,
      %mul3A_303 = arith.constant 80 : i32
      %mul3A_304 = arith.muli %add3A_289, %mul3A_303 : i32
      %add3A_305 = arith.constant 16 : i32
      %add3A_306 = arith.addi %mul3A_304, %add3A_305 : i32
      %get3A_307 = arith.index_cast %add3A_306 : i32 to index
      %get3A_308 = tpu.vector_load %arg4[%get3A_307] {strides = array<i32>} : memref<10000xi32, #tpu.memory_space<vmem>>, vector<16xi32>,
      %get3A_309 = vector.shape_cast %get3A_308 : vector<16xi32> to vector<16xi32>
      %swap3A_310 = arith.constant 16 : index
      %swap3A_311 = tpu.vector_load %arg6[%swap3A_310] {strides = array<i32>} : memref<80xi32, #tpu.memory_space<vmem>>, vector<16xi32>,
      %swap3A_312 = vector.shape_cast %swap3A_311 : vector<16xi32> to vector<16xi32>
      %swap3A_313 = vector.shape_cast %get3A_309 : vector<16xi32> to vector<16xi32>
      tpu.vector_store %arg6[%swap3A_310], %swap3A_313 {strides = array<i32>} : memref<80xi32, #tpu.memory_space<vmem>>, vector<16xi32>,
      %mul3A_314 = arith.constant 80 : i32
      %mul3A_315 = arith.muli %add3A_289, %mul3A_314 : i32
      %add3A_316 = arith.constant 32 : i32
      %add3A_317 = arith.addi %mul3A_315, %add3A_316 : i32
      %get3A_318 = arith.index_cast %add3A_317 : i32 to index
      %get3A_319 = tpu.vector_load %arg4[%get3A_318] {strides = array<i32>} : memref<10000xi32, #tpu.memory_space<vmem>>, vector<16xi32>,
      %get3A_320 = vector.shape_cast %get3A_319 : vector<16xi32> to vector<16xi32>
      %swap3A_321 = arith.constant 32 : index
      %swap3A_322 = tpu.vector_load %arg6[%swap3A_321] {strides = array<i32>} : memref<80xi32, #tpu.memory_space<vmem>>, vector<16xi32>,
      %swap3A_323 = vector.shape_cast %swap3A_322 : vector<16xi32> to vector<16xi32>
      %swap3A_324 = vector.shape_cast %get3A_320 : vector<16xi32> to vector<16xi32>
      tpu.vector_store %arg6[%swap3A_321], %swap3A_324 {strides = array<i32>} : memref<80xi32, #tpu.memory_space<vmem>>, vector<16xi32>,
      %mul3A_325 = arith.constant 80 : i32
      %mul3A_326 = arith.muli %add3A_289, %mul3A_325 : i32
      %add3A_327 = arith.constant 48 : i32
      %add3A_328 = arith.addi %mul3A_326, %add3A_327 : i32
      %get3A_329 = arith.index_cast %add3A_328 : i32 to index
      %get3A_330 = tpu.vector_load %arg4[%get3A_329] {strides = array<i32>} : memref<10000xi32, #tpu.memory_space<vmem>>, vector<16xi32>,
      %get3A_331 = vector.shape_cast %get3A_330 : vector<16xi32> to vector<16xi32>
      %swap3A_332 = arith.constant 48 : index
      %swap3A_333 = tpu.vector_load %arg6[%swap3A_332] {strides = array<i32>} : memref<80xi32, #tpu.memory_space<vmem>>, vector<16xi32>,
      %swap3A_334 = vector.shape_cast %swap3A_333 : vector<16xi32> to vector<16xi32>
      %swap3A_335 = vector.shape_cast %get3A_331 : vector<16xi32> to vector<16xi32>
      tpu.vector_store %arg6[%swap3A_332], %swap3A_335 {strides = array<i32>} : memref<80xi32, #tpu.memory_space<vmem>>, vector<16xi32>,
      %mul3A_336 = arith.constant 80 : i32
      %mul3A_337 = arith.muli %add3A_289, %mul3A_336 : i32
      %add3A_338 = arith.constant 64 : i32
      %add3A_339 = arith.addi %mul3A_337, %add3A_338 : i32
      %get3A_340 = arith.index_cast %add3A_339 : i32 to index
      %get3A_341 = tpu.vector_load %arg4[%get3A_340] {strides = array<i32>} : memref<10000xi32, #tpu.memory_space<vmem>>, vector<16xi32>,
      %get3A_342 = vector.shape_cast %get3A_341 : vector<16xi32> to vector<16xi32>
      %swap3A_343 = arith.constant 64 : index
      %swap3A_344 = tpu.vector_load %arg6[%swap3A_343] {strides = array<i32>} : memref<80xi32, #tpu.memory_space<vmem>>, vector<16xi32>,
      %swap3A_345 = vector.shape_cast %swap3A_344 : vector<16xi32> to vector<16xi32>
      %swap3A_346 = vector.shape_cast %get3A_342 : vector<16xi32> to vector<16xi32>
      tpu.vector_store %arg6[%swap3A_343], %swap3A_346 {strides = array<i32>} : memref<80xi32, #tpu.memory_space<vmem>>, vector<16xi32>,
      %dma_start3A_347 = arith.constant 0 : i32
      %dma_start3A_348 = tpu.memref_slice %arg11[%dma_start3A_347] : memref<10240xf32, #tpu.memory_space<vmem_shared>> -> memref<10240xf32, #tpu.memory_space<vmem_shared>>
      tpu.enqueue_indirect_dma source(%arg9 : memref<80xf32, #tpu.memory_space<vmem>>) target(%dma_start3A_348 : memref<10240xf32, #tpu.memory_space<vmem_shared>>) offsets(%arg6 : memref<80xi32, #tpu.memory_space<vmem>>) semaphore(%arg13 : memref<!tpu.dma_semaphore, #tpu.memory_space<semaphore_mem>>) {add = true}
      %mul3A_349 = arith.constant 4 : i32
      %mul3A_350 = arith.muli %scan3A_221, %mul3A_349 : i32
      %add3A_351 = arith.constant 2 : i32
      %add3A_352 = arith.addi %mul3A_350, %add3A_351 : i32
      %dma_wait3A_353 = arith.constant 0 : i32
      %dma_wait3A_354 = tpu.memref_slice %arg11[%dma_wait3A_353] : memref<10240xf32, #tpu.memory_space<vmem_shared>> -> memref<10240xf32, #tpu.memory_space<vmem_shared>>
      tpu.wait_indirect_dma semaphore(%arg14 : memref<!tpu.dma_semaphore, #tpu.memory_space<semaphore_mem>>) src(%arg9 : memref<80xf32, #tpu.memory_space<vmem>>) dst(%dma_wait3A_354 : memref<10240xf32, #tpu.memory_space<vmem_shared>>)
      %mul3A_355 = arith.constant 80 : i32
      %mul3A_356 = arith.muli %add3A_352, %mul3A_355 : i32
      %add3A_357 = arith.constant 0 : i32
      %add3A_358 = arith.addi %mul3A_356, %add3A_357 : i32
      %get3A_359 = arith.index_cast %add3A_358 : i32 to index
      %get3A_360 = tpu.vector_load %arg4[%get3A_359] {strides = array<i32>} : memref<10000xi32, #tpu.memory_space<vmem>>, vector<16xi32>,
      %get3A_361 = vector.shape_cast %get3A_360 : vector<16xi32> to vector<16xi32>
      %swap3A_362 = arith.constant 0 : index
      %swap3A_363 = tpu.vector_load %arg7[%swap3A_362] {strides = array<i32>} : memref<80xi32, #tpu.memory_space<vmem>>, vector<16xi32>,
      %swap3A_364 = vector.shape_cast %swap3A_363 : vector<16xi32> to vector<16xi32>
      %swap3A_365 = vector.shape_cast %get3A_361 : vector<16xi32> to vector<16xi32>
      tpu.vector_store %arg7[%swap3A_362], %swap3A_365 {strides = array<i32>} : memref<80xi32, #tpu.memory_space<vmem>>, vector<16xi32>,
      %mul3A_366 = arith.constant 80 : i32
      %mul3A_367 = arith.muli %add3A_352, %mul3A_366 : i32
      %add3A_368 = arith.constant 16 : i32
      %add3A_369 = arith.addi %mul3A_367, %add3A_368 : i32
      %get3A_370 = arith.index_cast %add3A_369 : i32 to index
      %get3A_371 = tpu.vector_load %arg4[%get3A_370] {strides = array<i32>} : memref<10000xi32, #tpu.memory_space<vmem>>, vector<16xi32>,
      %get3A_372 = vector.shape_cast %get3A_371 : vector<16xi32> to vector<16xi32>
      %swap3A_373 = arith.constant 16 : index
      %swap3A_374 = tpu.vector_load %arg7[%swap3A_373] {strides = array<i32>} : memref<80xi32, #tpu.memory_space<vmem>>, vector<16xi32>,
      %swap3A_375 = vector.shape_cast %swap3A_374 : vector<16xi32> to vector<16xi32>
      %swap3A_376 = vector.shape_cast %get3A_372 : vector<16xi32> to vector<16xi32>
      tpu.vector_store %arg7[%swap3A_373], %swap3A_376 {strides = array<i32>} : memref<80xi32, #tpu.memory_space<vmem>>, vector<16xi32>,
      %mul3A_377 = arith.constant 80 : i32
      %mul3A_378 = arith.muli %add3A_352, %mul3A_377 : i32
      %add3A_379 = arith.constant 32 : i32
      %add3A_380 = arith.addi %mul3A_378, %add3A_379 : i32
      %get3A_381 = arith.index_cast %add3A_380 : i32 to index
      %get3A_382 = tpu.vector_load %arg4[%get3A_381] {strides = array<i32>} : memref<10000xi32, #tpu.memory_space<vmem>>, vector<16xi32>,
      %get3A_383 = vector.shape_cast %get3A_382 : vector<16xi32> to vector<16xi32>
      %swap3A_384 = arith.constant 32 : index
      %swap3A_385 = tpu.vector_load %arg7[%swap3A_384] {strides = array<i32>} : memref<80xi32, #tpu.memory_space<vmem>>, vector<16xi32>,
      %swap3A_386 = vector.shape_cast %swap3A_385 : vector<16xi32> to vector<16xi32>
      %swap3A_387 = vector.shape_cast %get3A_383 : vector<16xi32> to vector<16xi32>
      tpu.vector_store %arg7[%swap3A_384], %swap3A_387 {strides = array<i32>} : memref<80xi32, #tpu.memory_space<vmem>>, vector<16xi32>,
      %mul3A_388 = arith.constant 80 : i32
      %mul3A_389 = arith.muli %add3A_352, %mul3A_388 : i32
      %add3A_390 = arith.constant 48 : i32
      %add3A_391 = arith.addi %mul3A_389, %add3A_390 : i32
      %get3A_392 = arith.index_cast %add3A_391 : i32 to index
      %get3A_393 = tpu.vector_load %arg4[%get3A_392] {strides = array<i32>} : memref<10000xi32, #tpu.memory_space<vmem>>, vector<16xi32>,
      %get3A_394 = vector.shape_cast %get3A_393 : vector<16xi32> to vector<16xi32>
      %swap3A_395 = arith.constant 48 : index
      %swap3A_396 = tpu.vector_load %arg7[%swap3A_395] {strides = array<i32>} : memref<80xi32, #tpu.memory_space<vmem>>, vector<16xi32>,
      %swap3A_397 = vector.shape_cast %swap3A_396 : vector<16xi32> to vector<16xi32>
      %swap3A_398 = vector.shape_cast %get3A_394 : vector<16xi32> to vector<16xi32>
      tpu.vector_store %arg7[%swap3A_395], %swap3A_398 {strides = array<i32>} : memref<80xi32, #tpu.memory_space<vmem>>, vector<16xi32>,
      %mul3A_399 = arith.constant 80 : i32
      %mul3A_400 = arith.muli %add3A_352, %mul3A_399 : i32
      %add3A_401 = arith.constant 64 : i32
      %add3A_402 = arith.addi %mul3A_400, %add3A_401 : i32
      %get3A_403 = arith.index_cast %add3A_402 : i32 to index
      %get3A_404 = tpu.vector_load %arg4[%get3A_403] {strides = array<i32>} : memref<10000xi32, #tpu.memory_space<vmem>>, vector<16xi32>,
      %get3A_405 = vector.shape_cast %get3A_404 : vector<16xi32> to vector<16xi32>
      %swap3A_406 = arith.constant 64 : index
      %swap3A_407 = tpu.vector_load %arg7[%swap3A_406] {strides = array<i32>} : memref<80xi32, #tpu.memory_space<vmem>>, vector<16xi32>,
      %swap3A_408 = vector.shape_cast %swap3A_407 : vector<16xi32> to vector<16xi32>
      %swap3A_409 = vector.shape_cast %get3A_405 : vector<16xi32> to vector<16xi32>
      tpu.vector_store %arg7[%swap3A_406], %swap3A_409 {strides = array<i32>} : memref<80xi32, #tpu.memory_space<vmem>>, vector<16xi32>,
      %dma_start3A_410 = arith.constant 0 : i32
      %dma_start3A_411 = tpu.memref_slice %arg11[%dma_start3A_410] : memref<10240xf32, #tpu.memory_space<vmem_shared>> -> memref<10240xf32, #tpu.memory_space<vmem_shared>>
      tpu.enqueue_indirect_dma source(%arg9 : memref<80xf32, #tpu.memory_space<vmem>>) target(%dma_start3A_411 : memref<10240xf32, #tpu.memory_space<vmem_shared>>) offsets(%arg7 : memref<80xi32, #tpu.memory_space<vmem>>) semaphore(%arg14 : memref<!tpu.dma_semaphore, #tpu.memory_space<semaphore_mem>>) {add = true}
      %mul3A_412 = arith.constant 4 : i32
      %mul3A_413 = arith.muli %scan3A_221, %mul3A_412 : i32
      %add3A_414 = arith.constant 3 : i32
      %add3A_415 = arith.addi %mul3A_413, %add3A_414 : i32
      %dma_wait3A_416 = arith.constant 0 : i32
      %dma_wait3A_417 = tpu.memref_slice %arg11[%dma_wait3A_416] : memref<10240xf32, #tpu.memory_space<vmem_shared>> -> memref<10240xf32, #tpu.memory_space<vmem_shared>>
      tpu.wait_indirect_dma semaphore(%arg15 : memref<!tpu.dma_semaphore, #tpu.memory_space<semaphore_mem>>) src(%arg9 : memref<80xf32, #tpu.memory_space<vmem>>) dst(%dma_wait3A_417 : memref<10240xf32, #tpu.memory_space<vmem_shared>>)
      %mul3A_418 = arith.constant 80 : i32
      %mul3A_419 = arith.muli %add3A_415, %mul3A_418 : i32
      %add3A_420 = arith.constant 0 : i32
      %add3A_421 = arith.addi %mul3A_419, %add3A_420 : i32
      %get3A_422 = arith.index_cast %add3A_421 : i32 to index
      %get3A_423 = tpu.vector_load %arg4[%get3A_422] {strides = array<i32>} : memref<10000xi32, #tpu.memory_space<vmem>>, vector<16xi32>,
      %get3A_424 = vector.shape_cast %get3A_423 : vector<16xi32> to vector<16xi32>
      %swap3A_425 = arith.constant 0 : index
      %swap3A_426 = tpu.vector_load %arg8[%swap3A_425] {strides = array<i32>} : memref<80xi32, #tpu.memory_space<vmem>>, vector<16xi32>,
      %swap3A_427 = vector.shape_cast %swap3A_426 : vector<16xi32> to vector<16xi32>
      %swap3A_428 = vector.shape_cast %get3A_424 : vector<16xi32> to vector<16xi32>
      tpu.vector_store %arg8[%swap3A_425], %swap3A_428 {strides = array<i32>} : memref<80xi32, #tpu.memory_space<vmem>>, vector<16xi32>,
      %mul3A_429 = arith.constant 80 : i32
      %mul3A_430 = arith.muli %add3A_415, %mul3A_429 : i32
      %add3A_431 = arith.constant 16 : i32
      %add3A_432 = arith.addi %mul3A_430, %add3A_431 : i32
      %get3A_433 = arith.index_cast %add3A_432 : i32 to index
      %get3A_434 = tpu.vector_load %arg4[%get3A_433] {strides = array<i32>} : memref<10000xi32, #tpu.memory_space<vmem>>, vector<16xi32>,
      %get3A_435 = vector.shape_cast %get3A_434 : vector<16xi32> to vector<16xi32>
      %swap3A_436 = arith.constant 16 : index
      %swap3A_437 = tpu.vector_load %arg8[%swap3A_436] {strides = array<i32>} : memref<80xi32, #tpu.memory_space<vmem>>, vector<16xi32>,
      %swap3A_438 = vector.shape_cast %swap3A_437 : vector<16xi32> to vector<16xi32>
      %swap3A_439 = vector.shape_cast %get3A_435 : vector<16xi32> to vector<16xi32>
      tpu.vector_store %arg8[%swap3A_436], %swap3A_439 {strides = array<i32>} : memref<80xi32, #tpu.memory_space<vmem>>, vector<16xi32>,
      %mul3A_440 = arith.constant 80 : i32
      %mul3A_441 = arith.muli %add3A_415, %mul3A_440 : i32
      %add3A_442 = arith.constant 32 : i32
      %add3A_443 = arith.addi %mul3A_441, %add3A_442 : i32
      %get3A_444 = arith.index_cast %add3A_443 : i32 to index
      %get3A_445 = tpu.vector_load %arg4[%get3A_444] {strides = array<i32>} : memref<10000xi32, #tpu.memory_space<vmem>>, vector<16xi32>,
      %get3A_446 = vector.shape_cast %get3A_445 : vector<16xi32> to vector<16xi32>
      %swap3A_447 = arith.constant 32 : index
      %swap3A_448 = tpu.vector_load %arg8[%swap3A_447] {strides = array<i32>} : memref<80xi32, #tpu.memory_space<vmem>>, vector<16xi32>,
      %swap3A_449 = vector.shape_cast %swap3A_448 : vector<16xi32> to vector<16xi32>
      %swap3A_450 = vector.shape_cast %get3A_446 : vector<16xi32> to vector<16xi32>
      tpu.vector_store %arg8[%swap3A_447], %swap3A_450 {strides = array<i32>} : memref<80xi32, #tpu.memory_space<vmem>>, vector<16xi32>,
      %mul3A_451 = arith.constant 80 : i32
      %mul3A_452 = arith.muli %add3A_415, %mul3A_451 : i32
      %add3A_453 = arith.constant 48 : i32
      %add3A_454 = arith.addi %mul3A_452, %add3A_453 : i32
      %get3A_455 = arith.index_cast %add3A_454 : i32 to index
      %get3A_456 = tpu.vector_load %arg4[%get3A_455] {strides = array<i32>} : memref<10000xi32, #tpu.memory_space<vmem>>, vector<16xi32>,
      %get3A_457 = vector.shape_cast %get3A_456 : vector<16xi32> to vector<16xi32>
      %swap3A_458 = arith.constant 48 : index
      %swap3A_459 = tpu.vector_load %arg8[%swap3A_458] {strides = array<i32>} : memref<80xi32, #tpu.memory_space<vmem>>, vector<16xi32>,
      %swap3A_460 = vector.shape_cast %swap3A_459 : vector<16xi32> to vector<16xi32>
      %swap3A_461 = vector.shape_cast %get3A_457 : vector<16xi32> to vector<16xi32>
      tpu.vector_store %arg8[%swap3A_458], %swap3A_461 {strides = array<i32>} : memref<80xi32, #tpu.memory_space<vmem>>, vector<16xi32>,
      %mul3A_462 = arith.constant 80 : i32
      %mul3A_463 = arith.muli %add3A_415, %mul3A_462 : i32
      %add3A_464 = arith.constant 64 : i32
      %add3A_465 = arith.addi %mul3A_463, %add3A_464 : i32
      %get3A_466 = arith.index_cast %add3A_465 : i32 to index
      %get3A_467 = tpu.vector_load %arg4[%get3A_466] {strides = array<i32>} : memref<10000xi32, #tpu.memory_space<vmem>>, vector<16xi32>,
      %get3A_468 = vector.shape_cast %get3A_467 : vector<16xi32> to vector<16xi32>
      %swap3A_469 = arith.constant 64 : index
      %swap3A_470 = tpu.vector_load %arg8[%swap3A_469] {strides = array<i32>} : memref<80xi32, #tpu.memory_space<vmem>>, vector<16xi32>,
      %swap3A_471 = vector.shape_cast %swap3A_470 : vector<16xi32> to vector<16xi32>
      %swap3A_472 = vector.shape_cast %get3A_468 : vector<16xi32> to vector<16xi32>
      tpu.vector_store %arg8[%swap3A_469], %swap3A_472 {strides = array<i32>} : memref<80xi32, #tpu.memory_space<vmem>>, vector<16xi32>,
      %dma_start3A_473 = arith.constant 0 : i32
      %dma_start3A_474 = tpu.memref_slice %arg11[%dma_start3A_473] : memref<10240xf32, #tpu.memory_space<vmem_shared>> -> memref<10240xf32, #tpu.memory_space<vmem_shared>>
      tpu.enqueue_indirect_dma source(%arg9 : memref<80xf32, #tpu.memory_space<vmem>>) target(%dma_start3A_474 : memref<10240xf32, #tpu.memory_space<vmem_shared>>) offsets(%arg8 : memref<80xi32, #tpu.memory_space<vmem>>) semaphore(%arg15 : memref<!tpu.dma_semaphore, #tpu.memory_space<semaphore_mem>>) {add = true}
      %scan3A_475 = arith.constant 0 : i32
      scf.yield %scan3A_475 : i32
    }
    %scan3A_169 = arith.constant 30 : i32
    %dma_wait3A = arith.constant 0 : i32
    %dma_wait3A_170 = tpu.memref_slice %arg11[%dma_wait3A] : memref<10240xf32, #tpu.memory_space<vmem_shared>> -> memref<10240xf32, #tpu.memory_space<vmem_shared>>
    tpu.wait_indirect_dma semaphore(%arg12 : memref<!tpu.dma_semaphore, #tpu.memory_space<semaphore_mem>>) src(%arg9 : memref<80xf32, #tpu.memory_space<vmem>>) dst(%dma_wait3A_170 : memref<10240xf32, #tpu.memory_space<vmem_shared>>)
    %get3A_171 = arith.constant 9920 : index
    %get3A_172 = tpu.vector_load %arg4[%get3A_171] {strides = array<i32>} : memref<10000xi32, #tpu.memory_space<vmem>>, vector<16xi32>,
    %get3A_173 = vector.shape_cast %get3A_172 : vector<16xi32> to vector<16xi32>
    %swap3A_174 = arith.constant 0 : index
    %swap3A_175 = tpu.vector_load %arg5[%swap3A_174] {strides = array<i32>} : memref<80xi32, #tpu.memory_space<vmem>>, vector<16xi32>,
    %swap3A_176 = vector.shape_cast %swap3A_175 : vector<16xi32> to vector<16xi32>
    %swap3A_177 = vector.shape_cast %get3A_173 : vector<16xi32> to vector<16xi32>
    tpu.vector_store %arg5[%swap3A_174], %swap3A_177 {strides = array<i32>} : memref<80xi32, #tpu.memory_space<vmem>>, vector<16xi32>,
    %get3A_178 = arith.constant 9936 : index
    %get3A_179 = tpu.vector_load %arg4[%get3A_178] {strides = array<i32>} : memref<10000xi32, #tpu.memory_space<vmem>>, vector<16xi32>,
    %get3A_180 = vector.shape_cast %get3A_179 : vector<16xi32> to vector<16xi32>
    %swap3A_181 = arith.constant 16 : index
    %swap3A_182 = tpu.vector_load %arg5[%swap3A_181] {strides = array<i32>} : memref<80xi32, #tpu.memory_space<vmem>>, vector<16xi32>,
    %swap3A_183 = vector.shape_cast %swap3A_182 : vector<16xi32> to vector<16xi32>
    %swap3A_184 = vector.shape_cast %get3A_180 : vector<16xi32> to vector<16xi32>
    tpu.vector_store %arg5[%swap3A_181], %swap3A_184 {strides = array<i32>} : memref<80xi32, #tpu.memory_space<vmem>>, vector<16xi32>,
    %get3A_185 = arith.constant 9952 : index
    %get3A_186 = tpu.vector_load %arg4[%get3A_185] {strides = array<i32>} : memref<10000xi32, #tpu.memory_space<vmem>>, vector<16xi32>,
    %get3A_187 = vector.shape_cast %get3A_186 : vector<16xi32> to vector<16xi32>
    %swap3A_188 = arith.constant 32 : index
    %swap3A_189 = tpu.vector_load %arg5[%swap3A_188] {strides = array<i32>} : memref<80xi32, #tpu.memory_space<vmem>>, vector<16xi32>,
    %swap3A_190 = vector.shape_cast %swap3A_189 : vector<16xi32> to vector<16xi32>
    %swap3A_191 = vector.shape_cast %get3A_187 : vector<16xi32> to vector<16xi32>
    tpu.vector_store %arg5[%swap3A_188], %swap3A_191 {strides = array<i32>} : memref<80xi32, #tpu.memory_space<vmem>>, vector<16xi32>,
    %get3A_192 = arith.constant 9968 : index
    %get3A_193 = tpu.vector_load %arg4[%get3A_192] {strides = array<i32>} : memref<10000xi32, #tpu.memory_space<vmem>>, vector<16xi32>,
    %get3A_194 = vector.shape_cast %get3A_193 : vector<16xi32> to vector<16xi32>
    %swap3A_195 = arith.constant 48 : index
    %swap3A_196 = tpu.vector_load %arg5[%swap3A_195] {strides = array<i32>} : memref<80xi32, #tpu.memory_space<vmem>>, vector<16xi32>,
    %swap3A_197 = vector.shape_cast %swap3A_196 : vector<16xi32> to vector<16xi32>
    %swap3A_198 = vector.shape_cast %get3A_194 : vector<16xi32> to vector<16xi32>
    tpu.vector_store %arg5[%swap3A_195], %swap3A_198 {strides = array<i32>} : memref<80xi32, #tpu.memory_space<vmem>>, vector<16xi32>,
    %get3A_199 = arith.constant 9984 : index
    %get3A_200 = tpu.vector_load %arg4[%get3A_199] {strides = array<i32>} : memref<10000xi32, #tpu.memory_space<vmem>>, vector<16xi32>,
    %get3A_201 = vector.shape_cast %get3A_200 : vector<16xi32> to vector<16xi32>
    %swap3A_202 = arith.constant 64 : index
    %swap3A_203 = tpu.vector_load %arg5[%swap3A_202] {strides = array<i32>} : memref<80xi32, #tpu.memory_space<vmem>>, vector<16xi32>,
    %swap3A_204 = vector.shape_cast %swap3A_203 : vector<16xi32> to vector<16xi32>
    %swap3A_205 = vector.shape_cast %get3A_201 : vector<16xi32> to vector<16xi32>
    tpu.vector_store %arg5[%swap3A_202], %swap3A_205 {strides = array<i32>} : memref<80xi32, #tpu.memory_space<vmem>>, vector<16xi32>,
    %dma_start3A_206 = arith.constant 0 : i32
    %dma_start3A_207 = tpu.memref_slice %arg11[%dma_start3A_206] : memref<10240xf32, #tpu.memory_space<vmem_shared>> -> memref<10240xf32, #tpu.memory_space<vmem_shared>>
    tpu.enqueue_indirect_dma source(%arg9 : memref<80xf32, #tpu.memory_space<vmem>>) target(%dma_start3A_207 : memref<10240xf32, #tpu.memory_space<vmem_shared>>) offsets(%arg5 : memref<80xi32, #tpu.memory_space<vmem>>) semaphore(%arg12 : memref<!tpu.dma_semaphore, #tpu.memory_space<semaphore_mem>>) {add = true}
    %dma_wait3A_208 = arith.constant 0 : i32
    %dma_wait3A_209 = tpu.memref_slice %arg11[%dma_wait3A_208] : memref<10240xf32, #tpu.memory_space<vmem_shared>> -> memref<10240xf32, #tpu.memory_space<vmem_shared>>
    tpu.wait_indirect_dma semaphore(%arg12 : memref<!tpu.dma_semaphore, #tpu.memory_space<semaphore_mem>>) src(%arg9 : memref<80xf32, #tpu.memory_space<vmem>>) dst(%dma_wait3A_209 : memref<10240xf32, #tpu.memory_space<vmem_shared>>)
    %dma_wait3A_210 = arith.constant 0 : i32
    %dma_wait3A_211 = tpu.memref_slice %arg11[%dma_wait3A_210] : memref<10240xf32, #tpu.memory_space<vmem_shared>> -> memref<10240xf32, #tpu.memory_space<vmem_shared>>
    tpu.wait_indirect_dma semaphore(%arg13 : memref<!tpu.dma_semaphore, #tpu.memory_space<semaphore_mem>>) src(%arg9 : memref<80xf32, #tpu.memory_space<vmem>>) dst(%dma_wait3A_211 : memref<10240xf32, #tpu.memory_space<vmem_shared>>)
    %dma_wait3A_212 = arith.constant 0 : i32
    %dma_wait3A_213 = tpu.memref_slice %arg11[%dma_wait3A_212] : memref<10240xf32, #tpu.memory_space<vmem_shared>> -> memref<10240xf32, #tpu.memory_space<vmem_shared>>
    tpu.wait_indirect_dma semaphore(%arg14 : memref<!tpu.dma_semaphore, #tpu.memory_space<semaphore_mem>>) src(%arg9 : memref<80xf32, #tpu.memory_space<vmem>>) dst(%dma_wait3A_213 : memref<10240xf32, #tpu.memory_space<vmem_shared>>)
    %dma_wait3A_214 = arith.constant 0 : i32
    %dma_wait3A_215 = tpu.memref_slice %arg11[%dma_wait3A_214] : memref<10240xf32, #tpu.memory_space<vmem_shared>> -> memref<10240xf32, #tpu.memory_space<vmem_shared>>
    tpu.wait_indirect_dma semaphore(%arg15 : memref<!tpu.dma_semaphore, #tpu.memory_space<semaphore_mem>>) src(%arg9 : memref<80xf32, #tpu.memory_space<vmem>>) dst(%dma_wait3A_215 : memref<10240xf32, #tpu.memory_space<vmem_shared>>)
    %barrier3A_216 = arith.constant 0 : index
    tpu.barrier barrier_id(%barrier3A_216)
    %mul3A_217 = arith.constant 640 : i32
    %mul3A_218 = arith.muli %arg1, %mul3A_217 : i32
    %mul3A_219 = arith.constant 640 : i32
    %mul3A_220 = arith.muli %arg1, %mul3A_219 : i32
    "tpu.region"() ({
      %run_scoped3A = tpu.sem_alloc : memref<!tpu.dma_semaphore, #tpu.memory_space<semaphore_mem>>
      %dma_start3A_221 = tpu.memref_slice %arg3[%arg0, %mul3A_220] : memref<2x10240xf32, #tpu.memory_space<hbm>> -> memref<1x640xf32, #tpu.memory_space<hbm>>
      %dma_start3A_222 = tpu.memref_squeeze %dma_start3A_221 : memref<1x640xf32, #tpu.memory_space<hbm>> -> memref<640xf32, #tpu.memory_space<hbm>>
      %dma_start3A_223 = tpu.memref_slice %arg11[%mul3A_218] : memref<10240xf32, #tpu.memory_space<vmem_shared>> -> memref<640xf32, #tpu.memory_space<vmem_shared>>
      tpu.enqueue_dma source(%dma_start3A_223 : memref<640xf32, #tpu.memory_space<vmem_shared>>) target(%dma_start3A_222 : memref<640xf32, #tpu.memory_space<hbm>>) target_semaphore(%run_scoped3A : memref<!tpu.dma_semaphore, #tpu.memory_space<semaphore_mem>>)
      %dma_wait3A_224 = tpu.memref_slice %arg3[%arg0, %mul3A_220] : memref<2x10240xf32, #tpu.memory_space<hbm>> -> memref<1x640xf32, #tpu.memory_space<hbm>>
      %dma_wait3A_225 = tpu.memref_squeeze %dma_wait3A_224 : memref<1x640xf32, #tpu.memory_space<hbm>> -> memref<640xf32, #tpu.memory_space<hbm>>
      %dma_wait3A_226 = tpu.memref_slice %arg11[%mul3A_218] : memref<10240xf32, #tpu.memory_space<vmem_shared>> -> memref<640xf32, #tpu.memory_space<vmem_shared>>
      tpu.wait_dma2 semaphore(%run_scoped3A : memref<!tpu.dma_semaphore, #tpu.memory_space<semaphore_mem>>) src(%dma_wait3A_226 : memref<640xf32, #tpu.memory_space<vmem_shared>>) dst(%dma_wait3A_225 : memref<640xf32, #tpu.memory_space<hbm>>)
      tpu.yield
    }) : () -> ()
    return
  }
}

#map = affine_map<(d0, d1) -> (0, 0)>
#map1 = affine_map<(d0, d1) -> (0)>
#map2 = affine_map<(d0, d1) -> (0, 0, 0)>
module attributes {stable_mosaic.version = 14 : i64} {
  func.func @_sc_agg_body(%arg0: i32, %arg1: i32, %arg2: memref<10240x128xf32, #tpu.memory_space<hbm>>, %arg3: memref<320000xi32, #tpu.memory_space<hbm>>, %arg4: memref<320000xi32, #tpu.memory_space<hbm>>, %arg5: memref<2x10240x128xf32, #tpu.memory_space<hbm>>, %arg6: memref<80xi32, #tpu.memory_space<vmem>>, %arg7: memref<80xi32, #tpu.memory_space<vmem>>, %arg8: memref<80xi32, #tpu.memory_space<vmem>>, %arg9: memref<80xi32, #tpu.memory_space<vmem>>, %arg10: memref<80xi32, #tpu.memory_space<vmem>>, %arg11: memref<80xi32, #tpu.memory_space<vmem>>, %arg12: memref<80xi32, #tpu.memory_space<vmem>>, %arg13: memref<80xi32, #tpu.memory_space<vmem>>, %arg14: memref<80x128xf32, #tpu.memory_space<vmem>>, %arg15: memref<80x128xf32, #tpu.memory_space<vmem>>, %arg16: memref<80x128xf32, #tpu.memory_space<vmem>>, %arg17: memref<80x128xf32, #tpu.memory_space<vmem>>, %arg18: memref<10248x128xf32, #tpu.memory_space<vmem_shared>>, %arg19: memref<!tpu.dma_semaphore, #tpu.memory_space<semaphore_mem>>, %arg20: memref<!tpu.dma_semaphore, #tpu.memory_space<semaphore_mem>>, %arg21: memref<!tpu.dma_semaphore, #tpu.memory_space<semaphore_mem>>, %arg22: memref<!tpu.dma_semaphore, #tpu.memory_space<semaphore_mem>>, %arg23: memref<!tpu.dma_semaphore, #tpu.memory_space<semaphore_mem>>, %arg24: memref<!tpu.dma_semaphore, #tpu.memory_space<semaphore_mem>>, %arg25: memref<!tpu.dma_semaphore, #tpu.memory_space<semaphore_mem>>, %arg26: memref<!tpu.dma_semaphore, #tpu.memory_space<semaphore_mem>>, %arg27: memref<!tpu.dma_semaphore, #tpu.memory_space<semaphore_mem>>, %arg28: memref<!tpu.dma_semaphore, #tpu.memory_space<semaphore_mem>>, %arg29: memref<!tpu.dma_semaphore, #tpu.memory_space<semaphore_mem>>, %arg30: memref<!tpu.dma_semaphore, #tpu.memory_space<semaphore_mem>>) attributes {dimension_semantics = [#tpu.dimension_semantics<core_parallel>, #tpu.dimension_semantics<subcore_parallel>], iteration_bounds = array<i64: 2, 16>, scalar_prefetch = 0 : i64, scratch_operands = 25 : i64, tpu.core_type = #tpu.core_type<sc_vector_subcore>, window_params = [{transform_indices = #map}, {transform_indices = #map1}, {transform_indices = #map1}, {transform_indices = #map2}]} {
    %scan3A = arith.constant 0 : i32
    %scan3A_0 = arith.constant 0 : i32
    %scan3A_1 = arith.constant 80 : i32
    %scan3A_2 = arith.addi %scan3A_0, %scan3A_1 : i32
    %scan3A_3 = arith.constant 1 : i32
    %scan3A_4 = scf.for %scan3A_624 = %scan3A_0 to %scan3A_2 step %scan3A_3 iter_args(%scan3A_625 = %scan3A) -> (i32)  : i32 {
      %broadcast_in_dim3A_626 = arith.constant 0.000000e+00 : f32
      %broadcast_in_dim3A_627 = vector.broadcast %broadcast_in_dim3A_626 : f32 to vector<16xf32>
      %swap3A_628 = arith.index_cast %scan3A_624 : i32 to index
      %swap3A_629 = arith.constant 0 : index
      %swap3A_630 = tpu.vector_load %arg14[%swap3A_628, %swap3A_629] {strides = array<i32>} : memref<80x128xf32, #tpu.memory_space<vmem>>, vector<1x16xf32>,
      %swap3A_631 = vector.shape_cast %swap3A_630 : vector<1x16xf32> to vector<16xf32>
      %swap3A_632 = vector.shape_cast %broadcast_in_dim3A_627 : vector<16xf32> to vector<1x16xf32>
      tpu.vector_store %arg14[%swap3A_628, %swap3A_629], %swap3A_632 {strides = array<i32>} : memref<80x128xf32, #tpu.memory_space<vmem>>, vector<1x16xf32>,
      %broadcast_in_dim3A_633 = arith.constant 0.000000e+00 : f32
      %broadcast_in_dim3A_634 = vector.broadcast %broadcast_in_dim3A_633 : f32 to vector<16xf32>
      %swap3A_635 = arith.index_cast %scan3A_624 : i32 to index
      %swap3A_636 = arith.constant 16 : index
      %swap3A_637 = tpu.vector_load %arg14[%swap3A_635, %swap3A_636] {strides = array<i32>} : memref<80x128xf32, #tpu.memory_space<vmem>>, vector<1x16xf32>,
      %swap3A_638 = vector.shape_cast %swap3A_637 : vector<1x16xf32> to vector<16xf32>
      %swap3A_639 = vector.shape_cast %broadcast_in_dim3A_634 : vector<16xf32> to vector<1x16xf32>
      tpu.vector_store %arg14[%swap3A_635, %swap3A_636], %swap3A_639 {strides = array<i32>} : memref<80x128xf32, #tpu.memory_space<vmem>>, vector<1x16xf32>,
      %broadcast_in_dim3A_640 = arith.constant 0.000000e+00 : f32
      %broadcast_in_dim3A_641 = vector.broadcast %broadcast_in_dim3A_640 : f32 to vector<16xf32>
      %swap3A_642 = arith.index_cast %scan3A_624 : i32 to index
      %swap3A_643 = arith.constant 32 : index
      %swap3A_644 = tpu.vector_load %arg14[%swap3A_642, %swap3A_643] {strides = array<i32>} : memref<80x128xf32, #tpu.memory_space<vmem>>, vector<1x16xf32>,
      %swap3A_645 = vector.shape_cast %swap3A_644 : vector<1x16xf32> to vector<16xf32>
      %swap3A_646 = vector.shape_cast %broadcast_in_dim3A_641 : vector<16xf32> to vector<1x16xf32>
      tpu.vector_store %arg14[%swap3A_642, %swap3A_643], %swap3A_646 {strides = array<i32>} : memref<80x128xf32, #tpu.memory_space<vmem>>, vector<1x16xf32>,
      %broadcast_in_dim3A_647 = arith.constant 0.000000e+00 : f32
      %broadcast_in_dim3A_648 = vector.broadcast %broadcast_in_dim3A_647 : f32 to vector<16xf32>
      %swap3A_649 = arith.index_cast %scan3A_624 : i32 to index
      %swap3A_650 = arith.constant 48 : index
      %swap3A_651 = tpu.vector_load %arg14[%swap3A_649, %swap3A_650] {strides = array<i32>} : memref<80x128xf32, #tpu.memory_space<vmem>>, vector<1x16xf32>,
      %swap3A_652 = vector.shape_cast %swap3A_651 : vector<1x16xf32> to vector<16xf32>
      %swap3A_653 = vector.shape_cast %broadcast_in_dim3A_648 : vector<16xf32> to vector<1x16xf32>
      tpu.vector_store %arg14[%swap3A_649, %swap3A_650], %swap3A_653 {strides = array<i32>} : memref<80x128xf32, #tpu.memory_space<vmem>>, vector<1x16xf32>,
      %broadcast_in_dim3A_654 = arith.constant 0.000000e+00 : f32
      %broadcast_in_dim3A_655 = vector.broadcast %broadcast_in_dim3A_654 : f32 to vector<16xf32>
      %swap3A_656 = arith.index_cast %scan3A_624 : i32 to index
      %swap3A_657 = arith.constant 64 : index
      %swap3A_658 = tpu.vector_load %arg14[%swap3A_656, %swap3A_657] {strides = array<i32>} : memref<80x128xf32, #tpu.memory_space<vmem>>, vector<1x16xf32>,
      %swap3A_659 = vector.shape_cast %swap3A_658 : vector<1x16xf32> to vector<16xf32>
      %swap3A_660 = vector.shape_cast %broadcast_in_dim3A_655 : vector<16xf32> to vector<1x16xf32>
      tpu.vector_store %arg14[%swap3A_656, %swap3A_657], %swap3A_660 {strides = array<i32>} : memref<80x128xf32, #tpu.memory_space<vmem>>, vector<1x16xf32>,
      %broadcast_in_dim3A_661 = arith.constant 0.000000e+00 : f32
      %broadcast_in_dim3A_662 = vector.broadcast %broadcast_in_dim3A_661 : f32 to vector<16xf32>
      %swap3A_663 = arith.index_cast %scan3A_624 : i32 to index
      %swap3A_664 = arith.constant 80 : index
      %swap3A_665 = tpu.vector_load %arg14[%swap3A_663, %swap3A_664] {strides = array<i32>} : memref<80x128xf32, #tpu.memory_space<vmem>>, vector<1x16xf32>,
      %swap3A_666 = vector.shape_cast %swap3A_665 : vector<1x16xf32> to vector<16xf32>
      %swap3A_667 = vector.shape_cast %broadcast_in_dim3A_662 : vector<16xf32> to vector<1x16xf32>
      tpu.vector_store %arg14[%swap3A_663, %swap3A_664], %swap3A_667 {strides = array<i32>} : memref<80x128xf32, #tpu.memory_space<vmem>>, vector<1x16xf32>,
      %broadcast_in_dim3A_668 = arith.constant 0.000000e+00 : f32
      %broadcast_in_dim3A_669 = vector.broadcast %broadcast_in_dim3A_668 : f32 to vector<16xf32>
      %swap3A_670 = arith.index_cast %scan3A_624 : i32 to index
      %swap3A_671 = arith.constant 96 : index
      %swap3A_672 = tpu.vector_load %arg14[%swap3A_670, %swap3A_671] {strides = array<i32>} : memref<80x128xf32, #tpu.memory_space<vmem>>, vector<1x16xf32>,
      %swap3A_673 = vector.shape_cast %swap3A_672 : vector<1x16xf32> to vector<16xf32>
      %swap3A_674 = vector.shape_cast %broadcast_in_dim3A_669 : vector<16xf32> to vector<1x16xf32>
      tpu.vector_store %arg14[%swap3A_670, %swap3A_671], %swap3A_674 {strides = array<i32>} : memref<80x128xf32, #tpu.memory_space<vmem>>, vector<1x16xf32>,
      %broadcast_in_dim3A_675 = arith.constant 0.000000e+00 : f32
      %broadcast_in_dim3A_676 = vector.broadcast %broadcast_in_dim3A_675 : f32 to vector<16xf32>
      %swap3A_677 = arith.index_cast %scan3A_624 : i32 to index
      %swap3A_678 = arith.constant 112 : index
      %swap3A_679 = tpu.vector_load %arg14[%swap3A_677, %swap3A_678] {strides = array<i32>} : memref<80x128xf32, #tpu.memory_space<vmem>>, vector<1x16xf32>,
      %swap3A_680 = vector.shape_cast %swap3A_679 : vector<1x16xf32> to vector<16xf32>
      %swap3A_681 = vector.shape_cast %broadcast_in_dim3A_676 : vector<16xf32> to vector<1x16xf32>
      tpu.vector_store %arg14[%swap3A_677, %swap3A_678], %swap3A_681 {strides = array<i32>} : memref<80x128xf32, #tpu.memory_space<vmem>>, vector<1x16xf32>,
      %scan3A_682 = arith.constant 0 : i32
      scf.yield %scan3A_682 : i32
    }
    %scan3A_5 = arith.constant 80 : i32
    %mul3A = arith.constant 16 : i32
    %mul3A_6 = arith.muli %arg0, %mul3A : i32
    %add3A = arith.addi %mul3A_6, %arg1 : i32
    %mul3A_7 = arith.constant 10000 : i32
    %mul3A_8 = arith.muli %add3A, %mul3A_7 : i32
    %multiple_of3A = tpu.assume_multiple %mul3A_8, 8 : i32
    %mul3A_9 = arith.constant 640 : i32
    %mul3A_10 = arith.muli %arg1, %mul3A_9 : i32
    %add3A_11 = arith.constant 0 : i32
    %add3A_12 = arith.addi %mul3A_10, %add3A_11 : i32
    %dma_start3A = arith.constant 0 : i32
    %dma_start3A_13 = tpu.memref_slice %arg18[%add3A_12, %dma_start3A] : memref<10248x128xf32, #tpu.memory_space<vmem_shared>> -> memref<80x128xf32, #tpu.memory_space<vmem_shared>>
    %dma_start3A_14 = arith.constant 0 : i32
    %dma_start3A_15 = tpu.memref_slice %arg18[%add3A_12, %dma_start3A_14] : memref<10248x128xf32, #tpu.memory_space<vmem_shared>> -> memref<80x128xf32, #tpu.memory_space<vmem_shared>>
    tpu.enqueue_dma source(%arg14 : memref<80x128xf32, #tpu.memory_space<vmem>>) target(%dma_start3A_15 : memref<80x128xf32, #tpu.memory_space<vmem_shared>>) target_semaphore(%arg23 : memref<!tpu.dma_semaphore, #tpu.memory_space<semaphore_mem>>)
    %mul3A_16 = arith.constant 640 : i32
    %mul3A_17 = arith.muli %arg1, %mul3A_16 : i32
    %add3A_18 = arith.constant 80 : i32
    %add3A_19 = arith.addi %mul3A_17, %add3A_18 : i32
    %dma_start3A_20 = arith.constant 0 : i32
    %dma_start3A_21 = tpu.memref_slice %arg18[%add3A_19, %dma_start3A_20] : memref<10248x128xf32, #tpu.memory_space<vmem_shared>> -> memref<80x128xf32, #tpu.memory_space<vmem_shared>>
    %dma_start3A_22 = arith.constant 0 : i32
    %dma_start3A_23 = tpu.memref_slice %arg18[%add3A_19, %dma_start3A_22] : memref<10248x128xf32, #tpu.memory_space<vmem_shared>> -> memref<80x128xf32, #tpu.memory_space<vmem_shared>>
    tpu.enqueue_dma source(%arg14 : memref<80x128xf32, #tpu.memory_space<vmem>>) target(%dma_start3A_23 : memref<80x128xf32, #tpu.memory_space<vmem_shared>>) target_semaphore(%arg24 : memref<!tpu.dma_semaphore, #tpu.memory_space<semaphore_mem>>)
    %mul3A_24 = arith.constant 640 : i32
    %mul3A_25 = arith.muli %arg1, %mul3A_24 : i32
    %add3A_26 = arith.constant 160 : i32
    %add3A_27 = arith.addi %mul3A_25, %add3A_26 : i32
    %dma_start3A_28 = arith.constant 0 : i32
    %dma_start3A_29 = tpu.memref_slice %arg18[%add3A_27, %dma_start3A_28] : memref<10248x128xf32, #tpu.memory_space<vmem_shared>> -> memref<80x128xf32, #tpu.memory_space<vmem_shared>>
    %dma_start3A_30 = arith.constant 0 : i32
    %dma_start3A_31 = tpu.memref_slice %arg18[%add3A_27, %dma_start3A_30] : memref<10248x128xf32, #tpu.memory_space<vmem_shared>> -> memref<80x128xf32, #tpu.memory_space<vmem_shared>>
    tpu.enqueue_dma source(%arg14 : memref<80x128xf32, #tpu.memory_space<vmem>>) target(%dma_start3A_31 : memref<80x128xf32, #tpu.memory_space<vmem_shared>>) target_semaphore(%arg25 : memref<!tpu.dma_semaphore, #tpu.memory_space<semaphore_mem>>)
    %mul3A_32 = arith.constant 640 : i32
    %mul3A_33 = arith.muli %arg1, %mul3A_32 : i32
    %add3A_34 = arith.constant 240 : i32
    %add3A_35 = arith.addi %mul3A_33, %add3A_34 : i32
    %dma_start3A_36 = arith.constant 0 : i32
    %dma_start3A_37 = tpu.memref_slice %arg18[%add3A_35, %dma_start3A_36] : memref<10248x128xf32, #tpu.memory_space<vmem_shared>> -> memref<80x128xf32, #tpu.memory_space<vmem_shared>>
    %dma_start3A_38 = arith.constant 0 : i32
    %dma_start3A_39 = tpu.memref_slice %arg18[%add3A_35, %dma_start3A_38] : memref<10248x128xf32, #tpu.memory_space<vmem_shared>> -> memref<80x128xf32, #tpu.memory_space<vmem_shared>>
    tpu.enqueue_dma source(%arg14 : memref<80x128xf32, #tpu.memory_space<vmem>>) target(%dma_start3A_39 : memref<80x128xf32, #tpu.memory_space<vmem_shared>>) target_semaphore(%arg26 : memref<!tpu.dma_semaphore, #tpu.memory_space<semaphore_mem>>)
    %mul3A_40 = arith.constant 640 : i32
    %mul3A_41 = arith.muli %arg1, %mul3A_40 : i32
    %add3A_42 = arith.constant 320 : i32
    %add3A_43 = arith.addi %mul3A_41, %add3A_42 : i32
    %dma_start3A_44 = arith.constant 0 : i32
    %dma_start3A_45 = tpu.memref_slice %arg18[%add3A_43, %dma_start3A_44] : memref<10248x128xf32, #tpu.memory_space<vmem_shared>> -> memref<80x128xf32, #tpu.memory_space<vmem_shared>>
    %dma_start3A_46 = arith.constant 0 : i32
    %dma_start3A_47 = tpu.memref_slice %arg18[%add3A_43, %dma_start3A_46] : memref<10248x128xf32, #tpu.memory_space<vmem_shared>> -> memref<80x128xf32, #tpu.memory_space<vmem_shared>>
    tpu.enqueue_dma source(%arg14 : memref<80x128xf32, #tpu.memory_space<vmem>>) target(%dma_start3A_47 : memref<80x128xf32, #tpu.memory_space<vmem_shared>>) target_semaphore(%arg27 : memref<!tpu.dma_semaphore, #tpu.memory_space<semaphore_mem>>)
    %mul3A_48 = arith.constant 640 : i32
    %mul3A_49 = arith.muli %arg1, %mul3A_48 : i32
    %add3A_50 = arith.constant 400 : i32
    %add3A_51 = arith.addi %mul3A_49, %add3A_50 : i32
    %dma_start3A_52 = arith.constant 0 : i32
    %dma_start3A_53 = tpu.memref_slice %arg18[%add3A_51, %dma_start3A_52] : memref<10248x128xf32, #tpu.memory_space<vmem_shared>> -> memref<80x128xf32, #tpu.memory_space<vmem_shared>>
    %dma_start3A_54 = arith.constant 0 : i32
    %dma_start3A_55 = tpu.memref_slice %arg18[%add3A_51, %dma_start3A_54] : memref<10248x128xf32, #tpu.memory_space<vmem_shared>> -> memref<80x128xf32, #tpu.memory_space<vmem_shared>>
    tpu.enqueue_dma source(%arg14 : memref<80x128xf32, #tpu.memory_space<vmem>>) target(%dma_start3A_55 : memref<80x128xf32, #tpu.memory_space<vmem_shared>>) target_semaphore(%arg28 : memref<!tpu.dma_semaphore, #tpu.memory_space<semaphore_mem>>)
    %mul3A_56 = arith.constant 640 : i32
    %mul3A_57 = arith.muli %arg1, %mul3A_56 : i32
    %add3A_58 = arith.constant 480 : i32
    %add3A_59 = arith.addi %mul3A_57, %add3A_58 : i32
    %dma_start3A_60 = arith.constant 0 : i32
    %dma_start3A_61 = tpu.memref_slice %arg18[%add3A_59, %dma_start3A_60] : memref<10248x128xf32, #tpu.memory_space<vmem_shared>> -> memref<80x128xf32, #tpu.memory_space<vmem_shared>>
    %dma_start3A_62 = arith.constant 0 : i32
    %dma_start3A_63 = tpu.memref_slice %arg18[%add3A_59, %dma_start3A_62] : memref<10248x128xf32, #tpu.memory_space<vmem_shared>> -> memref<80x128xf32, #tpu.memory_space<vmem_shared>>
    tpu.enqueue_dma source(%arg14 : memref<80x128xf32, #tpu.memory_space<vmem>>) target(%dma_start3A_63 : memref<80x128xf32, #tpu.memory_space<vmem_shared>>) target_semaphore(%arg29 : memref<!tpu.dma_semaphore, #tpu.memory_space<semaphore_mem>>)
    %mul3A_64 = arith.constant 640 : i32
    %mul3A_65 = arith.muli %arg1, %mul3A_64 : i32
    %add3A_66 = arith.constant 560 : i32
    %add3A_67 = arith.addi %mul3A_65, %add3A_66 : i32
    %dma_start3A_68 = arith.constant 0 : i32
    %dma_start3A_69 = tpu.memref_slice %arg18[%add3A_67, %dma_start3A_68] : memref<10248x128xf32, #tpu.memory_space<vmem_shared>> -> memref<80x128xf32, #tpu.memory_space<vmem_shared>>
    %dma_start3A_70 = arith.constant 0 : i32
    %dma_start3A_71 = tpu.memref_slice %arg18[%add3A_67, %dma_start3A_70] : memref<10248x128xf32, #tpu.memory_space<vmem_shared>> -> memref<80x128xf32, #tpu.memory_space<vmem_shared>>
    tpu.enqueue_dma source(%arg14 : memref<80x128xf32, #tpu.memory_space<vmem>>) target(%dma_start3A_71 : memref<80x128xf32, #tpu.memory_space<vmem_shared>>) target_semaphore(%arg30 : memref<!tpu.dma_semaphore, #tpu.memory_space<semaphore_mem>>)
    %eq3A = arith.constant 0 : i32
    %eq3A_72 = arith.cmpi eq, %arg1, %eq3A : i32
    %convert_element_type3A = arith.extui %eq3A_72 : i1 to i32
    %cond3A = arith.constant 0 : i32
    %cond3A_73 = arith.cmpi ne, %convert_element_type3A, %cond3A : i32
    scf.if %cond3A_73 {
      "tpu.region"() ({
        %run_scoped3A = tpu.sem_alloc : memref<!tpu.dma_semaphore, #tpu.memory_space<semaphore_mem>>
        %dma_start3A_624 = arith.constant 0 : i32
        %dma_start3A_625 = arith.constant 0 : i32
        %dma_start3A_626 = tpu.memref_slice %arg14[%dma_start3A_624, %dma_start3A_625] : memref<80x128xf32, #tpu.memory_space<vmem>> -> memref<8x128xf32, #tpu.memory_space<vmem>>
        %dma_start3A_627 = arith.constant 10240 : i32
        %dma_start3A_628 = arith.constant 0 : i32
        %dma_start3A_629 = tpu.memref_slice %arg18[%dma_start3A_627, %dma_start3A_628] : memref<10248x128xf32, #tpu.memory_space<vmem_shared>> -> memref<8x128xf32, #tpu.memory_space<vmem_shared>>
        %dma_start3A_630 = arith.constant 10240 : i32
        %dma_start3A_631 = arith.constant 0 : i32
        %dma_start3A_632 = tpu.memref_slice %arg18[%dma_start3A_630, %dma_start3A_631] : memref<10248x128xf32, #tpu.memory_space<vmem_shared>> -> memref<8x128xf32, #tpu.memory_space<vmem_shared>>
        %dma_start3A_633 = arith.constant 0 : i32
        %dma_start3A_634 = arith.constant 0 : i32
        %dma_start3A_635 = tpu.memref_slice %arg14[%dma_start3A_633, %dma_start3A_634] : memref<80x128xf32, #tpu.memory_space<vmem>> -> memref<8x128xf32, #tpu.memory_space<vmem>>
        tpu.enqueue_dma source(%dma_start3A_635 : memref<8x128xf32, #tpu.memory_space<vmem>>) target(%dma_start3A_632 : memref<8x128xf32, #tpu.memory_space<vmem_shared>>) target_semaphore(%run_scoped3A : memref<!tpu.dma_semaphore, #tpu.memory_space<semaphore_mem>>)
        %dma_wait3A_636 = arith.constant 0 : i32
        %dma_wait3A_637 = arith.constant 0 : i32
        %dma_wait3A_638 = tpu.memref_slice %arg14[%dma_wait3A_636, %dma_wait3A_637] : memref<80x128xf32, #tpu.memory_space<vmem>> -> memref<8x128xf32, #tpu.memory_space<vmem>>
        %dma_wait3A_639 = arith.constant 10240 : i32
        %dma_wait3A_640 = arith.constant 0 : i32
        %dma_wait3A_641 = tpu.memref_slice %arg18[%dma_wait3A_639, %dma_wait3A_640] : memref<10248x128xf32, #tpu.memory_space<vmem_shared>> -> memref<8x128xf32, #tpu.memory_space<vmem_shared>>
        %dma_wait3A_642 = arith.constant 10240 : i32
        %dma_wait3A_643 = arith.constant 0 : i32
        %dma_wait3A_644 = tpu.memref_slice %arg18[%dma_wait3A_642, %dma_wait3A_643] : memref<10248x128xf32, #tpu.memory_space<vmem_shared>> -> memref<8x128xf32, #tpu.memory_space<vmem_shared>>
        %dma_wait3A_645 = arith.constant 0 : i32
        %dma_wait3A_646 = arith.constant 0 : i32
        %dma_wait3A_647 = tpu.memref_slice %arg14[%dma_wait3A_645, %dma_wait3A_646] : memref<80x128xf32, #tpu.memory_space<vmem>> -> memref<8x128xf32, #tpu.memory_space<vmem>>
        tpu.wait_dma2 semaphore(%run_scoped3A : memref<!tpu.dma_semaphore, #tpu.memory_space<semaphore_mem>>) src(%dma_wait3A_647 : memref<8x128xf32, #tpu.memory_space<vmem>>) dst(%dma_wait3A_644 : memref<8x128xf32, #tpu.memory_space<vmem_shared>>)
        tpu.yield
      }) : () -> ()
    } else {
    }
    %add3A_74 = arith.constant 0 : i32
    %add3A_75 = arith.addi %multiple_of3A, %add3A_74 : i32
    %multiple_of3A_76 = tpu.assume_multiple %add3A_75, 8 : i32
    %dma_start3A_77 = tpu.memref_slice %arg3[%multiple_of3A_76] : memref<320000xi32, #tpu.memory_space<hbm>> -> memref<80xi32, #tpu.memory_space<hbm>>
    %dma_start3A_78 = tpu.memref_slice %arg3[%multiple_of3A_76] : memref<320000xi32, #tpu.memory_space<hbm>> -> memref<80xi32, #tpu.memory_space<hbm>>
    tpu.enqueue_dma source(%dma_start3A_78 : memref<80xi32, #tpu.memory_space<hbm>>) target(%arg6 : memref<80xi32, #tpu.memory_space<vmem>>) target_semaphore(%arg19 : memref<!tpu.dma_semaphore, #tpu.memory_space<semaphore_mem>>)
    %dma_start3A_79 = tpu.memref_slice %arg4[%multiple_of3A_76] : memref<320000xi32, #tpu.memory_space<hbm>> -> memref<80xi32, #tpu.memory_space<hbm>>
    %dma_start3A_80 = tpu.memref_slice %arg4[%multiple_of3A_76] : memref<320000xi32, #tpu.memory_space<hbm>> -> memref<80xi32, #tpu.memory_space<hbm>>
    tpu.enqueue_dma source(%dma_start3A_80 : memref<80xi32, #tpu.memory_space<hbm>>) target(%arg10 : memref<80xi32, #tpu.memory_space<vmem>>) target_semaphore(%arg19 : memref<!tpu.dma_semaphore, #tpu.memory_space<semaphore_mem>>)
    %add3A_81 = arith.constant 80 : i32
    %add3A_82 = arith.addi %multiple_of3A, %add3A_81 : i32
    %multiple_of3A_83 = tpu.assume_multiple %add3A_82, 8 : i32
    %dma_start3A_84 = tpu.memref_slice %arg3[%multiple_of3A_83] : memref<320000xi32, #tpu.memory_space<hbm>> -> memref<80xi32, #tpu.memory_space<hbm>>
    %dma_start3A_85 = tpu.memref_slice %arg3[%multiple_of3A_83] : memref<320000xi32, #tpu.memory_space<hbm>> -> memref<80xi32, #tpu.memory_space<hbm>>
    tpu.enqueue_dma source(%dma_start3A_85 : memref<80xi32, #tpu.memory_space<hbm>>) target(%arg7 : memref<80xi32, #tpu.memory_space<vmem>>) target_semaphore(%arg20 : memref<!tpu.dma_semaphore, #tpu.memory_space<semaphore_mem>>)
    %dma_start3A_86 = tpu.memref_slice %arg4[%multiple_of3A_83] : memref<320000xi32, #tpu.memory_space<hbm>> -> memref<80xi32, #tpu.memory_space<hbm>>
    %dma_start3A_87 = tpu.memref_slice %arg4[%multiple_of3A_83] : memref<320000xi32, #tpu.memory_space<hbm>> -> memref<80xi32, #tpu.memory_space<hbm>>
    tpu.enqueue_dma source(%dma_start3A_87 : memref<80xi32, #tpu.memory_space<hbm>>) target(%arg11 : memref<80xi32, #tpu.memory_space<vmem>>) target_semaphore(%arg20 : memref<!tpu.dma_semaphore, #tpu.memory_space<semaphore_mem>>)
    %add3A_88 = arith.constant 160 : i32
    %add3A_89 = arith.addi %multiple_of3A, %add3A_88 : i32
    %multiple_of3A_90 = tpu.assume_multiple %add3A_89, 8 : i32
    %dma_start3A_91 = tpu.memref_slice %arg3[%multiple_of3A_90] : memref<320000xi32, #tpu.memory_space<hbm>> -> memref<80xi32, #tpu.memory_space<hbm>>
    %dma_start3A_92 = tpu.memref_slice %arg3[%multiple_of3A_90] : memref<320000xi32, #tpu.memory_space<hbm>> -> memref<80xi32, #tpu.memory_space<hbm>>
    tpu.enqueue_dma source(%dma_start3A_92 : memref<80xi32, #tpu.memory_space<hbm>>) target(%arg8 : memref<80xi32, #tpu.memory_space<vmem>>) target_semaphore(%arg21 : memref<!tpu.dma_semaphore, #tpu.memory_space<semaphore_mem>>)
    %dma_start3A_93 = tpu.memref_slice %arg4[%multiple_of3A_90] : memref<320000xi32, #tpu.memory_space<hbm>> -> memref<80xi32, #tpu.memory_space<hbm>>
    %dma_start3A_94 = tpu.memref_slice %arg4[%multiple_of3A_90] : memref<320000xi32, #tpu.memory_space<hbm>> -> memref<80xi32, #tpu.memory_space<hbm>>
    tpu.enqueue_dma source(%dma_start3A_94 : memref<80xi32, #tpu.memory_space<hbm>>) target(%arg12 : memref<80xi32, #tpu.memory_space<vmem>>) target_semaphore(%arg21 : memref<!tpu.dma_semaphore, #tpu.memory_space<semaphore_mem>>)
    %add3A_95 = arith.constant 240 : i32
    %add3A_96 = arith.addi %multiple_of3A, %add3A_95 : i32
    %multiple_of3A_97 = tpu.assume_multiple %add3A_96, 8 : i32
    %dma_start3A_98 = tpu.memref_slice %arg3[%multiple_of3A_97] : memref<320000xi32, #tpu.memory_space<hbm>> -> memref<80xi32, #tpu.memory_space<hbm>>
    %dma_start3A_99 = tpu.memref_slice %arg3[%multiple_of3A_97] : memref<320000xi32, #tpu.memory_space<hbm>> -> memref<80xi32, #tpu.memory_space<hbm>>
    tpu.enqueue_dma source(%dma_start3A_99 : memref<80xi32, #tpu.memory_space<hbm>>) target(%arg9 : memref<80xi32, #tpu.memory_space<vmem>>) target_semaphore(%arg22 : memref<!tpu.dma_semaphore, #tpu.memory_space<semaphore_mem>>)
    %dma_start3A_100 = tpu.memref_slice %arg4[%multiple_of3A_97] : memref<320000xi32, #tpu.memory_space<hbm>> -> memref<80xi32, #tpu.memory_space<hbm>>
    %dma_start3A_101 = tpu.memref_slice %arg4[%multiple_of3A_97] : memref<320000xi32, #tpu.memory_space<hbm>> -> memref<80xi32, #tpu.memory_space<hbm>>
    tpu.enqueue_dma source(%dma_start3A_101 : memref<80xi32, #tpu.memory_space<hbm>>) target(%arg13 : memref<80xi32, #tpu.memory_space<vmem>>) target_semaphore(%arg22 : memref<!tpu.dma_semaphore, #tpu.memory_space<semaphore_mem>>)
    %mul3A_102 = arith.constant 640 : i32
    %mul3A_103 = arith.muli %arg1, %mul3A_102 : i32
    %add3A_104 = arith.constant 0 : i32
    %add3A_105 = arith.addi %mul3A_103, %add3A_104 : i32
    %dma_wait3A = arith.constant 0 : i32
    %dma_wait3A_106 = tpu.memref_slice %arg18[%add3A_105, %dma_wait3A] : memref<10248x128xf32, #tpu.memory_space<vmem_shared>> -> memref<80x128xf32, #tpu.memory_space<vmem_shared>>
    %dma_wait3A_107 = arith.constant 0 : i32
    %dma_wait3A_108 = tpu.memref_slice %arg18[%add3A_105, %dma_wait3A_107] : memref<10248x128xf32, #tpu.memory_space<vmem_shared>> -> memref<80x128xf32, #tpu.memory_space<vmem_shared>>
    tpu.wait_dma2 semaphore(%arg23 : memref<!tpu.dma_semaphore, #tpu.memory_space<semaphore_mem>>) src(%arg14 : memref<80x128xf32, #tpu.memory_space<vmem>>) dst(%dma_wait3A_108 : memref<80x128xf32, #tpu.memory_space<vmem_shared>>)
    %mul3A_109 = arith.constant 640 : i32
    %mul3A_110 = arith.muli %arg1, %mul3A_109 : i32
    %add3A_111 = arith.constant 80 : i32
    %add3A_112 = arith.addi %mul3A_110, %add3A_111 : i32
    %dma_wait3A_113 = arith.constant 0 : i32
    %dma_wait3A_114 = tpu.memref_slice %arg18[%add3A_112, %dma_wait3A_113] : memref<10248x128xf32, #tpu.memory_space<vmem_shared>> -> memref<80x128xf32, #tpu.memory_space<vmem_shared>>
    %dma_wait3A_115 = arith.constant 0 : i32
    %dma_wait3A_116 = tpu.memref_slice %arg18[%add3A_112, %dma_wait3A_115] : memref<10248x128xf32, #tpu.memory_space<vmem_shared>> -> memref<80x128xf32, #tpu.memory_space<vmem_shared>>
    tpu.wait_dma2 semaphore(%arg24 : memref<!tpu.dma_semaphore, #tpu.memory_space<semaphore_mem>>) src(%arg14 : memref<80x128xf32, #tpu.memory_space<vmem>>) dst(%dma_wait3A_116 : memref<80x128xf32, #tpu.memory_space<vmem_shared>>)
    %mul3A_117 = arith.constant 640 : i32
    %mul3A_118 = arith.muli %arg1, %mul3A_117 : i32
    %add3A_119 = arith.constant 160 : i32
    %add3A_120 = arith.addi %mul3A_118, %add3A_119 : i32
    %dma_wait3A_121 = arith.constant 0 : i32
    %dma_wait3A_122 = tpu.memref_slice %arg18[%add3A_120, %dma_wait3A_121] : memref<10248x128xf32, #tpu.memory_space<vmem_shared>> -> memref<80x128xf32, #tpu.memory_space<vmem_shared>>
    %dma_wait3A_123 = arith.constant 0 : i32
    %dma_wait3A_124 = tpu.memref_slice %arg18[%add3A_120, %dma_wait3A_123] : memref<10248x128xf32, #tpu.memory_space<vmem_shared>> -> memref<80x128xf32, #tpu.memory_space<vmem_shared>>
    tpu.wait_dma2 semaphore(%arg25 : memref<!tpu.dma_semaphore, #tpu.memory_space<semaphore_mem>>) src(%arg14 : memref<80x128xf32, #tpu.memory_space<vmem>>) dst(%dma_wait3A_124 : memref<80x128xf32, #tpu.memory_space<vmem_shared>>)
    %mul3A_125 = arith.constant 640 : i32
    %mul3A_126 = arith.muli %arg1, %mul3A_125 : i32
    %add3A_127 = arith.constant 240 : i32
    %add3A_128 = arith.addi %mul3A_126, %add3A_127 : i32
    %dma_wait3A_129 = arith.constant 0 : i32
    %dma_wait3A_130 = tpu.memref_slice %arg18[%add3A_128, %dma_wait3A_129] : memref<10248x128xf32, #tpu.memory_space<vmem_shared>> -> memref<80x128xf32, #tpu.memory_space<vmem_shared>>
    %dma_wait3A_131 = arith.constant 0 : i32
    %dma_wait3A_132 = tpu.memref_slice %arg18[%add3A_128, %dma_wait3A_131] : memref<10248x128xf32, #tpu.memory_space<vmem_shared>> -> memref<80x128xf32, #tpu.memory_space<vmem_shared>>
    tpu.wait_dma2 semaphore(%arg26 : memref<!tpu.dma_semaphore, #tpu.memory_space<semaphore_mem>>) src(%arg14 : memref<80x128xf32, #tpu.memory_space<vmem>>) dst(%dma_wait3A_132 : memref<80x128xf32, #tpu.memory_space<vmem_shared>>)
    %mul3A_133 = arith.constant 640 : i32
    %mul3A_134 = arith.muli %arg1, %mul3A_133 : i32
    %add3A_135 = arith.constant 320 : i32
    %add3A_136 = arith.addi %mul3A_134, %add3A_135 : i32
    %dma_wait3A_137 = arith.constant 0 : i32
    %dma_wait3A_138 = tpu.memref_slice %arg18[%add3A_136, %dma_wait3A_137] : memref<10248x128xf32, #tpu.memory_space<vmem_shared>> -> memref<80x128xf32, #tpu.memory_space<vmem_shared>>
    %dma_wait3A_139 = arith.constant 0 : i32
    %dma_wait3A_140 = tpu.memref_slice %arg18[%add3A_136, %dma_wait3A_139] : memref<10248x128xf32, #tpu.memory_space<vmem_shared>> -> memref<80x128xf32, #tpu.memory_space<vmem_shared>>
    tpu.wait_dma2 semaphore(%arg27 : memref<!tpu.dma_semaphore, #tpu.memory_space<semaphore_mem>>) src(%arg14 : memref<80x128xf32, #tpu.memory_space<vmem>>) dst(%dma_wait3A_140 : memref<80x128xf32, #tpu.memory_space<vmem_shared>>)
    %mul3A_141 = arith.constant 640 : i32
    %mul3A_142 = arith.muli %arg1, %mul3A_141 : i32
    %add3A_143 = arith.constant 400 : i32
    %add3A_144 = arith.addi %mul3A_142, %add3A_143 : i32
    %dma_wait3A_145 = arith.constant 0 : i32
    %dma_wait3A_146 = tpu.memref_slice %arg18[%add3A_144, %dma_wait3A_145] : memref<10248x128xf32, #tpu.memory_space<vmem_shared>> -> memref<80x128xf32, #tpu.memory_space<vmem_shared>>
    %dma_wait3A_147 = arith.constant 0 : i32
    %dma_wait3A_148 = tpu.memref_slice %arg18[%add3A_144, %dma_wait3A_147] : memref<10248x128xf32, #tpu.memory_space<vmem_shared>> -> memref<80x128xf32, #tpu.memory_space<vmem_shared>>
    tpu.wait_dma2 semaphore(%arg28 : memref<!tpu.dma_semaphore, #tpu.memory_space<semaphore_mem>>) src(%arg14 : memref<80x128xf32, #tpu.memory_space<vmem>>) dst(%dma_wait3A_148 : memref<80x128xf32, #tpu.memory_space<vmem_shared>>)
    %mul3A_149 = arith.constant 640 : i32
    %mul3A_150 = arith.muli %arg1, %mul3A_149 : i32
    %add3A_151 = arith.constant 480 : i32
    %add3A_152 = arith.addi %mul3A_150, %add3A_151 : i32
    %dma_wait3A_153 = arith.constant 0 : i32
    %dma_wait3A_154 = tpu.memref_slice %arg18[%add3A_152, %dma_wait3A_153] : memref<10248x128xf32, #tpu.memory_space<vmem_shared>> -> memref<80x128xf32, #tpu.memory_space<vmem_shared>>
    %dma_wait3A_155 = arith.constant 0 : i32
    %dma_wait3A_156 = tpu.memref_slice %arg18[%add3A_152, %dma_wait3A_155] : memref<10248x128xf32, #tpu.memory_space<vmem_shared>> -> memref<80x128xf32, #tpu.memory_space<vmem_shared>>
    tpu.wait_dma2 semaphore(%arg29 : memref<!tpu.dma_semaphore, #tpu.memory_space<semaphore_mem>>) src(%arg14 : memref<80x128xf32, #tpu.memory_space<vmem>>) dst(%dma_wait3A_156 : memref<80x128xf32, #tpu.memory_space<vmem_shared>>)
    %mul3A_157 = arith.constant 640 : i32
    %mul3A_158 = arith.muli %arg1, %mul3A_157 : i32
    %add3A_159 = arith.constant 560 : i32
    %add3A_160 = arith.addi %mul3A_158, %add3A_159 : i32
    %dma_wait3A_161 = arith.constant 0 : i32
    %dma_wait3A_162 = tpu.memref_slice %arg18[%add3A_160, %dma_wait3A_161] : memref<10248x128xf32, #tpu.memory_space<vmem_shared>> -> memref<80x128xf32, #tpu.memory_space<vmem_shared>>
    %dma_wait3A_163 = arith.constant 0 : i32
    %dma_wait3A_164 = tpu.memref_slice %arg18[%add3A_160, %dma_wait3A_163] : memref<10248x128xf32, #tpu.memory_space<vmem_shared>> -> memref<80x128xf32, #tpu.memory_space<vmem_shared>>
    tpu.wait_dma2 semaphore(%arg30 : memref<!tpu.dma_semaphore, #tpu.memory_space<semaphore_mem>>) src(%arg14 : memref<80x128xf32, #tpu.memory_space<vmem>>) dst(%dma_wait3A_164 : memref<80x128xf32, #tpu.memory_space<vmem_shared>>)
    %barrier3A = arith.constant 0 : index
    tpu.barrier barrier_id(%barrier3A)
    %add3A_165 = arith.constant 0 : i32
    %add3A_166 = arith.addi %multiple_of3A, %add3A_165 : i32
    %multiple_of3A_167 = tpu.assume_multiple %add3A_166, 8 : i32
    %dma_wait3A_168 = tpu.memref_slice %arg3[%multiple_of3A_167] : memref<320000xi32, #tpu.memory_space<hbm>> -> memref<80xi32, #tpu.memory_space<hbm>>
    %dma_wait3A_169 = tpu.memref_slice %arg3[%multiple_of3A_167] : memref<320000xi32, #tpu.memory_space<hbm>> -> memref<80xi32, #tpu.memory_space<hbm>>
    tpu.wait_dma2 semaphore(%arg19 : memref<!tpu.dma_semaphore, #tpu.memory_space<semaphore_mem>>) src(%dma_wait3A_169 : memref<80xi32, #tpu.memory_space<hbm>>) dst(%arg6 : memref<80xi32, #tpu.memory_space<vmem>>)
    %dma_wait3A_170 = tpu.memref_slice %arg4[%multiple_of3A_167] : memref<320000xi32, #tpu.memory_space<hbm>> -> memref<80xi32, #tpu.memory_space<hbm>>
    %dma_wait3A_171 = tpu.memref_slice %arg4[%multiple_of3A_167] : memref<320000xi32, #tpu.memory_space<hbm>> -> memref<80xi32, #tpu.memory_space<hbm>>
    tpu.wait_dma2 semaphore(%arg19 : memref<!tpu.dma_semaphore, #tpu.memory_space<semaphore_mem>>) src(%dma_wait3A_171 : memref<80xi32, #tpu.memory_space<hbm>>) dst(%arg10 : memref<80xi32, #tpu.memory_space<vmem>>)
    %get3A = arith.constant 0 : index
    %get3A_172 = tpu.vector_load %arg6[%get3A] {strides = array<i32>} : memref<80xi32, #tpu.memory_space<vmem>>, vector<16xi32>,
    %get3A_173 = vector.shape_cast %get3A_172 : vector<16xi32> to vector<16xi32>
    %get3A_174 = arith.constant 0 : index
    %get3A_175 = tpu.vector_load %arg10[%get3A_174] {strides = array<i32>} : memref<80xi32, #tpu.memory_space<vmem>>, vector<16xi32>,
    %get3A_176 = vector.shape_cast %get3A_175 : vector<16xi32> to vector<16xi32>
    %eq3A_177 = arith.cmpi eq, %get3A_173, %get3A_176 : vector<16xi32>
    %jit3A = arith.constant 10240 : i32
    %broadcast_in_dim3A = vector.broadcast %jit3A : i32 to vector<16xi32>
    %select_n3A = arith.select %eq3A_177, %broadcast_in_dim3A, %get3A_176 : vector<16xi1>, vector<16xi32>
    %swap3A = arith.constant 0 : index
    %swap3A_178 = tpu.vector_load %arg10[%swap3A] {strides = array<i32>} : memref<80xi32, #tpu.memory_space<vmem>>, vector<16xi32>,
    %swap3A_179 = vector.shape_cast %swap3A_178 : vector<16xi32> to vector<16xi32>
    %swap3A_180 = vector.shape_cast %select_n3A : vector<16xi32> to vector<16xi32>
    tpu.vector_store %arg10[%swap3A], %swap3A_180 {strides = array<i32>} : memref<80xi32, #tpu.memory_space<vmem>>, vector<16xi32>,
    %get3A_181 = arith.constant 16 : index
    %get3A_182 = tpu.vector_load %arg6[%get3A_181] {strides = array<i32>} : memref<80xi32, #tpu.memory_space<vmem>>, vector<16xi32>,
    %get3A_183 = vector.shape_cast %get3A_182 : vector<16xi32> to vector<16xi32>
    %get3A_184 = arith.constant 16 : index
    %get3A_185 = tpu.vector_load %arg10[%get3A_184] {strides = array<i32>} : memref<80xi32, #tpu.memory_space<vmem>>, vector<16xi32>,
    %get3A_186 = vector.shape_cast %get3A_185 : vector<16xi32> to vector<16xi32>
    %eq3A_187 = arith.cmpi eq, %get3A_183, %get3A_186 : vector<16xi32>
    %jit3A_188 = arith.constant 10240 : i32
    %broadcast_in_dim3A_189 = vector.broadcast %jit3A_188 : i32 to vector<16xi32>
    %select_n3A_190 = arith.select %eq3A_187, %broadcast_in_dim3A_189, %get3A_186 : vector<16xi1>, vector<16xi32>
    %swap3A_191 = arith.constant 16 : index
    %swap3A_192 = tpu.vector_load %arg10[%swap3A_191] {strides = array<i32>} : memref<80xi32, #tpu.memory_space<vmem>>, vector<16xi32>,
    %swap3A_193 = vector.shape_cast %swap3A_192 : vector<16xi32> to vector<16xi32>
    %swap3A_194 = vector.shape_cast %select_n3A_190 : vector<16xi32> to vector<16xi32>
    tpu.vector_store %arg10[%swap3A_191], %swap3A_194 {strides = array<i32>} : memref<80xi32, #tpu.memory_space<vmem>>, vector<16xi32>,
    %get3A_195 = arith.constant 32 : index
    %get3A_196 = tpu.vector_load %arg6[%get3A_195] {strides = array<i32>} : memref<80xi32, #tpu.memory_space<vmem>>, vector<16xi32>,
    %get3A_197 = vector.shape_cast %get3A_196 : vector<16xi32> to vector<16xi32>
    %get3A_198 = arith.constant 32 : index
    %get3A_199 = tpu.vector_load %arg10[%get3A_198] {strides = array<i32>} : memref<80xi32, #tpu.memory_space<vmem>>, vector<16xi32>,
    %get3A_200 = vector.shape_cast %get3A_199 : vector<16xi32> to vector<16xi32>
    %eq3A_201 = arith.cmpi eq, %get3A_197, %get3A_200 : vector<16xi32>
    %jit3A_202 = arith.constant 10240 : i32
    %broadcast_in_dim3A_203 = vector.broadcast %jit3A_202 : i32 to vector<16xi32>
    %select_n3A_204 = arith.select %eq3A_201, %broadcast_in_dim3A_203, %get3A_200 : vector<16xi1>, vector<16xi32>
    %swap3A_205 = arith.constant 32 : index
    %swap3A_206 = tpu.vector_load %arg10[%swap3A_205] {strides = array<i32>} : memref<80xi32, #tpu.memory_space<vmem>>, vector<16xi32>,
    %swap3A_207 = vector.shape_cast %swap3A_206 : vector<16xi32> to vector<16xi32>
    %swap3A_208 = vector.shape_cast %select_n3A_204 : vector<16xi32> to vector<16xi32>
    tpu.vector_store %arg10[%swap3A_205], %swap3A_208 {strides = array<i32>} : memref<80xi32, #tpu.memory_space<vmem>>, vector<16xi32>,
    %get3A_209 = arith.constant 48 : index
    %get3A_210 = tpu.vector_load %arg6[%get3A_209] {strides = array<i32>} : memref<80xi32, #tpu.memory_space<vmem>>, vector<16xi32>,
    %get3A_211 = vector.shape_cast %get3A_210 : vector<16xi32> to vector<16xi32>
    %get3A_212 = arith.constant 48 : index
    %get3A_213 = tpu.vector_load %arg10[%get3A_212] {strides = array<i32>} : memref<80xi32, #tpu.memory_space<vmem>>, vector<16xi32>,
    %get3A_214 = vector.shape_cast %get3A_213 : vector<16xi32> to vector<16xi32>
    %eq3A_215 = arith.cmpi eq, %get3A_211, %get3A_214 : vector<16xi32>
    %jit3A_216 = arith.constant 10240 : i32
    %broadcast_in_dim3A_217 = vector.broadcast %jit3A_216 : i32 to vector<16xi32>
    %select_n3A_218 = arith.select %eq3A_215, %broadcast_in_dim3A_217, %get3A_214 : vector<16xi1>, vector<16xi32>
    %swap3A_219 = arith.constant 48 : index
    %swap3A_220 = tpu.vector_load %arg10[%swap3A_219] {strides = array<i32>} : memref<80xi32, #tpu.memory_space<vmem>>, vector<16xi32>,
    %swap3A_221 = vector.shape_cast %swap3A_220 : vector<16xi32> to vector<16xi32>
    %swap3A_222 = vector.shape_cast %select_n3A_218 : vector<16xi32> to vector<16xi32>
    tpu.vector_store %arg10[%swap3A_219], %swap3A_222 {strides = array<i32>} : memref<80xi32, #tpu.memory_space<vmem>>, vector<16xi32>,
    %get3A_223 = arith.constant 64 : index
    %get3A_224 = tpu.vector_load %arg6[%get3A_223] {strides = array<i32>} : memref<80xi32, #tpu.memory_space<vmem>>, vector<16xi32>,
    %get3A_225 = vector.shape_cast %get3A_224 : vector<16xi32> to vector<16xi32>
    %get3A_226 = arith.constant 64 : index
    %get3A_227 = tpu.vector_load %arg10[%get3A_226] {strides = array<i32>} : memref<80xi32, #tpu.memory_space<vmem>>, vector<16xi32>,
    %get3A_228 = vector.shape_cast %get3A_227 : vector<16xi32> to vector<16xi32>
    %eq3A_229 = arith.cmpi eq, %get3A_225, %get3A_228 : vector<16xi32>
    %jit3A_230 = arith.constant 10240 : i32
    %broadcast_in_dim3A_231 = vector.broadcast %jit3A_230 : i32 to vector<16xi32>
    %select_n3A_232 = arith.select %eq3A_229, %broadcast_in_dim3A_231, %get3A_228 : vector<16xi1>, vector<16xi32>
    %swap3A_233 = arith.constant 64 : index
    %swap3A_234 = tpu.vector_load %arg10[%swap3A_233] {strides = array<i32>} : memref<80xi32, #tpu.memory_space<vmem>>, vector<16xi32>,
    %swap3A_235 = vector.shape_cast %swap3A_234 : vector<16xi32> to vector<16xi32>
    %swap3A_236 = vector.shape_cast %select_n3A_232 : vector<16xi32> to vector<16xi32>
    tpu.vector_store %arg10[%swap3A_233], %swap3A_236 {strides = array<i32>} : memref<80xi32, #tpu.memory_space<vmem>>, vector<16xi32>,
    %dma_start3A_237 = arith.constant 0 : i32
    %dma_start3A_238 = arith.constant 0 : i32
    %dma_start3A_239 = tpu.memref_slice %arg2[%dma_start3A_237, %dma_start3A_238] : memref<10240x128xf32, #tpu.memory_space<hbm>> -> memref<10240x128xf32, #tpu.memory_space<hbm>>
    tpu.enqueue_indirect_dma source(%dma_start3A_239 : memref<10240x128xf32, #tpu.memory_space<hbm>>) target(%arg14 : memref<80x128xf32, #tpu.memory_space<vmem>>) offsets(%arg6 : memref<80xi32, #tpu.memory_space<vmem>>) semaphore(%arg23 : memref<!tpu.dma_semaphore, #tpu.memory_space<semaphore_mem>>)
    %add3A_240 = arith.constant 80 : i32
    %add3A_241 = arith.addi %multiple_of3A, %add3A_240 : i32
    %multiple_of3A_242 = tpu.assume_multiple %add3A_241, 8 : i32
    %dma_wait3A_243 = tpu.memref_slice %arg3[%multiple_of3A_242] : memref<320000xi32, #tpu.memory_space<hbm>> -> memref<80xi32, #tpu.memory_space<hbm>>
    %dma_wait3A_244 = tpu.memref_slice %arg3[%multiple_of3A_242] : memref<320000xi32, #tpu.memory_space<hbm>> -> memref<80xi32, #tpu.memory_space<hbm>>
    tpu.wait_dma2 semaphore(%arg20 : memref<!tpu.dma_semaphore, #tpu.memory_space<semaphore_mem>>) src(%dma_wait3A_244 : memref<80xi32, #tpu.memory_space<hbm>>) dst(%arg7 : memref<80xi32, #tpu.memory_space<vmem>>)
    %dma_wait3A_245 = tpu.memref_slice %arg4[%multiple_of3A_242] : memref<320000xi32, #tpu.memory_space<hbm>> -> memref<80xi32, #tpu.memory_space<hbm>>
    %dma_wait3A_246 = tpu.memref_slice %arg4[%multiple_of3A_242] : memref<320000xi32, #tpu.memory_space<hbm>> -> memref<80xi32, #tpu.memory_space<hbm>>
    tpu.wait_dma2 semaphore(%arg20 : memref<!tpu.dma_semaphore, #tpu.memory_space<semaphore_mem>>) src(%dma_wait3A_246 : memref<80xi32, #tpu.memory_space<hbm>>) dst(%arg11 : memref<80xi32, #tpu.memory_space<vmem>>)
    %get3A_247 = arith.constant 0 : index
    %get3A_248 = tpu.vector_load %arg7[%get3A_247] {strides = array<i32>} : memref<80xi32, #tpu.memory_space<vmem>>, vector<16xi32>,
    %get3A_249 = vector.shape_cast %get3A_248 : vector<16xi32> to vector<16xi32>
    %get3A_250 = arith.constant 0 : index
    %get3A_251 = tpu.vector_load %arg11[%get3A_250] {strides = array<i32>} : memref<80xi32, #tpu.memory_space<vmem>>, vector<16xi32>,
    %get3A_252 = vector.shape_cast %get3A_251 : vector<16xi32> to vector<16xi32>
    %eq3A_253 = arith.cmpi eq, %get3A_249, %get3A_252 : vector<16xi32>
    %jit3A_254 = arith.constant 10240 : i32
    %broadcast_in_dim3A_255 = vector.broadcast %jit3A_254 : i32 to vector<16xi32>
    %select_n3A_256 = arith.select %eq3A_253, %broadcast_in_dim3A_255, %get3A_252 : vector<16xi1>, vector<16xi32>
    %swap3A_257 = arith.constant 0 : index
    %swap3A_258 = tpu.vector_load %arg11[%swap3A_257] {strides = array<i32>} : memref<80xi32, #tpu.memory_space<vmem>>, vector<16xi32>,
    %swap3A_259 = vector.shape_cast %swap3A_258 : vector<16xi32> to vector<16xi32>
    %swap3A_260 = vector.shape_cast %select_n3A_256 : vector<16xi32> to vector<16xi32>
    tpu.vector_store %arg11[%swap3A_257], %swap3A_260 {strides = array<i32>} : memref<80xi32, #tpu.memory_space<vmem>>, vector<16xi32>,
    %get3A_261 = arith.constant 16 : index
    %get3A_262 = tpu.vector_load %arg7[%get3A_261] {strides = array<i32>} : memref<80xi32, #tpu.memory_space<vmem>>, vector<16xi32>,
    %get3A_263 = vector.shape_cast %get3A_262 : vector<16xi32> to vector<16xi32>
    %get3A_264 = arith.constant 16 : index
    %get3A_265 = tpu.vector_load %arg11[%get3A_264] {strides = array<i32>} : memref<80xi32, #tpu.memory_space<vmem>>, vector<16xi32>,
    %get3A_266 = vector.shape_cast %get3A_265 : vector<16xi32> to vector<16xi32>
    %eq3A_267 = arith.cmpi eq, %get3A_263, %get3A_266 : vector<16xi32>
    %jit3A_268 = arith.constant 10240 : i32
    %broadcast_in_dim3A_269 = vector.broadcast %jit3A_268 : i32 to vector<16xi32>
    %select_n3A_270 = arith.select %eq3A_267, %broadcast_in_dim3A_269, %get3A_266 : vector<16xi1>, vector<16xi32>
    %swap3A_271 = arith.constant 16 : index
    %swap3A_272 = tpu.vector_load %arg11[%swap3A_271] {strides = array<i32>} : memref<80xi32, #tpu.memory_space<vmem>>, vector<16xi32>,
    %swap3A_273 = vector.shape_cast %swap3A_272 : vector<16xi32> to vector<16xi32>
    %swap3A_274 = vector.shape_cast %select_n3A_270 : vector<16xi32> to vector<16xi32>
    tpu.vector_store %arg11[%swap3A_271], %swap3A_274 {strides = array<i32>} : memref<80xi32, #tpu.memory_space<vmem>>, vector<16xi32>,
    %get3A_275 = arith.constant 32 : index
    %get3A_276 = tpu.vector_load %arg7[%get3A_275] {strides = array<i32>} : memref<80xi32, #tpu.memory_space<vmem>>, vector<16xi32>,
    %get3A_277 = vector.shape_cast %get3A_276 : vector<16xi32> to vector<16xi32>
    %get3A_278 = arith.constant 32 : index
    %get3A_279 = tpu.vector_load %arg11[%get3A_278] {strides = array<i32>} : memref<80xi32, #tpu.memory_space<vmem>>, vector<16xi32>,
    %get3A_280 = vector.shape_cast %get3A_279 : vector<16xi32> to vector<16xi32>
    %eq3A_281 = arith.cmpi eq, %get3A_277, %get3A_280 : vector<16xi32>
    %jit3A_282 = arith.constant 10240 : i32
    %broadcast_in_dim3A_283 = vector.broadcast %jit3A_282 : i32 to vector<16xi32>
    %select_n3A_284 = arith.select %eq3A_281, %broadcast_in_dim3A_283, %get3A_280 : vector<16xi1>, vector<16xi32>
    %swap3A_285 = arith.constant 32 : index
    %swap3A_286 = tpu.vector_load %arg11[%swap3A_285] {strides = array<i32>} : memref<80xi32, #tpu.memory_space<vmem>>, vector<16xi32>,
    %swap3A_287 = vector.shape_cast %swap3A_286 : vector<16xi32> to vector<16xi32>
    %swap3A_288 = vector.shape_cast %select_n3A_284 : vector<16xi32> to vector<16xi32>
    tpu.vector_store %arg11[%swap3A_285], %swap3A_288 {strides = array<i32>} : memref<80xi32, #tpu.memory_space<vmem>>, vector<16xi32>,
    %get3A_289 = arith.constant 48 : index
    %get3A_290 = tpu.vector_load %arg7[%get3A_289] {strides = array<i32>} : memref<80xi32, #tpu.memory_space<vmem>>, vector<16xi32>,
    %get3A_291 = vector.shape_cast %get3A_290 : vector<16xi32> to vector<16xi32>
    %get3A_292 = arith.constant 48 : index
    %get3A_293 = tpu.vector_load %arg11[%get3A_292] {strides = array<i32>} : memref<80xi32, #tpu.memory_space<vmem>>, vector<16xi32>,
    %get3A_294 = vector.shape_cast %get3A_293 : vector<16xi32> to vector<16xi32>
    %eq3A_295 = arith.cmpi eq, %get3A_291, %get3A_294 : vector<16xi32>
    %jit3A_296 = arith.constant 10240 : i32
    %broadcast_in_dim3A_297 = vector.broadcast %jit3A_296 : i32 to vector<16xi32>
    %select_n3A_298 = arith.select %eq3A_295, %broadcast_in_dim3A_297, %get3A_294 : vector<16xi1>, vector<16xi32>
    %swap3A_299 = arith.constant 48 : index
    %swap3A_300 = tpu.vector_load %arg11[%swap3A_299] {strides = array<i32>} : memref<80xi32, #tpu.memory_space<vmem>>, vector<16xi32>,
    %swap3A_301 = vector.shape_cast %swap3A_300 : vector<16xi32> to vector<16xi32>
    %swap3A_302 = vector.shape_cast %select_n3A_298 : vector<16xi32> to vector<16xi32>
    tpu.vector_store %arg11[%swap3A_299], %swap3A_302 {strides = array<i32>} : memref<80xi32, #tpu.memory_space<vmem>>, vector<16xi32>,
    %get3A_303 = arith.constant 64 : index
    %get3A_304 = tpu.vector_load %arg7[%get3A_303] {strides = array<i32>} : memref<80xi32, #tpu.memory_space<vmem>>, vector<16xi32>,
    %get3A_305 = vector.shape_cast %get3A_304 : vector<16xi32> to vector<16xi32>
    %get3A_306 = arith.constant 64 : index
    %get3A_307 = tpu.vector_load %arg11[%get3A_306] {strides = array<i32>} : memref<80xi32, #tpu.memory_space<vmem>>, vector<16xi32>,
    %get3A_308 = vector.shape_cast %get3A_307 : vector<16xi32> to vector<16xi32>
    %eq3A_309 = arith.cmpi eq, %get3A_305, %get3A_308 : vector<16xi32>
    %jit3A_310 = arith.constant 10240 : i32
    %broadcast_in_dim3A_311 = vector.broadcast %jit3A_310 : i32 to vector<16xi32>
    %select_n3A_312 = arith.select %eq3A_309, %broadcast_in_dim3A_311, %get3A_308 : vector<16xi1>, vector<16xi32>
    %swap3A_313 = arith.constant 64 : index
    %swap3A_314 = tpu.vector_load %arg11[%swap3A_313] {strides = array<i32>} : memref<80xi32, #tpu.memory_space<vmem>>, vector<16xi32>,
    %swap3A_315 = vector.shape_cast %swap3A_314 : vector<16xi32> to vector<16xi32>
    %swap3A_316 = vector.shape_cast %select_n3A_312 : vector<16xi32> to vector<16xi32>
    tpu.vector_store %arg11[%swap3A_313], %swap3A_316 {strides = array<i32>} : memref<80xi32, #tpu.memory_space<vmem>>, vector<16xi32>,
    %dma_start3A_317 = arith.constant 0 : i32
    %dma_start3A_318 = arith.constant 0 : i32
    %dma_start3A_319 = tpu.memref_slice %arg2[%dma_start3A_317, %dma_start3A_318] : memref<10240x128xf32, #tpu.memory_space<hbm>> -> memref<10240x128xf32, #tpu.memory_space<hbm>>
    tpu.enqueue_indirect_dma source(%dma_start3A_319 : memref<10240x128xf32, #tpu.memory_space<hbm>>) target(%arg15 : memref<80x128xf32, #tpu.memory_space<vmem>>) offsets(%arg7 : memref<80xi32, #tpu.memory_space<vmem>>) semaphore(%arg24 : memref<!tpu.dma_semaphore, #tpu.memory_space<semaphore_mem>>)
    %dma_wait3A_320 = arith.constant 0 : i32
    %dma_wait3A_321 = arith.constant 0 : i32
    %dma_wait3A_322 = tpu.memref_slice %arg2[%dma_wait3A_320, %dma_wait3A_321] : memref<10240x128xf32, #tpu.memory_space<hbm>> -> memref<10240x128xf32, #tpu.memory_space<hbm>>
    tpu.wait_indirect_dma semaphore(%arg23 : memref<!tpu.dma_semaphore, #tpu.memory_space<semaphore_mem>>) src(%dma_wait3A_322 : memref<10240x128xf32, #tpu.memory_space<hbm>>) dst(%arg14 : memref<80x128xf32, #tpu.memory_space<vmem>>)
    %dma_start3A_323 = arith.constant 0 : i32
    %dma_start3A_324 = arith.constant 0 : i32
    %dma_start3A_325 = tpu.memref_slice %arg18[%dma_start3A_323, %dma_start3A_324] : memref<10248x128xf32, #tpu.memory_space<vmem_shared>> -> memref<10248x128xf32, #tpu.memory_space<vmem_shared>>
    tpu.enqueue_indirect_dma source(%arg14 : memref<80x128xf32, #tpu.memory_space<vmem>>) target(%dma_start3A_325 : memref<10248x128xf32, #tpu.memory_space<vmem_shared>>) offsets(%arg10 : memref<80xi32, #tpu.memory_space<vmem>>) semaphore(%arg27 : memref<!tpu.dma_semaphore, #tpu.memory_space<semaphore_mem>>) {add = true}
    %add3A_326 = arith.constant 160 : i32
    %add3A_327 = arith.addi %multiple_of3A, %add3A_326 : i32
    %multiple_of3A_328 = tpu.assume_multiple %add3A_327, 8 : i32
    %dma_wait3A_329 = tpu.memref_slice %arg3[%multiple_of3A_328] : memref<320000xi32, #tpu.memory_space<hbm>> -> memref<80xi32, #tpu.memory_space<hbm>>
    %dma_wait3A_330 = tpu.memref_slice %arg3[%multiple_of3A_328] : memref<320000xi32, #tpu.memory_space<hbm>> -> memref<80xi32, #tpu.memory_space<hbm>>
    tpu.wait_dma2 semaphore(%arg21 : memref<!tpu.dma_semaphore, #tpu.memory_space<semaphore_mem>>) src(%dma_wait3A_330 : memref<80xi32, #tpu.memory_space<hbm>>) dst(%arg8 : memref<80xi32, #tpu.memory_space<vmem>>)
    %dma_wait3A_331 = tpu.memref_slice %arg4[%multiple_of3A_328] : memref<320000xi32, #tpu.memory_space<hbm>> -> memref<80xi32, #tpu.memory_space<hbm>>
    %dma_wait3A_332 = tpu.memref_slice %arg4[%multiple_of3A_328] : memref<320000xi32, #tpu.memory_space<hbm>> -> memref<80xi32, #tpu.memory_space<hbm>>
    tpu.wait_dma2 semaphore(%arg21 : memref<!tpu.dma_semaphore, #tpu.memory_space<semaphore_mem>>) src(%dma_wait3A_332 : memref<80xi32, #tpu.memory_space<hbm>>) dst(%arg12 : memref<80xi32, #tpu.memory_space<vmem>>)
    %get3A_333 = arith.constant 0 : index
    %get3A_334 = tpu.vector_load %arg8[%get3A_333] {strides = array<i32>} : memref<80xi32, #tpu.memory_space<vmem>>, vector<16xi32>,
    %get3A_335 = vector.shape_cast %get3A_334 : vector<16xi32> to vector<16xi32>
    %get3A_336 = arith.constant 0 : index
    %get3A_337 = tpu.vector_load %arg12[%get3A_336] {strides = array<i32>} : memref<80xi32, #tpu.memory_space<vmem>>, vector<16xi32>,
    %get3A_338 = vector.shape_cast %get3A_337 : vector<16xi32> to vector<16xi32>
    %eq3A_339 = arith.cmpi eq, %get3A_335, %get3A_338 : vector<16xi32>
    %jit3A_340 = arith.constant 10240 : i32
    %broadcast_in_dim3A_341 = vector.broadcast %jit3A_340 : i32 to vector<16xi32>
    %select_n3A_342 = arith.select %eq3A_339, %broadcast_in_dim3A_341, %get3A_338 : vector<16xi1>, vector<16xi32>
    %swap3A_343 = arith.constant 0 : index
    %swap3A_344 = tpu.vector_load %arg12[%swap3A_343] {strides = array<i32>} : memref<80xi32, #tpu.memory_space<vmem>>, vector<16xi32>,
    %swap3A_345 = vector.shape_cast %swap3A_344 : vector<16xi32> to vector<16xi32>
    %swap3A_346 = vector.shape_cast %select_n3A_342 : vector<16xi32> to vector<16xi32>
    tpu.vector_store %arg12[%swap3A_343], %swap3A_346 {strides = array<i32>} : memref<80xi32, #tpu.memory_space<vmem>>, vector<16xi32>,
    %get3A_347 = arith.constant 16 : index
    %get3A_348 = tpu.vector_load %arg8[%get3A_347] {strides = array<i32>} : memref<80xi32, #tpu.memory_space<vmem>>, vector<16xi32>,
    %get3A_349 = vector.shape_cast %get3A_348 : vector<16xi32> to vector<16xi32>
    %get3A_350 = arith.constant 16 : index
    %get3A_351 = tpu.vector_load %arg12[%get3A_350] {strides = array<i32>} : memref<80xi32, #tpu.memory_space<vmem>>, vector<16xi32>,
    %get3A_352 = vector.shape_cast %get3A_351 : vector<16xi32> to vector<16xi32>
    %eq3A_353 = arith.cmpi eq, %get3A_349, %get3A_352 : vector<16xi32>
    %jit3A_354 = arith.constant 10240 : i32
    %broadcast_in_dim3A_355 = vector.broadcast %jit3A_354 : i32 to vector<16xi32>
    %select_n3A_356 = arith.select %eq3A_353, %broadcast_in_dim3A_355, %get3A_352 : vector<16xi1>, vector<16xi32>
    %swap3A_357 = arith.constant 16 : index
    %swap3A_358 = tpu.vector_load %arg12[%swap3A_357] {strides = array<i32>} : memref<80xi32, #tpu.memory_space<vmem>>, vector<16xi32>,
    %swap3A_359 = vector.shape_cast %swap3A_358 : vector<16xi32> to vector<16xi32>
    %swap3A_360 = vector.shape_cast %select_n3A_356 : vector<16xi32> to vector<16xi32>
    tpu.vector_store %arg12[%swap3A_357], %swap3A_360 {strides = array<i32>} : memref<80xi32, #tpu.memory_space<vmem>>, vector<16xi32>,
    %get3A_361 = arith.constant 32 : index
    %get3A_362 = tpu.vector_load %arg8[%get3A_361] {strides = array<i32>} : memref<80xi32, #tpu.memory_space<vmem>>, vector<16xi32>,
    %get3A_363 = vector.shape_cast %get3A_362 : vector<16xi32> to vector<16xi32>
    %get3A_364 = arith.constant 32 : index
    %get3A_365 = tpu.vector_load %arg12[%get3A_364] {strides = array<i32>} : memref<80xi32, #tpu.memory_space<vmem>>, vector<16xi32>,
    %get3A_366 = vector.shape_cast %get3A_365 : vector<16xi32> to vector<16xi32>
    %eq3A_367 = arith.cmpi eq, %get3A_363, %get3A_366 : vector<16xi32>
    %jit3A_368 = arith.constant 10240 : i32
    %broadcast_in_dim3A_369 = vector.broadcast %jit3A_368 : i32 to vector<16xi32>
    %select_n3A_370 = arith.select %eq3A_367, %broadcast_in_dim3A_369, %get3A_366 : vector<16xi1>, vector<16xi32>
    %swap3A_371 = arith.constant 32 : index
    %swap3A_372 = tpu.vector_load %arg12[%swap3A_371] {strides = array<i32>} : memref<80xi32, #tpu.memory_space<vmem>>, vector<16xi32>,
    %swap3A_373 = vector.shape_cast %swap3A_372 : vector<16xi32> to vector<16xi32>
    %swap3A_374 = vector.shape_cast %select_n3A_370 : vector<16xi32> to vector<16xi32>
    tpu.vector_store %arg12[%swap3A_371], %swap3A_374 {strides = array<i32>} : memref<80xi32, #tpu.memory_space<vmem>>, vector<16xi32>,
    %get3A_375 = arith.constant 48 : index
    %get3A_376 = tpu.vector_load %arg8[%get3A_375] {strides = array<i32>} : memref<80xi32, #tpu.memory_space<vmem>>, vector<16xi32>,
    %get3A_377 = vector.shape_cast %get3A_376 : vector<16xi32> to vector<16xi32>
    %get3A_378 = arith.constant 48 : index
    %get3A_379 = tpu.vector_load %arg12[%get3A_378] {strides = array<i32>} : memref<80xi32, #tpu.memory_space<vmem>>, vector<16xi32>,
    %get3A_380 = vector.shape_cast %get3A_379 : vector<16xi32> to vector<16xi32>
    %eq3A_381 = arith.cmpi eq, %get3A_377, %get3A_380 : vector<16xi32>
    %jit3A_382 = arith.constant 10240 : i32
    %broadcast_in_dim3A_383 = vector.broadcast %jit3A_382 : i32 to vector<16xi32>
    %select_n3A_384 = arith.select %eq3A_381, %broadcast_in_dim3A_383, %get3A_380 : vector<16xi1>, vector<16xi32>
    %swap3A_385 = arith.constant 48 : index
    %swap3A_386 = tpu.vector_load %arg12[%swap3A_385] {strides = array<i32>} : memref<80xi32, #tpu.memory_space<vmem>>, vector<16xi32>,
    %swap3A_387 = vector.shape_cast %swap3A_386 : vector<16xi32> to vector<16xi32>
    %swap3A_388 = vector.shape_cast %select_n3A_384 : vector<16xi32> to vector<16xi32>
    tpu.vector_store %arg12[%swap3A_385], %swap3A_388 {strides = array<i32>} : memref<80xi32, #tpu.memory_space<vmem>>, vector<16xi32>,
    %get3A_389 = arith.constant 64 : index
    %get3A_390 = tpu.vector_load %arg8[%get3A_389] {strides = array<i32>} : memref<80xi32, #tpu.memory_space<vmem>>, vector<16xi32>,
    %get3A_391 = vector.shape_cast %get3A_390 : vector<16xi32> to vector<16xi32>
    %get3A_392 = arith.constant 64 : index
    %get3A_393 = tpu.vector_load %arg12[%get3A_392] {strides = array<i32>} : memref<80xi32, #tpu.memory_space<vmem>>, vector<16xi32>,
    %get3A_394 = vector.shape_cast %get3A_393 : vector<16xi32> to vector<16xi32>
    %eq3A_395 = arith.cmpi eq, %get3A_391, %get3A_394 : vector<16xi32>
    %jit3A_396 = arith.constant 10240 : i32
    %broadcast_in_dim3A_397 = vector.broadcast %jit3A_396 : i32 to vector<16xi32>
    %select_n3A_398 = arith.select %eq3A_395, %broadcast_in_dim3A_397, %get3A_394 : vector<16xi1>, vector<16xi32>
    %swap3A_399 = arith.constant 64 : index
    %swap3A_400 = tpu.vector_load %arg12[%swap3A_399] {strides = array<i32>} : memref<80xi32, #tpu.memory_space<vmem>>, vector<16xi32>,
    %swap3A_401 = vector.shape_cast %swap3A_400 : vector<16xi32> to vector<16xi32>
    %swap3A_402 = vector.shape_cast %select_n3A_398 : vector<16xi32> to vector<16xi32>
    tpu.vector_store %arg12[%swap3A_399], %swap3A_402 {strides = array<i32>} : memref<80xi32, #tpu.memory_space<vmem>>, vector<16xi32>,
    %dma_start3A_403 = arith.constant 0 : i32
    %dma_start3A_404 = arith.constant 0 : i32
    %dma_start3A_405 = tpu.memref_slice %arg2[%dma_start3A_403, %dma_start3A_404] : memref<10240x128xf32, #tpu.memory_space<hbm>> -> memref<10240x128xf32, #tpu.memory_space<hbm>>
    tpu.enqueue_indirect_dma source(%dma_start3A_405 : memref<10240x128xf32, #tpu.memory_space<hbm>>) target(%arg16 : memref<80x128xf32, #tpu.memory_space<vmem>>) offsets(%arg8 : memref<80xi32, #tpu.memory_space<vmem>>) semaphore(%arg25 : memref<!tpu.dma_semaphore, #tpu.memory_space<semaphore_mem>>)
    %dma_wait3A_406 = arith.constant 0 : i32
    %dma_wait3A_407 = arith.constant 0 : i32
    %dma_wait3A_408 = tpu.memref_slice %arg2[%dma_wait3A_406, %dma_wait3A_407] : memref<10240x128xf32, #tpu.memory_space<hbm>> -> memref<10240x128xf32, #tpu.memory_space<hbm>>
    tpu.wait_indirect_dma semaphore(%arg24 : memref<!tpu.dma_semaphore, #tpu.memory_space<semaphore_mem>>) src(%dma_wait3A_408 : memref<10240x128xf32, #tpu.memory_space<hbm>>) dst(%arg15 : memref<80x128xf32, #tpu.memory_space<vmem>>)
    %dma_start3A_409 = arith.constant 0 : i32
    %dma_start3A_410 = arith.constant 0 : i32
    %dma_start3A_411 = tpu.memref_slice %arg18[%dma_start3A_409, %dma_start3A_410] : memref<10248x128xf32, #tpu.memory_space<vmem_shared>> -> memref<10248x128xf32, #tpu.memory_space<vmem_shared>>
    tpu.enqueue_indirect_dma source(%arg15 : memref<80x128xf32, #tpu.memory_space<vmem>>) target(%dma_start3A_411 : memref<10248x128xf32, #tpu.memory_space<vmem_shared>>) offsets(%arg11 : memref<80xi32, #tpu.memory_space<vmem>>) semaphore(%arg28 : memref<!tpu.dma_semaphore, #tpu.memory_space<semaphore_mem>>) {add = true}
    %scan3A_412 = arith.constant 0 : i32
    %scan3A_413 = arith.constant 1 : i32
    %scan3A_414 = arith.constant 30 : i32
    %scan3A_415 = arith.addi %scan3A_413, %scan3A_414 : i32
    %scan3A_416 = arith.constant 1 : i32
    %scan3A_417 = scf.for %scan3A_624 = %scan3A_413 to %scan3A_415 step %scan3A_416 iter_args(%scan3A_625 = %scan3A_412) -> (i32)  : i32 {
      %mul3A_626 = arith.constant 4 : i32
      %mul3A_627 = arith.muli %scan3A_624, %mul3A_626 : i32
      %add3A_628 = arith.constant 0 : i32
      %add3A_629 = arith.addi %mul3A_627, %add3A_628 : i32
      %dma_wait3A_630 = arith.constant 0 : i32
      %dma_wait3A_631 = arith.constant 0 : i32
      %dma_wait3A_632 = tpu.memref_slice %arg18[%dma_wait3A_630, %dma_wait3A_631] : memref<10248x128xf32, #tpu.memory_space<vmem_shared>> -> memref<10248x128xf32, #tpu.memory_space<vmem_shared>>
      tpu.wait_indirect_dma semaphore(%arg27 : memref<!tpu.dma_semaphore, #tpu.memory_space<semaphore_mem>>) src(%arg14 : memref<80x128xf32, #tpu.memory_space<vmem>>) dst(%dma_wait3A_632 : memref<10248x128xf32, #tpu.memory_space<vmem_shared>>)
      %mul3A_633 = arith.constant 80 : i32
      %mul3A_634 = arith.muli %add3A_629, %mul3A_633 : i32
      %add3A_635 = arith.addi %multiple_of3A, %mul3A_634 : i32
      %multiple_of3A_636 = tpu.assume_multiple %add3A_635, 8 : i32
      %dma_start3A_637 = tpu.memref_slice %arg3[%multiple_of3A_636] : memref<320000xi32, #tpu.memory_space<hbm>> -> memref<80xi32, #tpu.memory_space<hbm>>
      %dma_start3A_638 = tpu.memref_slice %arg3[%multiple_of3A_636] : memref<320000xi32, #tpu.memory_space<hbm>> -> memref<80xi32, #tpu.memory_space<hbm>>
      tpu.enqueue_dma source(%dma_start3A_638 : memref<80xi32, #tpu.memory_space<hbm>>) target(%arg6 : memref<80xi32, #tpu.memory_space<vmem>>) target_semaphore(%arg19 : memref<!tpu.dma_semaphore, #tpu.memory_space<semaphore_mem>>)
      %dma_start3A_639 = tpu.memref_slice %arg4[%multiple_of3A_636] : memref<320000xi32, #tpu.memory_space<hbm>> -> memref<80xi32, #tpu.memory_space<hbm>>
      %dma_start3A_640 = tpu.memref_slice %arg4[%multiple_of3A_636] : memref<320000xi32, #tpu.memory_space<hbm>> -> memref<80xi32, #tpu.memory_space<hbm>>
      tpu.enqueue_dma source(%dma_start3A_640 : memref<80xi32, #tpu.memory_space<hbm>>) target(%arg10 : memref<80xi32, #tpu.memory_space<vmem>>) target_semaphore(%arg19 : memref<!tpu.dma_semaphore, #tpu.memory_space<semaphore_mem>>)
      %sub3A = arith.constant 1 : i32
      %sub3A_641 = arith.subi %add3A_629, %sub3A : i32
      %mul3A_642 = arith.constant 80 : i32
      %mul3A_643 = arith.muli %sub3A_641, %mul3A_642 : i32
      %add3A_644 = arith.addi %multiple_of3A, %mul3A_643 : i32
      %multiple_of3A_645 = tpu.assume_multiple %add3A_644, 8 : i32
      %dma_wait3A_646 = tpu.memref_slice %arg3[%multiple_of3A_645] : memref<320000xi32, #tpu.memory_space<hbm>> -> memref<80xi32, #tpu.memory_space<hbm>>
      %dma_wait3A_647 = tpu.memref_slice %arg3[%multiple_of3A_645] : memref<320000xi32, #tpu.memory_space<hbm>> -> memref<80xi32, #tpu.memory_space<hbm>>
      tpu.wait_dma2 semaphore(%arg22 : memref<!tpu.dma_semaphore, #tpu.memory_space<semaphore_mem>>) src(%dma_wait3A_647 : memref<80xi32, #tpu.memory_space<hbm>>) dst(%arg9 : memref<80xi32, #tpu.memory_space<vmem>>)
      %dma_wait3A_648 = tpu.memref_slice %arg4[%multiple_of3A_645] : memref<320000xi32, #tpu.memory_space<hbm>> -> memref<80xi32, #tpu.memory_space<hbm>>
      %dma_wait3A_649 = tpu.memref_slice %arg4[%multiple_of3A_645] : memref<320000xi32, #tpu.memory_space<hbm>> -> memref<80xi32, #tpu.memory_space<hbm>>
      tpu.wait_dma2 semaphore(%arg22 : memref<!tpu.dma_semaphore, #tpu.memory_space<semaphore_mem>>) src(%dma_wait3A_649 : memref<80xi32, #tpu.memory_space<hbm>>) dst(%arg13 : memref<80xi32, #tpu.memory_space<vmem>>)
      %get3A_650 = arith.constant 0 : index
      %get3A_651 = tpu.vector_load %arg9[%get3A_650] {strides = array<i32>} : memref<80xi32, #tpu.memory_space<vmem>>, vector<16xi32>,
      %get3A_652 = vector.shape_cast %get3A_651 : vector<16xi32> to vector<16xi32>
      %get3A_653 = arith.constant 0 : index
      %get3A_654 = tpu.vector_load %arg13[%get3A_653] {strides = array<i32>} : memref<80xi32, #tpu.memory_space<vmem>>, vector<16xi32>,
      %get3A_655 = vector.shape_cast %get3A_654 : vector<16xi32> to vector<16xi32>
      %eq3A_656 = arith.cmpi eq, %get3A_652, %get3A_655 : vector<16xi32>
      %jit3A_657 = arith.constant 10240 : i32
      %broadcast_in_dim3A_658 = vector.broadcast %jit3A_657 : i32 to vector<16xi32>
      %select_n3A_659 = arith.select %eq3A_656, %broadcast_in_dim3A_658, %get3A_655 : vector<16xi1>, vector<16xi32>
      %swap3A_660 = arith.constant 0 : index
      %swap3A_661 = tpu.vector_load %arg13[%swap3A_660] {strides = array<i32>} : memref<80xi32, #tpu.memory_space<vmem>>, vector<16xi32>,
      %swap3A_662 = vector.shape_cast %swap3A_661 : vector<16xi32> to vector<16xi32>
      %swap3A_663 = vector.shape_cast %select_n3A_659 : vector<16xi32> to vector<16xi32>
      tpu.vector_store %arg13[%swap3A_660], %swap3A_663 {strides = array<i32>} : memref<80xi32, #tpu.memory_space<vmem>>, vector<16xi32>,
      %get3A_664 = arith.constant 16 : index
      %get3A_665 = tpu.vector_load %arg9[%get3A_664] {strides = array<i32>} : memref<80xi32, #tpu.memory_space<vmem>>, vector<16xi32>,
      %get3A_666 = vector.shape_cast %get3A_665 : vector<16xi32> to vector<16xi32>
      %get3A_667 = arith.constant 16 : index
      %get3A_668 = tpu.vector_load %arg13[%get3A_667] {strides = array<i32>} : memref<80xi32, #tpu.memory_space<vmem>>, vector<16xi32>,
      %get3A_669 = vector.shape_cast %get3A_668 : vector<16xi32> to vector<16xi32>
      %eq3A_670 = arith.cmpi eq, %get3A_666, %get3A_669 : vector<16xi32>
      %jit3A_671 = arith.constant 10240 : i32
      %broadcast_in_dim3A_672 = vector.broadcast %jit3A_671 : i32 to vector<16xi32>
      %select_n3A_673 = arith.select %eq3A_670, %broadcast_in_dim3A_672, %get3A_669 : vector<16xi1>, vector<16xi32>
      %swap3A_674 = arith.constant 16 : index
      %swap3A_675 = tpu.vector_load %arg13[%swap3A_674] {strides = array<i32>} : memref<80xi32, #tpu.memory_space<vmem>>, vector<16xi32>,
      %swap3A_676 = vector.shape_cast %swap3A_675 : vector<16xi32> to vector<16xi32>
      %swap3A_677 = vector.shape_cast %select_n3A_673 : vector<16xi32> to vector<16xi32>
      tpu.vector_store %arg13[%swap3A_674], %swap3A_677 {strides = array<i32>} : memref<80xi32, #tpu.memory_space<vmem>>, vector<16xi32>,
      %get3A_678 = arith.constant 32 : index
      %get3A_679 = tpu.vector_load %arg9[%get3A_678] {strides = array<i32>} : memref<80xi32, #tpu.memory_space<vmem>>, vector<16xi32>,
      %get3A_680 = vector.shape_cast %get3A_679 : vector<16xi32> to vector<16xi32>
      %get3A_681 = arith.constant 32 : index
      %get3A_682 = tpu.vector_load %arg13[%get3A_681] {strides = array<i32>} : memref<80xi32, #tpu.memory_space<vmem>>, vector<16xi32>,
      %get3A_683 = vector.shape_cast %get3A_682 : vector<16xi32> to vector<16xi32>
      %eq3A_684 = arith.cmpi eq, %get3A_680, %get3A_683 : vector<16xi32>
      %jit3A_685 = arith.constant 10240 : i32
      %broadcast_in_dim3A_686 = vector.broadcast %jit3A_685 : i32 to vector<16xi32>
      %select_n3A_687 = arith.select %eq3A_684, %broadcast_in_dim3A_686, %get3A_683 : vector<16xi1>, vector<16xi32>
      %swap3A_688 = arith.constant 32 : index
      %swap3A_689 = tpu.vector_load %arg13[%swap3A_688] {strides = array<i32>} : memref<80xi32, #tpu.memory_space<vmem>>, vector<16xi32>,
      %swap3A_690 = vector.shape_cast %swap3A_689 : vector<16xi32> to vector<16xi32>
      %swap3A_691 = vector.shape_cast %select_n3A_687 : vector<16xi32> to vector<16xi32>
      tpu.vector_store %arg13[%swap3A_688], %swap3A_691 {strides = array<i32>} : memref<80xi32, #tpu.memory_space<vmem>>, vector<16xi32>,
      %get3A_692 = arith.constant 48 : index
      %get3A_693 = tpu.vector_load %arg9[%get3A_692] {strides = array<i32>} : memref<80xi32, #tpu.memory_space<vmem>>, vector<16xi32>,
      %get3A_694 = vector.shape_cast %get3A_693 : vector<16xi32> to vector<16xi32>
      %get3A_695 = arith.constant 48 : index
      %get3A_696 = tpu.vector_load %arg13[%get3A_695] {strides = array<i32>} : memref<80xi32, #tpu.memory_space<vmem>>, vector<16xi32>,
      %get3A_697 = vector.shape_cast %get3A_696 : vector<16xi32> to vector<16xi32>
      %eq3A_698 = arith.cmpi eq, %get3A_694, %get3A_697 : vector<16xi32>
      %jit3A_699 = arith.constant 10240 : i32
      %broadcast_in_dim3A_700 = vector.broadcast %jit3A_699 : i32 to vector<16xi32>
      %select_n3A_701 = arith.select %eq3A_698, %broadcast_in_dim3A_700, %get3A_697 : vector<16xi1>, vector<16xi32>
      %swap3A_702 = arith.constant 48 : index
      %swap3A_703 = tpu.vector_load %arg13[%swap3A_702] {strides = array<i32>} : memref<80xi32, #tpu.memory_space<vmem>>, vector<16xi32>,
      %swap3A_704 = vector.shape_cast %swap3A_703 : vector<16xi32> to vector<16xi32>
      %swap3A_705 = vector.shape_cast %select_n3A_701 : vector<16xi32> to vector<16xi32>
      tpu.vector_store %arg13[%swap3A_702], %swap3A_705 {strides = array<i32>} : memref<80xi32, #tpu.memory_space<vmem>>, vector<16xi32>,
      %get3A_706 = arith.constant 64 : index
      %get3A_707 = tpu.vector_load %arg9[%get3A_706] {strides = array<i32>} : memref<80xi32, #tpu.memory_space<vmem>>, vector<16xi32>,
      %get3A_708 = vector.shape_cast %get3A_707 : vector<16xi32> to vector<16xi32>
      %get3A_709 = arith.constant 64 : index
      %get3A_710 = tpu.vector_load %arg13[%get3A_709] {strides = array<i32>} : memref<80xi32, #tpu.memory_space<vmem>>, vector<16xi32>,
      %get3A_711 = vector.shape_cast %get3A_710 : vector<16xi32> to vector<16xi32>
      %eq3A_712 = arith.cmpi eq, %get3A_708, %get3A_711 : vector<16xi32>
      %jit3A_713 = arith.constant 10240 : i32
      %broadcast_in_dim3A_714 = vector.broadcast %jit3A_713 : i32 to vector<16xi32>
      %select_n3A_715 = arith.select %eq3A_712, %broadcast_in_dim3A_714, %get3A_711 : vector<16xi1>, vector<16xi32>
      %swap3A_716 = arith.constant 64 : index
      %swap3A_717 = tpu.vector_load %arg13[%swap3A_716] {strides = array<i32>} : memref<80xi32, #tpu.memory_space<vmem>>, vector<16xi32>,
      %swap3A_718 = vector.shape_cast %swap3A_717 : vector<16xi32> to vector<16xi32>
      %swap3A_719 = vector.shape_cast %select_n3A_715 : vector<16xi32> to vector<16xi32>
      tpu.vector_store %arg13[%swap3A_716], %swap3A_719 {strides = array<i32>} : memref<80xi32, #tpu.memory_space<vmem>>, vector<16xi32>,
      %dma_start3A_720 = arith.constant 0 : i32
      %dma_start3A_721 = arith.constant 0 : i32
      %dma_start3A_722 = tpu.memref_slice %arg2[%dma_start3A_720, %dma_start3A_721] : memref<10240x128xf32, #tpu.memory_space<hbm>> -> memref<10240x128xf32, #tpu.memory_space<hbm>>
      tpu.enqueue_indirect_dma source(%dma_start3A_722 : memref<10240x128xf32, #tpu.memory_space<hbm>>) target(%arg17 : memref<80x128xf32, #tpu.memory_space<vmem>>) offsets(%arg9 : memref<80xi32, #tpu.memory_space<vmem>>) semaphore(%arg26 : memref<!tpu.dma_semaphore, #tpu.memory_space<semaphore_mem>>)
      %dma_wait3A_723 = arith.constant 0 : i32
      %dma_wait3A_724 = arith.constant 0 : i32
      %dma_wait3A_725 = tpu.memref_slice %arg2[%dma_wait3A_723, %dma_wait3A_724] : memref<10240x128xf32, #tpu.memory_space<hbm>> -> memref<10240x128xf32, #tpu.memory_space<hbm>>
      tpu.wait_indirect_dma semaphore(%arg25 : memref<!tpu.dma_semaphore, #tpu.memory_space<semaphore_mem>>) src(%dma_wait3A_725 : memref<10240x128xf32, #tpu.memory_space<hbm>>) dst(%arg16 : memref<80x128xf32, #tpu.memory_space<vmem>>)
      %dma_start3A_726 = arith.constant 0 : i32
      %dma_start3A_727 = arith.constant 0 : i32
      %dma_start3A_728 = tpu.memref_slice %arg18[%dma_start3A_726, %dma_start3A_727] : memref<10248x128xf32, #tpu.memory_space<vmem_shared>> -> memref<10248x128xf32, #tpu.memory_space<vmem_shared>>
      tpu.enqueue_indirect_dma source(%arg16 : memref<80x128xf32, #tpu.memory_space<vmem>>) target(%dma_start3A_728 : memref<10248x128xf32, #tpu.memory_space<vmem_shared>>) offsets(%arg12 : memref<80xi32, #tpu.memory_space<vmem>>) semaphore(%arg29 : memref<!tpu.dma_semaphore, #tpu.memory_space<semaphore_mem>>) {add = true}
      %mul3A_729 = arith.constant 4 : i32
      %mul3A_730 = arith.muli %scan3A_624, %mul3A_729 : i32
      %add3A_731 = arith.constant 1 : i32
      %add3A_732 = arith.addi %mul3A_730, %add3A_731 : i32
      %dma_wait3A_733 = arith.constant 0 : i32
      %dma_wait3A_734 = arith.constant 0 : i32
      %dma_wait3A_735 = tpu.memref_slice %arg18[%dma_wait3A_733, %dma_wait3A_734] : memref<10248x128xf32, #tpu.memory_space<vmem_shared>> -> memref<10248x128xf32, #tpu.memory_space<vmem_shared>>
      tpu.wait_indirect_dma semaphore(%arg28 : memref<!tpu.dma_semaphore, #tpu.memory_space<semaphore_mem>>) src(%arg15 : memref<80x128xf32, #tpu.memory_space<vmem>>) dst(%dma_wait3A_735 : memref<10248x128xf32, #tpu.memory_space<vmem_shared>>)
      %mul3A_736 = arith.constant 80 : i32
      %mul3A_737 = arith.muli %add3A_732, %mul3A_736 : i32
      %add3A_738 = arith.addi %multiple_of3A, %mul3A_737 : i32
      %multiple_of3A_739 = tpu.assume_multiple %add3A_738, 8 : i32
      %dma_start3A_740 = tpu.memref_slice %arg3[%multiple_of3A_739] : memref<320000xi32, #tpu.memory_space<hbm>> -> memref<80xi32, #tpu.memory_space<hbm>>
      %dma_start3A_741 = tpu.memref_slice %arg3[%multiple_of3A_739] : memref<320000xi32, #tpu.memory_space<hbm>> -> memref<80xi32, #tpu.memory_space<hbm>>
      tpu.enqueue_dma source(%dma_start3A_741 : memref<80xi32, #tpu.memory_space<hbm>>) target(%arg7 : memref<80xi32, #tpu.memory_space<vmem>>) target_semaphore(%arg20 : memref<!tpu.dma_semaphore, #tpu.memory_space<semaphore_mem>>)
      %dma_start3A_742 = tpu.memref_slice %arg4[%multiple_of3A_739] : memref<320000xi32, #tpu.memory_space<hbm>> -> memref<80xi32, #tpu.memory_space<hbm>>
      %dma_start3A_743 = tpu.memref_slice %arg4[%multiple_of3A_739] : memref<320000xi32, #tpu.memory_space<hbm>> -> memref<80xi32, #tpu.memory_space<hbm>>
      tpu.enqueue_dma source(%dma_start3A_743 : memref<80xi32, #tpu.memory_space<hbm>>) target(%arg11 : memref<80xi32, #tpu.memory_space<vmem>>) target_semaphore(%arg20 : memref<!tpu.dma_semaphore, #tpu.memory_space<semaphore_mem>>)
      %sub3A_744 = arith.constant 1 : i32
      %sub3A_745 = arith.subi %add3A_732, %sub3A_744 : i32
      %mul3A_746 = arith.constant 80 : i32
      %mul3A_747 = arith.muli %sub3A_745, %mul3A_746 : i32
      %add3A_748 = arith.addi %multiple_of3A, %mul3A_747 : i32
      %multiple_of3A_749 = tpu.assume_multiple %add3A_748, 8 : i32
      %dma_wait3A_750 = tpu.memref_slice %arg3[%multiple_of3A_749] : memref<320000xi32, #tpu.memory_space<hbm>> -> memref<80xi32, #tpu.memory_space<hbm>>
      %dma_wait3A_751 = tpu.memref_slice %arg3[%multiple_of3A_749] : memref<320000xi32, #tpu.memory_space<hbm>> -> memref<80xi32, #tpu.memory_space<hbm>>
      tpu.wait_dma2 semaphore(%arg19 : memref<!tpu.dma_semaphore, #tpu.memory_space<semaphore_mem>>) src(%dma_wait3A_751 : memref<80xi32, #tpu.memory_space<hbm>>) dst(%arg6 : memref<80xi32, #tpu.memory_space<vmem>>)
      %dma_wait3A_752 = tpu.memref_slice %arg4[%multiple_of3A_749] : memref<320000xi32, #tpu.memory_space<hbm>> -> memref<80xi32, #tpu.memory_space<hbm>>
      %dma_wait3A_753 = tpu.memref_slice %arg4[%multiple_of3A_749] : memref<320000xi32, #tpu.memory_space<hbm>> -> memref<80xi32, #tpu.memory_space<hbm>>
      tpu.wait_dma2 semaphore(%arg19 : memref<!tpu.dma_semaphore, #tpu.memory_space<semaphore_mem>>) src(%dma_wait3A_753 : memref<80xi32, #tpu.memory_space<hbm>>) dst(%arg10 : memref<80xi32, #tpu.memory_space<vmem>>)
      %get3A_754 = arith.constant 0 : index
      %get3A_755 = tpu.vector_load %arg6[%get3A_754] {strides = array<i32>} : memref<80xi32, #tpu.memory_space<vmem>>, vector<16xi32>,
      %get3A_756 = vector.shape_cast %get3A_755 : vector<16xi32> to vector<16xi32>
      %get3A_757 = arith.constant 0 : index
      %get3A_758 = tpu.vector_load %arg10[%get3A_757] {strides = array<i32>} : memref<80xi32, #tpu.memory_space<vmem>>, vector<16xi32>,
      %get3A_759 = vector.shape_cast %get3A_758 : vector<16xi32> to vector<16xi32>
      %eq3A_760 = arith.cmpi eq, %get3A_756, %get3A_759 : vector<16xi32>
      %jit3A_761 = arith.constant 10240 : i32
      %broadcast_in_dim3A_762 = vector.broadcast %jit3A_761 : i32 to vector<16xi32>
      %select_n3A_763 = arith.select %eq3A_760, %broadcast_in_dim3A_762, %get3A_759 : vector<16xi1>, vector<16xi32>
      %swap3A_764 = arith.constant 0 : index
      %swap3A_765 = tpu.vector_load %arg10[%swap3A_764] {strides = array<i32>} : memref<80xi32, #tpu.memory_space<vmem>>, vector<16xi32>,
      %swap3A_766 = vector.shape_cast %swap3A_765 : vector<16xi32> to vector<16xi32>
      %swap3A_767 = vector.shape_cast %select_n3A_763 : vector<16xi32> to vector<16xi32>
      tpu.vector_store %arg10[%swap3A_764], %swap3A_767 {strides = array<i32>} : memref<80xi32, #tpu.memory_space<vmem>>, vector<16xi32>,
      %get3A_768 = arith.constant 16 : index
      %get3A_769 = tpu.vector_load %arg6[%get3A_768] {strides = array<i32>} : memref<80xi32, #tpu.memory_space<vmem>>, vector<16xi32>,
      %get3A_770 = vector.shape_cast %get3A_769 : vector<16xi32> to vector<16xi32>
      %get3A_771 = arith.constant 16 : index
      %get3A_772 = tpu.vector_load %arg10[%get3A_771] {strides = array<i32>} : memref<80xi32, #tpu.memory_space<vmem>>, vector<16xi32>,
      %get3A_773 = vector.shape_cast %get3A_772 : vector<16xi32> to vector<16xi32>
      %eq3A_774 = arith.cmpi eq, %get3A_770, %get3A_773 : vector<16xi32>
      %jit3A_775 = arith.constant 10240 : i32
      %broadcast_in_dim3A_776 = vector.broadcast %jit3A_775 : i32 to vector<16xi32>
      %select_n3A_777 = arith.select %eq3A_774, %broadcast_in_dim3A_776, %get3A_773 : vector<16xi1>, vector<16xi32>
      %swap3A_778 = arith.constant 16 : index
      %swap3A_779 = tpu.vector_load %arg10[%swap3A_778] {strides = array<i32>} : memref<80xi32, #tpu.memory_space<vmem>>, vector<16xi32>,
      %swap3A_780 = vector.shape_cast %swap3A_779 : vector<16xi32> to vector<16xi32>
      %swap3A_781 = vector.shape_cast %select_n3A_777 : vector<16xi32> to vector<16xi32>
      tpu.vector_store %arg10[%swap3A_778], %swap3A_781 {strides = array<i32>} : memref<80xi32, #tpu.memory_space<vmem>>, vector<16xi32>,
      %get3A_782 = arith.constant 32 : index
      %get3A_783 = tpu.vector_load %arg6[%get3A_782] {strides = array<i32>} : memref<80xi32, #tpu.memory_space<vmem>>, vector<16xi32>,
      %get3A_784 = vector.shape_cast %get3A_783 : vector<16xi32> to vector<16xi32>
      %get3A_785 = arith.constant 32 : index
      %get3A_786 = tpu.vector_load %arg10[%get3A_785] {strides = array<i32>} : memref<80xi32, #tpu.memory_space<vmem>>, vector<16xi32>,
      %get3A_787 = vector.shape_cast %get3A_786 : vector<16xi32> to vector<16xi32>
      %eq3A_788 = arith.cmpi eq, %get3A_784, %get3A_787 : vector<16xi32>
      %jit3A_789 = arith.constant 10240 : i32
      %broadcast_in_dim3A_790 = vector.broadcast %jit3A_789 : i32 to vector<16xi32>
      %select_n3A_791 = arith.select %eq3A_788, %broadcast_in_dim3A_790, %get3A_787 : vector<16xi1>, vector<16xi32>
      %swap3A_792 = arith.constant 32 : index
      %swap3A_793 = tpu.vector_load %arg10[%swap3A_792] {strides = array<i32>} : memref<80xi32, #tpu.memory_space<vmem>>, vector<16xi32>,
      %swap3A_794 = vector.shape_cast %swap3A_793 : vector<16xi32> to vector<16xi32>
      %swap3A_795 = vector.shape_cast %select_n3A_791 : vector<16xi32> to vector<16xi32>
      tpu.vector_store %arg10[%swap3A_792], %swap3A_795 {strides = array<i32>} : memref<80xi32, #tpu.memory_space<vmem>>, vector<16xi32>,
      %get3A_796 = arith.constant 48 : index
      %get3A_797 = tpu.vector_load %arg6[%get3A_796] {strides = array<i32>} : memref<80xi32, #tpu.memory_space<vmem>>, vector<16xi32>,
      %get3A_798 = vector.shape_cast %get3A_797 : vector<16xi32> to vector<16xi32>
      %get3A_799 = arith.constant 48 : index
      %get3A_800 = tpu.vector_load %arg10[%get3A_799] {strides = array<i32>} : memref<80xi32, #tpu.memory_space<vmem>>, vector<16xi32>,
      %get3A_801 = vector.shape_cast %get3A_800 : vector<16xi32> to vector<16xi32>
      %eq3A_802 = arith.cmpi eq, %get3A_798, %get3A_801 : vector<16xi32>
      %jit3A_803 = arith.constant 10240 : i32
      %broadcast_in_dim3A_804 = vector.broadcast %jit3A_803 : i32 to vector<16xi32>
      %select_n3A_805 = arith.select %eq3A_802, %broadcast_in_dim3A_804, %get3A_801 : vector<16xi1>, vector<16xi32>
      %swap3A_806 = arith.constant 48 : index
      %swap3A_807 = tpu.vector_load %arg10[%swap3A_806] {strides = array<i32>} : memref<80xi32, #tpu.memory_space<vmem>>, vector<16xi32>,
      %swap3A_808 = vector.shape_cast %swap3A_807 : vector<16xi32> to vector<16xi32>
      %swap3A_809 = vector.shape_cast %select_n3A_805 : vector<16xi32> to vector<16xi32>
      tpu.vector_store %arg10[%swap3A_806], %swap3A_809 {strides = array<i32>} : memref<80xi32, #tpu.memory_space<vmem>>, vector<16xi32>,
      %get3A_810 = arith.constant 64 : index
      %get3A_811 = tpu.vector_load %arg6[%get3A_810] {strides = array<i32>} : memref<80xi32, #tpu.memory_space<vmem>>, vector<16xi32>,
      %get3A_812 = vector.shape_cast %get3A_811 : vector<16xi32> to vector<16xi32>
      %get3A_813 = arith.constant 64 : index
      %get3A_814 = tpu.vector_load %arg10[%get3A_813] {strides = array<i32>} : memref<80xi32, #tpu.memory_space<vmem>>, vector<16xi32>,
      %get3A_815 = vector.shape_cast %get3A_814 : vector<16xi32> to vector<16xi32>
      %eq3A_816 = arith.cmpi eq, %get3A_812, %get3A_815 : vector<16xi32>
      %jit3A_817 = arith.constant 10240 : i32
      %broadcast_in_dim3A_818 = vector.broadcast %jit3A_817 : i32 to vector<16xi32>
      %select_n3A_819 = arith.select %eq3A_816, %broadcast_in_dim3A_818, %get3A_815 : vector<16xi1>, vector<16xi32>
      %swap3A_820 = arith.constant 64 : index
      %swap3A_821 = tpu.vector_load %arg10[%swap3A_820] {strides = array<i32>} : memref<80xi32, #tpu.memory_space<vmem>>, vector<16xi32>,
      %swap3A_822 = vector.shape_cast %swap3A_821 : vector<16xi32> to vector<16xi32>
      %swap3A_823 = vector.shape_cast %select_n3A_819 : vector<16xi32> to vector<16xi32>
      tpu.vector_store %arg10[%swap3A_820], %swap3A_823 {strides = array<i32>} : memref<80xi32, #tpu.memory_space<vmem>>, vector<16xi32>,
      %dma_start3A_824 = arith.constant 0 : i32
      %dma_start3A_825 = arith.constant 0 : i32
      %dma_start3A_826 = tpu.memref_slice %arg2[%dma_start3A_824, %dma_start3A_825] : memref<10240x128xf32, #tpu.memory_space<hbm>> -> memref<10240x128xf32, #tpu.memory_space<hbm>>
      tpu.enqueue_indirect_dma source(%dma_start3A_826 : memref<10240x128xf32, #tpu.memory_space<hbm>>) target(%arg14 : memref<80x128xf32, #tpu.memory_space<vmem>>) offsets(%arg6 : memref<80xi32, #tpu.memory_space<vmem>>) semaphore(%arg23 : memref<!tpu.dma_semaphore, #tpu.memory_space<semaphore_mem>>)
      %dma_wait3A_827 = arith.constant 0 : i32
      %dma_wait3A_828 = arith.constant 0 : i32
      %dma_wait3A_829 = tpu.memref_slice %arg2[%dma_wait3A_827, %dma_wait3A_828] : memref<10240x128xf32, #tpu.memory_space<hbm>> -> memref<10240x128xf32, #tpu.memory_space<hbm>>
      tpu.wait_indirect_dma semaphore(%arg26 : memref<!tpu.dma_semaphore, #tpu.memory_space<semaphore_mem>>) src(%dma_wait3A_829 : memref<10240x128xf32, #tpu.memory_space<hbm>>) dst(%arg17 : memref<80x128xf32, #tpu.memory_space<vmem>>)
      %dma_start3A_830 = arith.constant 0 : i32
      %dma_start3A_831 = arith.constant 0 : i32
      %dma_start3A_832 = tpu.memref_slice %arg18[%dma_start3A_830, %dma_start3A_831] : memref<10248x128xf32, #tpu.memory_space<vmem_shared>> -> memref<10248x128xf32, #tpu.memory_space<vmem_shared>>
      tpu.enqueue_indirect_dma source(%arg17 : memref<80x128xf32, #tpu.memory_space<vmem>>) target(%dma_start3A_832 : memref<10248x128xf32, #tpu.memory_space<vmem_shared>>) offsets(%arg13 : memref<80xi32, #tpu.memory_space<vmem>>) semaphore(%arg30 : memref<!tpu.dma_semaphore, #tpu.memory_space<semaphore_mem>>) {add = true}
      %mul3A_833 = arith.constant 4 : i32
      %mul3A_834 = arith.muli %scan3A_624, %mul3A_833 : i32
      %add3A_835 = arith.constant 2 : i32
      %add3A_836 = arith.addi %mul3A_834, %add3A_835 : i32
      %dma_wait3A_837 = arith.constant 0 : i32
      %dma_wait3A_838 = arith.constant 0 : i32
      %dma_wait3A_839 = tpu.memref_slice %arg18[%dma_wait3A_837, %dma_wait3A_838] : memref<10248x128xf32, #tpu.memory_space<vmem_shared>> -> memref<10248x128xf32, #tpu.memory_space<vmem_shared>>
      tpu.wait_indirect_dma semaphore(%arg29 : memref<!tpu.dma_semaphore, #tpu.memory_space<semaphore_mem>>) src(%arg16 : memref<80x128xf32, #tpu.memory_space<vmem>>) dst(%dma_wait3A_839 : memref<10248x128xf32, #tpu.memory_space<vmem_shared>>)
      %mul3A_840 = arith.constant 80 : i32
      %mul3A_841 = arith.muli %add3A_836, %mul3A_840 : i32
      %add3A_842 = arith.addi %multiple_of3A, %mul3A_841 : i32
      %multiple_of3A_843 = tpu.assume_multiple %add3A_842, 8 : i32
      %dma_start3A_844 = tpu.memref_slice %arg3[%multiple_of3A_843] : memref<320000xi32, #tpu.memory_space<hbm>> -> memref<80xi32, #tpu.memory_space<hbm>>
      %dma_start3A_845 = tpu.memref_slice %arg3[%multiple_of3A_843] : memref<320000xi32, #tpu.memory_space<hbm>> -> memref<80xi32, #tpu.memory_space<hbm>>
      tpu.enqueue_dma source(%dma_start3A_845 : memref<80xi32, #tpu.memory_space<hbm>>) target(%arg8 : memref<80xi32, #tpu.memory_space<vmem>>) target_semaphore(%arg21 : memref<!tpu.dma_semaphore, #tpu.memory_space<semaphore_mem>>)
      %dma_start3A_846 = tpu.memref_slice %arg4[%multiple_of3A_843] : memref<320000xi32, #tpu.memory_space<hbm>> -> memref<80xi32, #tpu.memory_space<hbm>>
      %dma_start3A_847 = tpu.memref_slice %arg4[%multiple_of3A_843] : memref<320000xi32, #tpu.memory_space<hbm>> -> memref<80xi32, #tpu.memory_space<hbm>>
      tpu.enqueue_dma source(%dma_start3A_847 : memref<80xi32, #tpu.memory_space<hbm>>) target(%arg12 : memref<80xi32, #tpu.memory_space<vmem>>) target_semaphore(%arg21 : memref<!tpu.dma_semaphore, #tpu.memory_space<semaphore_mem>>)
      %sub3A_848 = arith.constant 1 : i32
      %sub3A_849 = arith.subi %add3A_836, %sub3A_848 : i32
      %mul3A_850 = arith.constant 80 : i32
      %mul3A_851 = arith.muli %sub3A_849, %mul3A_850 : i32
      %add3A_852 = arith.addi %multiple_of3A, %mul3A_851 : i32
      %multiple_of3A_853 = tpu.assume_multiple %add3A_852, 8 : i32
      %dma_wait3A_854 = tpu.memref_slice %arg3[%multiple_of3A_853] : memref<320000xi32, #tpu.memory_space<hbm>> -> memref<80xi32, #tpu.memory_space<hbm>>
      %dma_wait3A_855 = tpu.memref_slice %arg3[%multiple_of3A_853] : memref<320000xi32, #tpu.memory_space<hbm>> -> memref<80xi32, #tpu.memory_space<hbm>>
      tpu.wait_dma2 semaphore(%arg20 : memref<!tpu.dma_semaphore, #tpu.memory_space<semaphore_mem>>) src(%dma_wait3A_855 : memref<80xi32, #tpu.memory_space<hbm>>) dst(%arg7 : memref<80xi32, #tpu.memory_space<vmem>>)
      %dma_wait3A_856 = tpu.memref_slice %arg4[%multiple_of3A_853] : memref<320000xi32, #tpu.memory_space<hbm>> -> memref<80xi32, #tpu.memory_space<hbm>>
      %dma_wait3A_857 = tpu.memref_slice %arg4[%multiple_of3A_853] : memref<320000xi32, #tpu.memory_space<hbm>> -> memref<80xi32, #tpu.memory_space<hbm>>
      tpu.wait_dma2 semaphore(%arg20 : memref<!tpu.dma_semaphore, #tpu.memory_space<semaphore_mem>>) src(%dma_wait3A_857 : memref<80xi32, #tpu.memory_space<hbm>>) dst(%arg11 : memref<80xi32, #tpu.memory_space<vmem>>)
      %get3A_858 = arith.constant 0 : index
      %get3A_859 = tpu.vector_load %arg7[%get3A_858] {strides = array<i32>} : memref<80xi32, #tpu.memory_space<vmem>>, vector<16xi32>,
      %get3A_860 = vector.shape_cast %get3A_859 : vector<16xi32> to vector<16xi32>
      %get3A_861 = arith.constant 0 : index
      %get3A_862 = tpu.vector_load %arg11[%get3A_861] {strides = array<i32>} : memref<80xi32, #tpu.memory_space<vmem>>, vector<16xi32>,
      %get3A_863 = vector.shape_cast %get3A_862 : vector<16xi32> to vector<16xi32>
      %eq3A_864 = arith.cmpi eq, %get3A_860, %get3A_863 : vector<16xi32>
      %jit3A_865 = arith.constant 10240 : i32
      %broadcast_in_dim3A_866 = vector.broadcast %jit3A_865 : i32 to vector<16xi32>
      %select_n3A_867 = arith.select %eq3A_864, %broadcast_in_dim3A_866, %get3A_863 : vector<16xi1>, vector<16xi32>
      %swap3A_868 = arith.constant 0 : index
      %swap3A_869 = tpu.vector_load %arg11[%swap3A_868] {strides = array<i32>} : memref<80xi32, #tpu.memory_space<vmem>>, vector<16xi32>,
      %swap3A_870 = vector.shape_cast %swap3A_869 : vector<16xi32> to vector<16xi32>
      %swap3A_871 = vector.shape_cast %select_n3A_867 : vector<16xi32> to vector<16xi32>
      tpu.vector_store %arg11[%swap3A_868], %swap3A_871 {strides = array<i32>} : memref<80xi32, #tpu.memory_space<vmem>>, vector<16xi32>,
      %get3A_872 = arith.constant 16 : index
      %get3A_873 = tpu.vector_load %arg7[%get3A_872] {strides = array<i32>} : memref<80xi32, #tpu.memory_space<vmem>>, vector<16xi32>,
      %get3A_874 = vector.shape_cast %get3A_873 : vector<16xi32> to vector<16xi32>
      %get3A_875 = arith.constant 16 : index
      %get3A_876 = tpu.vector_load %arg11[%get3A_875] {strides = array<i32>} : memref<80xi32, #tpu.memory_space<vmem>>, vector<16xi32>,
      %get3A_877 = vector.shape_cast %get3A_876 : vector<16xi32> to vector<16xi32>
      %eq3A_878 = arith.cmpi eq, %get3A_874, %get3A_877 : vector<16xi32>
      %jit3A_879 = arith.constant 10240 : i32
      %broadcast_in_dim3A_880 = vector.broadcast %jit3A_879 : i32 to vector<16xi32>
      %select_n3A_881 = arith.select %eq3A_878, %broadcast_in_dim3A_880, %get3A_877 : vector<16xi1>, vector<16xi32>
      %swap3A_882 = arith.constant 16 : index
      %swap3A_883 = tpu.vector_load %arg11[%swap3A_882] {strides = array<i32>} : memref<80xi32, #tpu.memory_space<vmem>>, vector<16xi32>,
      %swap3A_884 = vector.shape_cast %swap3A_883 : vector<16xi32> to vector<16xi32>
      %swap3A_885 = vector.shape_cast %select_n3A_881 : vector<16xi32> to vector<16xi32>
      tpu.vector_store %arg11[%swap3A_882], %swap3A_885 {strides = array<i32>} : memref<80xi32, #tpu.memory_space<vmem>>, vector<16xi32>,
      %get3A_886 = arith.constant 32 : index
      %get3A_887 = tpu.vector_load %arg7[%get3A_886] {strides = array<i32>} : memref<80xi32, #tpu.memory_space<vmem>>, vector<16xi32>,
      %get3A_888 = vector.shape_cast %get3A_887 : vector<16xi32> to vector<16xi32>
      %get3A_889 = arith.constant 32 : index
      %get3A_890 = tpu.vector_load %arg11[%get3A_889] {strides = array<i32>} : memref<80xi32, #tpu.memory_space<vmem>>, vector<16xi32>,
      %get3A_891 = vector.shape_cast %get3A_890 : vector<16xi32> to vector<16xi32>
      %eq3A_892 = arith.cmpi eq, %get3A_888, %get3A_891 : vector<16xi32>
      %jit3A_893 = arith.constant 10240 : i32
      %broadcast_in_dim3A_894 = vector.broadcast %jit3A_893 : i32 to vector<16xi32>
      %select_n3A_895 = arith.select %eq3A_892, %broadcast_in_dim3A_894, %get3A_891 : vector<16xi1>, vector<16xi32>
      %swap3A_896 = arith.constant 32 : index
      %swap3A_897 = tpu.vector_load %arg11[%swap3A_896] {strides = array<i32>} : memref<80xi32, #tpu.memory_space<vmem>>, vector<16xi32>,
      %swap3A_898 = vector.shape_cast %swap3A_897 : vector<16xi32> to vector<16xi32>
      %swap3A_899 = vector.shape_cast %select_n3A_895 : vector<16xi32> to vector<16xi32>
      tpu.vector_store %arg11[%swap3A_896], %swap3A_899 {strides = array<i32>} : memref<80xi32, #tpu.memory_space<vmem>>, vector<16xi32>,
      %get3A_900 = arith.constant 48 : index
      %get3A_901 = tpu.vector_load %arg7[%get3A_900] {strides = array<i32>} : memref<80xi32, #tpu.memory_space<vmem>>, vector<16xi32>,
      %get3A_902 = vector.shape_cast %get3A_901 : vector<16xi32> to vector<16xi32>
      %get3A_903 = arith.constant 48 : index
      %get3A_904 = tpu.vector_load %arg11[%get3A_903] {strides = array<i32>} : memref<80xi32, #tpu.memory_space<vmem>>, vector<16xi32>,
      %get3A_905 = vector.shape_cast %get3A_904 : vector<16xi32> to vector<16xi32>
      %eq3A_906 = arith.cmpi eq, %get3A_902, %get3A_905 : vector<16xi32>
      %jit3A_907 = arith.constant 10240 : i32
      %broadcast_in_dim3A_908 = vector.broadcast %jit3A_907 : i32 to vector<16xi32>
      %select_n3A_909 = arith.select %eq3A_906, %broadcast_in_dim3A_908, %get3A_905 : vector<16xi1>, vector<16xi32>
      %swap3A_910 = arith.constant 48 : index
      %swap3A_911 = tpu.vector_load %arg11[%swap3A_910] {strides = array<i32>} : memref<80xi32, #tpu.memory_space<vmem>>, vector<16xi32>,
      %swap3A_912 = vector.shape_cast %swap3A_911 : vector<16xi32> to vector<16xi32>
      %swap3A_913 = vector.shape_cast %select_n3A_909 : vector<16xi32> to vector<16xi32>
      tpu.vector_store %arg11[%swap3A_910], %swap3A_913 {strides = array<i32>} : memref<80xi32, #tpu.memory_space<vmem>>, vector<16xi32>,
      %get3A_914 = arith.constant 64 : index
      %get3A_915 = tpu.vector_load %arg7[%get3A_914] {strides = array<i32>} : memref<80xi32, #tpu.memory_space<vmem>>, vector<16xi32>,
      %get3A_916 = vector.shape_cast %get3A_915 : vector<16xi32> to vector<16xi32>
      %get3A_917 = arith.constant 64 : index
      %get3A_918 = tpu.vector_load %arg11[%get3A_917] {strides = array<i32>} : memref<80xi32, #tpu.memory_space<vmem>>, vector<16xi32>,
      %get3A_919 = vector.shape_cast %get3A_918 : vector<16xi32> to vector<16xi32>
      %eq3A_920 = arith.cmpi eq, %get3A_916, %get3A_919 : vector<16xi32>
      %jit3A_921 = arith.constant 10240 : i32
      %broadcast_in_dim3A_922 = vector.broadcast %jit3A_921 : i32 to vector<16xi32>
      %select_n3A_923 = arith.select %eq3A_920, %broadcast_in_dim3A_922, %get3A_919 : vector<16xi1>, vector<16xi32>
      %swap3A_924 = arith.constant 64 : index
      %swap3A_925 = tpu.vector_load %arg11[%swap3A_924] {strides = array<i32>} : memref<80xi32, #tpu.memory_space<vmem>>, vector<16xi32>,
      %swap3A_926 = vector.shape_cast %swap3A_925 : vector<16xi32> to vector<16xi32>
      %swap3A_927 = vector.shape_cast %select_n3A_923 : vector<16xi32> to vector<16xi32>
      tpu.vector_store %arg11[%swap3A_924], %swap3A_927 {strides = array<i32>} : memref<80xi32, #tpu.memory_space<vmem>>, vector<16xi32>,
      %dma_start3A_928 = arith.constant 0 : i32
      %dma_start3A_929 = arith.constant 0 : i32
      %dma_start3A_930 = tpu.memref_slice %arg2[%dma_start3A_928, %dma_start3A_929] : memref<10240x128xf32, #tpu.memory_space<hbm>> -> memref<10240x128xf32, #tpu.memory_space<hbm>>
      tpu.enqueue_indirect_dma source(%dma_start3A_930 : memref<10240x128xf32, #tpu.memory_space<hbm>>) target(%arg15 : memref<80x128xf32, #tpu.memory_space<vmem>>) offsets(%arg7 : memref<80xi32, #tpu.memory_space<vmem>>) semaphore(%arg24 : memref<!tpu.dma_semaphore, #tpu.memory_space<semaphore_mem>>)
      %dma_wait3A_931 = arith.constant 0 : i32
      %dma_wait3A_932 = arith.constant 0 : i32
      %dma_wait3A_933 = tpu.memref_slice %arg2[%dma_wait3A_931, %dma_wait3A_932] : memref<10240x128xf32, #tpu.memory_space<hbm>> -> memref<10240x128xf32, #tpu.memory_space<hbm>>
      tpu.wait_indirect_dma semaphore(%arg23 : memref<!tpu.dma_semaphore, #tpu.memory_space<semaphore_mem>>) src(%dma_wait3A_933 : memref<10240x128xf32, #tpu.memory_space<hbm>>) dst(%arg14 : memref<80x128xf32, #tpu.memory_space<vmem>>)
      %dma_start3A_934 = arith.constant 0 : i32
      %dma_start3A_935 = arith.constant 0 : i32
      %dma_start3A_936 = tpu.memref_slice %arg18[%dma_start3A_934, %dma_start3A_935] : memref<10248x128xf32, #tpu.memory_space<vmem_shared>> -> memref<10248x128xf32, #tpu.memory_space<vmem_shared>>
      tpu.enqueue_indirect_dma source(%arg14 : memref<80x128xf32, #tpu.memory_space<vmem>>) target(%dma_start3A_936 : memref<10248x128xf32, #tpu.memory_space<vmem_shared>>) offsets(%arg10 : memref<80xi32, #tpu.memory_space<vmem>>) semaphore(%arg27 : memref<!tpu.dma_semaphore, #tpu.memory_space<semaphore_mem>>) {add = true}
      %mul3A_937 = arith.constant 4 : i32
      %mul3A_938 = arith.muli %scan3A_624, %mul3A_937 : i32
      %add3A_939 = arith.constant 3 : i32
      %add3A_940 = arith.addi %mul3A_938, %add3A_939 : i32
      %dma_wait3A_941 = arith.constant 0 : i32
      %dma_wait3A_942 = arith.constant 0 : i32
      %dma_wait3A_943 = tpu.memref_slice %arg18[%dma_wait3A_941, %dma_wait3A_942] : memref<10248x128xf32, #tpu.memory_space<vmem_shared>> -> memref<10248x128xf32, #tpu.memory_space<vmem_shared>>
      tpu.wait_indirect_dma semaphore(%arg30 : memref<!tpu.dma_semaphore, #tpu.memory_space<semaphore_mem>>) src(%arg17 : memref<80x128xf32, #tpu.memory_space<vmem>>) dst(%dma_wait3A_943 : memref<10248x128xf32, #tpu.memory_space<vmem_shared>>)
      %mul3A_944 = arith.constant 80 : i32
      %mul3A_945 = arith.muli %add3A_940, %mul3A_944 : i32
      %add3A_946 = arith.addi %multiple_of3A, %mul3A_945 : i32
      %multiple_of3A_947 = tpu.assume_multiple %add3A_946, 8 : i32
      %dma_start3A_948 = tpu.memref_slice %arg3[%multiple_of3A_947] : memref<320000xi32, #tpu.memory_space<hbm>> -> memref<80xi32, #tpu.memory_space<hbm>>
      %dma_start3A_949 = tpu.memref_slice %arg3[%multiple_of3A_947] : memref<320000xi32, #tpu.memory_space<hbm>> -> memref<80xi32, #tpu.memory_space<hbm>>
      tpu.enqueue_dma source(%dma_start3A_949 : memref<80xi32, #tpu.memory_space<hbm>>) target(%arg9 : memref<80xi32, #tpu.memory_space<vmem>>) target_semaphore(%arg22 : memref<!tpu.dma_semaphore, #tpu.memory_space<semaphore_mem>>)
      %dma_start3A_950 = tpu.memref_slice %arg4[%multiple_of3A_947] : memref<320000xi32, #tpu.memory_space<hbm>> -> memref<80xi32, #tpu.memory_space<hbm>>
      %dma_start3A_951 = tpu.memref_slice %arg4[%multiple_of3A_947] : memref<320000xi32, #tpu.memory_space<hbm>> -> memref<80xi32, #tpu.memory_space<hbm>>
      tpu.enqueue_dma source(%dma_start3A_951 : memref<80xi32, #tpu.memory_space<hbm>>) target(%arg13 : memref<80xi32, #tpu.memory_space<vmem>>) target_semaphore(%arg22 : memref<!tpu.dma_semaphore, #tpu.memory_space<semaphore_mem>>)
      %sub3A_952 = arith.constant 1 : i32
      %sub3A_953 = arith.subi %add3A_940, %sub3A_952 : i32
      %mul3A_954 = arith.constant 80 : i32
      %mul3A_955 = arith.muli %sub3A_953, %mul3A_954 : i32
      %add3A_956 = arith.addi %multiple_of3A, %mul3A_955 : i32
      %multiple_of3A_957 = tpu.assume_multiple %add3A_956, 8 : i32
      %dma_wait3A_958 = tpu.memref_slice %arg3[%multiple_of3A_957] : memref<320000xi32, #tpu.memory_space<hbm>> -> memref<80xi32, #tpu.memory_space<hbm>>
      %dma_wait3A_959 = tpu.memref_slice %arg3[%multiple_of3A_957] : memref<320000xi32, #tpu.memory_space<hbm>> -> memref<80xi32, #tpu.memory_space<hbm>>
      tpu.wait_dma2 semaphore(%arg21 : memref<!tpu.dma_semaphore, #tpu.memory_space<semaphore_mem>>) src(%dma_wait3A_959 : memref<80xi32, #tpu.memory_space<hbm>>) dst(%arg8 : memref<80xi32, #tpu.memory_space<vmem>>)
      %dma_wait3A_960 = tpu.memref_slice %arg4[%multiple_of3A_957] : memref<320000xi32, #tpu.memory_space<hbm>> -> memref<80xi32, #tpu.memory_space<hbm>>
      %dma_wait3A_961 = tpu.memref_slice %arg4[%multiple_of3A_957] : memref<320000xi32, #tpu.memory_space<hbm>> -> memref<80xi32, #tpu.memory_space<hbm>>
      tpu.wait_dma2 semaphore(%arg21 : memref<!tpu.dma_semaphore, #tpu.memory_space<semaphore_mem>>) src(%dma_wait3A_961 : memref<80xi32, #tpu.memory_space<hbm>>) dst(%arg12 : memref<80xi32, #tpu.memory_space<vmem>>)
      %get3A_962 = arith.constant 0 : index
      %get3A_963 = tpu.vector_load %arg8[%get3A_962] {strides = array<i32>} : memref<80xi32, #tpu.memory_space<vmem>>, vector<16xi32>,
      %get3A_964 = vector.shape_cast %get3A_963 : vector<16xi32> to vector<16xi32>
      %get3A_965 = arith.constant 0 : index
      %get3A_966 = tpu.vector_load %arg12[%get3A_965] {strides = array<i32>} : memref<80xi32, #tpu.memory_space<vmem>>, vector<16xi32>,
      %get3A_967 = vector.shape_cast %get3A_966 : vector<16xi32> to vector<16xi32>
      %eq3A_968 = arith.cmpi eq, %get3A_964, %get3A_967 : vector<16xi32>
      %jit3A_969 = arith.constant 10240 : i32
      %broadcast_in_dim3A_970 = vector.broadcast %jit3A_969 : i32 to vector<16xi32>
      %select_n3A_971 = arith.select %eq3A_968, %broadcast_in_dim3A_970, %get3A_967 : vector<16xi1>, vector<16xi32>
      %swap3A_972 = arith.constant 0 : index
      %swap3A_973 = tpu.vector_load %arg12[%swap3A_972] {strides = array<i32>} : memref<80xi32, #tpu.memory_space<vmem>>, vector<16xi32>,
      %swap3A_974 = vector.shape_cast %swap3A_973 : vector<16xi32> to vector<16xi32>
      %swap3A_975 = vector.shape_cast %select_n3A_971 : vector<16xi32> to vector<16xi32>
      tpu.vector_store %arg12[%swap3A_972], %swap3A_975 {strides = array<i32>} : memref<80xi32, #tpu.memory_space<vmem>>, vector<16xi32>,
      %get3A_976 = arith.constant 16 : index
      %get3A_977 = tpu.vector_load %arg8[%get3A_976] {strides = array<i32>} : memref<80xi32, #tpu.memory_space<vmem>>, vector<16xi32>,
      %get3A_978 = vector.shape_cast %get3A_977 : vector<16xi32> to vector<16xi32>
      %get3A_979 = arith.constant 16 : index
      %get3A_980 = tpu.vector_load %arg12[%get3A_979] {strides = array<i32>} : memref<80xi32, #tpu.memory_space<vmem>>, vector<16xi32>,
      %get3A_981 = vector.shape_cast %get3A_980 : vector<16xi32> to vector<16xi32>
      %eq3A_982 = arith.cmpi eq, %get3A_978, %get3A_981 : vector<16xi32>
      %jit3A_983 = arith.constant 10240 : i32
      %broadcast_in_dim3A_984 = vector.broadcast %jit3A_983 : i32 to vector<16xi32>
      %select_n3A_985 = arith.select %eq3A_982, %broadcast_in_dim3A_984, %get3A_981 : vector<16xi1>, vector<16xi32>
      %swap3A_986 = arith.constant 16 : index
      %swap3A_987 = tpu.vector_load %arg12[%swap3A_986] {strides = array<i32>} : memref<80xi32, #tpu.memory_space<vmem>>, vector<16xi32>,
      %swap3A_988 = vector.shape_cast %swap3A_987 : vector<16xi32> to vector<16xi32>
      %swap3A_989 = vector.shape_cast %select_n3A_985 : vector<16xi32> to vector<16xi32>
      tpu.vector_store %arg12[%swap3A_986], %swap3A_989 {strides = array<i32>} : memref<80xi32, #tpu.memory_space<vmem>>, vector<16xi32>,
      %get3A_990 = arith.constant 32 : index
      %get3A_991 = tpu.vector_load %arg8[%get3A_990] {strides = array<i32>} : memref<80xi32, #tpu.memory_space<vmem>>, vector<16xi32>,
      %get3A_992 = vector.shape_cast %get3A_991 : vector<16xi32> to vector<16xi32>
      %get3A_993 = arith.constant 32 : index
      %get3A_994 = tpu.vector_load %arg12[%get3A_993] {strides = array<i32>} : memref<80xi32, #tpu.memory_space<vmem>>, vector<16xi32>,
      %get3A_995 = vector.shape_cast %get3A_994 : vector<16xi32> to vector<16xi32>
      %eq3A_996 = arith.cmpi eq, %get3A_992, %get3A_995 : vector<16xi32>
      %jit3A_997 = arith.constant 10240 : i32
      %broadcast_in_dim3A_998 = vector.broadcast %jit3A_997 : i32 to vector<16xi32>
      %select_n3A_999 = arith.select %eq3A_996, %broadcast_in_dim3A_998, %get3A_995 : vector<16xi1>, vector<16xi32>
      %swap3A_1000 = arith.constant 32 : index
      %swap3A_1001 = tpu.vector_load %arg12[%swap3A_1000] {strides = array<i32>} : memref<80xi32, #tpu.memory_space<vmem>>, vector<16xi32>,
      %swap3A_1002 = vector.shape_cast %swap3A_1001 : vector<16xi32> to vector<16xi32>
      %swap3A_1003 = vector.shape_cast %select_n3A_999 : vector<16xi32> to vector<16xi32>
      tpu.vector_store %arg12[%swap3A_1000], %swap3A_1003 {strides = array<i32>} : memref<80xi32, #tpu.memory_space<vmem>>, vector<16xi32>,
      %get3A_1004 = arith.constant 48 : index
      %get3A_1005 = tpu.vector_load %arg8[%get3A_1004] {strides = array<i32>} : memref<80xi32, #tpu.memory_space<vmem>>, vector<16xi32>,
      %get3A_1006 = vector.shape_cast %get3A_1005 : vector<16xi32> to vector<16xi32>
      %get3A_1007 = arith.constant 48 : index
      %get3A_1008 = tpu.vector_load %arg12[%get3A_1007] {strides = array<i32>} : memref<80xi32, #tpu.memory_space<vmem>>, vector<16xi32>,
      %get3A_1009 = vector.shape_cast %get3A_1008 : vector<16xi32> to vector<16xi32>
      %eq3A_1010 = arith.cmpi eq, %get3A_1006, %get3A_1009 : vector<16xi32>
      %jit3A_1011 = arith.constant 10240 : i32
      %broadcast_in_dim3A_1012 = vector.broadcast %jit3A_1011 : i32 to vector<16xi32>
      %select_n3A_1013 = arith.select %eq3A_1010, %broadcast_in_dim3A_1012, %get3A_1009 : vector<16xi1>, vector<16xi32>
      %swap3A_1014 = arith.constant 48 : index
      %swap3A_1015 = tpu.vector_load %arg12[%swap3A_1014] {strides = array<i32>} : memref<80xi32, #tpu.memory_space<vmem>>, vector<16xi32>,
      %swap3A_1016 = vector.shape_cast %swap3A_1015 : vector<16xi32> to vector<16xi32>
      %swap3A_1017 = vector.shape_cast %select_n3A_1013 : vector<16xi32> to vector<16xi32>
      tpu.vector_store %arg12[%swap3A_1014], %swap3A_1017 {strides = array<i32>} : memref<80xi32, #tpu.memory_space<vmem>>, vector<16xi32>,
      %get3A_1018 = arith.constant 64 : index
      %get3A_1019 = tpu.vector_load %arg8[%get3A_1018] {strides = array<i32>} : memref<80xi32, #tpu.memory_space<vmem>>, vector<16xi32>,
      %get3A_1020 = vector.shape_cast %get3A_1019 : vector<16xi32> to vector<16xi32>
      %get3A_1021 = arith.constant 64 : index
      %get3A_1022 = tpu.vector_load %arg12[%get3A_1021] {strides = array<i32>} : memref<80xi32, #tpu.memory_space<vmem>>, vector<16xi32>,
      %get3A_1023 = vector.shape_cast %get3A_1022 : vector<16xi32> to vector<16xi32>
      %eq3A_1024 = arith.cmpi eq, %get3A_1020, %get3A_1023 : vector<16xi32>
      %jit3A_1025 = arith.constant 10240 : i32
      %broadcast_in_dim3A_1026 = vector.broadcast %jit3A_1025 : i32 to vector<16xi32>
      %select_n3A_1027 = arith.select %eq3A_1024, %broadcast_in_dim3A_1026, %get3A_1023 : vector<16xi1>, vector<16xi32>
      %swap3A_1028 = arith.constant 64 : index
      %swap3A_1029 = tpu.vector_load %arg12[%swap3A_1028] {strides = array<i32>} : memref<80xi32, #tpu.memory_space<vmem>>, vector<16xi32>,
      %swap3A_1030 = vector.shape_cast %swap3A_1029 : vector<16xi32> to vector<16xi32>
      %swap3A_1031 = vector.shape_cast %select_n3A_1027 : vector<16xi32> to vector<16xi32>
      tpu.vector_store %arg12[%swap3A_1028], %swap3A_1031 {strides = array<i32>} : memref<80xi32, #tpu.memory_space<vmem>>, vector<16xi32>,
      %dma_start3A_1032 = arith.constant 0 : i32
      %dma_start3A_1033 = arith.constant 0 : i32
      %dma_start3A_1034 = tpu.memref_slice %arg2[%dma_start3A_1032, %dma_start3A_1033] : memref<10240x128xf32, #tpu.memory_space<hbm>> -> memref<10240x128xf32, #tpu.memory_space<hbm>>
      tpu.enqueue_indirect_dma source(%dma_start3A_1034 : memref<10240x128xf32, #tpu.memory_space<hbm>>) target(%arg16 : memref<80x128xf32, #tpu.memory_space<vmem>>) offsets(%arg8 : memref<80xi32, #tpu.memory_space<vmem>>) semaphore(%arg25 : memref<!tpu.dma_semaphore, #tpu.memory_space<semaphore_mem>>)
      %dma_wait3A_1035 = arith.constant 0 : i32
      %dma_wait3A_1036 = arith.constant 0 : i32
      %dma_wait3A_1037 = tpu.memref_slice %arg2[%dma_wait3A_1035, %dma_wait3A_1036] : memref<10240x128xf32, #tpu.memory_space<hbm>> -> memref<10240x128xf32, #tpu.memory_space<hbm>>
      tpu.wait_indirect_dma semaphore(%arg24 : memref<!tpu.dma_semaphore, #tpu.memory_space<semaphore_mem>>) src(%dma_wait3A_1037 : memref<10240x128xf32, #tpu.memory_space<hbm>>) dst(%arg15 : memref<80x128xf32, #tpu.memory_space<vmem>>)
      %dma_start3A_1038 = arith.constant 0 : i32
      %dma_start3A_1039 = arith.constant 0 : i32
      %dma_start3A_1040 = tpu.memref_slice %arg18[%dma_start3A_1038, %dma_start3A_1039] : memref<10248x128xf32, #tpu.memory_space<vmem_shared>> -> memref<10248x128xf32, #tpu.memory_space<vmem_shared>>
      tpu.enqueue_indirect_dma source(%arg15 : memref<80x128xf32, #tpu.memory_space<vmem>>) target(%dma_start3A_1040 : memref<10248x128xf32, #tpu.memory_space<vmem_shared>>) offsets(%arg11 : memref<80xi32, #tpu.memory_space<vmem>>) semaphore(%arg28 : memref<!tpu.dma_semaphore, #tpu.memory_space<semaphore_mem>>) {add = true}
      %scan3A_1041 = arith.constant 0 : i32
      scf.yield %scan3A_1041 : i32
    }
    %scan3A_418 = arith.constant 30 : i32
    %dma_wait3A_419 = arith.constant 0 : i32
    %dma_wait3A_420 = arith.constant 0 : i32
    %dma_wait3A_421 = tpu.memref_slice %arg18[%dma_wait3A_419, %dma_wait3A_420] : memref<10248x128xf32, #tpu.memory_space<vmem_shared>> -> memref<10248x128xf32, #tpu.memory_space<vmem_shared>>
    tpu.wait_indirect_dma semaphore(%arg27 : memref<!tpu.dma_semaphore, #tpu.memory_space<semaphore_mem>>) src(%arg14 : memref<80x128xf32, #tpu.memory_space<vmem>>) dst(%dma_wait3A_421 : memref<10248x128xf32, #tpu.memory_space<vmem_shared>>)
    %add3A_422 = arith.constant 9920 : i32
    %add3A_423 = arith.addi %multiple_of3A, %add3A_422 : i32
    %multiple_of3A_424 = tpu.assume_multiple %add3A_423, 8 : i32
    %dma_start3A_425 = tpu.memref_slice %arg3[%multiple_of3A_424] : memref<320000xi32, #tpu.memory_space<hbm>> -> memref<80xi32, #tpu.memory_space<hbm>>
    %dma_start3A_426 = tpu.memref_slice %arg3[%multiple_of3A_424] : memref<320000xi32, #tpu.memory_space<hbm>> -> memref<80xi32, #tpu.memory_space<hbm>>
    tpu.enqueue_dma source(%dma_start3A_426 : memref<80xi32, #tpu.memory_space<hbm>>) target(%arg6 : memref<80xi32, #tpu.memory_space<vmem>>) target_semaphore(%arg19 : memref<!tpu.dma_semaphore, #tpu.memory_space<semaphore_mem>>)
    %dma_start3A_427 = tpu.memref_slice %arg4[%multiple_of3A_424] : memref<320000xi32, #tpu.memory_space<hbm>> -> memref<80xi32, #tpu.memory_space<hbm>>
    %dma_start3A_428 = tpu.memref_slice %arg4[%multiple_of3A_424] : memref<320000xi32, #tpu.memory_space<hbm>> -> memref<80xi32, #tpu.memory_space<hbm>>
    tpu.enqueue_dma source(%dma_start3A_428 : memref<80xi32, #tpu.memory_space<hbm>>) target(%arg10 : memref<80xi32, #tpu.memory_space<vmem>>) target_semaphore(%arg19 : memref<!tpu.dma_semaphore, #tpu.memory_space<semaphore_mem>>)
    %add3A_429 = arith.constant 9840 : i32
    %add3A_430 = arith.addi %multiple_of3A, %add3A_429 : i32
    %multiple_of3A_431 = tpu.assume_multiple %add3A_430, 8 : i32
    %dma_wait3A_432 = tpu.memref_slice %arg3[%multiple_of3A_431] : memref<320000xi32, #tpu.memory_space<hbm>> -> memref<80xi32, #tpu.memory_space<hbm>>
    %dma_wait3A_433 = tpu.memref_slice %arg3[%multiple_of3A_431] : memref<320000xi32, #tpu.memory_space<hbm>> -> memref<80xi32, #tpu.memory_space<hbm>>
    tpu.wait_dma2 semaphore(%arg22 : memref<!tpu.dma_semaphore, #tpu.memory_space<semaphore_mem>>) src(%dma_wait3A_433 : memref<80xi32, #tpu.memory_space<hbm>>) dst(%arg9 : memref<80xi32, #tpu.memory_space<vmem>>)
    %dma_wait3A_434 = tpu.memref_slice %arg4[%multiple_of3A_431] : memref<320000xi32, #tpu.memory_space<hbm>> -> memref<80xi32, #tpu.memory_space<hbm>>
    %dma_wait3A_435 = tpu.memref_slice %arg4[%multiple_of3A_431] : memref<320000xi32, #tpu.memory_space<hbm>> -> memref<80xi32, #tpu.memory_space<hbm>>
    tpu.wait_dma2 semaphore(%arg22 : memref<!tpu.dma_semaphore, #tpu.memory_space<semaphore_mem>>) src(%dma_wait3A_435 : memref<80xi32, #tpu.memory_space<hbm>>) dst(%arg13 : memref<80xi32, #tpu.memory_space<vmem>>)
    %get3A_436 = arith.constant 0 : index
    %get3A_437 = tpu.vector_load %arg9[%get3A_436] {strides = array<i32>} : memref<80xi32, #tpu.memory_space<vmem>>, vector<16xi32>,
    %get3A_438 = vector.shape_cast %get3A_437 : vector<16xi32> to vector<16xi32>
    %get3A_439 = arith.constant 0 : index
    %get3A_440 = tpu.vector_load %arg13[%get3A_439] {strides = array<i32>} : memref<80xi32, #tpu.memory_space<vmem>>, vector<16xi32>,
    %get3A_441 = vector.shape_cast %get3A_440 : vector<16xi32> to vector<16xi32>
    %eq3A_442 = arith.cmpi eq, %get3A_438, %get3A_441 : vector<16xi32>
    %jit3A_443 = arith.constant 10240 : i32
    %broadcast_in_dim3A_444 = vector.broadcast %jit3A_443 : i32 to vector<16xi32>
    %select_n3A_445 = arith.select %eq3A_442, %broadcast_in_dim3A_444, %get3A_441 : vector<16xi1>, vector<16xi32>
    %swap3A_446 = arith.constant 0 : index
    %swap3A_447 = tpu.vector_load %arg13[%swap3A_446] {strides = array<i32>} : memref<80xi32, #tpu.memory_space<vmem>>, vector<16xi32>,
    %swap3A_448 = vector.shape_cast %swap3A_447 : vector<16xi32> to vector<16xi32>
    %swap3A_449 = vector.shape_cast %select_n3A_445 : vector<16xi32> to vector<16xi32>
    tpu.vector_store %arg13[%swap3A_446], %swap3A_449 {strides = array<i32>} : memref<80xi32, #tpu.memory_space<vmem>>, vector<16xi32>,
    %get3A_450 = arith.constant 16 : index
    %get3A_451 = tpu.vector_load %arg9[%get3A_450] {strides = array<i32>} : memref<80xi32, #tpu.memory_space<vmem>>, vector<16xi32>,
    %get3A_452 = vector.shape_cast %get3A_451 : vector<16xi32> to vector<16xi32>
    %get3A_453 = arith.constant 16 : index
    %get3A_454 = tpu.vector_load %arg13[%get3A_453] {strides = array<i32>} : memref<80xi32, #tpu.memory_space<vmem>>, vector<16xi32>,
    %get3A_455 = vector.shape_cast %get3A_454 : vector<16xi32> to vector<16xi32>
    %eq3A_456 = arith.cmpi eq, %get3A_452, %get3A_455 : vector<16xi32>
    %jit3A_457 = arith.constant 10240 : i32
    %broadcast_in_dim3A_458 = vector.broadcast %jit3A_457 : i32 to vector<16xi32>
    %select_n3A_459 = arith.select %eq3A_456, %broadcast_in_dim3A_458, %get3A_455 : vector<16xi1>, vector<16xi32>
    %swap3A_460 = arith.constant 16 : index
    %swap3A_461 = tpu.vector_load %arg13[%swap3A_460] {strides = array<i32>} : memref<80xi32, #tpu.memory_space<vmem>>, vector<16xi32>,
    %swap3A_462 = vector.shape_cast %swap3A_461 : vector<16xi32> to vector<16xi32>
    %swap3A_463 = vector.shape_cast %select_n3A_459 : vector<16xi32> to vector<16xi32>
    tpu.vector_store %arg13[%swap3A_460], %swap3A_463 {strides = array<i32>} : memref<80xi32, #tpu.memory_space<vmem>>, vector<16xi32>,
    %get3A_464 = arith.constant 32 : index
    %get3A_465 = tpu.vector_load %arg9[%get3A_464] {strides = array<i32>} : memref<80xi32, #tpu.memory_space<vmem>>, vector<16xi32>,
    %get3A_466 = vector.shape_cast %get3A_465 : vector<16xi32> to vector<16xi32>
    %get3A_467 = arith.constant 32 : index
    %get3A_468 = tpu.vector_load %arg13[%get3A_467] {strides = array<i32>} : memref<80xi32, #tpu.memory_space<vmem>>, vector<16xi32>,
    %get3A_469 = vector.shape_cast %get3A_468 : vector<16xi32> to vector<16xi32>
    %eq3A_470 = arith.cmpi eq, %get3A_466, %get3A_469 : vector<16xi32>
    %jit3A_471 = arith.constant 10240 : i32
    %broadcast_in_dim3A_472 = vector.broadcast %jit3A_471 : i32 to vector<16xi32>
    %select_n3A_473 = arith.select %eq3A_470, %broadcast_in_dim3A_472, %get3A_469 : vector<16xi1>, vector<16xi32>
    %swap3A_474 = arith.constant 32 : index
    %swap3A_475 = tpu.vector_load %arg13[%swap3A_474] {strides = array<i32>} : memref<80xi32, #tpu.memory_space<vmem>>, vector<16xi32>,
    %swap3A_476 = vector.shape_cast %swap3A_475 : vector<16xi32> to vector<16xi32>
    %swap3A_477 = vector.shape_cast %select_n3A_473 : vector<16xi32> to vector<16xi32>
    tpu.vector_store %arg13[%swap3A_474], %swap3A_477 {strides = array<i32>} : memref<80xi32, #tpu.memory_space<vmem>>, vector<16xi32>,
    %get3A_478 = arith.constant 48 : index
    %get3A_479 = tpu.vector_load %arg9[%get3A_478] {strides = array<i32>} : memref<80xi32, #tpu.memory_space<vmem>>, vector<16xi32>,
    %get3A_480 = vector.shape_cast %get3A_479 : vector<16xi32> to vector<16xi32>
    %get3A_481 = arith.constant 48 : index
    %get3A_482 = tpu.vector_load %arg13[%get3A_481] {strides = array<i32>} : memref<80xi32, #tpu.memory_space<vmem>>, vector<16xi32>,
    %get3A_483 = vector.shape_cast %get3A_482 : vector<16xi32> to vector<16xi32>
    %eq3A_484 = arith.cmpi eq, %get3A_480, %get3A_483 : vector<16xi32>
    %jit3A_485 = arith.constant 10240 : i32
    %broadcast_in_dim3A_486 = vector.broadcast %jit3A_485 : i32 to vector<16xi32>
    %select_n3A_487 = arith.select %eq3A_484, %broadcast_in_dim3A_486, %get3A_483 : vector<16xi1>, vector<16xi32>
    %swap3A_488 = arith.constant 48 : index
    %swap3A_489 = tpu.vector_load %arg13[%swap3A_488] {strides = array<i32>} : memref<80xi32, #tpu.memory_space<vmem>>, vector<16xi32>,
    %swap3A_490 = vector.shape_cast %swap3A_489 : vector<16xi32> to vector<16xi32>
    %swap3A_491 = vector.shape_cast %select_n3A_487 : vector<16xi32> to vector<16xi32>
    tpu.vector_store %arg13[%swap3A_488], %swap3A_491 {strides = array<i32>} : memref<80xi32, #tpu.memory_space<vmem>>, vector<16xi32>,
    %get3A_492 = arith.constant 64 : index
    %get3A_493 = tpu.vector_load %arg9[%get3A_492] {strides = array<i32>} : memref<80xi32, #tpu.memory_space<vmem>>, vector<16xi32>,
    %get3A_494 = vector.shape_cast %get3A_493 : vector<16xi32> to vector<16xi32>
    %get3A_495 = arith.constant 64 : index
    %get3A_496 = tpu.vector_load %arg13[%get3A_495] {strides = array<i32>} : memref<80xi32, #tpu.memory_space<vmem>>, vector<16xi32>,
    %get3A_497 = vector.shape_cast %get3A_496 : vector<16xi32> to vector<16xi32>
    %eq3A_498 = arith.cmpi eq, %get3A_494, %get3A_497 : vector<16xi32>
    %jit3A_499 = arith.constant 10240 : i32
    %broadcast_in_dim3A_500 = vector.broadcast %jit3A_499 : i32 to vector<16xi32>
    %select_n3A_501 = arith.select %eq3A_498, %broadcast_in_dim3A_500, %get3A_497 : vector<16xi1>, vector<16xi32>
    %swap3A_502 = arith.constant 64 : index
    %swap3A_503 = tpu.vector_load %arg13[%swap3A_502] {strides = array<i32>} : memref<80xi32, #tpu.memory_space<vmem>>, vector<16xi32>,
    %swap3A_504 = vector.shape_cast %swap3A_503 : vector<16xi32> to vector<16xi32>
    %swap3A_505 = vector.shape_cast %select_n3A_501 : vector<16xi32> to vector<16xi32>
    tpu.vector_store %arg13[%swap3A_502], %swap3A_505 {strides = array<i32>} : memref<80xi32, #tpu.memory_space<vmem>>, vector<16xi32>,
    %dma_start3A_506 = arith.constant 0 : i32
    %dma_start3A_507 = arith.constant 0 : i32
    %dma_start3A_508 = tpu.memref_slice %arg2[%dma_start3A_506, %dma_start3A_507] : memref<10240x128xf32, #tpu.memory_space<hbm>> -> memref<10240x128xf32, #tpu.memory_space<hbm>>
    tpu.enqueue_indirect_dma source(%dma_start3A_508 : memref<10240x128xf32, #tpu.memory_space<hbm>>) target(%arg17 : memref<80x128xf32, #tpu.memory_space<vmem>>) offsets(%arg9 : memref<80xi32, #tpu.memory_space<vmem>>) semaphore(%arg26 : memref<!tpu.dma_semaphore, #tpu.memory_space<semaphore_mem>>)
    %dma_wait3A_509 = arith.constant 0 : i32
    %dma_wait3A_510 = arith.constant 0 : i32
    %dma_wait3A_511 = tpu.memref_slice %arg2[%dma_wait3A_509, %dma_wait3A_510] : memref<10240x128xf32, #tpu.memory_space<hbm>> -> memref<10240x128xf32, #tpu.memory_space<hbm>>
    tpu.wait_indirect_dma semaphore(%arg25 : memref<!tpu.dma_semaphore, #tpu.memory_space<semaphore_mem>>) src(%dma_wait3A_511 : memref<10240x128xf32, #tpu.memory_space<hbm>>) dst(%arg16 : memref<80x128xf32, #tpu.memory_space<vmem>>)
    %dma_start3A_512 = arith.constant 0 : i32
    %dma_start3A_513 = arith.constant 0 : i32
    %dma_start3A_514 = tpu.memref_slice %arg18[%dma_start3A_512, %dma_start3A_513] : memref<10248x128xf32, #tpu.memory_space<vmem_shared>> -> memref<10248x128xf32, #tpu.memory_space<vmem_shared>>
    tpu.enqueue_indirect_dma source(%arg16 : memref<80x128xf32, #tpu.memory_space<vmem>>) target(%dma_start3A_514 : memref<10248x128xf32, #tpu.memory_space<vmem_shared>>) offsets(%arg12 : memref<80xi32, #tpu.memory_space<vmem>>) semaphore(%arg29 : memref<!tpu.dma_semaphore, #tpu.memory_space<semaphore_mem>>) {add = true}
    %add3A_515 = arith.constant 9920 : i32
    %add3A_516 = arith.addi %multiple_of3A, %add3A_515 : i32
    %multiple_of3A_517 = tpu.assume_multiple %add3A_516, 8 : i32
    %dma_wait3A_518 = tpu.memref_slice %arg3[%multiple_of3A_517] : memref<320000xi32, #tpu.memory_space<hbm>> -> memref<80xi32, #tpu.memory_space<hbm>>
    %dma_wait3A_519 = tpu.memref_slice %arg3[%multiple_of3A_517] : memref<320000xi32, #tpu.memory_space<hbm>> -> memref<80xi32, #tpu.memory_space<hbm>>
    tpu.wait_dma2 semaphore(%arg19 : memref<!tpu.dma_semaphore, #tpu.memory_space<semaphore_mem>>) src(%dma_wait3A_519 : memref<80xi32, #tpu.memory_space<hbm>>) dst(%arg6 : memref<80xi32, #tpu.memory_space<vmem>>)
    %dma_wait3A_520 = tpu.memref_slice %arg4[%multiple_of3A_517] : memref<320000xi32, #tpu.memory_space<hbm>> -> memref<80xi32, #tpu.memory_space<hbm>>
    %dma_wait3A_521 = tpu.memref_slice %arg4[%multiple_of3A_517] : memref<320000xi32, #tpu.memory_space<hbm>> -> memref<80xi32, #tpu.memory_space<hbm>>
    tpu.wait_dma2 semaphore(%arg19 : memref<!tpu.dma_semaphore, #tpu.memory_space<semaphore_mem>>) src(%dma_wait3A_521 : memref<80xi32, #tpu.memory_space<hbm>>) dst(%arg10 : memref<80xi32, #tpu.memory_space<vmem>>)
    %get3A_522 = arith.constant 0 : index
    %get3A_523 = tpu.vector_load %arg6[%get3A_522] {strides = array<i32>} : memref<80xi32, #tpu.memory_space<vmem>>, vector<16xi32>,
    %get3A_524 = vector.shape_cast %get3A_523 : vector<16xi32> to vector<16xi32>
    %get3A_525 = arith.constant 0 : index
    %get3A_526 = tpu.vector_load %arg10[%get3A_525] {strides = array<i32>} : memref<80xi32, #tpu.memory_space<vmem>>, vector<16xi32>,
    %get3A_527 = vector.shape_cast %get3A_526 : vector<16xi32> to vector<16xi32>
    %eq3A_528 = arith.cmpi eq, %get3A_524, %get3A_527 : vector<16xi32>
    %jit3A_529 = arith.constant 10240 : i32
    %broadcast_in_dim3A_530 = vector.broadcast %jit3A_529 : i32 to vector<16xi32>
    %select_n3A_531 = arith.select %eq3A_528, %broadcast_in_dim3A_530, %get3A_527 : vector<16xi1>, vector<16xi32>
    %swap3A_532 = arith.constant 0 : index
    %swap3A_533 = tpu.vector_load %arg10[%swap3A_532] {strides = array<i32>} : memref<80xi32, #tpu.memory_space<vmem>>, vector<16xi32>,
    %swap3A_534 = vector.shape_cast %swap3A_533 : vector<16xi32> to vector<16xi32>
    %swap3A_535 = vector.shape_cast %select_n3A_531 : vector<16xi32> to vector<16xi32>
    tpu.vector_store %arg10[%swap3A_532], %swap3A_535 {strides = array<i32>} : memref<80xi32, #tpu.memory_space<vmem>>, vector<16xi32>,
    %get3A_536 = arith.constant 16 : index
    %get3A_537 = tpu.vector_load %arg6[%get3A_536] {strides = array<i32>} : memref<80xi32, #tpu.memory_space<vmem>>, vector<16xi32>,
    %get3A_538 = vector.shape_cast %get3A_537 : vector<16xi32> to vector<16xi32>
    %get3A_539 = arith.constant 16 : index
    %get3A_540 = tpu.vector_load %arg10[%get3A_539] {strides = array<i32>} : memref<80xi32, #tpu.memory_space<vmem>>, vector<16xi32>,
    %get3A_541 = vector.shape_cast %get3A_540 : vector<16xi32> to vector<16xi32>
    %eq3A_542 = arith.cmpi eq, %get3A_538, %get3A_541 : vector<16xi32>
    %jit3A_543 = arith.constant 10240 : i32
    %broadcast_in_dim3A_544 = vector.broadcast %jit3A_543 : i32 to vector<16xi32>
    %select_n3A_545 = arith.select %eq3A_542, %broadcast_in_dim3A_544, %get3A_541 : vector<16xi1>, vector<16xi32>
    %swap3A_546 = arith.constant 16 : index
    %swap3A_547 = tpu.vector_load %arg10[%swap3A_546] {strides = array<i32>} : memref<80xi32, #tpu.memory_space<vmem>>, vector<16xi32>,
    %swap3A_548 = vector.shape_cast %swap3A_547 : vector<16xi32> to vector<16xi32>
    %swap3A_549 = vector.shape_cast %select_n3A_545 : vector<16xi32> to vector<16xi32>
    tpu.vector_store %arg10[%swap3A_546], %swap3A_549 {strides = array<i32>} : memref<80xi32, #tpu.memory_space<vmem>>, vector<16xi32>,
    %get3A_550 = arith.constant 32 : index
    %get3A_551 = tpu.vector_load %arg6[%get3A_550] {strides = array<i32>} : memref<80xi32, #tpu.memory_space<vmem>>, vector<16xi32>,
    %get3A_552 = vector.shape_cast %get3A_551 : vector<16xi32> to vector<16xi32>
    %get3A_553 = arith.constant 32 : index
    %get3A_554 = tpu.vector_load %arg10[%get3A_553] {strides = array<i32>} : memref<80xi32, #tpu.memory_space<vmem>>, vector<16xi32>,
    %get3A_555 = vector.shape_cast %get3A_554 : vector<16xi32> to vector<16xi32>
    %eq3A_556 = arith.cmpi eq, %get3A_552, %get3A_555 : vector<16xi32>
    %jit3A_557 = arith.constant 10240 : i32
    %broadcast_in_dim3A_558 = vector.broadcast %jit3A_557 : i32 to vector<16xi32>
    %select_n3A_559 = arith.select %eq3A_556, %broadcast_in_dim3A_558, %get3A_555 : vector<16xi1>, vector<16xi32>
    %swap3A_560 = arith.constant 32 : index
    %swap3A_561 = tpu.vector_load %arg10[%swap3A_560] {strides = array<i32>} : memref<80xi32, #tpu.memory_space<vmem>>, vector<16xi32>,
    %swap3A_562 = vector.shape_cast %swap3A_561 : vector<16xi32> to vector<16xi32>
    %swap3A_563 = vector.shape_cast %select_n3A_559 : vector<16xi32> to vector<16xi32>
    tpu.vector_store %arg10[%swap3A_560], %swap3A_563 {strides = array<i32>} : memref<80xi32, #tpu.memory_space<vmem>>, vector<16xi32>,
    %get3A_564 = arith.constant 48 : index
    %get3A_565 = tpu.vector_load %arg6[%get3A_564] {strides = array<i32>} : memref<80xi32, #tpu.memory_space<vmem>>, vector<16xi32>,
    %get3A_566 = vector.shape_cast %get3A_565 : vector<16xi32> to vector<16xi32>
    %get3A_567 = arith.constant 48 : index
    %get3A_568 = tpu.vector_load %arg10[%get3A_567] {strides = array<i32>} : memref<80xi32, #tpu.memory_space<vmem>>, vector<16xi32>,
    %get3A_569 = vector.shape_cast %get3A_568 : vector<16xi32> to vector<16xi32>
    %eq3A_570 = arith.cmpi eq, %get3A_566, %get3A_569 : vector<16xi32>
    %jit3A_571 = arith.constant 10240 : i32
    %broadcast_in_dim3A_572 = vector.broadcast %jit3A_571 : i32 to vector<16xi32>
    %select_n3A_573 = arith.select %eq3A_570, %broadcast_in_dim3A_572, %get3A_569 : vector<16xi1>, vector<16xi32>
    %swap3A_574 = arith.constant 48 : index
    %swap3A_575 = tpu.vector_load %arg10[%swap3A_574] {strides = array<i32>} : memref<80xi32, #tpu.memory_space<vmem>>, vector<16xi32>,
    %swap3A_576 = vector.shape_cast %swap3A_575 : vector<16xi32> to vector<16xi32>
    %swap3A_577 = vector.shape_cast %select_n3A_573 : vector<16xi32> to vector<16xi32>
    tpu.vector_store %arg10[%swap3A_574], %swap3A_577 {strides = array<i32>} : memref<80xi32, #tpu.memory_space<vmem>>, vector<16xi32>,
    %get3A_578 = arith.constant 64 : index
    %get3A_579 = tpu.vector_load %arg6[%get3A_578] {strides = array<i32>} : memref<80xi32, #tpu.memory_space<vmem>>, vector<16xi32>,
    %get3A_580 = vector.shape_cast %get3A_579 : vector<16xi32> to vector<16xi32>
    %get3A_581 = arith.constant 64 : index
    %get3A_582 = tpu.vector_load %arg10[%get3A_581] {strides = array<i32>} : memref<80xi32, #tpu.memory_space<vmem>>, vector<16xi32>,
    %get3A_583 = vector.shape_cast %get3A_582 : vector<16xi32> to vector<16xi32>
    %eq3A_584 = arith.cmpi eq, %get3A_580, %get3A_583 : vector<16xi32>
    %jit3A_585 = arith.constant 10240 : i32
    %broadcast_in_dim3A_586 = vector.broadcast %jit3A_585 : i32 to vector<16xi32>
    %select_n3A_587 = arith.select %eq3A_584, %broadcast_in_dim3A_586, %get3A_583 : vector<16xi1>, vector<16xi32>
    %swap3A_588 = arith.constant 64 : index
    %swap3A_589 = tpu.vector_load %arg10[%swap3A_588] {strides = array<i32>} : memref<80xi32, #tpu.memory_space<vmem>>, vector<16xi32>,
    %swap3A_590 = vector.shape_cast %swap3A_589 : vector<16xi32> to vector<16xi32>
    %swap3A_591 = vector.shape_cast %select_n3A_587 : vector<16xi32> to vector<16xi32>
    tpu.vector_store %arg10[%swap3A_588], %swap3A_591 {strides = array<i32>} : memref<80xi32, #tpu.memory_space<vmem>>, vector<16xi32>,
    %dma_start3A_592 = arith.constant 0 : i32
    %dma_start3A_593 = arith.constant 0 : i32
    %dma_start3A_594 = tpu.memref_slice %arg2[%dma_start3A_592, %dma_start3A_593] : memref<10240x128xf32, #tpu.memory_space<hbm>> -> memref<10240x128xf32, #tpu.memory_space<hbm>>
    tpu.enqueue_indirect_dma source(%dma_start3A_594 : memref<10240x128xf32, #tpu.memory_space<hbm>>) target(%arg14 : memref<80x128xf32, #tpu.memory_space<vmem>>) offsets(%arg6 : memref<80xi32, #tpu.memory_space<vmem>>) semaphore(%arg23 : memref<!tpu.dma_semaphore, #tpu.memory_space<semaphore_mem>>)
    %dma_wait3A_595 = arith.constant 0 : i32
    %dma_wait3A_596 = arith.constant 0 : i32
    %dma_wait3A_597 = tpu.memref_slice %arg2[%dma_wait3A_595, %dma_wait3A_596] : memref<10240x128xf32, #tpu.memory_space<hbm>> -> memref<10240x128xf32, #tpu.memory_space<hbm>>
    tpu.wait_indirect_dma semaphore(%arg26 : memref<!tpu.dma_semaphore, #tpu.memory_space<semaphore_mem>>) src(%dma_wait3A_597 : memref<10240x128xf32, #tpu.memory_space<hbm>>) dst(%arg17 : memref<80x128xf32, #tpu.memory_space<vmem>>)
    %dma_start3A_598 = arith.constant 0 : i32
    %dma_start3A_599 = arith.constant 0 : i32
    %dma_start3A_600 = tpu.memref_slice %arg18[%dma_start3A_598, %dma_start3A_599] : memref<10248x128xf32, #tpu.memory_space<vmem_shared>> -> memref<10248x128xf32, #tpu.memory_space<vmem_shared>>
    tpu.enqueue_indirect_dma source(%arg17 : memref<80x128xf32, #tpu.memory_space<vmem>>) target(%dma_start3A_600 : memref<10248x128xf32, #tpu.memory_space<vmem_shared>>) offsets(%arg13 : memref<80xi32, #tpu.memory_space<vmem>>) semaphore(%arg30 : memref<!tpu.dma_semaphore, #tpu.memory_space<semaphore_mem>>) {add = true}
    %dma_wait3A_601 = arith.constant 0 : i32
    %dma_wait3A_602 = arith.constant 0 : i32
    %dma_wait3A_603 = tpu.memref_slice %arg2[%dma_wait3A_601, %dma_wait3A_602] : memref<10240x128xf32, #tpu.memory_space<hbm>> -> memref<10240x128xf32, #tpu.memory_space<hbm>>
    tpu.wait_indirect_dma semaphore(%arg23 : memref<!tpu.dma_semaphore, #tpu.memory_space<semaphore_mem>>) src(%dma_wait3A_603 : memref<10240x128xf32, #tpu.memory_space<hbm>>) dst(%arg14 : memref<80x128xf32, #tpu.memory_space<vmem>>)
    %dma_start3A_604 = arith.constant 0 : i32
    %dma_start3A_605 = arith.constant 0 : i32
    %dma_start3A_606 = tpu.memref_slice %arg18[%dma_start3A_604, %dma_start3A_605] : memref<10248x128xf32, #tpu.memory_space<vmem_shared>> -> memref<10248x128xf32, #tpu.memory_space<vmem_shared>>
    tpu.enqueue_indirect_dma source(%arg14 : memref<80x128xf32, #tpu.memory_space<vmem>>) target(%dma_start3A_606 : memref<10248x128xf32, #tpu.memory_space<vmem_shared>>) offsets(%arg10 : memref<80xi32, #tpu.memory_space<vmem>>) semaphore(%arg27 : memref<!tpu.dma_semaphore, #tpu.memory_space<semaphore_mem>>) {add = true}
    %dma_wait3A_607 = arith.constant 0 : i32
    %dma_wait3A_608 = arith.constant 0 : i32
    %dma_wait3A_609 = tpu.memref_slice %arg18[%dma_wait3A_607, %dma_wait3A_608] : memref<10248x128xf32, #tpu.memory_space<vmem_shared>> -> memref<10248x128xf32, #tpu.memory_space<vmem_shared>>
    tpu.wait_indirect_dma semaphore(%arg27 : memref<!tpu.dma_semaphore, #tpu.memory_space<semaphore_mem>>) src(%arg14 : memref<80x128xf32, #tpu.memory_space<vmem>>) dst(%dma_wait3A_609 : memref<10248x128xf32, #tpu.memory_space<vmem_shared>>)
    %dma_wait3A_610 = arith.constant 0 : i32
    %dma_wait3A_611 = arith.constant 0 : i32
    %dma_wait3A_612 = tpu.memref_slice %arg18[%dma_wait3A_610, %dma_wait3A_611] : memref<10248x128xf32, #tpu.memory_space<vmem_shared>> -> memref<10248x128xf32, #tpu.memory_space<vmem_shared>>
    tpu.wait_indirect_dma semaphore(%arg28 : memref<!tpu.dma_semaphore, #tpu.memory_space<semaphore_mem>>) src(%arg15 : memref<80x128xf32, #tpu.memory_space<vmem>>) dst(%dma_wait3A_612 : memref<10248x128xf32, #tpu.memory_space<vmem_shared>>)
    %dma_wait3A_613 = arith.constant 0 : i32
    %dma_wait3A_614 = arith.constant 0 : i32
    %dma_wait3A_615 = tpu.memref_slice %arg18[%dma_wait3A_613, %dma_wait3A_614] : memref<10248x128xf32, #tpu.memory_space<vmem_shared>> -> memref<10248x128xf32, #tpu.memory_space<vmem_shared>>
    tpu.wait_indirect_dma semaphore(%arg29 : memref<!tpu.dma_semaphore, #tpu.memory_space<semaphore_mem>>) src(%arg16 : memref<80x128xf32, #tpu.memory_space<vmem>>) dst(%dma_wait3A_615 : memref<10248x128xf32, #tpu.memory_space<vmem_shared>>)
    %dma_wait3A_616 = arith.constant 0 : i32
    %dma_wait3A_617 = arith.constant 0 : i32
    %dma_wait3A_618 = tpu.memref_slice %arg18[%dma_wait3A_616, %dma_wait3A_617] : memref<10248x128xf32, #tpu.memory_space<vmem_shared>> -> memref<10248x128xf32, #tpu.memory_space<vmem_shared>>
    tpu.wait_indirect_dma semaphore(%arg30 : memref<!tpu.dma_semaphore, #tpu.memory_space<semaphore_mem>>) src(%arg17 : memref<80x128xf32, #tpu.memory_space<vmem>>) dst(%dma_wait3A_618 : memref<10248x128xf32, #tpu.memory_space<vmem_shared>>)
    %barrier3A_619 = arith.constant 0 : index
    tpu.barrier barrier_id(%barrier3A_619)
    %mul3A_620 = arith.constant 640 : i32
    %mul3A_621 = arith.muli %arg1, %mul3A_620 : i32
    %mul3A_622 = arith.constant 640 : i32
    %mul3A_623 = arith.muli %arg1, %mul3A_622 : i32
    "tpu.region"() ({
      %run_scoped3A = tpu.sem_alloc : memref<!tpu.dma_semaphore, #tpu.memory_space<semaphore_mem>>
      %dma_start3A_624 = arith.constant 0 : i32
      %dma_start3A_625 = tpu.memref_slice %arg5[%arg0, %mul3A_623, %dma_start3A_624] : memref<2x10240x128xf32, #tpu.memory_space<hbm>> -> memref<1x640x128xf32, #tpu.memory_space<hbm>>
      %dma_start3A_626 = tpu.memref_squeeze %dma_start3A_625 : memref<1x640x128xf32, #tpu.memory_space<hbm>> -> memref<640x128xf32, #tpu.memory_space<hbm>>
      %dma_start3A_627 = arith.constant 0 : i32
      %dma_start3A_628 = tpu.memref_slice %arg18[%mul3A_621, %dma_start3A_627] : memref<10248x128xf32, #tpu.memory_space<vmem_shared>> -> memref<640x128xf32, #tpu.memory_space<vmem_shared>>
      tpu.enqueue_dma source(%dma_start3A_628 : memref<640x128xf32, #tpu.memory_space<vmem_shared>>) target(%dma_start3A_626 : memref<640x128xf32, #tpu.memory_space<hbm>>) target_semaphore(%run_scoped3A : memref<!tpu.dma_semaphore, #tpu.memory_space<semaphore_mem>>)
      %dma_wait3A_629 = arith.constant 0 : i32
      %dma_wait3A_630 = tpu.memref_slice %arg5[%arg0, %mul3A_623, %dma_wait3A_629] : memref<2x10240x128xf32, #tpu.memory_space<hbm>> -> memref<1x640x128xf32, #tpu.memory_space<hbm>>
      %dma_wait3A_631 = tpu.memref_squeeze %dma_wait3A_630 : memref<1x640x128xf32, #tpu.memory_space<hbm>> -> memref<640x128xf32, #tpu.memory_space<hbm>>
      %dma_wait3A_632 = arith.constant 0 : i32
      %dma_wait3A_633 = tpu.memref_slice %arg18[%mul3A_621, %dma_wait3A_632] : memref<10248x128xf32, #tpu.memory_space<vmem_shared>> -> memref<640x128xf32, #tpu.memory_space<vmem_shared>>
      tpu.wait_dma2 semaphore(%run_scoped3A : memref<!tpu.dma_semaphore, #tpu.memory_space<semaphore_mem>>) src(%dma_wait3A_633 : memref<640x128xf32, #tpu.memory_space<vmem_shared>>) dst(%dma_wait3A_631 : memref<640x128xf32, #tpu.memory_space<hbm>>)
      tpu.yield
    }) : () -> ()
    return
  }
}

#map = affine_map<(d0, d1) -> (0, 0)>
#map1 = affine_map<(d0, d1) -> (0)>
#map2 = affine_map<(d0, d1) -> (0, 0, 0)>
module attributes {stable_mosaic.version = 14 : i64} {
  func.func @_sc_agg_body(%arg0: i32, %arg1: i32, %arg2: memref<10240x128xf32, #tpu.memory_space<hbm>>, %arg3: memref<320000xi32, #tpu.memory_space<hbm>>, %arg4: memref<320000xi32, #tpu.memory_space<hbm>>, %arg5: memref<2x10240x128xf32, #tpu.memory_space<hbm>>, %arg6: memref<80xi32, #tpu.memory_space<vmem>>, %arg7: memref<80xi32, #tpu.memory_space<vmem>>, %arg8: memref<80xi32, #tpu.memory_space<vmem>>, %arg9: memref<80xi32, #tpu.memory_space<vmem>>, %arg10: memref<80xi32, #tpu.memory_space<vmem>>, %arg11: memref<80xi32, #tpu.memory_space<vmem>>, %arg12: memref<80xi32, #tpu.memory_space<vmem>>, %arg13: memref<80xi32, #tpu.memory_space<vmem>>, %arg14: memref<80x128xf32, #tpu.memory_space<vmem>>, %arg15: memref<80x128xf32, #tpu.memory_space<vmem>>, %arg16: memref<80x128xf32, #tpu.memory_space<vmem>>, %arg17: memref<80x128xf32, #tpu.memory_space<vmem>>, %arg18: memref<10248x128xf32, #tpu.memory_space<vmem_shared>>, %arg19: memref<!tpu.dma_semaphore, #tpu.memory_space<semaphore_mem>>, %arg20: memref<!tpu.dma_semaphore, #tpu.memory_space<semaphore_mem>>, %arg21: memref<!tpu.dma_semaphore, #tpu.memory_space<semaphore_mem>>, %arg22: memref<!tpu.dma_semaphore, #tpu.memory_space<semaphore_mem>>, %arg23: memref<!tpu.dma_semaphore, #tpu.memory_space<semaphore_mem>>, %arg24: memref<!tpu.dma_semaphore, #tpu.memory_space<semaphore_mem>>, %arg25: memref<!tpu.dma_semaphore, #tpu.memory_space<semaphore_mem>>, %arg26: memref<!tpu.dma_semaphore, #tpu.memory_space<semaphore_mem>>, %arg27: memref<!tpu.dma_semaphore, #tpu.memory_space<semaphore_mem>>, %arg28: memref<!tpu.dma_semaphore, #tpu.memory_space<semaphore_mem>>, %arg29: memref<!tpu.dma_semaphore, #tpu.memory_space<semaphore_mem>>, %arg30: memref<!tpu.dma_semaphore, #tpu.memory_space<semaphore_mem>>) attributes {dimension_semantics = [#tpu.dimension_semantics<core_parallel>, #tpu.dimension_semantics<subcore_parallel>], iteration_bounds = array<i64: 2, 16>, scalar_prefetch = 0 : i64, scratch_operands = 25 : i64, tpu.core_type = #tpu.core_type<sc_vector_subcore>, window_params = [{transform_indices = #map}, {transform_indices = #map1}, {transform_indices = #map1}, {transform_indices = #map2}]} {
    %scan3A = arith.constant 0 : i32
    %scan3A_0 = arith.constant 0 : i32
    %scan3A_1 = arith.constant 80 : i32
    %scan3A_2 = arith.addi %scan3A_0, %scan3A_1 : i32
    %scan3A_3 = arith.constant 1 : i32
    %scan3A_4 = scf.for %scan3A_624 = %scan3A_0 to %scan3A_2 step %scan3A_3 iter_args(%scan3A_625 = %scan3A) -> (i32)  : i32 {
      %broadcast_in_dim3A_626 = arith.constant 0.000000e+00 : f32
      %broadcast_in_dim3A_627 = vector.broadcast %broadcast_in_dim3A_626 : f32 to vector<16xf32>
      %swap3A_628 = arith.index_cast %scan3A_624 : i32 to index
      %swap3A_629 = arith.constant 0 : index
      %swap3A_630 = tpu.vector_load %arg14[%swap3A_628, %swap3A_629] {strides = array<i32>} : memref<80x128xf32, #tpu.memory_space<vmem>>, vector<1x16xf32>,
      %swap3A_631 = vector.shape_cast %swap3A_630 : vector<1x16xf32> to vector<16xf32>
      %swap3A_632 = vector.shape_cast %broadcast_in_dim3A_627 : vector<16xf32> to vector<1x16xf32>
      tpu.vector_store %arg14[%swap3A_628, %swap3A_629], %swap3A_632 {strides = array<i32>} : memref<80x128xf32, #tpu.memory_space<vmem>>, vector<1x16xf32>,
      %broadcast_in_dim3A_633 = arith.constant 0.000000e+00 : f32
      %broadcast_in_dim3A_634 = vector.broadcast %broadcast_in_dim3A_633 : f32 to vector<16xf32>
      %swap3A_635 = arith.index_cast %scan3A_624 : i32 to index
      %swap3A_636 = arith.constant 16 : index
      %swap3A_637 = tpu.vector_load %arg14[%swap3A_635, %swap3A_636] {strides = array<i32>} : memref<80x128xf32, #tpu.memory_space<vmem>>, vector<1x16xf32>,
      %swap3A_638 = vector.shape_cast %swap3A_637 : vector<1x16xf32> to vector<16xf32>
      %swap3A_639 = vector.shape_cast %broadcast_in_dim3A_634 : vector<16xf32> to vector<1x16xf32>
      tpu.vector_store %arg14[%swap3A_635, %swap3A_636], %swap3A_639 {strides = array<i32>} : memref<80x128xf32, #tpu.memory_space<vmem>>, vector<1x16xf32>,
      %broadcast_in_dim3A_640 = arith.constant 0.000000e+00 : f32
      %broadcast_in_dim3A_641 = vector.broadcast %broadcast_in_dim3A_640 : f32 to vector<16xf32>
      %swap3A_642 = arith.index_cast %scan3A_624 : i32 to index
      %swap3A_643 = arith.constant 32 : index
      %swap3A_644 = tpu.vector_load %arg14[%swap3A_642, %swap3A_643] {strides = array<i32>} : memref<80x128xf32, #tpu.memory_space<vmem>>, vector<1x16xf32>,
      %swap3A_645 = vector.shape_cast %swap3A_644 : vector<1x16xf32> to vector<16xf32>
      %swap3A_646 = vector.shape_cast %broadcast_in_dim3A_641 : vector<16xf32> to vector<1x16xf32>
      tpu.vector_store %arg14[%swap3A_642, %swap3A_643], %swap3A_646 {strides = array<i32>} : memref<80x128xf32, #tpu.memory_space<vmem>>, vector<1x16xf32>,
      %broadcast_in_dim3A_647 = arith.constant 0.000000e+00 : f32
      %broadcast_in_dim3A_648 = vector.broadcast %broadcast_in_dim3A_647 : f32 to vector<16xf32>
      %swap3A_649 = arith.index_cast %scan3A_624 : i32 to index
      %swap3A_650 = arith.constant 48 : index
      %swap3A_651 = tpu.vector_load %arg14[%swap3A_649, %swap3A_650] {strides = array<i32>} : memref<80x128xf32, #tpu.memory_space<vmem>>, vector<1x16xf32>,
      %swap3A_652 = vector.shape_cast %swap3A_651 : vector<1x16xf32> to vector<16xf32>
      %swap3A_653 = vector.shape_cast %broadcast_in_dim3A_648 : vector<16xf32> to vector<1x16xf32>
      tpu.vector_store %arg14[%swap3A_649, %swap3A_650], %swap3A_653 {strides = array<i32>} : memref<80x128xf32, #tpu.memory_space<vmem>>, vector<1x16xf32>,
      %broadcast_in_dim3A_654 = arith.constant 0.000000e+00 : f32
      %broadcast_in_dim3A_655 = vector.broadcast %broadcast_in_dim3A_654 : f32 to vector<16xf32>
      %swap3A_656 = arith.index_cast %scan3A_624 : i32 to index
      %swap3A_657 = arith.constant 64 : index
      %swap3A_658 = tpu.vector_load %arg14[%swap3A_656, %swap3A_657] {strides = array<i32>} : memref<80x128xf32, #tpu.memory_space<vmem>>, vector<1x16xf32>,
      %swap3A_659 = vector.shape_cast %swap3A_658 : vector<1x16xf32> to vector<16xf32>
      %swap3A_660 = vector.shape_cast %broadcast_in_dim3A_655 : vector<16xf32> to vector<1x16xf32>
      tpu.vector_store %arg14[%swap3A_656, %swap3A_657], %swap3A_660 {strides = array<i32>} : memref<80x128xf32, #tpu.memory_space<vmem>>, vector<1x16xf32>,
      %broadcast_in_dim3A_661 = arith.constant 0.000000e+00 : f32
      %broadcast_in_dim3A_662 = vector.broadcast %broadcast_in_dim3A_661 : f32 to vector<16xf32>
      %swap3A_663 = arith.index_cast %scan3A_624 : i32 to index
      %swap3A_664 = arith.constant 80 : index
      %swap3A_665 = tpu.vector_load %arg14[%swap3A_663, %swap3A_664] {strides = array<i32>} : memref<80x128xf32, #tpu.memory_space<vmem>>, vector<1x16xf32>,
      %swap3A_666 = vector.shape_cast %swap3A_665 : vector<1x16xf32> to vector<16xf32>
      %swap3A_667 = vector.shape_cast %broadcast_in_dim3A_662 : vector<16xf32> to vector<1x16xf32>
      tpu.vector_store %arg14[%swap3A_663, %swap3A_664], %swap3A_667 {strides = array<i32>} : memref<80x128xf32, #tpu.memory_space<vmem>>, vector<1x16xf32>,
      %broadcast_in_dim3A_668 = arith.constant 0.000000e+00 : f32
      %broadcast_in_dim3A_669 = vector.broadcast %broadcast_in_dim3A_668 : f32 to vector<16xf32>
      %swap3A_670 = arith.index_cast %scan3A_624 : i32 to index
      %swap3A_671 = arith.constant 96 : index
      %swap3A_672 = tpu.vector_load %arg14[%swap3A_670, %swap3A_671] {strides = array<i32>} : memref<80x128xf32, #tpu.memory_space<vmem>>, vector<1x16xf32>,
      %swap3A_673 = vector.shape_cast %swap3A_672 : vector<1x16xf32> to vector<16xf32>
      %swap3A_674 = vector.shape_cast %broadcast_in_dim3A_669 : vector<16xf32> to vector<1x16xf32>
      tpu.vector_store %arg14[%swap3A_670, %swap3A_671], %swap3A_674 {strides = array<i32>} : memref<80x128xf32, #tpu.memory_space<vmem>>, vector<1x16xf32>,
      %broadcast_in_dim3A_675 = arith.constant 0.000000e+00 : f32
      %broadcast_in_dim3A_676 = vector.broadcast %broadcast_in_dim3A_675 : f32 to vector<16xf32>
      %swap3A_677 = arith.index_cast %scan3A_624 : i32 to index
      %swap3A_678 = arith.constant 112 : index
      %swap3A_679 = tpu.vector_load %arg14[%swap3A_677, %swap3A_678] {strides = array<i32>} : memref<80x128xf32, #tpu.memory_space<vmem>>, vector<1x16xf32>,
      %swap3A_680 = vector.shape_cast %swap3A_679 : vector<1x16xf32> to vector<16xf32>
      %swap3A_681 = vector.shape_cast %broadcast_in_dim3A_676 : vector<16xf32> to vector<1x16xf32>
      tpu.vector_store %arg14[%swap3A_677, %swap3A_678], %swap3A_681 {strides = array<i32>} : memref<80x128xf32, #tpu.memory_space<vmem>>, vector<1x16xf32>,
      %scan3A_682 = arith.constant 0 : i32
      scf.yield %scan3A_682 : i32
    }
    %scan3A_5 = arith.constant 80 : i32
    %mul3A = arith.constant 16 : i32
    %mul3A_6 = arith.muli %arg0, %mul3A : i32
    %add3A = arith.addi %mul3A_6, %arg1 : i32
    %mul3A_7 = arith.constant 10000 : i32
    %mul3A_8 = arith.muli %add3A, %mul3A_7 : i32
    %multiple_of3A = tpu.assume_multiple %mul3A_8, 8 : i32
    %mul3A_9 = arith.constant 640 : i32
    %mul3A_10 = arith.muli %arg1, %mul3A_9 : i32
    %add3A_11 = arith.constant 0 : i32
    %add3A_12 = arith.addi %mul3A_10, %add3A_11 : i32
    %dma_start3A = arith.constant 0 : i32
    %dma_start3A_13 = tpu.memref_slice %arg18[%add3A_12, %dma_start3A] : memref<10248x128xf32, #tpu.memory_space<vmem_shared>> -> memref<80x128xf32, #tpu.memory_space<vmem_shared>>
    %dma_start3A_14 = arith.constant 0 : i32
    %dma_start3A_15 = tpu.memref_slice %arg18[%add3A_12, %dma_start3A_14] : memref<10248x128xf32, #tpu.memory_space<vmem_shared>> -> memref<80x128xf32, #tpu.memory_space<vmem_shared>>
    tpu.enqueue_dma source(%arg14 : memref<80x128xf32, #tpu.memory_space<vmem>>) target(%dma_start3A_15 : memref<80x128xf32, #tpu.memory_space<vmem_shared>>) target_semaphore(%arg23 : memref<!tpu.dma_semaphore, #tpu.memory_space<semaphore_mem>>)
    %mul3A_16 = arith.constant 640 : i32
    %mul3A_17 = arith.muli %arg1, %mul3A_16 : i32
    %add3A_18 = arith.constant 80 : i32
    %add3A_19 = arith.addi %mul3A_17, %add3A_18 : i32
    %dma_start3A_20 = arith.constant 0 : i32
    %dma_start3A_21 = tpu.memref_slice %arg18[%add3A_19, %dma_start3A_20] : memref<10248x128xf32, #tpu.memory_space<vmem_shared>> -> memref<80x128xf32, #tpu.memory_space<vmem_shared>>
    %dma_start3A_22 = arith.constant 0 : i32
    %dma_start3A_23 = tpu.memref_slice %arg18[%add3A_19, %dma_start3A_22] : memref<10248x128xf32, #tpu.memory_space<vmem_shared>> -> memref<80x128xf32, #tpu.memory_space<vmem_shared>>
    tpu.enqueue_dma source(%arg14 : memref<80x128xf32, #tpu.memory_space<vmem>>) target(%dma_start3A_23 : memref<80x128xf32, #tpu.memory_space<vmem_shared>>) target_semaphore(%arg24 : memref<!tpu.dma_semaphore, #tpu.memory_space<semaphore_mem>>)
    %mul3A_24 = arith.constant 640 : i32
    %mul3A_25 = arith.muli %arg1, %mul3A_24 : i32
    %add3A_26 = arith.constant 160 : i32
    %add3A_27 = arith.addi %mul3A_25, %add3A_26 : i32
    %dma_start3A_28 = arith.constant 0 : i32
    %dma_start3A_29 = tpu.memref_slice %arg18[%add3A_27, %dma_start3A_28] : memref<10248x128xf32, #tpu.memory_space<vmem_shared>> -> memref<80x128xf32, #tpu.memory_space<vmem_shared>>
    %dma_start3A_30 = arith.constant 0 : i32
    %dma_start3A_31 = tpu.memref_slice %arg18[%add3A_27, %dma_start3A_30] : memref<10248x128xf32, #tpu.memory_space<vmem_shared>> -> memref<80x128xf32, #tpu.memory_space<vmem_shared>>
    tpu.enqueue_dma source(%arg14 : memref<80x128xf32, #tpu.memory_space<vmem>>) target(%dma_start3A_31 : memref<80x128xf32, #tpu.memory_space<vmem_shared>>) target_semaphore(%arg25 : memref<!tpu.dma_semaphore, #tpu.memory_space<semaphore_mem>>)
    %mul3A_32 = arith.constant 640 : i32
    %mul3A_33 = arith.muli %arg1, %mul3A_32 : i32
    %add3A_34 = arith.constant 240 : i32
    %add3A_35 = arith.addi %mul3A_33, %add3A_34 : i32
    %dma_start3A_36 = arith.constant 0 : i32
    %dma_start3A_37 = tpu.memref_slice %arg18[%add3A_35, %dma_start3A_36] : memref<10248x128xf32, #tpu.memory_space<vmem_shared>> -> memref<80x128xf32, #tpu.memory_space<vmem_shared>>
    %dma_start3A_38 = arith.constant 0 : i32
    %dma_start3A_39 = tpu.memref_slice %arg18[%add3A_35, %dma_start3A_38] : memref<10248x128xf32, #tpu.memory_space<vmem_shared>> -> memref<80x128xf32, #tpu.memory_space<vmem_shared>>
    tpu.enqueue_dma source(%arg14 : memref<80x128xf32, #tpu.memory_space<vmem>>) target(%dma_start3A_39 : memref<80x128xf32, #tpu.memory_space<vmem_shared>>) target_semaphore(%arg26 : memref<!tpu.dma_semaphore, #tpu.memory_space<semaphore_mem>>)
    %mul3A_40 = arith.constant 640 : i32
    %mul3A_41 = arith.muli %arg1, %mul3A_40 : i32
    %add3A_42 = arith.constant 320 : i32
    %add3A_43 = arith.addi %mul3A_41, %add3A_42 : i32
    %dma_start3A_44 = arith.constant 0 : i32
    %dma_start3A_45 = tpu.memref_slice %arg18[%add3A_43, %dma_start3A_44] : memref<10248x128xf32, #tpu.memory_space<vmem_shared>> -> memref<80x128xf32, #tpu.memory_space<vmem_shared>>
    %dma_start3A_46 = arith.constant 0 : i32
    %dma_start3A_47 = tpu.memref_slice %arg18[%add3A_43, %dma_start3A_46] : memref<10248x128xf32, #tpu.memory_space<vmem_shared>> -> memref<80x128xf32, #tpu.memory_space<vmem_shared>>
    tpu.enqueue_dma source(%arg14 : memref<80x128xf32, #tpu.memory_space<vmem>>) target(%dma_start3A_47 : memref<80x128xf32, #tpu.memory_space<vmem_shared>>) target_semaphore(%arg27 : memref<!tpu.dma_semaphore, #tpu.memory_space<semaphore_mem>>)
    %mul3A_48 = arith.constant 640 : i32
    %mul3A_49 = arith.muli %arg1, %mul3A_48 : i32
    %add3A_50 = arith.constant 400 : i32
    %add3A_51 = arith.addi %mul3A_49, %add3A_50 : i32
    %dma_start3A_52 = arith.constant 0 : i32
    %dma_start3A_53 = tpu.memref_slice %arg18[%add3A_51, %dma_start3A_52] : memref<10248x128xf32, #tpu.memory_space<vmem_shared>> -> memref<80x128xf32, #tpu.memory_space<vmem_shared>>
    %dma_start3A_54 = arith.constant 0 : i32
    %dma_start3A_55 = tpu.memref_slice %arg18[%add3A_51, %dma_start3A_54] : memref<10248x128xf32, #tpu.memory_space<vmem_shared>> -> memref<80x128xf32, #tpu.memory_space<vmem_shared>>
    tpu.enqueue_dma source(%arg14 : memref<80x128xf32, #tpu.memory_space<vmem>>) target(%dma_start3A_55 : memref<80x128xf32, #tpu.memory_space<vmem_shared>>) target_semaphore(%arg28 : memref<!tpu.dma_semaphore, #tpu.memory_space<semaphore_mem>>)
    %mul3A_56 = arith.constant 640 : i32
    %mul3A_57 = arith.muli %arg1, %mul3A_56 : i32
    %add3A_58 = arith.constant 480 : i32
    %add3A_59 = arith.addi %mul3A_57, %add3A_58 : i32
    %dma_start3A_60 = arith.constant 0 : i32
    %dma_start3A_61 = tpu.memref_slice %arg18[%add3A_59, %dma_start3A_60] : memref<10248x128xf32, #tpu.memory_space<vmem_shared>> -> memref<80x128xf32, #tpu.memory_space<vmem_shared>>
    %dma_start3A_62 = arith.constant 0 : i32
    %dma_start3A_63 = tpu.memref_slice %arg18[%add3A_59, %dma_start3A_62] : memref<10248x128xf32, #tpu.memory_space<vmem_shared>> -> memref<80x128xf32, #tpu.memory_space<vmem_shared>>
    tpu.enqueue_dma source(%arg14 : memref<80x128xf32, #tpu.memory_space<vmem>>) target(%dma_start3A_63 : memref<80x128xf32, #tpu.memory_space<vmem_shared>>) target_semaphore(%arg29 : memref<!tpu.dma_semaphore, #tpu.memory_space<semaphore_mem>>)
    %mul3A_64 = arith.constant 640 : i32
    %mul3A_65 = arith.muli %arg1, %mul3A_64 : i32
    %add3A_66 = arith.constant 560 : i32
    %add3A_67 = arith.addi %mul3A_65, %add3A_66 : i32
    %dma_start3A_68 = arith.constant 0 : i32
    %dma_start3A_69 = tpu.memref_slice %arg18[%add3A_67, %dma_start3A_68] : memref<10248x128xf32, #tpu.memory_space<vmem_shared>> -> memref<80x128xf32, #tpu.memory_space<vmem_shared>>
    %dma_start3A_70 = arith.constant 0 : i32
    %dma_start3A_71 = tpu.memref_slice %arg18[%add3A_67, %dma_start3A_70] : memref<10248x128xf32, #tpu.memory_space<vmem_shared>> -> memref<80x128xf32, #tpu.memory_space<vmem_shared>>
    tpu.enqueue_dma source(%arg14 : memref<80x128xf32, #tpu.memory_space<vmem>>) target(%dma_start3A_71 : memref<80x128xf32, #tpu.memory_space<vmem_shared>>) target_semaphore(%arg30 : memref<!tpu.dma_semaphore, #tpu.memory_space<semaphore_mem>>)
    %eq3A = arith.constant 0 : i32
    %eq3A_72 = arith.cmpi eq, %arg1, %eq3A : i32
    %convert_element_type3A = arith.extui %eq3A_72 : i1 to i32
    %cond3A = arith.constant 0 : i32
    %cond3A_73 = arith.cmpi ne, %convert_element_type3A, %cond3A : i32
    scf.if %cond3A_73 {
      "tpu.region"() ({
        %run_scoped3A = tpu.sem_alloc : memref<!tpu.dma_semaphore, #tpu.memory_space<semaphore_mem>>
        %dma_start3A_624 = arith.constant 0 : i32
        %dma_start3A_625 = arith.constant 0 : i32
        %dma_start3A_626 = tpu.memref_slice %arg14[%dma_start3A_624, %dma_start3A_625] : memref<80x128xf32, #tpu.memory_space<vmem>> -> memref<8x128xf32, #tpu.memory_space<vmem>>
        %dma_start3A_627 = arith.constant 10240 : i32
        %dma_start3A_628 = arith.constant 0 : i32
        %dma_start3A_629 = tpu.memref_slice %arg18[%dma_start3A_627, %dma_start3A_628] : memref<10248x128xf32, #tpu.memory_space<vmem_shared>> -> memref<8x128xf32, #tpu.memory_space<vmem_shared>>
        %dma_start3A_630 = arith.constant 10240 : i32
        %dma_start3A_631 = arith.constant 0 : i32
        %dma_start3A_632 = tpu.memref_slice %arg18[%dma_start3A_630, %dma_start3A_631] : memref<10248x128xf32, #tpu.memory_space<vmem_shared>> -> memref<8x128xf32, #tpu.memory_space<vmem_shared>>
        %dma_start3A_633 = arith.constant 0 : i32
        %dma_start3A_634 = arith.constant 0 : i32
        %dma_start3A_635 = tpu.memref_slice %arg14[%dma_start3A_633, %dma_start3A_634] : memref<80x128xf32, #tpu.memory_space<vmem>> -> memref<8x128xf32, #tpu.memory_space<vmem>>
        tpu.enqueue_dma source(%dma_start3A_635 : memref<8x128xf32, #tpu.memory_space<vmem>>) target(%dma_start3A_632 : memref<8x128xf32, #tpu.memory_space<vmem_shared>>) target_semaphore(%run_scoped3A : memref<!tpu.dma_semaphore, #tpu.memory_space<semaphore_mem>>)
        %dma_wait3A_636 = arith.constant 0 : i32
        %dma_wait3A_637 = arith.constant 0 : i32
        %dma_wait3A_638 = tpu.memref_slice %arg14[%dma_wait3A_636, %dma_wait3A_637] : memref<80x128xf32, #tpu.memory_space<vmem>> -> memref<8x128xf32, #tpu.memory_space<vmem>>
        %dma_wait3A_639 = arith.constant 10240 : i32
        %dma_wait3A_640 = arith.constant 0 : i32
        %dma_wait3A_641 = tpu.memref_slice %arg18[%dma_wait3A_639, %dma_wait3A_640] : memref<10248x128xf32, #tpu.memory_space<vmem_shared>> -> memref<8x128xf32, #tpu.memory_space<vmem_shared>>
        %dma_wait3A_642 = arith.constant 10240 : i32
        %dma_wait3A_643 = arith.constant 0 : i32
        %dma_wait3A_644 = tpu.memref_slice %arg18[%dma_wait3A_642, %dma_wait3A_643] : memref<10248x128xf32, #tpu.memory_space<vmem_shared>> -> memref<8x128xf32, #tpu.memory_space<vmem_shared>>
        %dma_wait3A_645 = arith.constant 0 : i32
        %dma_wait3A_646 = arith.constant 0 : i32
        %dma_wait3A_647 = tpu.memref_slice %arg14[%dma_wait3A_645, %dma_wait3A_646] : memref<80x128xf32, #tpu.memory_space<vmem>> -> memref<8x128xf32, #tpu.memory_space<vmem>>
        tpu.wait_dma2 semaphore(%run_scoped3A : memref<!tpu.dma_semaphore, #tpu.memory_space<semaphore_mem>>) src(%dma_wait3A_647 : memref<8x128xf32, #tpu.memory_space<vmem>>) dst(%dma_wait3A_644 : memref<8x128xf32, #tpu.memory_space<vmem_shared>>)
        tpu.yield
      }) : () -> ()
    } else {
    }
    %add3A_74 = arith.constant 0 : i32
    %add3A_75 = arith.addi %multiple_of3A, %add3A_74 : i32
    %multiple_of3A_76 = tpu.assume_multiple %add3A_75, 8 : i32
    %dma_start3A_77 = tpu.memref_slice %arg3[%multiple_of3A_76] : memref<320000xi32, #tpu.memory_space<hbm>> -> memref<80xi32, #tpu.memory_space<hbm>>
    %dma_start3A_78 = tpu.memref_slice %arg3[%multiple_of3A_76] : memref<320000xi32, #tpu.memory_space<hbm>> -> memref<80xi32, #tpu.memory_space<hbm>>
    tpu.enqueue_dma source(%dma_start3A_78 : memref<80xi32, #tpu.memory_space<hbm>>) target(%arg6 : memref<80xi32, #tpu.memory_space<vmem>>) target_semaphore(%arg19 : memref<!tpu.dma_semaphore, #tpu.memory_space<semaphore_mem>>)
    %dma_start3A_79 = tpu.memref_slice %arg4[%multiple_of3A_76] : memref<320000xi32, #tpu.memory_space<hbm>> -> memref<80xi32, #tpu.memory_space<hbm>>
    %dma_start3A_80 = tpu.memref_slice %arg4[%multiple_of3A_76] : memref<320000xi32, #tpu.memory_space<hbm>> -> memref<80xi32, #tpu.memory_space<hbm>>
    tpu.enqueue_dma source(%dma_start3A_80 : memref<80xi32, #tpu.memory_space<hbm>>) target(%arg10 : memref<80xi32, #tpu.memory_space<vmem>>) target_semaphore(%arg19 : memref<!tpu.dma_semaphore, #tpu.memory_space<semaphore_mem>>)
    %add3A_81 = arith.constant 80 : i32
    %add3A_82 = arith.addi %multiple_of3A, %add3A_81 : i32
    %multiple_of3A_83 = tpu.assume_multiple %add3A_82, 8 : i32
    %dma_start3A_84 = tpu.memref_slice %arg3[%multiple_of3A_83] : memref<320000xi32, #tpu.memory_space<hbm>> -> memref<80xi32, #tpu.memory_space<hbm>>
    %dma_start3A_85 = tpu.memref_slice %arg3[%multiple_of3A_83] : memref<320000xi32, #tpu.memory_space<hbm>> -> memref<80xi32, #tpu.memory_space<hbm>>
    tpu.enqueue_dma source(%dma_start3A_85 : memref<80xi32, #tpu.memory_space<hbm>>) target(%arg7 : memref<80xi32, #tpu.memory_space<vmem>>) target_semaphore(%arg20 : memref<!tpu.dma_semaphore, #tpu.memory_space<semaphore_mem>>)
    %dma_start3A_86 = tpu.memref_slice %arg4[%multiple_of3A_83] : memref<320000xi32, #tpu.memory_space<hbm>> -> memref<80xi32, #tpu.memory_space<hbm>>
    %dma_start3A_87 = tpu.memref_slice %arg4[%multiple_of3A_83] : memref<320000xi32, #tpu.memory_space<hbm>> -> memref<80xi32, #tpu.memory_space<hbm>>
    tpu.enqueue_dma source(%dma_start3A_87 : memref<80xi32, #tpu.memory_space<hbm>>) target(%arg11 : memref<80xi32, #tpu.memory_space<vmem>>) target_semaphore(%arg20 : memref<!tpu.dma_semaphore, #tpu.memory_space<semaphore_mem>>)
    %add3A_88 = arith.constant 160 : i32
    %add3A_89 = arith.addi %multiple_of3A, %add3A_88 : i32
    %multiple_of3A_90 = tpu.assume_multiple %add3A_89, 8 : i32
    %dma_start3A_91 = tpu.memref_slice %arg3[%multiple_of3A_90] : memref<320000xi32, #tpu.memory_space<hbm>> -> memref<80xi32, #tpu.memory_space<hbm>>
    %dma_start3A_92 = tpu.memref_slice %arg3[%multiple_of3A_90] : memref<320000xi32, #tpu.memory_space<hbm>> -> memref<80xi32, #tpu.memory_space<hbm>>
    tpu.enqueue_dma source(%dma_start3A_92 : memref<80xi32, #tpu.memory_space<hbm>>) target(%arg8 : memref<80xi32, #tpu.memory_space<vmem>>) target_semaphore(%arg21 : memref<!tpu.dma_semaphore, #tpu.memory_space<semaphore_mem>>)
    %dma_start3A_93 = tpu.memref_slice %arg4[%multiple_of3A_90] : memref<320000xi32, #tpu.memory_space<hbm>> -> memref<80xi32, #tpu.memory_space<hbm>>
    %dma_start3A_94 = tpu.memref_slice %arg4[%multiple_of3A_90] : memref<320000xi32, #tpu.memory_space<hbm>> -> memref<80xi32, #tpu.memory_space<hbm>>
    tpu.enqueue_dma source(%dma_start3A_94 : memref<80xi32, #tpu.memory_space<hbm>>) target(%arg12 : memref<80xi32, #tpu.memory_space<vmem>>) target_semaphore(%arg21 : memref<!tpu.dma_semaphore, #tpu.memory_space<semaphore_mem>>)
    %add3A_95 = arith.constant 240 : i32
    %add3A_96 = arith.addi %multiple_of3A, %add3A_95 : i32
    %multiple_of3A_97 = tpu.assume_multiple %add3A_96, 8 : i32
    %dma_start3A_98 = tpu.memref_slice %arg3[%multiple_of3A_97] : memref<320000xi32, #tpu.memory_space<hbm>> -> memref<80xi32, #tpu.memory_space<hbm>>
    %dma_start3A_99 = tpu.memref_slice %arg3[%multiple_of3A_97] : memref<320000xi32, #tpu.memory_space<hbm>> -> memref<80xi32, #tpu.memory_space<hbm>>
    tpu.enqueue_dma source(%dma_start3A_99 : memref<80xi32, #tpu.memory_space<hbm>>) target(%arg9 : memref<80xi32, #tpu.memory_space<vmem>>) target_semaphore(%arg22 : memref<!tpu.dma_semaphore, #tpu.memory_space<semaphore_mem>>)
    %dma_start3A_100 = tpu.memref_slice %arg4[%multiple_of3A_97] : memref<320000xi32, #tpu.memory_space<hbm>> -> memref<80xi32, #tpu.memory_space<hbm>>
    %dma_start3A_101 = tpu.memref_slice %arg4[%multiple_of3A_97] : memref<320000xi32, #tpu.memory_space<hbm>> -> memref<80xi32, #tpu.memory_space<hbm>>
    tpu.enqueue_dma source(%dma_start3A_101 : memref<80xi32, #tpu.memory_space<hbm>>) target(%arg13 : memref<80xi32, #tpu.memory_space<vmem>>) target_semaphore(%arg22 : memref<!tpu.dma_semaphore, #tpu.memory_space<semaphore_mem>>)
    %mul3A_102 = arith.constant 640 : i32
    %mul3A_103 = arith.muli %arg1, %mul3A_102 : i32
    %add3A_104 = arith.constant 0 : i32
    %add3A_105 = arith.addi %mul3A_103, %add3A_104 : i32
    %dma_wait3A = arith.constant 0 : i32
    %dma_wait3A_106 = tpu.memref_slice %arg18[%add3A_105, %dma_wait3A] : memref<10248x128xf32, #tpu.memory_space<vmem_shared>> -> memref<80x128xf32, #tpu.memory_space<vmem_shared>>
    %dma_wait3A_107 = arith.constant 0 : i32
    %dma_wait3A_108 = tpu.memref_slice %arg18[%add3A_105, %dma_wait3A_107] : memref<10248x128xf32, #tpu.memory_space<vmem_shared>> -> memref<80x128xf32, #tpu.memory_space<vmem_shared>>
    tpu.wait_dma2 semaphore(%arg23 : memref<!tpu.dma_semaphore, #tpu.memory_space<semaphore_mem>>) src(%arg14 : memref<80x128xf32, #tpu.memory_space<vmem>>) dst(%dma_wait3A_108 : memref<80x128xf32, #tpu.memory_space<vmem_shared>>)
    %mul3A_109 = arith.constant 640 : i32
    %mul3A_110 = arith.muli %arg1, %mul3A_109 : i32
    %add3A_111 = arith.constant 80 : i32
    %add3A_112 = arith.addi %mul3A_110, %add3A_111 : i32
    %dma_wait3A_113 = arith.constant 0 : i32
    %dma_wait3A_114 = tpu.memref_slice %arg18[%add3A_112, %dma_wait3A_113] : memref<10248x128xf32, #tpu.memory_space<vmem_shared>> -> memref<80x128xf32, #tpu.memory_space<vmem_shared>>
    %dma_wait3A_115 = arith.constant 0 : i32
    %dma_wait3A_116 = tpu.memref_slice %arg18[%add3A_112, %dma_wait3A_115] : memref<10248x128xf32, #tpu.memory_space<vmem_shared>> -> memref<80x128xf32, #tpu.memory_space<vmem_shared>>
    tpu.wait_dma2 semaphore(%arg24 : memref<!tpu.dma_semaphore, #tpu.memory_space<semaphore_mem>>) src(%arg14 : memref<80x128xf32, #tpu.memory_space<vmem>>) dst(%dma_wait3A_116 : memref<80x128xf32, #tpu.memory_space<vmem_shared>>)
    %mul3A_117 = arith.constant 640 : i32
    %mul3A_118 = arith.muli %arg1, %mul3A_117 : i32
    %add3A_119 = arith.constant 160 : i32
    %add3A_120 = arith.addi %mul3A_118, %add3A_119 : i32
    %dma_wait3A_121 = arith.constant 0 : i32
    %dma_wait3A_122 = tpu.memref_slice %arg18[%add3A_120, %dma_wait3A_121] : memref<10248x128xf32, #tpu.memory_space<vmem_shared>> -> memref<80x128xf32, #tpu.memory_space<vmem_shared>>
    %dma_wait3A_123 = arith.constant 0 : i32
    %dma_wait3A_124 = tpu.memref_slice %arg18[%add3A_120, %dma_wait3A_123] : memref<10248x128xf32, #tpu.memory_space<vmem_shared>> -> memref<80x128xf32, #tpu.memory_space<vmem_shared>>
    tpu.wait_dma2 semaphore(%arg25 : memref<!tpu.dma_semaphore, #tpu.memory_space<semaphore_mem>>) src(%arg14 : memref<80x128xf32, #tpu.memory_space<vmem>>) dst(%dma_wait3A_124 : memref<80x128xf32, #tpu.memory_space<vmem_shared>>)
    %mul3A_125 = arith.constant 640 : i32
    %mul3A_126 = arith.muli %arg1, %mul3A_125 : i32
    %add3A_127 = arith.constant 240 : i32
    %add3A_128 = arith.addi %mul3A_126, %add3A_127 : i32
    %dma_wait3A_129 = arith.constant 0 : i32
    %dma_wait3A_130 = tpu.memref_slice %arg18[%add3A_128, %dma_wait3A_129] : memref<10248x128xf32, #tpu.memory_space<vmem_shared>> -> memref<80x128xf32, #tpu.memory_space<vmem_shared>>
    %dma_wait3A_131 = arith.constant 0 : i32
    %dma_wait3A_132 = tpu.memref_slice %arg18[%add3A_128, %dma_wait3A_131] : memref<10248x128xf32, #tpu.memory_space<vmem_shared>> -> memref<80x128xf32, #tpu.memory_space<vmem_shared>>
    tpu.wait_dma2 semaphore(%arg26 : memref<!tpu.dma_semaphore, #tpu.memory_space<semaphore_mem>>) src(%arg14 : memref<80x128xf32, #tpu.memory_space<vmem>>) dst(%dma_wait3A_132 : memref<80x128xf32, #tpu.memory_space<vmem_shared>>)
    %mul3A_133 = arith.constant 640 : i32
    %mul3A_134 = arith.muli %arg1, %mul3A_133 : i32
    %add3A_135 = arith.constant 320 : i32
    %add3A_136 = arith.addi %mul3A_134, %add3A_135 : i32
    %dma_wait3A_137 = arith.constant 0 : i32
    %dma_wait3A_138 = tpu.memref_slice %arg18[%add3A_136, %dma_wait3A_137] : memref<10248x128xf32, #tpu.memory_space<vmem_shared>> -> memref<80x128xf32, #tpu.memory_space<vmem_shared>>
    %dma_wait3A_139 = arith.constant 0 : i32
    %dma_wait3A_140 = tpu.memref_slice %arg18[%add3A_136, %dma_wait3A_139] : memref<10248x128xf32, #tpu.memory_space<vmem_shared>> -> memref<80x128xf32, #tpu.memory_space<vmem_shared>>
    tpu.wait_dma2 semaphore(%arg27 : memref<!tpu.dma_semaphore, #tpu.memory_space<semaphore_mem>>) src(%arg14 : memref<80x128xf32, #tpu.memory_space<vmem>>) dst(%dma_wait3A_140 : memref<80x128xf32, #tpu.memory_space<vmem_shared>>)
    %mul3A_141 = arith.constant 640 : i32
    %mul3A_142 = arith.muli %arg1, %mul3A_141 : i32
    %add3A_143 = arith.constant 400 : i32
    %add3A_144 = arith.addi %mul3A_142, %add3A_143 : i32
    %dma_wait3A_145 = arith.constant 0 : i32
    %dma_wait3A_146 = tpu.memref_slice %arg18[%add3A_144, %dma_wait3A_145] : memref<10248x128xf32, #tpu.memory_space<vmem_shared>> -> memref<80x128xf32, #tpu.memory_space<vmem_shared>>
    %dma_wait3A_147 = arith.constant 0 : i32
    %dma_wait3A_148 = tpu.memref_slice %arg18[%add3A_144, %dma_wait3A_147] : memref<10248x128xf32, #tpu.memory_space<vmem_shared>> -> memref<80x128xf32, #tpu.memory_space<vmem_shared>>
    tpu.wait_dma2 semaphore(%arg28 : memref<!tpu.dma_semaphore, #tpu.memory_space<semaphore_mem>>) src(%arg14 : memref<80x128xf32, #tpu.memory_space<vmem>>) dst(%dma_wait3A_148 : memref<80x128xf32, #tpu.memory_space<vmem_shared>>)
    %mul3A_149 = arith.constant 640 : i32
    %mul3A_150 = arith.muli %arg1, %mul3A_149 : i32
    %add3A_151 = arith.constant 480 : i32
    %add3A_152 = arith.addi %mul3A_150, %add3A_151 : i32
    %dma_wait3A_153 = arith.constant 0 : i32
    %dma_wait3A_154 = tpu.memref_slice %arg18[%add3A_152, %dma_wait3A_153] : memref<10248x128xf32, #tpu.memory_space<vmem_shared>> -> memref<80x128xf32, #tpu.memory_space<vmem_shared>>
    %dma_wait3A_155 = arith.constant 0 : i32
    %dma_wait3A_156 = tpu.memref_slice %arg18[%add3A_152, %dma_wait3A_155] : memref<10248x128xf32, #tpu.memory_space<vmem_shared>> -> memref<80x128xf32, #tpu.memory_space<vmem_shared>>
    tpu.wait_dma2 semaphore(%arg29 : memref<!tpu.dma_semaphore, #tpu.memory_space<semaphore_mem>>) src(%arg14 : memref<80x128xf32, #tpu.memory_space<vmem>>) dst(%dma_wait3A_156 : memref<80x128xf32, #tpu.memory_space<vmem_shared>>)
    %mul3A_157 = arith.constant 640 : i32
    %mul3A_158 = arith.muli %arg1, %mul3A_157 : i32
    %add3A_159 = arith.constant 560 : i32
    %add3A_160 = arith.addi %mul3A_158, %add3A_159 : i32
    %dma_wait3A_161 = arith.constant 0 : i32
    %dma_wait3A_162 = tpu.memref_slice %arg18[%add3A_160, %dma_wait3A_161] : memref<10248x128xf32, #tpu.memory_space<vmem_shared>> -> memref<80x128xf32, #tpu.memory_space<vmem_shared>>
    %dma_wait3A_163 = arith.constant 0 : i32
    %dma_wait3A_164 = tpu.memref_slice %arg18[%add3A_160, %dma_wait3A_163] : memref<10248x128xf32, #tpu.memory_space<vmem_shared>> -> memref<80x128xf32, #tpu.memory_space<vmem_shared>>
    tpu.wait_dma2 semaphore(%arg30 : memref<!tpu.dma_semaphore, #tpu.memory_space<semaphore_mem>>) src(%arg14 : memref<80x128xf32, #tpu.memory_space<vmem>>) dst(%dma_wait3A_164 : memref<80x128xf32, #tpu.memory_space<vmem_shared>>)
    %barrier3A = arith.constant 0 : index
    tpu.barrier barrier_id(%barrier3A)
    %add3A_165 = arith.constant 0 : i32
    %add3A_166 = arith.addi %multiple_of3A, %add3A_165 : i32
    %multiple_of3A_167 = tpu.assume_multiple %add3A_166, 8 : i32
    %dma_wait3A_168 = tpu.memref_slice %arg3[%multiple_of3A_167] : memref<320000xi32, #tpu.memory_space<hbm>> -> memref<80xi32, #tpu.memory_space<hbm>>
    %dma_wait3A_169 = tpu.memref_slice %arg3[%multiple_of3A_167] : memref<320000xi32, #tpu.memory_space<hbm>> -> memref<80xi32, #tpu.memory_space<hbm>>
    tpu.wait_dma2 semaphore(%arg19 : memref<!tpu.dma_semaphore, #tpu.memory_space<semaphore_mem>>) src(%dma_wait3A_169 : memref<80xi32, #tpu.memory_space<hbm>>) dst(%arg6 : memref<80xi32, #tpu.memory_space<vmem>>)
    %dma_wait3A_170 = tpu.memref_slice %arg4[%multiple_of3A_167] : memref<320000xi32, #tpu.memory_space<hbm>> -> memref<80xi32, #tpu.memory_space<hbm>>
    %dma_wait3A_171 = tpu.memref_slice %arg4[%multiple_of3A_167] : memref<320000xi32, #tpu.memory_space<hbm>> -> memref<80xi32, #tpu.memory_space<hbm>>
    tpu.wait_dma2 semaphore(%arg19 : memref<!tpu.dma_semaphore, #tpu.memory_space<semaphore_mem>>) src(%dma_wait3A_171 : memref<80xi32, #tpu.memory_space<hbm>>) dst(%arg10 : memref<80xi32, #tpu.memory_space<vmem>>)
    %get3A = arith.constant 0 : index
    %get3A_172 = tpu.vector_load %arg6[%get3A] {strides = array<i32>} : memref<80xi32, #tpu.memory_space<vmem>>, vector<16xi32>,
    %get3A_173 = vector.shape_cast %get3A_172 : vector<16xi32> to vector<16xi32>
    %get3A_174 = arith.constant 0 : index
    %get3A_175 = tpu.vector_load %arg10[%get3A_174] {strides = array<i32>} : memref<80xi32, #tpu.memory_space<vmem>>, vector<16xi32>,
    %get3A_176 = vector.shape_cast %get3A_175 : vector<16xi32> to vector<16xi32>
    %eq3A_177 = arith.cmpi eq, %get3A_173, %get3A_176 : vector<16xi32>
    %jit3A = arith.constant 10240 : i32
    %broadcast_in_dim3A = vector.broadcast %jit3A : i32 to vector<16xi32>
    %select_n3A = arith.select %eq3A_177, %broadcast_in_dim3A, %get3A_176 : vector<16xi1>, vector<16xi32>
    %swap3A = arith.constant 0 : index
    %swap3A_178 = tpu.vector_load %arg10[%swap3A] {strides = array<i32>} : memref<80xi32, #tpu.memory_space<vmem>>, vector<16xi32>,
    %swap3A_179 = vector.shape_cast %swap3A_178 : vector<16xi32> to vector<16xi32>
    %swap3A_180 = vector.shape_cast %select_n3A : vector<16xi32> to vector<16xi32>
    tpu.vector_store %arg10[%swap3A], %swap3A_180 {strides = array<i32>} : memref<80xi32, #tpu.memory_space<vmem>>, vector<16xi32>,
    %get3A_181 = arith.constant 16 : index
    %get3A_182 = tpu.vector_load %arg6[%get3A_181] {strides = array<i32>} : memref<80xi32, #tpu.memory_space<vmem>>, vector<16xi32>,
    %get3A_183 = vector.shape_cast %get3A_182 : vector<16xi32> to vector<16xi32>
    %get3A_184 = arith.constant 16 : index
    %get3A_185 = tpu.vector_load %arg10[%get3A_184] {strides = array<i32>} : memref<80xi32, #tpu.memory_space<vmem>>, vector<16xi32>,
    %get3A_186 = vector.shape_cast %get3A_185 : vector<16xi32> to vector<16xi32>
    %eq3A_187 = arith.cmpi eq, %get3A_183, %get3A_186 : vector<16xi32>
    %jit3A_188 = arith.constant 10240 : i32
    %broadcast_in_dim3A_189 = vector.broadcast %jit3A_188 : i32 to vector<16xi32>
    %select_n3A_190 = arith.select %eq3A_187, %broadcast_in_dim3A_189, %get3A_186 : vector<16xi1>, vector<16xi32>
    %swap3A_191 = arith.constant 16 : index
    %swap3A_192 = tpu.vector_load %arg10[%swap3A_191] {strides = array<i32>} : memref<80xi32, #tpu.memory_space<vmem>>, vector<16xi32>,
    %swap3A_193 = vector.shape_cast %swap3A_192 : vector<16xi32> to vector<16xi32>
    %swap3A_194 = vector.shape_cast %select_n3A_190 : vector<16xi32> to vector<16xi32>
    tpu.vector_store %arg10[%swap3A_191], %swap3A_194 {strides = array<i32>} : memref<80xi32, #tpu.memory_space<vmem>>, vector<16xi32>,
    %get3A_195 = arith.constant 32 : index
    %get3A_196 = tpu.vector_load %arg6[%get3A_195] {strides = array<i32>} : memref<80xi32, #tpu.memory_space<vmem>>, vector<16xi32>,
    %get3A_197 = vector.shape_cast %get3A_196 : vector<16xi32> to vector<16xi32>
    %get3A_198 = arith.constant 32 : index
    %get3A_199 = tpu.vector_load %arg10[%get3A_198] {strides = array<i32>} : memref<80xi32, #tpu.memory_space<vmem>>, vector<16xi32>,
    %get3A_200 = vector.shape_cast %get3A_199 : vector<16xi32> to vector<16xi32>
    %eq3A_201 = arith.cmpi eq, %get3A_197, %get3A_200 : vector<16xi32>
    %jit3A_202 = arith.constant 10240 : i32
    %broadcast_in_dim3A_203 = vector.broadcast %jit3A_202 : i32 to vector<16xi32>
    %select_n3A_204 = arith.select %eq3A_201, %broadcast_in_dim3A_203, %get3A_200 : vector<16xi1>, vector<16xi32>
    %swap3A_205 = arith.constant 32 : index
    %swap3A_206 = tpu.vector_load %arg10[%swap3A_205] {strides = array<i32>} : memref<80xi32, #tpu.memory_space<vmem>>, vector<16xi32>,
    %swap3A_207 = vector.shape_cast %swap3A_206 : vector<16xi32> to vector<16xi32>
    %swap3A_208 = vector.shape_cast %select_n3A_204 : vector<16xi32> to vector<16xi32>
    tpu.vector_store %arg10[%swap3A_205], %swap3A_208 {strides = array<i32>} : memref<80xi32, #tpu.memory_space<vmem>>, vector<16xi32>,
    %get3A_209 = arith.constant 48 : index
    %get3A_210 = tpu.vector_load %arg6[%get3A_209] {strides = array<i32>} : memref<80xi32, #tpu.memory_space<vmem>>, vector<16xi32>,
    %get3A_211 = vector.shape_cast %get3A_210 : vector<16xi32> to vector<16xi32>
    %get3A_212 = arith.constant 48 : index
    %get3A_213 = tpu.vector_load %arg10[%get3A_212] {strides = array<i32>} : memref<80xi32, #tpu.memory_space<vmem>>, vector<16xi32>,
    %get3A_214 = vector.shape_cast %get3A_213 : vector<16xi32> to vector<16xi32>
    %eq3A_215 = arith.cmpi eq, %get3A_211, %get3A_214 : vector<16xi32>
    %jit3A_216 = arith.constant 10240 : i32
    %broadcast_in_dim3A_217 = vector.broadcast %jit3A_216 : i32 to vector<16xi32>
    %select_n3A_218 = arith.select %eq3A_215, %broadcast_in_dim3A_217, %get3A_214 : vector<16xi1>, vector<16xi32>
    %swap3A_219 = arith.constant 48 : index
    %swap3A_220 = tpu.vector_load %arg10[%swap3A_219] {strides = array<i32>} : memref<80xi32, #tpu.memory_space<vmem>>, vector<16xi32>,
    %swap3A_221 = vector.shape_cast %swap3A_220 : vector<16xi32> to vector<16xi32>
    %swap3A_222 = vector.shape_cast %select_n3A_218 : vector<16xi32> to vector<16xi32>
    tpu.vector_store %arg10[%swap3A_219], %swap3A_222 {strides = array<i32>} : memref<80xi32, #tpu.memory_space<vmem>>, vector<16xi32>,
    %get3A_223 = arith.constant 64 : index
    %get3A_224 = tpu.vector_load %arg6[%get3A_223] {strides = array<i32>} : memref<80xi32, #tpu.memory_space<vmem>>, vector<16xi32>,
    %get3A_225 = vector.shape_cast %get3A_224 : vector<16xi32> to vector<16xi32>
    %get3A_226 = arith.constant 64 : index
    %get3A_227 = tpu.vector_load %arg10[%get3A_226] {strides = array<i32>} : memref<80xi32, #tpu.memory_space<vmem>>, vector<16xi32>,
    %get3A_228 = vector.shape_cast %get3A_227 : vector<16xi32> to vector<16xi32>
    %eq3A_229 = arith.cmpi eq, %get3A_225, %get3A_228 : vector<16xi32>
    %jit3A_230 = arith.constant 10240 : i32
    %broadcast_in_dim3A_231 = vector.broadcast %jit3A_230 : i32 to vector<16xi32>
    %select_n3A_232 = arith.select %eq3A_229, %broadcast_in_dim3A_231, %get3A_228 : vector<16xi1>, vector<16xi32>
    %swap3A_233 = arith.constant 64 : index
    %swap3A_234 = tpu.vector_load %arg10[%swap3A_233] {strides = array<i32>} : memref<80xi32, #tpu.memory_space<vmem>>, vector<16xi32>,
    %swap3A_235 = vector.shape_cast %swap3A_234 : vector<16xi32> to vector<16xi32>
    %swap3A_236 = vector.shape_cast %select_n3A_232 : vector<16xi32> to vector<16xi32>
    tpu.vector_store %arg10[%swap3A_233], %swap3A_236 {strides = array<i32>} : memref<80xi32, #tpu.memory_space<vmem>>, vector<16xi32>,
    %dma_start3A_237 = arith.constant 0 : i32
    %dma_start3A_238 = arith.constant 0 : i32
    %dma_start3A_239 = tpu.memref_slice %arg2[%dma_start3A_237, %dma_start3A_238] : memref<10240x128xf32, #tpu.memory_space<hbm>> -> memref<10240x128xf32, #tpu.memory_space<hbm>>
    tpu.enqueue_indirect_dma source(%dma_start3A_239 : memref<10240x128xf32, #tpu.memory_space<hbm>>) target(%arg14 : memref<80x128xf32, #tpu.memory_space<vmem>>) offsets(%arg6 : memref<80xi32, #tpu.memory_space<vmem>>) semaphore(%arg23 : memref<!tpu.dma_semaphore, #tpu.memory_space<semaphore_mem>>)
    %add3A_240 = arith.constant 80 : i32
    %add3A_241 = arith.addi %multiple_of3A, %add3A_240 : i32
    %multiple_of3A_242 = tpu.assume_multiple %add3A_241, 8 : i32
    %dma_wait3A_243 = tpu.memref_slice %arg3[%multiple_of3A_242] : memref<320000xi32, #tpu.memory_space<hbm>> -> memref<80xi32, #tpu.memory_space<hbm>>
    %dma_wait3A_244 = tpu.memref_slice %arg3[%multiple_of3A_242] : memref<320000xi32, #tpu.memory_space<hbm>> -> memref<80xi32, #tpu.memory_space<hbm>>
    tpu.wait_dma2 semaphore(%arg20 : memref<!tpu.dma_semaphore, #tpu.memory_space<semaphore_mem>>) src(%dma_wait3A_244 : memref<80xi32, #tpu.memory_space<hbm>>) dst(%arg7 : memref<80xi32, #tpu.memory_space<vmem>>)
    %dma_wait3A_245 = tpu.memref_slice %arg4[%multiple_of3A_242] : memref<320000xi32, #tpu.memory_space<hbm>> -> memref<80xi32, #tpu.memory_space<hbm>>
    %dma_wait3A_246 = tpu.memref_slice %arg4[%multiple_of3A_242] : memref<320000xi32, #tpu.memory_space<hbm>> -> memref<80xi32, #tpu.memory_space<hbm>>
    tpu.wait_dma2 semaphore(%arg20 : memref<!tpu.dma_semaphore, #tpu.memory_space<semaphore_mem>>) src(%dma_wait3A_246 : memref<80xi32, #tpu.memory_space<hbm>>) dst(%arg11 : memref<80xi32, #tpu.memory_space<vmem>>)
    %get3A_247 = arith.constant 0 : index
    %get3A_248 = tpu.vector_load %arg7[%get3A_247] {strides = array<i32>} : memref<80xi32, #tpu.memory_space<vmem>>, vector<16xi32>,
    %get3A_249 = vector.shape_cast %get3A_248 : vector<16xi32> to vector<16xi32>
    %get3A_250 = arith.constant 0 : index
    %get3A_251 = tpu.vector_load %arg11[%get3A_250] {strides = array<i32>} : memref<80xi32, #tpu.memory_space<vmem>>, vector<16xi32>,
    %get3A_252 = vector.shape_cast %get3A_251 : vector<16xi32> to vector<16xi32>
    %eq3A_253 = arith.cmpi eq, %get3A_249, %get3A_252 : vector<16xi32>
    %jit3A_254 = arith.constant 10240 : i32
    %broadcast_in_dim3A_255 = vector.broadcast %jit3A_254 : i32 to vector<16xi32>
    %select_n3A_256 = arith.select %eq3A_253, %broadcast_in_dim3A_255, %get3A_252 : vector<16xi1>, vector<16xi32>
    %swap3A_257 = arith.constant 0 : index
    %swap3A_258 = tpu.vector_load %arg11[%swap3A_257] {strides = array<i32>} : memref<80xi32, #tpu.memory_space<vmem>>, vector<16xi32>,
    %swap3A_259 = vector.shape_cast %swap3A_258 : vector<16xi32> to vector<16xi32>
    %swap3A_260 = vector.shape_cast %select_n3A_256 : vector<16xi32> to vector<16xi32>
    tpu.vector_store %arg11[%swap3A_257], %swap3A_260 {strides = array<i32>} : memref<80xi32, #tpu.memory_space<vmem>>, vector<16xi32>,
    %get3A_261 = arith.constant 16 : index
    %get3A_262 = tpu.vector_load %arg7[%get3A_261] {strides = array<i32>} : memref<80xi32, #tpu.memory_space<vmem>>, vector<16xi32>,
    %get3A_263 = vector.shape_cast %get3A_262 : vector<16xi32> to vector<16xi32>
    %get3A_264 = arith.constant 16 : index
    %get3A_265 = tpu.vector_load %arg11[%get3A_264] {strides = array<i32>} : memref<80xi32, #tpu.memory_space<vmem>>, vector<16xi32>,
    %get3A_266 = vector.shape_cast %get3A_265 : vector<16xi32> to vector<16xi32>
    %eq3A_267 = arith.cmpi eq, %get3A_263, %get3A_266 : vector<16xi32>
    %jit3A_268 = arith.constant 10240 : i32
    %broadcast_in_dim3A_269 = vector.broadcast %jit3A_268 : i32 to vector<16xi32>
    %select_n3A_270 = arith.select %eq3A_267, %broadcast_in_dim3A_269, %get3A_266 : vector<16xi1>, vector<16xi32>
    %swap3A_271 = arith.constant 16 : index
    %swap3A_272 = tpu.vector_load %arg11[%swap3A_271] {strides = array<i32>} : memref<80xi32, #tpu.memory_space<vmem>>, vector<16xi32>,
    %swap3A_273 = vector.shape_cast %swap3A_272 : vector<16xi32> to vector<16xi32>
    %swap3A_274 = vector.shape_cast %select_n3A_270 : vector<16xi32> to vector<16xi32>
    tpu.vector_store %arg11[%swap3A_271], %swap3A_274 {strides = array<i32>} : memref<80xi32, #tpu.memory_space<vmem>>, vector<16xi32>,
    %get3A_275 = arith.constant 32 : index
    %get3A_276 = tpu.vector_load %arg7[%get3A_275] {strides = array<i32>} : memref<80xi32, #tpu.memory_space<vmem>>, vector<16xi32>,
    %get3A_277 = vector.shape_cast %get3A_276 : vector<16xi32> to vector<16xi32>
    %get3A_278 = arith.constant 32 : index
    %get3A_279 = tpu.vector_load %arg11[%get3A_278] {strides = array<i32>} : memref<80xi32, #tpu.memory_space<vmem>>, vector<16xi32>,
    %get3A_280 = vector.shape_cast %get3A_279 : vector<16xi32> to vector<16xi32>
    %eq3A_281 = arith.cmpi eq, %get3A_277, %get3A_280 : vector<16xi32>
    %jit3A_282 = arith.constant 10240 : i32
    %broadcast_in_dim3A_283 = vector.broadcast %jit3A_282 : i32 to vector<16xi32>
    %select_n3A_284 = arith.select %eq3A_281, %broadcast_in_dim3A_283, %get3A_280 : vector<16xi1>, vector<16xi32>
    %swap3A_285 = arith.constant 32 : index
    %swap3A_286 = tpu.vector_load %arg11[%swap3A_285] {strides = array<i32>} : memref<80xi32, #tpu.memory_space<vmem>>, vector<16xi32>,
    %swap3A_287 = vector.shape_cast %swap3A_286 : vector<16xi32> to vector<16xi32>
    %swap3A_288 = vector.shape_cast %select_n3A_284 : vector<16xi32> to vector<16xi32>
    tpu.vector_store %arg11[%swap3A_285], %swap3A_288 {strides = array<i32>} : memref<80xi32, #tpu.memory_space<vmem>>, vector<16xi32>,
    %get3A_289 = arith.constant 48 : index
    %get3A_290 = tpu.vector_load %arg7[%get3A_289] {strides = array<i32>} : memref<80xi32, #tpu.memory_space<vmem>>, vector<16xi32>,
    %get3A_291 = vector.shape_cast %get3A_290 : vector<16xi32> to vector<16xi32>
    %get3A_292 = arith.constant 48 : index
    %get3A_293 = tpu.vector_load %arg11[%get3A_292] {strides = array<i32>} : memref<80xi32, #tpu.memory_space<vmem>>, vector<16xi32>,
    %get3A_294 = vector.shape_cast %get3A_293 : vector<16xi32> to vector<16xi32>
    %eq3A_295 = arith.cmpi eq, %get3A_291, %get3A_294 : vector<16xi32>
    %jit3A_296 = arith.constant 10240 : i32
    %broadcast_in_dim3A_297 = vector.broadcast %jit3A_296 : i32 to vector<16xi32>
    %select_n3A_298 = arith.select %eq3A_295, %broadcast_in_dim3A_297, %get3A_294 : vector<16xi1>, vector<16xi32>
    %swap3A_299 = arith.constant 48 : index
    %swap3A_300 = tpu.vector_load %arg11[%swap3A_299] {strides = array<i32>} : memref<80xi32, #tpu.memory_space<vmem>>, vector<16xi32>,
    %swap3A_301 = vector.shape_cast %swap3A_300 : vector<16xi32> to vector<16xi32>
    %swap3A_302 = vector.shape_cast %select_n3A_298 : vector<16xi32> to vector<16xi32>
    tpu.vector_store %arg11[%swap3A_299], %swap3A_302 {strides = array<i32>} : memref<80xi32, #tpu.memory_space<vmem>>, vector<16xi32>,
    %get3A_303 = arith.constant 64 : index
    %get3A_304 = tpu.vector_load %arg7[%get3A_303] {strides = array<i32>} : memref<80xi32, #tpu.memory_space<vmem>>, vector<16xi32>,
    %get3A_305 = vector.shape_cast %get3A_304 : vector<16xi32> to vector<16xi32>
    %get3A_306 = arith.constant 64 : index
    %get3A_307 = tpu.vector_load %arg11[%get3A_306] {strides = array<i32>} : memref<80xi32, #tpu.memory_space<vmem>>, vector<16xi32>,
    %get3A_308 = vector.shape_cast %get3A_307 : vector<16xi32> to vector<16xi32>
    %eq3A_309 = arith.cmpi eq, %get3A_305, %get3A_308 : vector<16xi32>
    %jit3A_310 = arith.constant 10240 : i32
    %broadcast_in_dim3A_311 = vector.broadcast %jit3A_310 : i32 to vector<16xi32>
    %select_n3A_312 = arith.select %eq3A_309, %broadcast_in_dim3A_311, %get3A_308 : vector<16xi1>, vector<16xi32>
    %swap3A_313 = arith.constant 64 : index
    %swap3A_314 = tpu.vector_load %arg11[%swap3A_313] {strides = array<i32>} : memref<80xi32, #tpu.memory_space<vmem>>, vector<16xi32>,
    %swap3A_315 = vector.shape_cast %swap3A_314 : vector<16xi32> to vector<16xi32>
    %swap3A_316 = vector.shape_cast %select_n3A_312 : vector<16xi32> to vector<16xi32>
    tpu.vector_store %arg11[%swap3A_313], %swap3A_316 {strides = array<i32>} : memref<80xi32, #tpu.memory_space<vmem>>, vector<16xi32>,
    %dma_start3A_317 = arith.constant 0 : i32
    %dma_start3A_318 = arith.constant 0 : i32
    %dma_start3A_319 = tpu.memref_slice %arg2[%dma_start3A_317, %dma_start3A_318] : memref<10240x128xf32, #tpu.memory_space<hbm>> -> memref<10240x128xf32, #tpu.memory_space<hbm>>
    tpu.enqueue_indirect_dma source(%dma_start3A_319 : memref<10240x128xf32, #tpu.memory_space<hbm>>) target(%arg15 : memref<80x128xf32, #tpu.memory_space<vmem>>) offsets(%arg7 : memref<80xi32, #tpu.memory_space<vmem>>) semaphore(%arg24 : memref<!tpu.dma_semaphore, #tpu.memory_space<semaphore_mem>>)
    %dma_wait3A_320 = arith.constant 0 : i32
    %dma_wait3A_321 = arith.constant 0 : i32
    %dma_wait3A_322 = tpu.memref_slice %arg2[%dma_wait3A_320, %dma_wait3A_321] : memref<10240x128xf32, #tpu.memory_space<hbm>> -> memref<10240x128xf32, #tpu.memory_space<hbm>>
    tpu.wait_indirect_dma semaphore(%arg23 : memref<!tpu.dma_semaphore, #tpu.memory_space<semaphore_mem>>) src(%dma_wait3A_322 : memref<10240x128xf32, #tpu.memory_space<hbm>>) dst(%arg14 : memref<80x128xf32, #tpu.memory_space<vmem>>)
    %dma_start3A_323 = arith.constant 0 : i32
    %dma_start3A_324 = arith.constant 0 : i32
    %dma_start3A_325 = tpu.memref_slice %arg18[%dma_start3A_323, %dma_start3A_324] : memref<10248x128xf32, #tpu.memory_space<vmem_shared>> -> memref<10248x128xf32, #tpu.memory_space<vmem_shared>>
    tpu.enqueue_indirect_dma source(%arg14 : memref<80x128xf32, #tpu.memory_space<vmem>>) target(%dma_start3A_325 : memref<10248x128xf32, #tpu.memory_space<vmem_shared>>) offsets(%arg10 : memref<80xi32, #tpu.memory_space<vmem>>) semaphore(%arg27 : memref<!tpu.dma_semaphore, #tpu.memory_space<semaphore_mem>>) {add = true}
    %add3A_326 = arith.constant 160 : i32
    %add3A_327 = arith.addi %multiple_of3A, %add3A_326 : i32
    %multiple_of3A_328 = tpu.assume_multiple %add3A_327, 8 : i32
    %dma_wait3A_329 = tpu.memref_slice %arg3[%multiple_of3A_328] : memref<320000xi32, #tpu.memory_space<hbm>> -> memref<80xi32, #tpu.memory_space<hbm>>
    %dma_wait3A_330 = tpu.memref_slice %arg3[%multiple_of3A_328] : memref<320000xi32, #tpu.memory_space<hbm>> -> memref<80xi32, #tpu.memory_space<hbm>>
    tpu.wait_dma2 semaphore(%arg21 : memref<!tpu.dma_semaphore, #tpu.memory_space<semaphore_mem>>) src(%dma_wait3A_330 : memref<80xi32, #tpu.memory_space<hbm>>) dst(%arg8 : memref<80xi32, #tpu.memory_space<vmem>>)
    %dma_wait3A_331 = tpu.memref_slice %arg4[%multiple_of3A_328] : memref<320000xi32, #tpu.memory_space<hbm>> -> memref<80xi32, #tpu.memory_space<hbm>>
    %dma_wait3A_332 = tpu.memref_slice %arg4[%multiple_of3A_328] : memref<320000xi32, #tpu.memory_space<hbm>> -> memref<80xi32, #tpu.memory_space<hbm>>
    tpu.wait_dma2 semaphore(%arg21 : memref<!tpu.dma_semaphore, #tpu.memory_space<semaphore_mem>>) src(%dma_wait3A_332 : memref<80xi32, #tpu.memory_space<hbm>>) dst(%arg12 : memref<80xi32, #tpu.memory_space<vmem>>)
    %get3A_333 = arith.constant 0 : index
    %get3A_334 = tpu.vector_load %arg8[%get3A_333] {strides = array<i32>} : memref<80xi32, #tpu.memory_space<vmem>>, vector<16xi32>,
    %get3A_335 = vector.shape_cast %get3A_334 : vector<16xi32> to vector<16xi32>
    %get3A_336 = arith.constant 0 : index
    %get3A_337 = tpu.vector_load %arg12[%get3A_336] {strides = array<i32>} : memref<80xi32, #tpu.memory_space<vmem>>, vector<16xi32>,
    %get3A_338 = vector.shape_cast %get3A_337 : vector<16xi32> to vector<16xi32>
    %eq3A_339 = arith.cmpi eq, %get3A_335, %get3A_338 : vector<16xi32>
    %jit3A_340 = arith.constant 10240 : i32
    %broadcast_in_dim3A_341 = vector.broadcast %jit3A_340 : i32 to vector<16xi32>
    %select_n3A_342 = arith.select %eq3A_339, %broadcast_in_dim3A_341, %get3A_338 : vector<16xi1>, vector<16xi32>
    %swap3A_343 = arith.constant 0 : index
    %swap3A_344 = tpu.vector_load %arg12[%swap3A_343] {strides = array<i32>} : memref<80xi32, #tpu.memory_space<vmem>>, vector<16xi32>,
    %swap3A_345 = vector.shape_cast %swap3A_344 : vector<16xi32> to vector<16xi32>
    %swap3A_346 = vector.shape_cast %select_n3A_342 : vector<16xi32> to vector<16xi32>
    tpu.vector_store %arg12[%swap3A_343], %swap3A_346 {strides = array<i32>} : memref<80xi32, #tpu.memory_space<vmem>>, vector<16xi32>,
    %get3A_347 = arith.constant 16 : index
    %get3A_348 = tpu.vector_load %arg8[%get3A_347] {strides = array<i32>} : memref<80xi32, #tpu.memory_space<vmem>>, vector<16xi32>,
    %get3A_349 = vector.shape_cast %get3A_348 : vector<16xi32> to vector<16xi32>
    %get3A_350 = arith.constant 16 : index
    %get3A_351 = tpu.vector_load %arg12[%get3A_350] {strides = array<i32>} : memref<80xi32, #tpu.memory_space<vmem>>, vector<16xi32>,
    %get3A_352 = vector.shape_cast %get3A_351 : vector<16xi32> to vector<16xi32>
    %eq3A_353 = arith.cmpi eq, %get3A_349, %get3A_352 : vector<16xi32>
    %jit3A_354 = arith.constant 10240 : i32
    %broadcast_in_dim3A_355 = vector.broadcast %jit3A_354 : i32 to vector<16xi32>
    %select_n3A_356 = arith.select %eq3A_353, %broadcast_in_dim3A_355, %get3A_352 : vector<16xi1>, vector<16xi32>
    %swap3A_357 = arith.constant 16 : index
    %swap3A_358 = tpu.vector_load %arg12[%swap3A_357] {strides = array<i32>} : memref<80xi32, #tpu.memory_space<vmem>>, vector<16xi32>,
    %swap3A_359 = vector.shape_cast %swap3A_358 : vector<16xi32> to vector<16xi32>
    %swap3A_360 = vector.shape_cast %select_n3A_356 : vector<16xi32> to vector<16xi32>
    tpu.vector_store %arg12[%swap3A_357], %swap3A_360 {strides = array<i32>} : memref<80xi32, #tpu.memory_space<vmem>>, vector<16xi32>,
    %get3A_361 = arith.constant 32 : index
    %get3A_362 = tpu.vector_load %arg8[%get3A_361] {strides = array<i32>} : memref<80xi32, #tpu.memory_space<vmem>>, vector<16xi32>,
    %get3A_363 = vector.shape_cast %get3A_362 : vector<16xi32> to vector<16xi32>
    %get3A_364 = arith.constant 32 : index
    %get3A_365 = tpu.vector_load %arg12[%get3A_364] {strides = array<i32>} : memref<80xi32, #tpu.memory_space<vmem>>, vector<16xi32>,
    %get3A_366 = vector.shape_cast %get3A_365 : vector<16xi32> to vector<16xi32>
    %eq3A_367 = arith.cmpi eq, %get3A_363, %get3A_366 : vector<16xi32>
    %jit3A_368 = arith.constant 10240 : i32
    %broadcast_in_dim3A_369 = vector.broadcast %jit3A_368 : i32 to vector<16xi32>
    %select_n3A_370 = arith.select %eq3A_367, %broadcast_in_dim3A_369, %get3A_366 : vector<16xi1>, vector<16xi32>
    %swap3A_371 = arith.constant 32 : index
    %swap3A_372 = tpu.vector_load %arg12[%swap3A_371] {strides = array<i32>} : memref<80xi32, #tpu.memory_space<vmem>>, vector<16xi32>,
    %swap3A_373 = vector.shape_cast %swap3A_372 : vector<16xi32> to vector<16xi32>
    %swap3A_374 = vector.shape_cast %select_n3A_370 : vector<16xi32> to vector<16xi32>
    tpu.vector_store %arg12[%swap3A_371], %swap3A_374 {strides = array<i32>} : memref<80xi32, #tpu.memory_space<vmem>>, vector<16xi32>,
    %get3A_375 = arith.constant 48 : index
    %get3A_376 = tpu.vector_load %arg8[%get3A_375] {strides = array<i32>} : memref<80xi32, #tpu.memory_space<vmem>>, vector<16xi32>,
    %get3A_377 = vector.shape_cast %get3A_376 : vector<16xi32> to vector<16xi32>
    %get3A_378 = arith.constant 48 : index
    %get3A_379 = tpu.vector_load %arg12[%get3A_378] {strides = array<i32>} : memref<80xi32, #tpu.memory_space<vmem>>, vector<16xi32>,
    %get3A_380 = vector.shape_cast %get3A_379 : vector<16xi32> to vector<16xi32>
    %eq3A_381 = arith.cmpi eq, %get3A_377, %get3A_380 : vector<16xi32>
    %jit3A_382 = arith.constant 10240 : i32
    %broadcast_in_dim3A_383 = vector.broadcast %jit3A_382 : i32 to vector<16xi32>
    %select_n3A_384 = arith.select %eq3A_381, %broadcast_in_dim3A_383, %get3A_380 : vector<16xi1>, vector<16xi32>
    %swap3A_385 = arith.constant 48 : index
    %swap3A_386 = tpu.vector_load %arg12[%swap3A_385] {strides = array<i32>} : memref<80xi32, #tpu.memory_space<vmem>>, vector<16xi32>,
    %swap3A_387 = vector.shape_cast %swap3A_386 : vector<16xi32> to vector<16xi32>
    %swap3A_388 = vector.shape_cast %select_n3A_384 : vector<16xi32> to vector<16xi32>
    tpu.vector_store %arg12[%swap3A_385], %swap3A_388 {strides = array<i32>} : memref<80xi32, #tpu.memory_space<vmem>>, vector<16xi32>,
    %get3A_389 = arith.constant 64 : index
    %get3A_390 = tpu.vector_load %arg8[%get3A_389] {strides = array<i32>} : memref<80xi32, #tpu.memory_space<vmem>>, vector<16xi32>,
    %get3A_391 = vector.shape_cast %get3A_390 : vector<16xi32> to vector<16xi32>
    %get3A_392 = arith.constant 64 : index
    %get3A_393 = tpu.vector_load %arg12[%get3A_392] {strides = array<i32>} : memref<80xi32, #tpu.memory_space<vmem>>, vector<16xi32>,
    %get3A_394 = vector.shape_cast %get3A_393 : vector<16xi32> to vector<16xi32>
    %eq3A_395 = arith.cmpi eq, %get3A_391, %get3A_394 : vector<16xi32>
    %jit3A_396 = arith.constant 10240 : i32
    %broadcast_in_dim3A_397 = vector.broadcast %jit3A_396 : i32 to vector<16xi32>
    %select_n3A_398 = arith.select %eq3A_395, %broadcast_in_dim3A_397, %get3A_394 : vector<16xi1>, vector<16xi32>
    %swap3A_399 = arith.constant 64 : index
    %swap3A_400 = tpu.vector_load %arg12[%swap3A_399] {strides = array<i32>} : memref<80xi32, #tpu.memory_space<vmem>>, vector<16xi32>,
    %swap3A_401 = vector.shape_cast %swap3A_400 : vector<16xi32> to vector<16xi32>
    %swap3A_402 = vector.shape_cast %select_n3A_398 : vector<16xi32> to vector<16xi32>
    tpu.vector_store %arg12[%swap3A_399], %swap3A_402 {strides = array<i32>} : memref<80xi32, #tpu.memory_space<vmem>>, vector<16xi32>,
    %dma_start3A_403 = arith.constant 0 : i32
    %dma_start3A_404 = arith.constant 0 : i32
    %dma_start3A_405 = tpu.memref_slice %arg2[%dma_start3A_403, %dma_start3A_404] : memref<10240x128xf32, #tpu.memory_space<hbm>> -> memref<10240x128xf32, #tpu.memory_space<hbm>>
    tpu.enqueue_indirect_dma source(%dma_start3A_405 : memref<10240x128xf32, #tpu.memory_space<hbm>>) target(%arg16 : memref<80x128xf32, #tpu.memory_space<vmem>>) offsets(%arg8 : memref<80xi32, #tpu.memory_space<vmem>>) semaphore(%arg25 : memref<!tpu.dma_semaphore, #tpu.memory_space<semaphore_mem>>)
    %dma_wait3A_406 = arith.constant 0 : i32
    %dma_wait3A_407 = arith.constant 0 : i32
    %dma_wait3A_408 = tpu.memref_slice %arg2[%dma_wait3A_406, %dma_wait3A_407] : memref<10240x128xf32, #tpu.memory_space<hbm>> -> memref<10240x128xf32, #tpu.memory_space<hbm>>
    tpu.wait_indirect_dma semaphore(%arg24 : memref<!tpu.dma_semaphore, #tpu.memory_space<semaphore_mem>>) src(%dma_wait3A_408 : memref<10240x128xf32, #tpu.memory_space<hbm>>) dst(%arg15 : memref<80x128xf32, #tpu.memory_space<vmem>>)
    %dma_start3A_409 = arith.constant 0 : i32
    %dma_start3A_410 = arith.constant 0 : i32
    %dma_start3A_411 = tpu.memref_slice %arg18[%dma_start3A_409, %dma_start3A_410] : memref<10248x128xf32, #tpu.memory_space<vmem_shared>> -> memref<10248x128xf32, #tpu.memory_space<vmem_shared>>
    tpu.enqueue_indirect_dma source(%arg15 : memref<80x128xf32, #tpu.memory_space<vmem>>) target(%dma_start3A_411 : memref<10248x128xf32, #tpu.memory_space<vmem_shared>>) offsets(%arg11 : memref<80xi32, #tpu.memory_space<vmem>>) semaphore(%arg28 : memref<!tpu.dma_semaphore, #tpu.memory_space<semaphore_mem>>) {add = true}
    %scan3A_412 = arith.constant 0 : i32
    %scan3A_413 = arith.constant 1 : i32
    %scan3A_414 = arith.constant 30 : i32
    %scan3A_415 = arith.addi %scan3A_413, %scan3A_414 : i32
    %scan3A_416 = arith.constant 1 : i32
    %scan3A_417 = scf.for %scan3A_624 = %scan3A_413 to %scan3A_415 step %scan3A_416 iter_args(%scan3A_625 = %scan3A_412) -> (i32)  : i32 {
      %mul3A_626 = arith.constant 4 : i32
      %mul3A_627 = arith.muli %scan3A_624, %mul3A_626 : i32
      %add3A_628 = arith.constant 0 : i32
      %add3A_629 = arith.addi %mul3A_627, %add3A_628 : i32
      %dma_wait3A_630 = arith.constant 0 : i32
      %dma_wait3A_631 = arith.constant 0 : i32
      %dma_wait3A_632 = tpu.memref_slice %arg18[%dma_wait3A_630, %dma_wait3A_631] : memref<10248x128xf32, #tpu.memory_space<vmem_shared>> -> memref<10248x128xf32, #tpu.memory_space<vmem_shared>>
      tpu.wait_indirect_dma semaphore(%arg27 : memref<!tpu.dma_semaphore, #tpu.memory_space<semaphore_mem>>) src(%arg14 : memref<80x128xf32, #tpu.memory_space<vmem>>) dst(%dma_wait3A_632 : memref<10248x128xf32, #tpu.memory_space<vmem_shared>>)
      %mul3A_633 = arith.constant 80 : i32
      %mul3A_634 = arith.muli %add3A_629, %mul3A_633 : i32
      %add3A_635 = arith.addi %multiple_of3A, %mul3A_634 : i32
      %multiple_of3A_636 = tpu.assume_multiple %add3A_635, 8 : i32
      %dma_start3A_637 = tpu.memref_slice %arg3[%multiple_of3A_636] : memref<320000xi32, #tpu.memory_space<hbm>> -> memref<80xi32, #tpu.memory_space<hbm>>
      %dma_start3A_638 = tpu.memref_slice %arg3[%multiple_of3A_636] : memref<320000xi32, #tpu.memory_space<hbm>> -> memref<80xi32, #tpu.memory_space<hbm>>
      tpu.enqueue_dma source(%dma_start3A_638 : memref<80xi32, #tpu.memory_space<hbm>>) target(%arg6 : memref<80xi32, #tpu.memory_space<vmem>>) target_semaphore(%arg19 : memref<!tpu.dma_semaphore, #tpu.memory_space<semaphore_mem>>)
      %dma_start3A_639 = tpu.memref_slice %arg4[%multiple_of3A_636] : memref<320000xi32, #tpu.memory_space<hbm>> -> memref<80xi32, #tpu.memory_space<hbm>>
      %dma_start3A_640 = tpu.memref_slice %arg4[%multiple_of3A_636] : memref<320000xi32, #tpu.memory_space<hbm>> -> memref<80xi32, #tpu.memory_space<hbm>>
      tpu.enqueue_dma source(%dma_start3A_640 : memref<80xi32, #tpu.memory_space<hbm>>) target(%arg10 : memref<80xi32, #tpu.memory_space<vmem>>) target_semaphore(%arg19 : memref<!tpu.dma_semaphore, #tpu.memory_space<semaphore_mem>>)
      %sub3A = arith.constant 1 : i32
      %sub3A_641 = arith.subi %add3A_629, %sub3A : i32
      %mul3A_642 = arith.constant 80 : i32
      %mul3A_643 = arith.muli %sub3A_641, %mul3A_642 : i32
      %add3A_644 = arith.addi %multiple_of3A, %mul3A_643 : i32
      %multiple_of3A_645 = tpu.assume_multiple %add3A_644, 8 : i32
      %dma_wait3A_646 = tpu.memref_slice %arg3[%multiple_of3A_645] : memref<320000xi32, #tpu.memory_space<hbm>> -> memref<80xi32, #tpu.memory_space<hbm>>
      %dma_wait3A_647 = tpu.memref_slice %arg3[%multiple_of3A_645] : memref<320000xi32, #tpu.memory_space<hbm>> -> memref<80xi32, #tpu.memory_space<hbm>>
      tpu.wait_dma2 semaphore(%arg22 : memref<!tpu.dma_semaphore, #tpu.memory_space<semaphore_mem>>) src(%dma_wait3A_647 : memref<80xi32, #tpu.memory_space<hbm>>) dst(%arg9 : memref<80xi32, #tpu.memory_space<vmem>>)
      %dma_wait3A_648 = tpu.memref_slice %arg4[%multiple_of3A_645] : memref<320000xi32, #tpu.memory_space<hbm>> -> memref<80xi32, #tpu.memory_space<hbm>>
      %dma_wait3A_649 = tpu.memref_slice %arg4[%multiple_of3A_645] : memref<320000xi32, #tpu.memory_space<hbm>> -> memref<80xi32, #tpu.memory_space<hbm>>
      tpu.wait_dma2 semaphore(%arg22 : memref<!tpu.dma_semaphore, #tpu.memory_space<semaphore_mem>>) src(%dma_wait3A_649 : memref<80xi32, #tpu.memory_space<hbm>>) dst(%arg13 : memref<80xi32, #tpu.memory_space<vmem>>)
      %get3A_650 = arith.constant 0 : index
      %get3A_651 = tpu.vector_load %arg9[%get3A_650] {strides = array<i32>} : memref<80xi32, #tpu.memory_space<vmem>>, vector<16xi32>,
      %get3A_652 = vector.shape_cast %get3A_651 : vector<16xi32> to vector<16xi32>
      %get3A_653 = arith.constant 0 : index
      %get3A_654 = tpu.vector_load %arg13[%get3A_653] {strides = array<i32>} : memref<80xi32, #tpu.memory_space<vmem>>, vector<16xi32>,
      %get3A_655 = vector.shape_cast %get3A_654 : vector<16xi32> to vector<16xi32>
      %eq3A_656 = arith.cmpi eq, %get3A_652, %get3A_655 : vector<16xi32>
      %jit3A_657 = arith.constant 10240 : i32
      %broadcast_in_dim3A_658 = vector.broadcast %jit3A_657 : i32 to vector<16xi32>
      %select_n3A_659 = arith.select %eq3A_656, %broadcast_in_dim3A_658, %get3A_655 : vector<16xi1>, vector<16xi32>
      %swap3A_660 = arith.constant 0 : index
      %swap3A_661 = tpu.vector_load %arg13[%swap3A_660] {strides = array<i32>} : memref<80xi32, #tpu.memory_space<vmem>>, vector<16xi32>,
      %swap3A_662 = vector.shape_cast %swap3A_661 : vector<16xi32> to vector<16xi32>
      %swap3A_663 = vector.shape_cast %select_n3A_659 : vector<16xi32> to vector<16xi32>
      tpu.vector_store %arg13[%swap3A_660], %swap3A_663 {strides = array<i32>} : memref<80xi32, #tpu.memory_space<vmem>>, vector<16xi32>,
      %get3A_664 = arith.constant 16 : index
      %get3A_665 = tpu.vector_load %arg9[%get3A_664] {strides = array<i32>} : memref<80xi32, #tpu.memory_space<vmem>>, vector<16xi32>,
      %get3A_666 = vector.shape_cast %get3A_665 : vector<16xi32> to vector<16xi32>
      %get3A_667 = arith.constant 16 : index
      %get3A_668 = tpu.vector_load %arg13[%get3A_667] {strides = array<i32>} : memref<80xi32, #tpu.memory_space<vmem>>, vector<16xi32>,
      %get3A_669 = vector.shape_cast %get3A_668 : vector<16xi32> to vector<16xi32>
      %eq3A_670 = arith.cmpi eq, %get3A_666, %get3A_669 : vector<16xi32>
      %jit3A_671 = arith.constant 10240 : i32
      %broadcast_in_dim3A_672 = vector.broadcast %jit3A_671 : i32 to vector<16xi32>
      %select_n3A_673 = arith.select %eq3A_670, %broadcast_in_dim3A_672, %get3A_669 : vector<16xi1>, vector<16xi32>
      %swap3A_674 = arith.constant 16 : index
      %swap3A_675 = tpu.vector_load %arg13[%swap3A_674] {strides = array<i32>} : memref<80xi32, #tpu.memory_space<vmem>>, vector<16xi32>,
      %swap3A_676 = vector.shape_cast %swap3A_675 : vector<16xi32> to vector<16xi32>
      %swap3A_677 = vector.shape_cast %select_n3A_673 : vector<16xi32> to vector<16xi32>
      tpu.vector_store %arg13[%swap3A_674], %swap3A_677 {strides = array<i32>} : memref<80xi32, #tpu.memory_space<vmem>>, vector<16xi32>,
      %get3A_678 = arith.constant 32 : index
      %get3A_679 = tpu.vector_load %arg9[%get3A_678] {strides = array<i32>} : memref<80xi32, #tpu.memory_space<vmem>>, vector<16xi32>,
      %get3A_680 = vector.shape_cast %get3A_679 : vector<16xi32> to vector<16xi32>
      %get3A_681 = arith.constant 32 : index
      %get3A_682 = tpu.vector_load %arg13[%get3A_681] {strides = array<i32>} : memref<80xi32, #tpu.memory_space<vmem>>, vector<16xi32>,
      %get3A_683 = vector.shape_cast %get3A_682 : vector<16xi32> to vector<16xi32>
      %eq3A_684 = arith.cmpi eq, %get3A_680, %get3A_683 : vector<16xi32>
      %jit3A_685 = arith.constant 10240 : i32
      %broadcast_in_dim3A_686 = vector.broadcast %jit3A_685 : i32 to vector<16xi32>
      %select_n3A_687 = arith.select %eq3A_684, %broadcast_in_dim3A_686, %get3A_683 : vector<16xi1>, vector<16xi32>
      %swap3A_688 = arith.constant 32 : index
      %swap3A_689 = tpu.vector_load %arg13[%swap3A_688] {strides = array<i32>} : memref<80xi32, #tpu.memory_space<vmem>>, vector<16xi32>,
      %swap3A_690 = vector.shape_cast %swap3A_689 : vector<16xi32> to vector<16xi32>
      %swap3A_691 = vector.shape_cast %select_n3A_687 : vector<16xi32> to vector<16xi32>
      tpu.vector_store %arg13[%swap3A_688], %swap3A_691 {strides = array<i32>} : memref<80xi32, #tpu.memory_space<vmem>>, vector<16xi32>,
      %get3A_692 = arith.constant 48 : index
      %get3A_693 = tpu.vector_load %arg9[%get3A_692] {strides = array<i32>} : memref<80xi32, #tpu.memory_space<vmem>>, vector<16xi32>,
      %get3A_694 = vector.shape_cast %get3A_693 : vector<16xi32> to vector<16xi32>
      %get3A_695 = arith.constant 48 : index
      %get3A_696 = tpu.vector_load %arg13[%get3A_695] {strides = array<i32>} : memref<80xi32, #tpu.memory_space<vmem>>, vector<16xi32>,
      %get3A_697 = vector.shape_cast %get3A_696 : vector<16xi32> to vector<16xi32>
      %eq3A_698 = arith.cmpi eq, %get3A_694, %get3A_697 : vector<16xi32>
      %jit3A_699 = arith.constant 10240 : i32
      %broadcast_in_dim3A_700 = vector.broadcast %jit3A_699 : i32 to vector<16xi32>
      %select_n3A_701 = arith.select %eq3A_698, %broadcast_in_dim3A_700, %get3A_697 : vector<16xi1>, vector<16xi32>
      %swap3A_702 = arith.constant 48 : index
      %swap3A_703 = tpu.vector_load %arg13[%swap3A_702] {strides = array<i32>} : memref<80xi32, #tpu.memory_space<vmem>>, vector<16xi32>,
      %swap3A_704 = vector.shape_cast %swap3A_703 : vector<16xi32> to vector<16xi32>
      %swap3A_705 = vector.shape_cast %select_n3A_701 : vector<16xi32> to vector<16xi32>
      tpu.vector_store %arg13[%swap3A_702], %swap3A_705 {strides = array<i32>} : memref<80xi32, #tpu.memory_space<vmem>>, vector<16xi32>,
      %get3A_706 = arith.constant 64 : index
      %get3A_707 = tpu.vector_load %arg9[%get3A_706] {strides = array<i32>} : memref<80xi32, #tpu.memory_space<vmem>>, vector<16xi32>,
      %get3A_708 = vector.shape_cast %get3A_707 : vector<16xi32> to vector<16xi32>
      %get3A_709 = arith.constant 64 : index
      %get3A_710 = tpu.vector_load %arg13[%get3A_709] {strides = array<i32>} : memref<80xi32, #tpu.memory_space<vmem>>, vector<16xi32>,
      %get3A_711 = vector.shape_cast %get3A_710 : vector<16xi32> to vector<16xi32>
      %eq3A_712 = arith.cmpi eq, %get3A_708, %get3A_711 : vector<16xi32>
      %jit3A_713 = arith.constant 10240 : i32
      %broadcast_in_dim3A_714 = vector.broadcast %jit3A_713 : i32 to vector<16xi32>
      %select_n3A_715 = arith.select %eq3A_712, %broadcast_in_dim3A_714, %get3A_711 : vector<16xi1>, vector<16xi32>
      %swap3A_716 = arith.constant 64 : index
      %swap3A_717 = tpu.vector_load %arg13[%swap3A_716] {strides = array<i32>} : memref<80xi32, #tpu.memory_space<vmem>>, vector<16xi32>,
      %swap3A_718 = vector.shape_cast %swap3A_717 : vector<16xi32> to vector<16xi32>
      %swap3A_719 = vector.shape_cast %select_n3A_715 : vector<16xi32> to vector<16xi32>
      tpu.vector_store %arg13[%swap3A_716], %swap3A_719 {strides = array<i32>} : memref<80xi32, #tpu.memory_space<vmem>>, vector<16xi32>,
      %dma_start3A_720 = arith.constant 0 : i32
      %dma_start3A_721 = arith.constant 0 : i32
      %dma_start3A_722 = tpu.memref_slice %arg2[%dma_start3A_720, %dma_start3A_721] : memref<10240x128xf32, #tpu.memory_space<hbm>> -> memref<10240x128xf32, #tpu.memory_space<hbm>>
      tpu.enqueue_indirect_dma source(%dma_start3A_722 : memref<10240x128xf32, #tpu.memory_space<hbm>>) target(%arg17 : memref<80x128xf32, #tpu.memory_space<vmem>>) offsets(%arg9 : memref<80xi32, #tpu.memory_space<vmem>>) semaphore(%arg26 : memref<!tpu.dma_semaphore, #tpu.memory_space<semaphore_mem>>)
      %dma_wait3A_723 = arith.constant 0 : i32
      %dma_wait3A_724 = arith.constant 0 : i32
      %dma_wait3A_725 = tpu.memref_slice %arg2[%dma_wait3A_723, %dma_wait3A_724] : memref<10240x128xf32, #tpu.memory_space<hbm>> -> memref<10240x128xf32, #tpu.memory_space<hbm>>
      tpu.wait_indirect_dma semaphore(%arg25 : memref<!tpu.dma_semaphore, #tpu.memory_space<semaphore_mem>>) src(%dma_wait3A_725 : memref<10240x128xf32, #tpu.memory_space<hbm>>) dst(%arg16 : memref<80x128xf32, #tpu.memory_space<vmem>>)
      %dma_start3A_726 = arith.constant 0 : i32
      %dma_start3A_727 = arith.constant 0 : i32
      %dma_start3A_728 = tpu.memref_slice %arg18[%dma_start3A_726, %dma_start3A_727] : memref<10248x128xf32, #tpu.memory_space<vmem_shared>> -> memref<10248x128xf32, #tpu.memory_space<vmem_shared>>
      tpu.enqueue_indirect_dma source(%arg16 : memref<80x128xf32, #tpu.memory_space<vmem>>) target(%dma_start3A_728 : memref<10248x128xf32, #tpu.memory_space<vmem_shared>>) offsets(%arg12 : memref<80xi32, #tpu.memory_space<vmem>>) semaphore(%arg29 : memref<!tpu.dma_semaphore, #tpu.memory_space<semaphore_mem>>) {add = true}
      %mul3A_729 = arith.constant 4 : i32
      %mul3A_730 = arith.muli %scan3A_624, %mul3A_729 : i32
      %add3A_731 = arith.constant 1 : i32
      %add3A_732 = arith.addi %mul3A_730, %add3A_731 : i32
      %dma_wait3A_733 = arith.constant 0 : i32
      %dma_wait3A_734 = arith.constant 0 : i32
      %dma_wait3A_735 = tpu.memref_slice %arg18[%dma_wait3A_733, %dma_wait3A_734] : memref<10248x128xf32, #tpu.memory_space<vmem_shared>> -> memref<10248x128xf32, #tpu.memory_space<vmem_shared>>
      tpu.wait_indirect_dma semaphore(%arg28 : memref<!tpu.dma_semaphore, #tpu.memory_space<semaphore_mem>>) src(%arg15 : memref<80x128xf32, #tpu.memory_space<vmem>>) dst(%dma_wait3A_735 : memref<10248x128xf32, #tpu.memory_space<vmem_shared>>)
      %mul3A_736 = arith.constant 80 : i32
      %mul3A_737 = arith.muli %add3A_732, %mul3A_736 : i32
      %add3A_738 = arith.addi %multiple_of3A, %mul3A_737 : i32
      %multiple_of3A_739 = tpu.assume_multiple %add3A_738, 8 : i32
      %dma_start3A_740 = tpu.memref_slice %arg3[%multiple_of3A_739] : memref<320000xi32, #tpu.memory_space<hbm>> -> memref<80xi32, #tpu.memory_space<hbm>>
      %dma_start3A_741 = tpu.memref_slice %arg3[%multiple_of3A_739] : memref<320000xi32, #tpu.memory_space<hbm>> -> memref<80xi32, #tpu.memory_space<hbm>>
      tpu.enqueue_dma source(%dma_start3A_741 : memref<80xi32, #tpu.memory_space<hbm>>) target(%arg7 : memref<80xi32, #tpu.memory_space<vmem>>) target_semaphore(%arg20 : memref<!tpu.dma_semaphore, #tpu.memory_space<semaphore_mem>>)
      %dma_start3A_742 = tpu.memref_slice %arg4[%multiple_of3A_739] : memref<320000xi32, #tpu.memory_space<hbm>> -> memref<80xi32, #tpu.memory_space<hbm>>
      %dma_start3A_743 = tpu.memref_slice %arg4[%multiple_of3A_739] : memref<320000xi32, #tpu.memory_space<hbm>> -> memref<80xi32, #tpu.memory_space<hbm>>
      tpu.enqueue_dma source(%dma_start3A_743 : memref<80xi32, #tpu.memory_space<hbm>>) target(%arg11 : memref<80xi32, #tpu.memory_space<vmem>>) target_semaphore(%arg20 : memref<!tpu.dma_semaphore, #tpu.memory_space<semaphore_mem>>)
      %sub3A_744 = arith.constant 1 : i32
      %sub3A_745 = arith.subi %add3A_732, %sub3A_744 : i32
      %mul3A_746 = arith.constant 80 : i32
      %mul3A_747 = arith.muli %sub3A_745, %mul3A_746 : i32
      %add3A_748 = arith.addi %multiple_of3A, %mul3A_747 : i32
      %multiple_of3A_749 = tpu.assume_multiple %add3A_748, 8 : i32
      %dma_wait3A_750 = tpu.memref_slice %arg3[%multiple_of3A_749] : memref<320000xi32, #tpu.memory_space<hbm>> -> memref<80xi32, #tpu.memory_space<hbm>>
      %dma_wait3A_751 = tpu.memref_slice %arg3[%multiple_of3A_749] : memref<320000xi32, #tpu.memory_space<hbm>> -> memref<80xi32, #tpu.memory_space<hbm>>
      tpu.wait_dma2 semaphore(%arg19 : memref<!tpu.dma_semaphore, #tpu.memory_space<semaphore_mem>>) src(%dma_wait3A_751 : memref<80xi32, #tpu.memory_space<hbm>>) dst(%arg6 : memref<80xi32, #tpu.memory_space<vmem>>)
      %dma_wait3A_752 = tpu.memref_slice %arg4[%multiple_of3A_749] : memref<320000xi32, #tpu.memory_space<hbm>> -> memref<80xi32, #tpu.memory_space<hbm>>
      %dma_wait3A_753 = tpu.memref_slice %arg4[%multiple_of3A_749] : memref<320000xi32, #tpu.memory_space<hbm>> -> memref<80xi32, #tpu.memory_space<hbm>>
      tpu.wait_dma2 semaphore(%arg19 : memref<!tpu.dma_semaphore, #tpu.memory_space<semaphore_mem>>) src(%dma_wait3A_753 : memref<80xi32, #tpu.memory_space<hbm>>) dst(%arg10 : memref<80xi32, #tpu.memory_space<vmem>>)
      %get3A_754 = arith.constant 0 : index
      %get3A_755 = tpu.vector_load %arg6[%get3A_754] {strides = array<i32>} : memref<80xi32, #tpu.memory_space<vmem>>, vector<16xi32>,
      %get3A_756 = vector.shape_cast %get3A_755 : vector<16xi32> to vector<16xi32>
      %get3A_757 = arith.constant 0 : index
      %get3A_758 = tpu.vector_load %arg10[%get3A_757] {strides = array<i32>} : memref<80xi32, #tpu.memory_space<vmem>>, vector<16xi32>,
      %get3A_759 = vector.shape_cast %get3A_758 : vector<16xi32> to vector<16xi32>
      %eq3A_760 = arith.cmpi eq, %get3A_756, %get3A_759 : vector<16xi32>
      %jit3A_761 = arith.constant 10240 : i32
      %broadcast_in_dim3A_762 = vector.broadcast %jit3A_761 : i32 to vector<16xi32>
      %select_n3A_763 = arith.select %eq3A_760, %broadcast_in_dim3A_762, %get3A_759 : vector<16xi1>, vector<16xi32>
      %swap3A_764 = arith.constant 0 : index
      %swap3A_765 = tpu.vector_load %arg10[%swap3A_764] {strides = array<i32>} : memref<80xi32, #tpu.memory_space<vmem>>, vector<16xi32>,
      %swap3A_766 = vector.shape_cast %swap3A_765 : vector<16xi32> to vector<16xi32>
      %swap3A_767 = vector.shape_cast %select_n3A_763 : vector<16xi32> to vector<16xi32>
      tpu.vector_store %arg10[%swap3A_764], %swap3A_767 {strides = array<i32>} : memref<80xi32, #tpu.memory_space<vmem>>, vector<16xi32>,
      %get3A_768 = arith.constant 16 : index
      %get3A_769 = tpu.vector_load %arg6[%get3A_768] {strides = array<i32>} : memref<80xi32, #tpu.memory_space<vmem>>, vector<16xi32>,
      %get3A_770 = vector.shape_cast %get3A_769 : vector<16xi32> to vector<16xi32>
      %get3A_771 = arith.constant 16 : index
      %get3A_772 = tpu.vector_load %arg10[%get3A_771] {strides = array<i32>} : memref<80xi32, #tpu.memory_space<vmem>>, vector<16xi32>,
      %get3A_773 = vector.shape_cast %get3A_772 : vector<16xi32> to vector<16xi32>
      %eq3A_774 = arith.cmpi eq, %get3A_770, %get3A_773 : vector<16xi32>
      %jit3A_775 = arith.constant 10240 : i32
      %broadcast_in_dim3A_776 = vector.broadcast %jit3A_775 : i32 to vector<16xi32>
      %select_n3A_777 = arith.select %eq3A_774, %broadcast_in_dim3A_776, %get3A_773 : vector<16xi1>, vector<16xi32>
      %swap3A_778 = arith.constant 16 : index
      %swap3A_779 = tpu.vector_load %arg10[%swap3A_778] {strides = array<i32>} : memref<80xi32, #tpu.memory_space<vmem>>, vector<16xi32>,
      %swap3A_780 = vector.shape_cast %swap3A_779 : vector<16xi32> to vector<16xi32>
      %swap3A_781 = vector.shape_cast %select_n3A_777 : vector<16xi32> to vector<16xi32>
      tpu.vector_store %arg10[%swap3A_778], %swap3A_781 {strides = array<i32>} : memref<80xi32, #tpu.memory_space<vmem>>, vector<16xi32>,
      %get3A_782 = arith.constant 32 : index
      %get3A_783 = tpu.vector_load %arg6[%get3A_782] {strides = array<i32>} : memref<80xi32, #tpu.memory_space<vmem>>, vector<16xi32>,
      %get3A_784 = vector.shape_cast %get3A_783 : vector<16xi32> to vector<16xi32>
      %get3A_785 = arith.constant 32 : index
      %get3A_786 = tpu.vector_load %arg10[%get3A_785] {strides = array<i32>} : memref<80xi32, #tpu.memory_space<vmem>>, vector<16xi32>,
      %get3A_787 = vector.shape_cast %get3A_786 : vector<16xi32> to vector<16xi32>
      %eq3A_788 = arith.cmpi eq, %get3A_784, %get3A_787 : vector<16xi32>
      %jit3A_789 = arith.constant 10240 : i32
      %broadcast_in_dim3A_790 = vector.broadcast %jit3A_789 : i32 to vector<16xi32>
      %select_n3A_791 = arith.select %eq3A_788, %broadcast_in_dim3A_790, %get3A_787 : vector<16xi1>, vector<16xi32>
      %swap3A_792 = arith.constant 32 : index
      %swap3A_793 = tpu.vector_load %arg10[%swap3A_792] {strides = array<i32>} : memref<80xi32, #tpu.memory_space<vmem>>, vector<16xi32>,
      %swap3A_794 = vector.shape_cast %swap3A_793 : vector<16xi32> to vector<16xi32>
      %swap3A_795 = vector.shape_cast %select_n3A_791 : vector<16xi32> to vector<16xi32>
      tpu.vector_store %arg10[%swap3A_792], %swap3A_795 {strides = array<i32>} : memref<80xi32, #tpu.memory_space<vmem>>, vector<16xi32>,
      %get3A_796 = arith.constant 48 : index
      %get3A_797 = tpu.vector_load %arg6[%get3A_796] {strides = array<i32>} : memref<80xi32, #tpu.memory_space<vmem>>, vector<16xi32>,
      %get3A_798 = vector.shape_cast %get3A_797 : vector<16xi32> to vector<16xi32>
      %get3A_799 = arith.constant 48 : index
      %get3A_800 = tpu.vector_load %arg10[%get3A_799] {strides = array<i32>} : memref<80xi32, #tpu.memory_space<vmem>>, vector<16xi32>,
      %get3A_801 = vector.shape_cast %get3A_800 : vector<16xi32> to vector<16xi32>
      %eq3A_802 = arith.cmpi eq, %get3A_798, %get3A_801 : vector<16xi32>
      %jit3A_803 = arith.constant 10240 : i32
      %broadcast_in_dim3A_804 = vector.broadcast %jit3A_803 : i32 to vector<16xi32>
      %select_n3A_805 = arith.select %eq3A_802, %broadcast_in_dim3A_804, %get3A_801 : vector<16xi1>, vector<16xi32>
      %swap3A_806 = arith.constant 48 : index
      %swap3A_807 = tpu.vector_load %arg10[%swap3A_806] {strides = array<i32>} : memref<80xi32, #tpu.memory_space<vmem>>, vector<16xi32>,
      %swap3A_808 = vector.shape_cast %swap3A_807 : vector<16xi32> to vector<16xi32>
      %swap3A_809 = vector.shape_cast %select_n3A_805 : vector<16xi32> to vector<16xi32>
      tpu.vector_store %arg10[%swap3A_806], %swap3A_809 {strides = array<i32>} : memref<80xi32, #tpu.memory_space<vmem>>, vector<16xi32>,
      %get3A_810 = arith.constant 64 : index
      %get3A_811 = tpu.vector_load %arg6[%get3A_810] {strides = array<i32>} : memref<80xi32, #tpu.memory_space<vmem>>, vector<16xi32>,
      %get3A_812 = vector.shape_cast %get3A_811 : vector<16xi32> to vector<16xi32>
      %get3A_813 = arith.constant 64 : index
      %get3A_814 = tpu.vector_load %arg10[%get3A_813] {strides = array<i32>} : memref<80xi32, #tpu.memory_space<vmem>>, vector<16xi32>,
      %get3A_815 = vector.shape_cast %get3A_814 : vector<16xi32> to vector<16xi32>
      %eq3A_816 = arith.cmpi eq, %get3A_812, %get3A_815 : vector<16xi32>
      %jit3A_817 = arith.constant 10240 : i32
      %broadcast_in_dim3A_818 = vector.broadcast %jit3A_817 : i32 to vector<16xi32>
      %select_n3A_819 = arith.select %eq3A_816, %broadcast_in_dim3A_818, %get3A_815 : vector<16xi1>, vector<16xi32>
      %swap3A_820 = arith.constant 64 : index
      %swap3A_821 = tpu.vector_load %arg10[%swap3A_820] {strides = array<i32>} : memref<80xi32, #tpu.memory_space<vmem>>, vector<16xi32>,
      %swap3A_822 = vector.shape_cast %swap3A_821 : vector<16xi32> to vector<16xi32>
      %swap3A_823 = vector.shape_cast %select_n3A_819 : vector<16xi32> to vector<16xi32>
      tpu.vector_store %arg10[%swap3A_820], %swap3A_823 {strides = array<i32>} : memref<80xi32, #tpu.memory_space<vmem>>, vector<16xi32>,
      %dma_start3A_824 = arith.constant 0 : i32
      %dma_start3A_825 = arith.constant 0 : i32
      %dma_start3A_826 = tpu.memref_slice %arg2[%dma_start3A_824, %dma_start3A_825] : memref<10240x128xf32, #tpu.memory_space<hbm>> -> memref<10240x128xf32, #tpu.memory_space<hbm>>
      tpu.enqueue_indirect_dma source(%dma_start3A_826 : memref<10240x128xf32, #tpu.memory_space<hbm>>) target(%arg14 : memref<80x128xf32, #tpu.memory_space<vmem>>) offsets(%arg6 : memref<80xi32, #tpu.memory_space<vmem>>) semaphore(%arg23 : memref<!tpu.dma_semaphore, #tpu.memory_space<semaphore_mem>>)
      %dma_wait3A_827 = arith.constant 0 : i32
      %dma_wait3A_828 = arith.constant 0 : i32
      %dma_wait3A_829 = tpu.memref_slice %arg2[%dma_wait3A_827, %dma_wait3A_828] : memref<10240x128xf32, #tpu.memory_space<hbm>> -> memref<10240x128xf32, #tpu.memory_space<hbm>>
      tpu.wait_indirect_dma semaphore(%arg26 : memref<!tpu.dma_semaphore, #tpu.memory_space<semaphore_mem>>) src(%dma_wait3A_829 : memref<10240x128xf32, #tpu.memory_space<hbm>>) dst(%arg17 : memref<80x128xf32, #tpu.memory_space<vmem>>)
      %dma_start3A_830 = arith.constant 0 : i32
      %dma_start3A_831 = arith.constant 0 : i32
      %dma_start3A_832 = tpu.memref_slice %arg18[%dma_start3A_830, %dma_start3A_831] : memref<10248x128xf32, #tpu.memory_space<vmem_shared>> -> memref<10248x128xf32, #tpu.memory_space<vmem_shared>>
      tpu.enqueue_indirect_dma source(%arg17 : memref<80x128xf32, #tpu.memory_space<vmem>>) target(%dma_start3A_832 : memref<10248x128xf32, #tpu.memory_space<vmem_shared>>) offsets(%arg13 : memref<80xi32, #tpu.memory_space<vmem>>) semaphore(%arg30 : memref<!tpu.dma_semaphore, #tpu.memory_space<semaphore_mem>>) {add = true}
      %mul3A_833 = arith.constant 4 : i32
      %mul3A_834 = arith.muli %scan3A_624, %mul3A_833 : i32
      %add3A_835 = arith.constant 2 : i32
      %add3A_836 = arith.addi %mul3A_834, %add3A_835 : i32
      %dma_wait3A_837 = arith.constant 0 : i32
      %dma_wait3A_838 = arith.constant 0 : i32
      %dma_wait3A_839 = tpu.memref_slice %arg18[%dma_wait3A_837, %dma_wait3A_838] : memref<10248x128xf32, #tpu.memory_space<vmem_shared>> -> memref<10248x128xf32, #tpu.memory_space<vmem_shared>>
      tpu.wait_indirect_dma semaphore(%arg29 : memref<!tpu.dma_semaphore, #tpu.memory_space<semaphore_mem>>) src(%arg16 : memref<80x128xf32, #tpu.memory_space<vmem>>) dst(%dma_wait3A_839 : memref<10248x128xf32, #tpu.memory_space<vmem_shared>>)
      %mul3A_840 = arith.constant 80 : i32
      %mul3A_841 = arith.muli %add3A_836, %mul3A_840 : i32
      %add3A_842 = arith.addi %multiple_of3A, %mul3A_841 : i32
      %multiple_of3A_843 = tpu.assume_multiple %add3A_842, 8 : i32
      %dma_start3A_844 = tpu.memref_slice %arg3[%multiple_of3A_843] : memref<320000xi32, #tpu.memory_space<hbm>> -> memref<80xi32, #tpu.memory_space<hbm>>
      %dma_start3A_845 = tpu.memref_slice %arg3[%multiple_of3A_843] : memref<320000xi32, #tpu.memory_space<hbm>> -> memref<80xi32, #tpu.memory_space<hbm>>
      tpu.enqueue_dma source(%dma_start3A_845 : memref<80xi32, #tpu.memory_space<hbm>>) target(%arg8 : memref<80xi32, #tpu.memory_space<vmem>>) target_semaphore(%arg21 : memref<!tpu.dma_semaphore, #tpu.memory_space<semaphore_mem>>)
      %dma_start3A_846 = tpu.memref_slice %arg4[%multiple_of3A_843] : memref<320000xi32, #tpu.memory_space<hbm>> -> memref<80xi32, #tpu.memory_space<hbm>>
      %dma_start3A_847 = tpu.memref_slice %arg4[%multiple_of3A_843] : memref<320000xi32, #tpu.memory_space<hbm>> -> memref<80xi32, #tpu.memory_space<hbm>>
      tpu.enqueue_dma source(%dma_start3A_847 : memref<80xi32, #tpu.memory_space<hbm>>) target(%arg12 : memref<80xi32, #tpu.memory_space<vmem>>) target_semaphore(%arg21 : memref<!tpu.dma_semaphore, #tpu.memory_space<semaphore_mem>>)
      %sub3A_848 = arith.constant 1 : i32
      %sub3A_849 = arith.subi %add3A_836, %sub3A_848 : i32
      %mul3A_850 = arith.constant 80 : i32
      %mul3A_851 = arith.muli %sub3A_849, %mul3A_850 : i32
      %add3A_852 = arith.addi %multiple_of3A, %mul3A_851 : i32
      %multiple_of3A_853 = tpu.assume_multiple %add3A_852, 8 : i32
      %dma_wait3A_854 = tpu.memref_slice %arg3[%multiple_of3A_853] : memref<320000xi32, #tpu.memory_space<hbm>> -> memref<80xi32, #tpu.memory_space<hbm>>
      %dma_wait3A_855 = tpu.memref_slice %arg3[%multiple_of3A_853] : memref<320000xi32, #tpu.memory_space<hbm>> -> memref<80xi32, #tpu.memory_space<hbm>>
      tpu.wait_dma2 semaphore(%arg20 : memref<!tpu.dma_semaphore, #tpu.memory_space<semaphore_mem>>) src(%dma_wait3A_855 : memref<80xi32, #tpu.memory_space<hbm>>) dst(%arg7 : memref<80xi32, #tpu.memory_space<vmem>>)
      %dma_wait3A_856 = tpu.memref_slice %arg4[%multiple_of3A_853] : memref<320000xi32, #tpu.memory_space<hbm>> -> memref<80xi32, #tpu.memory_space<hbm>>
      %dma_wait3A_857 = tpu.memref_slice %arg4[%multiple_of3A_853] : memref<320000xi32, #tpu.memory_space<hbm>> -> memref<80xi32, #tpu.memory_space<hbm>>
      tpu.wait_dma2 semaphore(%arg20 : memref<!tpu.dma_semaphore, #tpu.memory_space<semaphore_mem>>) src(%dma_wait3A_857 : memref<80xi32, #tpu.memory_space<hbm>>) dst(%arg11 : memref<80xi32, #tpu.memory_space<vmem>>)
      %get3A_858 = arith.constant 0 : index
      %get3A_859 = tpu.vector_load %arg7[%get3A_858] {strides = array<i32>} : memref<80xi32, #tpu.memory_space<vmem>>, vector<16xi32>,
      %get3A_860 = vector.shape_cast %get3A_859 : vector<16xi32> to vector<16xi32>
      %get3A_861 = arith.constant 0 : index
      %get3A_862 = tpu.vector_load %arg11[%get3A_861] {strides = array<i32>} : memref<80xi32, #tpu.memory_space<vmem>>, vector<16xi32>,
      %get3A_863 = vector.shape_cast %get3A_862 : vector<16xi32> to vector<16xi32>
      %eq3A_864 = arith.cmpi eq, %get3A_860, %get3A_863 : vector<16xi32>
      %jit3A_865 = arith.constant 10240 : i32
      %broadcast_in_dim3A_866 = vector.broadcast %jit3A_865 : i32 to vector<16xi32>
      %select_n3A_867 = arith.select %eq3A_864, %broadcast_in_dim3A_866, %get3A_863 : vector<16xi1>, vector<16xi32>
      %swap3A_868 = arith.constant 0 : index
      %swap3A_869 = tpu.vector_load %arg11[%swap3A_868] {strides = array<i32>} : memref<80xi32, #tpu.memory_space<vmem>>, vector<16xi32>,
      %swap3A_870 = vector.shape_cast %swap3A_869 : vector<16xi32> to vector<16xi32>
      %swap3A_871 = vector.shape_cast %select_n3A_867 : vector<16xi32> to vector<16xi32>
      tpu.vector_store %arg11[%swap3A_868], %swap3A_871 {strides = array<i32>} : memref<80xi32, #tpu.memory_space<vmem>>, vector<16xi32>,
      %get3A_872 = arith.constant 16 : index
      %get3A_873 = tpu.vector_load %arg7[%get3A_872] {strides = array<i32>} : memref<80xi32, #tpu.memory_space<vmem>>, vector<16xi32>,
      %get3A_874 = vector.shape_cast %get3A_873 : vector<16xi32> to vector<16xi32>
      %get3A_875 = arith.constant 16 : index
      %get3A_876 = tpu.vector_load %arg11[%get3A_875] {strides = array<i32>} : memref<80xi32, #tpu.memory_space<vmem>>, vector<16xi32>,
      %get3A_877 = vector.shape_cast %get3A_876 : vector<16xi32> to vector<16xi32>
      %eq3A_878 = arith.cmpi eq, %get3A_874, %get3A_877 : vector<16xi32>
      %jit3A_879 = arith.constant 10240 : i32
      %broadcast_in_dim3A_880 = vector.broadcast %jit3A_879 : i32 to vector<16xi32>
      %select_n3A_881 = arith.select %eq3A_878, %broadcast_in_dim3A_880, %get3A_877 : vector<16xi1>, vector<16xi32>
      %swap3A_882 = arith.constant 16 : index
      %swap3A_883 = tpu.vector_load %arg11[%swap3A_882] {strides = array<i32>} : memref<80xi32, #tpu.memory_space<vmem>>, vector<16xi32>,
      %swap3A_884 = vector.shape_cast %swap3A_883 : vector<16xi32> to vector<16xi32>
      %swap3A_885 = vector.shape_cast %select_n3A_881 : vector<16xi32> to vector<16xi32>
      tpu.vector_store %arg11[%swap3A_882], %swap3A_885 {strides = array<i32>} : memref<80xi32, #tpu.memory_space<vmem>>, vector<16xi32>,
      %get3A_886 = arith.constant 32 : index
      %get3A_887 = tpu.vector_load %arg7[%get3A_886] {strides = array<i32>} : memref<80xi32, #tpu.memory_space<vmem>>, vector<16xi32>,
      %get3A_888 = vector.shape_cast %get3A_887 : vector<16xi32> to vector<16xi32>
      %get3A_889 = arith.constant 32 : index
      %get3A_890 = tpu.vector_load %arg11[%get3A_889] {strides = array<i32>} : memref<80xi32, #tpu.memory_space<vmem>>, vector<16xi32>,
      %get3A_891 = vector.shape_cast %get3A_890 : vector<16xi32> to vector<16xi32>
      %eq3A_892 = arith.cmpi eq, %get3A_888, %get3A_891 : vector<16xi32>
      %jit3A_893 = arith.constant 10240 : i32
      %broadcast_in_dim3A_894 = vector.broadcast %jit3A_893 : i32 to vector<16xi32>
      %select_n3A_895 = arith.select %eq3A_892, %broadcast_in_dim3A_894, %get3A_891 : vector<16xi1>, vector<16xi32>
      %swap3A_896 = arith.constant 32 : index
      %swap3A_897 = tpu.vector_load %arg11[%swap3A_896] {strides = array<i32>} : memref<80xi32, #tpu.memory_space<vmem>>, vector<16xi32>,
      %swap3A_898 = vector.shape_cast %swap3A_897 : vector<16xi32> to vector<16xi32>
      %swap3A_899 = vector.shape_cast %select_n3A_895 : vector<16xi32> to vector<16xi32>
      tpu.vector_store %arg11[%swap3A_896], %swap3A_899 {strides = array<i32>} : memref<80xi32, #tpu.memory_space<vmem>>, vector<16xi32>,
      %get3A_900 = arith.constant 48 : index
      %get3A_901 = tpu.vector_load %arg7[%get3A_900] {strides = array<i32>} : memref<80xi32, #tpu.memory_space<vmem>>, vector<16xi32>,
      %get3A_902 = vector.shape_cast %get3A_901 : vector<16xi32> to vector<16xi32>
      %get3A_903 = arith.constant 48 : index
      %get3A_904 = tpu.vector_load %arg11[%get3A_903] {strides = array<i32>} : memref<80xi32, #tpu.memory_space<vmem>>, vector<16xi32>,
      %get3A_905 = vector.shape_cast %get3A_904 : vector<16xi32> to vector<16xi32>
      %eq3A_906 = arith.cmpi eq, %get3A_902, %get3A_905 : vector<16xi32>
      %jit3A_907 = arith.constant 10240 : i32
      %broadcast_in_dim3A_908 = vector.broadcast %jit3A_907 : i32 to vector<16xi32>
      %select_n3A_909 = arith.select %eq3A_906, %broadcast_in_dim3A_908, %get3A_905 : vector<16xi1>, vector<16xi32>
      %swap3A_910 = arith.constant 48 : index
      %swap3A_911 = tpu.vector_load %arg11[%swap3A_910] {strides = array<i32>} : memref<80xi32, #tpu.memory_space<vmem>>, vector<16xi32>,
      %swap3A_912 = vector.shape_cast %swap3A_911 : vector<16xi32> to vector<16xi32>
      %swap3A_913 = vector.shape_cast %select_n3A_909 : vector<16xi32> to vector<16xi32>
      tpu.vector_store %arg11[%swap3A_910], %swap3A_913 {strides = array<i32>} : memref<80xi32, #tpu.memory_space<vmem>>, vector<16xi32>,
      %get3A_914 = arith.constant 64 : index
      %get3A_915 = tpu.vector_load %arg7[%get3A_914] {strides = array<i32>} : memref<80xi32, #tpu.memory_space<vmem>>, vector<16xi32>,
      %get3A_916 = vector.shape_cast %get3A_915 : vector<16xi32> to vector<16xi32>
      %get3A_917 = arith.constant 64 : index
      %get3A_918 = tpu.vector_load %arg11[%get3A_917] {strides = array<i32>} : memref<80xi32, #tpu.memory_space<vmem>>, vector<16xi32>,
      %get3A_919 = vector.shape_cast %get3A_918 : vector<16xi32> to vector<16xi32>
      %eq3A_920 = arith.cmpi eq, %get3A_916, %get3A_919 : vector<16xi32>
      %jit3A_921 = arith.constant 10240 : i32
      %broadcast_in_dim3A_922 = vector.broadcast %jit3A_921 : i32 to vector<16xi32>
      %select_n3A_923 = arith.select %eq3A_920, %broadcast_in_dim3A_922, %get3A_919 : vector<16xi1>, vector<16xi32>
      %swap3A_924 = arith.constant 64 : index
      %swap3A_925 = tpu.vector_load %arg11[%swap3A_924] {strides = array<i32>} : memref<80xi32, #tpu.memory_space<vmem>>, vector<16xi32>,
      %swap3A_926 = vector.shape_cast %swap3A_925 : vector<16xi32> to vector<16xi32>
      %swap3A_927 = vector.shape_cast %select_n3A_923 : vector<16xi32> to vector<16xi32>
      tpu.vector_store %arg11[%swap3A_924], %swap3A_927 {strides = array<i32>} : memref<80xi32, #tpu.memory_space<vmem>>, vector<16xi32>,
      %dma_start3A_928 = arith.constant 0 : i32
      %dma_start3A_929 = arith.constant 0 : i32
      %dma_start3A_930 = tpu.memref_slice %arg2[%dma_start3A_928, %dma_start3A_929] : memref<10240x128xf32, #tpu.memory_space<hbm>> -> memref<10240x128xf32, #tpu.memory_space<hbm>>
      tpu.enqueue_indirect_dma source(%dma_start3A_930 : memref<10240x128xf32, #tpu.memory_space<hbm>>) target(%arg15 : memref<80x128xf32, #tpu.memory_space<vmem>>) offsets(%arg7 : memref<80xi32, #tpu.memory_space<vmem>>) semaphore(%arg24 : memref<!tpu.dma_semaphore, #tpu.memory_space<semaphore_mem>>)
      %dma_wait3A_931 = arith.constant 0 : i32
      %dma_wait3A_932 = arith.constant 0 : i32
      %dma_wait3A_933 = tpu.memref_slice %arg2[%dma_wait3A_931, %dma_wait3A_932] : memref<10240x128xf32, #tpu.memory_space<hbm>> -> memref<10240x128xf32, #tpu.memory_space<hbm>>
      tpu.wait_indirect_dma semaphore(%arg23 : memref<!tpu.dma_semaphore, #tpu.memory_space<semaphore_mem>>) src(%dma_wait3A_933 : memref<10240x128xf32, #tpu.memory_space<hbm>>) dst(%arg14 : memref<80x128xf32, #tpu.memory_space<vmem>>)
      %dma_start3A_934 = arith.constant 0 : i32
      %dma_start3A_935 = arith.constant 0 : i32
      %dma_start3A_936 = tpu.memref_slice %arg18[%dma_start3A_934, %dma_start3A_935] : memref<10248x128xf32, #tpu.memory_space<vmem_shared>> -> memref<10248x128xf32, #tpu.memory_space<vmem_shared>>
      tpu.enqueue_indirect_dma source(%arg14 : memref<80x128xf32, #tpu.memory_space<vmem>>) target(%dma_start3A_936 : memref<10248x128xf32, #tpu.memory_space<vmem_shared>>) offsets(%arg10 : memref<80xi32, #tpu.memory_space<vmem>>) semaphore(%arg27 : memref<!tpu.dma_semaphore, #tpu.memory_space<semaphore_mem>>) {add = true}
      %mul3A_937 = arith.constant 4 : i32
      %mul3A_938 = arith.muli %scan3A_624, %mul3A_937 : i32
      %add3A_939 = arith.constant 3 : i32
      %add3A_940 = arith.addi %mul3A_938, %add3A_939 : i32
      %dma_wait3A_941 = arith.constant 0 : i32
      %dma_wait3A_942 = arith.constant 0 : i32
      %dma_wait3A_943 = tpu.memref_slice %arg18[%dma_wait3A_941, %dma_wait3A_942] : memref<10248x128xf32, #tpu.memory_space<vmem_shared>> -> memref<10248x128xf32, #tpu.memory_space<vmem_shared>>
      tpu.wait_indirect_dma semaphore(%arg30 : memref<!tpu.dma_semaphore, #tpu.memory_space<semaphore_mem>>) src(%arg17 : memref<80x128xf32, #tpu.memory_space<vmem>>) dst(%dma_wait3A_943 : memref<10248x128xf32, #tpu.memory_space<vmem_shared>>)
      %mul3A_944 = arith.constant 80 : i32
      %mul3A_945 = arith.muli %add3A_940, %mul3A_944 : i32
      %add3A_946 = arith.addi %multiple_of3A, %mul3A_945 : i32
      %multiple_of3A_947 = tpu.assume_multiple %add3A_946, 8 : i32
      %dma_start3A_948 = tpu.memref_slice %arg3[%multiple_of3A_947] : memref<320000xi32, #tpu.memory_space<hbm>> -> memref<80xi32, #tpu.memory_space<hbm>>
      %dma_start3A_949 = tpu.memref_slice %arg3[%multiple_of3A_947] : memref<320000xi32, #tpu.memory_space<hbm>> -> memref<80xi32, #tpu.memory_space<hbm>>
      tpu.enqueue_dma source(%dma_start3A_949 : memref<80xi32, #tpu.memory_space<hbm>>) target(%arg9 : memref<80xi32, #tpu.memory_space<vmem>>) target_semaphore(%arg22 : memref<!tpu.dma_semaphore, #tpu.memory_space<semaphore_mem>>)
      %dma_start3A_950 = tpu.memref_slice %arg4[%multiple_of3A_947] : memref<320000xi32, #tpu.memory_space<hbm>> -> memref<80xi32, #tpu.memory_space<hbm>>
      %dma_start3A_951 = tpu.memref_slice %arg4[%multiple_of3A_947] : memref<320000xi32, #tpu.memory_space<hbm>> -> memref<80xi32, #tpu.memory_space<hbm>>
      tpu.enqueue_dma source(%dma_start3A_951 : memref<80xi32, #tpu.memory_space<hbm>>) target(%arg13 : memref<80xi32, #tpu.memory_space<vmem>>) target_semaphore(%arg22 : memref<!tpu.dma_semaphore, #tpu.memory_space<semaphore_mem>>)
      %sub3A_952 = arith.constant 1 : i32
      %sub3A_953 = arith.subi %add3A_940, %sub3A_952 : i32
      %mul3A_954 = arith.constant 80 : i32
      %mul3A_955 = arith.muli %sub3A_953, %mul3A_954 : i32
      %add3A_956 = arith.addi %multiple_of3A, %mul3A_955 : i32
      %multiple_of3A_957 = tpu.assume_multiple %add3A_956, 8 : i32
      %dma_wait3A_958 = tpu.memref_slice %arg3[%multiple_of3A_957] : memref<320000xi32, #tpu.memory_space<hbm>> -> memref<80xi32, #tpu.memory_space<hbm>>
      %dma_wait3A_959 = tpu.memref_slice %arg3[%multiple_of3A_957] : memref<320000xi32, #tpu.memory_space<hbm>> -> memref<80xi32, #tpu.memory_space<hbm>>
      tpu.wait_dma2 semaphore(%arg21 : memref<!tpu.dma_semaphore, #tpu.memory_space<semaphore_mem>>) src(%dma_wait3A_959 : memref<80xi32, #tpu.memory_space<hbm>>) dst(%arg8 : memref<80xi32, #tpu.memory_space<vmem>>)
      %dma_wait3A_960 = tpu.memref_slice %arg4[%multiple_of3A_957] : memref<320000xi32, #tpu.memory_space<hbm>> -> memref<80xi32, #tpu.memory_space<hbm>>
      %dma_wait3A_961 = tpu.memref_slice %arg4[%multiple_of3A_957] : memref<320000xi32, #tpu.memory_space<hbm>> -> memref<80xi32, #tpu.memory_space<hbm>>
      tpu.wait_dma2 semaphore(%arg21 : memref<!tpu.dma_semaphore, #tpu.memory_space<semaphore_mem>>) src(%dma_wait3A_961 : memref<80xi32, #tpu.memory_space<hbm>>) dst(%arg12 : memref<80xi32, #tpu.memory_space<vmem>>)
      %get3A_962 = arith.constant 0 : index
      %get3A_963 = tpu.vector_load %arg8[%get3A_962] {strides = array<i32>} : memref<80xi32, #tpu.memory_space<vmem>>, vector<16xi32>,
      %get3A_964 = vector.shape_cast %get3A_963 : vector<16xi32> to vector<16xi32>
      %get3A_965 = arith.constant 0 : index
      %get3A_966 = tpu.vector_load %arg12[%get3A_965] {strides = array<i32>} : memref<80xi32, #tpu.memory_space<vmem>>, vector<16xi32>,
      %get3A_967 = vector.shape_cast %get3A_966 : vector<16xi32> to vector<16xi32>
      %eq3A_968 = arith.cmpi eq, %get3A_964, %get3A_967 : vector<16xi32>
      %jit3A_969 = arith.constant 10240 : i32
      %broadcast_in_dim3A_970 = vector.broadcast %jit3A_969 : i32 to vector<16xi32>
      %select_n3A_971 = arith.select %eq3A_968, %broadcast_in_dim3A_970, %get3A_967 : vector<16xi1>, vector<16xi32>
      %swap3A_972 = arith.constant 0 : index
      %swap3A_973 = tpu.vector_load %arg12[%swap3A_972] {strides = array<i32>} : memref<80xi32, #tpu.memory_space<vmem>>, vector<16xi32>,
      %swap3A_974 = vector.shape_cast %swap3A_973 : vector<16xi32> to vector<16xi32>
      %swap3A_975 = vector.shape_cast %select_n3A_971 : vector<16xi32> to vector<16xi32>
      tpu.vector_store %arg12[%swap3A_972], %swap3A_975 {strides = array<i32>} : memref<80xi32, #tpu.memory_space<vmem>>, vector<16xi32>,
      %get3A_976 = arith.constant 16 : index
      %get3A_977 = tpu.vector_load %arg8[%get3A_976] {strides = array<i32>} : memref<80xi32, #tpu.memory_space<vmem>>, vector<16xi32>,
      %get3A_978 = vector.shape_cast %get3A_977 : vector<16xi32> to vector<16xi32>
      %get3A_979 = arith.constant 16 : index
      %get3A_980 = tpu.vector_load %arg12[%get3A_979] {strides = array<i32>} : memref<80xi32, #tpu.memory_space<vmem>>, vector<16xi32>,
      %get3A_981 = vector.shape_cast %get3A_980 : vector<16xi32> to vector<16xi32>
      %eq3A_982 = arith.cmpi eq, %get3A_978, %get3A_981 : vector<16xi32>
      %jit3A_983 = arith.constant 10240 : i32
      %broadcast_in_dim3A_984 = vector.broadcast %jit3A_983 : i32 to vector<16xi32>
      %select_n3A_985 = arith.select %eq3A_982, %broadcast_in_dim3A_984, %get3A_981 : vector<16xi1>, vector<16xi32>
      %swap3A_986 = arith.constant 16 : index
      %swap3A_987 = tpu.vector_load %arg12[%swap3A_986] {strides = array<i32>} : memref<80xi32, #tpu.memory_space<vmem>>, vector<16xi32>,
      %swap3A_988 = vector.shape_cast %swap3A_987 : vector<16xi32> to vector<16xi32>
      %swap3A_989 = vector.shape_cast %select_n3A_985 : vector<16xi32> to vector<16xi32>
      tpu.vector_store %arg12[%swap3A_986], %swap3A_989 {strides = array<i32>} : memref<80xi32, #tpu.memory_space<vmem>>, vector<16xi32>,
      %get3A_990 = arith.constant 32 : index
      %get3A_991 = tpu.vector_load %arg8[%get3A_990] {strides = array<i32>} : memref<80xi32, #tpu.memory_space<vmem>>, vector<16xi32>,
      %get3A_992 = vector.shape_cast %get3A_991 : vector<16xi32> to vector<16xi32>
      %get3A_993 = arith.constant 32 : index
      %get3A_994 = tpu.vector_load %arg12[%get3A_993] {strides = array<i32>} : memref<80xi32, #tpu.memory_space<vmem>>, vector<16xi32>,
      %get3A_995 = vector.shape_cast %get3A_994 : vector<16xi32> to vector<16xi32>
      %eq3A_996 = arith.cmpi eq, %get3A_992, %get3A_995 : vector<16xi32>
      %jit3A_997 = arith.constant 10240 : i32
      %broadcast_in_dim3A_998 = vector.broadcast %jit3A_997 : i32 to vector<16xi32>
      %select_n3A_999 = arith.select %eq3A_996, %broadcast_in_dim3A_998, %get3A_995 : vector<16xi1>, vector<16xi32>
      %swap3A_1000 = arith.constant 32 : index
      %swap3A_1001 = tpu.vector_load %arg12[%swap3A_1000] {strides = array<i32>} : memref<80xi32, #tpu.memory_space<vmem>>, vector<16xi32>,
      %swap3A_1002 = vector.shape_cast %swap3A_1001 : vector<16xi32> to vector<16xi32>
      %swap3A_1003 = vector.shape_cast %select_n3A_999 : vector<16xi32> to vector<16xi32>
      tpu.vector_store %arg12[%swap3A_1000], %swap3A_1003 {strides = array<i32>} : memref<80xi32, #tpu.memory_space<vmem>>, vector<16xi32>,
      %get3A_1004 = arith.constant 48 : index
      %get3A_1005 = tpu.vector_load %arg8[%get3A_1004] {strides = array<i32>} : memref<80xi32, #tpu.memory_space<vmem>>, vector<16xi32>,
      %get3A_1006 = vector.shape_cast %get3A_1005 : vector<16xi32> to vector<16xi32>
      %get3A_1007 = arith.constant 48 : index
      %get3A_1008 = tpu.vector_load %arg12[%get3A_1007] {strides = array<i32>} : memref<80xi32, #tpu.memory_space<vmem>>, vector<16xi32>,
      %get3A_1009 = vector.shape_cast %get3A_1008 : vector<16xi32> to vector<16xi32>
      %eq3A_1010 = arith.cmpi eq, %get3A_1006, %get3A_1009 : vector<16xi32>
      %jit3A_1011 = arith.constant 10240 : i32
      %broadcast_in_dim3A_1012 = vector.broadcast %jit3A_1011 : i32 to vector<16xi32>
      %select_n3A_1013 = arith.select %eq3A_1010, %broadcast_in_dim3A_1012, %get3A_1009 : vector<16xi1>, vector<16xi32>
      %swap3A_1014 = arith.constant 48 : index
      %swap3A_1015 = tpu.vector_load %arg12[%swap3A_1014] {strides = array<i32>} : memref<80xi32, #tpu.memory_space<vmem>>, vector<16xi32>,
      %swap3A_1016 = vector.shape_cast %swap3A_1015 : vector<16xi32> to vector<16xi32>
      %swap3A_1017 = vector.shape_cast %select_n3A_1013 : vector<16xi32> to vector<16xi32>
      tpu.vector_store %arg12[%swap3A_1014], %swap3A_1017 {strides = array<i32>} : memref<80xi32, #tpu.memory_space<vmem>>, vector<16xi32>,
      %get3A_1018 = arith.constant 64 : index
      %get3A_1019 = tpu.vector_load %arg8[%get3A_1018] {strides = array<i32>} : memref<80xi32, #tpu.memory_space<vmem>>, vector<16xi32>,
      %get3A_1020 = vector.shape_cast %get3A_1019 : vector<16xi32> to vector<16xi32>
      %get3A_1021 = arith.constant 64 : index
      %get3A_1022 = tpu.vector_load %arg12[%get3A_1021] {strides = array<i32>} : memref<80xi32, #tpu.memory_space<vmem>>, vector<16xi32>,
      %get3A_1023 = vector.shape_cast %get3A_1022 : vector<16xi32> to vector<16xi32>
      %eq3A_1024 = arith.cmpi eq, %get3A_1020, %get3A_1023 : vector<16xi32>
      %jit3A_1025 = arith.constant 10240 : i32
      %broadcast_in_dim3A_1026 = vector.broadcast %jit3A_1025 : i32 to vector<16xi32>
      %select_n3A_1027 = arith.select %eq3A_1024, %broadcast_in_dim3A_1026, %get3A_1023 : vector<16xi1>, vector<16xi32>
      %swap3A_1028 = arith.constant 64 : index
      %swap3A_1029 = tpu.vector_load %arg12[%swap3A_1028] {strides = array<i32>} : memref<80xi32, #tpu.memory_space<vmem>>, vector<16xi32>,
      %swap3A_1030 = vector.shape_cast %swap3A_1029 : vector<16xi32> to vector<16xi32>
      %swap3A_1031 = vector.shape_cast %select_n3A_1027 : vector<16xi32> to vector<16xi32>
      tpu.vector_store %arg12[%swap3A_1028], %swap3A_1031 {strides = array<i32>} : memref<80xi32, #tpu.memory_space<vmem>>, vector<16xi32>,
      %dma_start3A_1032 = arith.constant 0 : i32
      %dma_start3A_1033 = arith.constant 0 : i32
      %dma_start3A_1034 = tpu.memref_slice %arg2[%dma_start3A_1032, %dma_start3A_1033] : memref<10240x128xf32, #tpu.memory_space<hbm>> -> memref<10240x128xf32, #tpu.memory_space<hbm>>
      tpu.enqueue_indirect_dma source(%dma_start3A_1034 : memref<10240x128xf32, #tpu.memory_space<hbm>>) target(%arg16 : memref<80x128xf32, #tpu.memory_space<vmem>>) offsets(%arg8 : memref<80xi32, #tpu.memory_space<vmem>>) semaphore(%arg25 : memref<!tpu.dma_semaphore, #tpu.memory_space<semaphore_mem>>)
      %dma_wait3A_1035 = arith.constant 0 : i32
      %dma_wait3A_1036 = arith.constant 0 : i32
      %dma_wait3A_1037 = tpu.memref_slice %arg2[%dma_wait3A_1035, %dma_wait3A_1036] : memref<10240x128xf32, #tpu.memory_space<hbm>> -> memref<10240x128xf32, #tpu.memory_space<hbm>>
      tpu.wait_indirect_dma semaphore(%arg24 : memref<!tpu.dma_semaphore, #tpu.memory_space<semaphore_mem>>) src(%dma_wait3A_1037 : memref<10240x128xf32, #tpu.memory_space<hbm>>) dst(%arg15 : memref<80x128xf32, #tpu.memory_space<vmem>>)
      %dma_start3A_1038 = arith.constant 0 : i32
      %dma_start3A_1039 = arith.constant 0 : i32
      %dma_start3A_1040 = tpu.memref_slice %arg18[%dma_start3A_1038, %dma_start3A_1039] : memref<10248x128xf32, #tpu.memory_space<vmem_shared>> -> memref<10248x128xf32, #tpu.memory_space<vmem_shared>>
      tpu.enqueue_indirect_dma source(%arg15 : memref<80x128xf32, #tpu.memory_space<vmem>>) target(%dma_start3A_1040 : memref<10248x128xf32, #tpu.memory_space<vmem_shared>>) offsets(%arg11 : memref<80xi32, #tpu.memory_space<vmem>>) semaphore(%arg28 : memref<!tpu.dma_semaphore, #tpu.memory_space<semaphore_mem>>) {add = true}
      %scan3A_1041 = arith.constant 0 : i32
      scf.yield %scan3A_1041 : i32
    }
    %scan3A_418 = arith.constant 30 : i32
    %dma_wait3A_419 = arith.constant 0 : i32
    %dma_wait3A_420 = arith.constant 0 : i32
    %dma_wait3A_421 = tpu.memref_slice %arg18[%dma_wait3A_419, %dma_wait3A_420] : memref<10248x128xf32, #tpu.memory_space<vmem_shared>> -> memref<10248x128xf32, #tpu.memory_space<vmem_shared>>
    tpu.wait_indirect_dma semaphore(%arg27 : memref<!tpu.dma_semaphore, #tpu.memory_space<semaphore_mem>>) src(%arg14 : memref<80x128xf32, #tpu.memory_space<vmem>>) dst(%dma_wait3A_421 : memref<10248x128xf32, #tpu.memory_space<vmem_shared>>)
    %add3A_422 = arith.constant 9920 : i32
    %add3A_423 = arith.addi %multiple_of3A, %add3A_422 : i32
    %multiple_of3A_424 = tpu.assume_multiple %add3A_423, 8 : i32
    %dma_start3A_425 = tpu.memref_slice %arg3[%multiple_of3A_424] : memref<320000xi32, #tpu.memory_space<hbm>> -> memref<80xi32, #tpu.memory_space<hbm>>
    %dma_start3A_426 = tpu.memref_slice %arg3[%multiple_of3A_424] : memref<320000xi32, #tpu.memory_space<hbm>> -> memref<80xi32, #tpu.memory_space<hbm>>
    tpu.enqueue_dma source(%dma_start3A_426 : memref<80xi32, #tpu.memory_space<hbm>>) target(%arg6 : memref<80xi32, #tpu.memory_space<vmem>>) target_semaphore(%arg19 : memref<!tpu.dma_semaphore, #tpu.memory_space<semaphore_mem>>)
    %dma_start3A_427 = tpu.memref_slice %arg4[%multiple_of3A_424] : memref<320000xi32, #tpu.memory_space<hbm>> -> memref<80xi32, #tpu.memory_space<hbm>>
    %dma_start3A_428 = tpu.memref_slice %arg4[%multiple_of3A_424] : memref<320000xi32, #tpu.memory_space<hbm>> -> memref<80xi32, #tpu.memory_space<hbm>>
    tpu.enqueue_dma source(%dma_start3A_428 : memref<80xi32, #tpu.memory_space<hbm>>) target(%arg10 : memref<80xi32, #tpu.memory_space<vmem>>) target_semaphore(%arg19 : memref<!tpu.dma_semaphore, #tpu.memory_space<semaphore_mem>>)
    %add3A_429 = arith.constant 9840 : i32
    %add3A_430 = arith.addi %multiple_of3A, %add3A_429 : i32
    %multiple_of3A_431 = tpu.assume_multiple %add3A_430, 8 : i32
    %dma_wait3A_432 = tpu.memref_slice %arg3[%multiple_of3A_431] : memref<320000xi32, #tpu.memory_space<hbm>> -> memref<80xi32, #tpu.memory_space<hbm>>
    %dma_wait3A_433 = tpu.memref_slice %arg3[%multiple_of3A_431] : memref<320000xi32, #tpu.memory_space<hbm>> -> memref<80xi32, #tpu.memory_space<hbm>>
    tpu.wait_dma2 semaphore(%arg22 : memref<!tpu.dma_semaphore, #tpu.memory_space<semaphore_mem>>) src(%dma_wait3A_433 : memref<80xi32, #tpu.memory_space<hbm>>) dst(%arg9 : memref<80xi32, #tpu.memory_space<vmem>>)
    %dma_wait3A_434 = tpu.memref_slice %arg4[%multiple_of3A_431] : memref<320000xi32, #tpu.memory_space<hbm>> -> memref<80xi32, #tpu.memory_space<hbm>>
    %dma_wait3A_435 = tpu.memref_slice %arg4[%multiple_of3A_431] : memref<320000xi32, #tpu.memory_space<hbm>> -> memref<80xi32, #tpu.memory_space<hbm>>
    tpu.wait_dma2 semaphore(%arg22 : memref<!tpu.dma_semaphore, #tpu.memory_space<semaphore_mem>>) src(%dma_wait3A_435 : memref<80xi32, #tpu.memory_space<hbm>>) dst(%arg13 : memref<80xi32, #tpu.memory_space<vmem>>)
    %get3A_436 = arith.constant 0 : index
    %get3A_437 = tpu.vector_load %arg9[%get3A_436] {strides = array<i32>} : memref<80xi32, #tpu.memory_space<vmem>>, vector<16xi32>,
    %get3A_438 = vector.shape_cast %get3A_437 : vector<16xi32> to vector<16xi32>
    %get3A_439 = arith.constant 0 : index
    %get3A_440 = tpu.vector_load %arg13[%get3A_439] {strides = array<i32>} : memref<80xi32, #tpu.memory_space<vmem>>, vector<16xi32>,
    %get3A_441 = vector.shape_cast %get3A_440 : vector<16xi32> to vector<16xi32>
    %eq3A_442 = arith.cmpi eq, %get3A_438, %get3A_441 : vector<16xi32>
    %jit3A_443 = arith.constant 10240 : i32
    %broadcast_in_dim3A_444 = vector.broadcast %jit3A_443 : i32 to vector<16xi32>
    %select_n3A_445 = arith.select %eq3A_442, %broadcast_in_dim3A_444, %get3A_441 : vector<16xi1>, vector<16xi32>
    %swap3A_446 = arith.constant 0 : index
    %swap3A_447 = tpu.vector_load %arg13[%swap3A_446] {strides = array<i32>} : memref<80xi32, #tpu.memory_space<vmem>>, vector<16xi32>,
    %swap3A_448 = vector.shape_cast %swap3A_447 : vector<16xi32> to vector<16xi32>
    %swap3A_449 = vector.shape_cast %select_n3A_445 : vector<16xi32> to vector<16xi32>
    tpu.vector_store %arg13[%swap3A_446], %swap3A_449 {strides = array<i32>} : memref<80xi32, #tpu.memory_space<vmem>>, vector<16xi32>,
    %get3A_450 = arith.constant 16 : index
    %get3A_451 = tpu.vector_load %arg9[%get3A_450] {strides = array<i32>} : memref<80xi32, #tpu.memory_space<vmem>>, vector<16xi32>,
    %get3A_452 = vector.shape_cast %get3A_451 : vector<16xi32> to vector<16xi32>
    %get3A_453 = arith.constant 16 : index
    %get3A_454 = tpu.vector_load %arg13[%get3A_453] {strides = array<i32>} : memref<80xi32, #tpu.memory_space<vmem>>, vector<16xi32>,
    %get3A_455 = vector.shape_cast %get3A_454 : vector<16xi32> to vector<16xi32>
    %eq3A_456 = arith.cmpi eq, %get3A_452, %get3A_455 : vector<16xi32>
    %jit3A_457 = arith.constant 10240 : i32
    %broadcast_in_dim3A_458 = vector.broadcast %jit3A_457 : i32 to vector<16xi32>
    %select_n3A_459 = arith.select %eq3A_456, %broadcast_in_dim3A_458, %get3A_455 : vector<16xi1>, vector<16xi32>
    %swap3A_460 = arith.constant 16 : index
    %swap3A_461 = tpu.vector_load %arg13[%swap3A_460] {strides = array<i32>} : memref<80xi32, #tpu.memory_space<vmem>>, vector<16xi32>,
    %swap3A_462 = vector.shape_cast %swap3A_461 : vector<16xi32> to vector<16xi32>
    %swap3A_463 = vector.shape_cast %select_n3A_459 : vector<16xi32> to vector<16xi32>
    tpu.vector_store %arg13[%swap3A_460], %swap3A_463 {strides = array<i32>} : memref<80xi32, #tpu.memory_space<vmem>>, vector<16xi32>,
    %get3A_464 = arith.constant 32 : index
    %get3A_465 = tpu.vector_load %arg9[%get3A_464] {strides = array<i32>} : memref<80xi32, #tpu.memory_space<vmem>>, vector<16xi32>,
    %get3A_466 = vector.shape_cast %get3A_465 : vector<16xi32> to vector<16xi32>
    %get3A_467 = arith.constant 32 : index
    %get3A_468 = tpu.vector_load %arg13[%get3A_467] {strides = array<i32>} : memref<80xi32, #tpu.memory_space<vmem>>, vector<16xi32>,
    %get3A_469 = vector.shape_cast %get3A_468 : vector<16xi32> to vector<16xi32>
    %eq3A_470 = arith.cmpi eq, %get3A_466, %get3A_469 : vector<16xi32>
    %jit3A_471 = arith.constant 10240 : i32
    %broadcast_in_dim3A_472 = vector.broadcast %jit3A_471 : i32 to vector<16xi32>
    %select_n3A_473 = arith.select %eq3A_470, %broadcast_in_dim3A_472, %get3A_469 : vector<16xi1>, vector<16xi32>
    %swap3A_474 = arith.constant 32 : index
    %swap3A_475 = tpu.vector_load %arg13[%swap3A_474] {strides = array<i32>} : memref<80xi32, #tpu.memory_space<vmem>>, vector<16xi32>,
    %swap3A_476 = vector.shape_cast %swap3A_475 : vector<16xi32> to vector<16xi32>
    %swap3A_477 = vector.shape_cast %select_n3A_473 : vector<16xi32> to vector<16xi32>
    tpu.vector_store %arg13[%swap3A_474], %swap3A_477 {strides = array<i32>} : memref<80xi32, #tpu.memory_space<vmem>>, vector<16xi32>,
    %get3A_478 = arith.constant 48 : index
    %get3A_479 = tpu.vector_load %arg9[%get3A_478] {strides = array<i32>} : memref<80xi32, #tpu.memory_space<vmem>>, vector<16xi32>,
    %get3A_480 = vector.shape_cast %get3A_479 : vector<16xi32> to vector<16xi32>
    %get3A_481 = arith.constant 48 : index
    %get3A_482 = tpu.vector_load %arg13[%get3A_481] {strides = array<i32>} : memref<80xi32, #tpu.memory_space<vmem>>, vector<16xi32>,
    %get3A_483 = vector.shape_cast %get3A_482 : vector<16xi32> to vector<16xi32>
    %eq3A_484 = arith.cmpi eq, %get3A_480, %get3A_483 : vector<16xi32>
    %jit3A_485 = arith.constant 10240 : i32
    %broadcast_in_dim3A_486 = vector.broadcast %jit3A_485 : i32 to vector<16xi32>
    %select_n3A_487 = arith.select %eq3A_484, %broadcast_in_dim3A_486, %get3A_483 : vector<16xi1>, vector<16xi32>
    %swap3A_488 = arith.constant 48 : index
    %swap3A_489 = tpu.vector_load %arg13[%swap3A_488] {strides = array<i32>} : memref<80xi32, #tpu.memory_space<vmem>>, vector<16xi32>,
    %swap3A_490 = vector.shape_cast %swap3A_489 : vector<16xi32> to vector<16xi32>
    %swap3A_491 = vector.shape_cast %select_n3A_487 : vector<16xi32> to vector<16xi32>
    tpu.vector_store %arg13[%swap3A_488], %swap3A_491 {strides = array<i32>} : memref<80xi32, #tpu.memory_space<vmem>>, vector<16xi32>,
    %get3A_492 = arith.constant 64 : index
    %get3A_493 = tpu.vector_load %arg9[%get3A_492] {strides = array<i32>} : memref<80xi32, #tpu.memory_space<vmem>>, vector<16xi32>,
    %get3A_494 = vector.shape_cast %get3A_493 : vector<16xi32> to vector<16xi32>
    %get3A_495 = arith.constant 64 : index
    %get3A_496 = tpu.vector_load %arg13[%get3A_495] {strides = array<i32>} : memref<80xi32, #tpu.memory_space<vmem>>, vector<16xi32>,
    %get3A_497 = vector.shape_cast %get3A_496 : vector<16xi32> to vector<16xi32>
    %eq3A_498 = arith.cmpi eq, %get3A_494, %get3A_497 : vector<16xi32>
    %jit3A_499 = arith.constant 10240 : i32
    %broadcast_in_dim3A_500 = vector.broadcast %jit3A_499 : i32 to vector<16xi32>
    %select_n3A_501 = arith.select %eq3A_498, %broadcast_in_dim3A_500, %get3A_497 : vector<16xi1>, vector<16xi32>
    %swap3A_502 = arith.constant 64 : index
    %swap3A_503 = tpu.vector_load %arg13[%swap3A_502] {strides = array<i32>} : memref<80xi32, #tpu.memory_space<vmem>>, vector<16xi32>,
    %swap3A_504 = vector.shape_cast %swap3A_503 : vector<16xi32> to vector<16xi32>
    %swap3A_505 = vector.shape_cast %select_n3A_501 : vector<16xi32> to vector<16xi32>
    tpu.vector_store %arg13[%swap3A_502], %swap3A_505 {strides = array<i32>} : memref<80xi32, #tpu.memory_space<vmem>>, vector<16xi32>,
    %dma_start3A_506 = arith.constant 0 : i32
    %dma_start3A_507 = arith.constant 0 : i32
    %dma_start3A_508 = tpu.memref_slice %arg2[%dma_start3A_506, %dma_start3A_507] : memref<10240x128xf32, #tpu.memory_space<hbm>> -> memref<10240x128xf32, #tpu.memory_space<hbm>>
    tpu.enqueue_indirect_dma source(%dma_start3A_508 : memref<10240x128xf32, #tpu.memory_space<hbm>>) target(%arg17 : memref<80x128xf32, #tpu.memory_space<vmem>>) offsets(%arg9 : memref<80xi32, #tpu.memory_space<vmem>>) semaphore(%arg26 : memref<!tpu.dma_semaphore, #tpu.memory_space<semaphore_mem>>)
    %dma_wait3A_509 = arith.constant 0 : i32
    %dma_wait3A_510 = arith.constant 0 : i32
    %dma_wait3A_511 = tpu.memref_slice %arg2[%dma_wait3A_509, %dma_wait3A_510] : memref<10240x128xf32, #tpu.memory_space<hbm>> -> memref<10240x128xf32, #tpu.memory_space<hbm>>
    tpu.wait_indirect_dma semaphore(%arg25 : memref<!tpu.dma_semaphore, #tpu.memory_space<semaphore_mem>>) src(%dma_wait3A_511 : memref<10240x128xf32, #tpu.memory_space<hbm>>) dst(%arg16 : memref<80x128xf32, #tpu.memory_space<vmem>>)
    %dma_start3A_512 = arith.constant 0 : i32
    %dma_start3A_513 = arith.constant 0 : i32
    %dma_start3A_514 = tpu.memref_slice %arg18[%dma_start3A_512, %dma_start3A_513] : memref<10248x128xf32, #tpu.memory_space<vmem_shared>> -> memref<10248x128xf32, #tpu.memory_space<vmem_shared>>
    tpu.enqueue_indirect_dma source(%arg16 : memref<80x128xf32, #tpu.memory_space<vmem>>) target(%dma_start3A_514 : memref<10248x128xf32, #tpu.memory_space<vmem_shared>>) offsets(%arg12 : memref<80xi32, #tpu.memory_space<vmem>>) semaphore(%arg29 : memref<!tpu.dma_semaphore, #tpu.memory_space<semaphore_mem>>) {add = true}
    %add3A_515 = arith.constant 9920 : i32
    %add3A_516 = arith.addi %multiple_of3A, %add3A_515 : i32
    %multiple_of3A_517 = tpu.assume_multiple %add3A_516, 8 : i32
    %dma_wait3A_518 = tpu.memref_slice %arg3[%multiple_of3A_517] : memref<320000xi32, #tpu.memory_space<hbm>> -> memref<80xi32, #tpu.memory_space<hbm>>
    %dma_wait3A_519 = tpu.memref_slice %arg3[%multiple_of3A_517] : memref<320000xi32, #tpu.memory_space<hbm>> -> memref<80xi32, #tpu.memory_space<hbm>>
    tpu.wait_dma2 semaphore(%arg19 : memref<!tpu.dma_semaphore, #tpu.memory_space<semaphore_mem>>) src(%dma_wait3A_519 : memref<80xi32, #tpu.memory_space<hbm>>) dst(%arg6 : memref<80xi32, #tpu.memory_space<vmem>>)
    %dma_wait3A_520 = tpu.memref_slice %arg4[%multiple_of3A_517] : memref<320000xi32, #tpu.memory_space<hbm>> -> memref<80xi32, #tpu.memory_space<hbm>>
    %dma_wait3A_521 = tpu.memref_slice %arg4[%multiple_of3A_517] : memref<320000xi32, #tpu.memory_space<hbm>> -> memref<80xi32, #tpu.memory_space<hbm>>
    tpu.wait_dma2 semaphore(%arg19 : memref<!tpu.dma_semaphore, #tpu.memory_space<semaphore_mem>>) src(%dma_wait3A_521 : memref<80xi32, #tpu.memory_space<hbm>>) dst(%arg10 : memref<80xi32, #tpu.memory_space<vmem>>)
    %get3A_522 = arith.constant 0 : index
    %get3A_523 = tpu.vector_load %arg6[%get3A_522] {strides = array<i32>} : memref<80xi32, #tpu.memory_space<vmem>>, vector<16xi32>,
    %get3A_524 = vector.shape_cast %get3A_523 : vector<16xi32> to vector<16xi32>
    %get3A_525 = arith.constant 0 : index
    %get3A_526 = tpu.vector_load %arg10[%get3A_525] {strides = array<i32>} : memref<80xi32, #tpu.memory_space<vmem>>, vector<16xi32>,
    %get3A_527 = vector.shape_cast %get3A_526 : vector<16xi32> to vector<16xi32>
    %eq3A_528 = arith.cmpi eq, %get3A_524, %get3A_527 : vector<16xi32>
    %jit3A_529 = arith.constant 10240 : i32
    %broadcast_in_dim3A_530 = vector.broadcast %jit3A_529 : i32 to vector<16xi32>
    %select_n3A_531 = arith.select %eq3A_528, %broadcast_in_dim3A_530, %get3A_527 : vector<16xi1>, vector<16xi32>
    %swap3A_532 = arith.constant 0 : index
    %swap3A_533 = tpu.vector_load %arg10[%swap3A_532] {strides = array<i32>} : memref<80xi32, #tpu.memory_space<vmem>>, vector<16xi32>,
    %swap3A_534 = vector.shape_cast %swap3A_533 : vector<16xi32> to vector<16xi32>
    %swap3A_535 = vector.shape_cast %select_n3A_531 : vector<16xi32> to vector<16xi32>
    tpu.vector_store %arg10[%swap3A_532], %swap3A_535 {strides = array<i32>} : memref<80xi32, #tpu.memory_space<vmem>>, vector<16xi32>,
    %get3A_536 = arith.constant 16 : index
    %get3A_537 = tpu.vector_load %arg6[%get3A_536] {strides = array<i32>} : memref<80xi32, #tpu.memory_space<vmem>>, vector<16xi32>,
    %get3A_538 = vector.shape_cast %get3A_537 : vector<16xi32> to vector<16xi32>
    %get3A_539 = arith.constant 16 : index
    %get3A_540 = tpu.vector_load %arg10[%get3A_539] {strides = array<i32>} : memref<80xi32, #tpu.memory_space<vmem>>, vector<16xi32>,
    %get3A_541 = vector.shape_cast %get3A_540 : vector<16xi32> to vector<16xi32>
    %eq3A_542 = arith.cmpi eq, %get3A_538, %get3A_541 : vector<16xi32>
    %jit3A_543 = arith.constant 10240 : i32
    %broadcast_in_dim3A_544 = vector.broadcast %jit3A_543 : i32 to vector<16xi32>
    %select_n3A_545 = arith.select %eq3A_542, %broadcast_in_dim3A_544, %get3A_541 : vector<16xi1>, vector<16xi32>
    %swap3A_546 = arith.constant 16 : index
    %swap3A_547 = tpu.vector_load %arg10[%swap3A_546] {strides = array<i32>} : memref<80xi32, #tpu.memory_space<vmem>>, vector<16xi32>,
    %swap3A_548 = vector.shape_cast %swap3A_547 : vector<16xi32> to vector<16xi32>
    %swap3A_549 = vector.shape_cast %select_n3A_545 : vector<16xi32> to vector<16xi32>
    tpu.vector_store %arg10[%swap3A_546], %swap3A_549 {strides = array<i32>} : memref<80xi32, #tpu.memory_space<vmem>>, vector<16xi32>,
    %get3A_550 = arith.constant 32 : index
    %get3A_551 = tpu.vector_load %arg6[%get3A_550] {strides = array<i32>} : memref<80xi32, #tpu.memory_space<vmem>>, vector<16xi32>,
    %get3A_552 = vector.shape_cast %get3A_551 : vector<16xi32> to vector<16xi32>
    %get3A_553 = arith.constant 32 : index
    %get3A_554 = tpu.vector_load %arg10[%get3A_553] {strides = array<i32>} : memref<80xi32, #tpu.memory_space<vmem>>, vector<16xi32>,
    %get3A_555 = vector.shape_cast %get3A_554 : vector<16xi32> to vector<16xi32>
    %eq3A_556 = arith.cmpi eq, %get3A_552, %get3A_555 : vector<16xi32>
    %jit3A_557 = arith.constant 10240 : i32
    %broadcast_in_dim3A_558 = vector.broadcast %jit3A_557 : i32 to vector<16xi32>
    %select_n3A_559 = arith.select %eq3A_556, %broadcast_in_dim3A_558, %get3A_555 : vector<16xi1>, vector<16xi32>
    %swap3A_560 = arith.constant 32 : index
    %swap3A_561 = tpu.vector_load %arg10[%swap3A_560] {strides = array<i32>} : memref<80xi32, #tpu.memory_space<vmem>>, vector<16xi32>,
    %swap3A_562 = vector.shape_cast %swap3A_561 : vector<16xi32> to vector<16xi32>
    %swap3A_563 = vector.shape_cast %select_n3A_559 : vector<16xi32> to vector<16xi32>
    tpu.vector_store %arg10[%swap3A_560], %swap3A_563 {strides = array<i32>} : memref<80xi32, #tpu.memory_space<vmem>>, vector<16xi32>,
    %get3A_564 = arith.constant 48 : index
    %get3A_565 = tpu.vector_load %arg6[%get3A_564] {strides = array<i32>} : memref<80xi32, #tpu.memory_space<vmem>>, vector<16xi32>,
    %get3A_566 = vector.shape_cast %get3A_565 : vector<16xi32> to vector<16xi32>
    %get3A_567 = arith.constant 48 : index
    %get3A_568 = tpu.vector_load %arg10[%get3A_567] {strides = array<i32>} : memref<80xi32, #tpu.memory_space<vmem>>, vector<16xi32>,
    %get3A_569 = vector.shape_cast %get3A_568 : vector<16xi32> to vector<16xi32>
    %eq3A_570 = arith.cmpi eq, %get3A_566, %get3A_569 : vector<16xi32>
    %jit3A_571 = arith.constant 10240 : i32
    %broadcast_in_dim3A_572 = vector.broadcast %jit3A_571 : i32 to vector<16xi32>
    %select_n3A_573 = arith.select %eq3A_570, %broadcast_in_dim3A_572, %get3A_569 : vector<16xi1>, vector<16xi32>
    %swap3A_574 = arith.constant 48 : index
    %swap3A_575 = tpu.vector_load %arg10[%swap3A_574] {strides = array<i32>} : memref<80xi32, #tpu.memory_space<vmem>>, vector<16xi32>,
    %swap3A_576 = vector.shape_cast %swap3A_575 : vector<16xi32> to vector<16xi32>
    %swap3A_577 = vector.shape_cast %select_n3A_573 : vector<16xi32> to vector<16xi32>
    tpu.vector_store %arg10[%swap3A_574], %swap3A_577 {strides = array<i32>} : memref<80xi32, #tpu.memory_space<vmem>>, vector<16xi32>,
    %get3A_578 = arith.constant 64 : index
    %get3A_579 = tpu.vector_load %arg6[%get3A_578] {strides = array<i32>} : memref<80xi32, #tpu.memory_space<vmem>>, vector<16xi32>,
    %get3A_580 = vector.shape_cast %get3A_579 : vector<16xi32> to vector<16xi32>
    %get3A_581 = arith.constant 64 : index
    %get3A_582 = tpu.vector_load %arg10[%get3A_581] {strides = array<i32>} : memref<80xi32, #tpu.memory_space<vmem>>, vector<16xi32>,
    %get3A_583 = vector.shape_cast %get3A_582 : vector<16xi32> to vector<16xi32>
    %eq3A_584 = arith.cmpi eq, %get3A_580, %get3A_583 : vector<16xi32>
    %jit3A_585 = arith.constant 10240 : i32
    %broadcast_in_dim3A_586 = vector.broadcast %jit3A_585 : i32 to vector<16xi32>
    %select_n3A_587 = arith.select %eq3A_584, %broadcast_in_dim3A_586, %get3A_583 : vector<16xi1>, vector<16xi32>
    %swap3A_588 = arith.constant 64 : index
    %swap3A_589 = tpu.vector_load %arg10[%swap3A_588] {strides = array<i32>} : memref<80xi32, #tpu.memory_space<vmem>>, vector<16xi32>,
    %swap3A_590 = vector.shape_cast %swap3A_589 : vector<16xi32> to vector<16xi32>
    %swap3A_591 = vector.shape_cast %select_n3A_587 : vector<16xi32> to vector<16xi32>
    tpu.vector_store %arg10[%swap3A_588], %swap3A_591 {strides = array<i32>} : memref<80xi32, #tpu.memory_space<vmem>>, vector<16xi32>,
    %dma_start3A_592 = arith.constant 0 : i32
    %dma_start3A_593 = arith.constant 0 : i32
    %dma_start3A_594 = tpu.memref_slice %arg2[%dma_start3A_592, %dma_start3A_593] : memref<10240x128xf32, #tpu.memory_space<hbm>> -> memref<10240x128xf32, #tpu.memory_space<hbm>>
    tpu.enqueue_indirect_dma source(%dma_start3A_594 : memref<10240x128xf32, #tpu.memory_space<hbm>>) target(%arg14 : memref<80x128xf32, #tpu.memory_space<vmem>>) offsets(%arg6 : memref<80xi32, #tpu.memory_space<vmem>>) semaphore(%arg23 : memref<!tpu.dma_semaphore, #tpu.memory_space<semaphore_mem>>)
    %dma_wait3A_595 = arith.constant 0 : i32
    %dma_wait3A_596 = arith.constant 0 : i32
    %dma_wait3A_597 = tpu.memref_slice %arg2[%dma_wait3A_595, %dma_wait3A_596] : memref<10240x128xf32, #tpu.memory_space<hbm>> -> memref<10240x128xf32, #tpu.memory_space<hbm>>
    tpu.wait_indirect_dma semaphore(%arg26 : memref<!tpu.dma_semaphore, #tpu.memory_space<semaphore_mem>>) src(%dma_wait3A_597 : memref<10240x128xf32, #tpu.memory_space<hbm>>) dst(%arg17 : memref<80x128xf32, #tpu.memory_space<vmem>>)
    %dma_start3A_598 = arith.constant 0 : i32
    %dma_start3A_599 = arith.constant 0 : i32
    %dma_start3A_600 = tpu.memref_slice %arg18[%dma_start3A_598, %dma_start3A_599] : memref<10248x128xf32, #tpu.memory_space<vmem_shared>> -> memref<10248x128xf32, #tpu.memory_space<vmem_shared>>
    tpu.enqueue_indirect_dma source(%arg17 : memref<80x128xf32, #tpu.memory_space<vmem>>) target(%dma_start3A_600 : memref<10248x128xf32, #tpu.memory_space<vmem_shared>>) offsets(%arg13 : memref<80xi32, #tpu.memory_space<vmem>>) semaphore(%arg30 : memref<!tpu.dma_semaphore, #tpu.memory_space<semaphore_mem>>) {add = true}
    %dma_wait3A_601 = arith.constant 0 : i32
    %dma_wait3A_602 = arith.constant 0 : i32
    %dma_wait3A_603 = tpu.memref_slice %arg2[%dma_wait3A_601, %dma_wait3A_602] : memref<10240x128xf32, #tpu.memory_space<hbm>> -> memref<10240x128xf32, #tpu.memory_space<hbm>>
    tpu.wait_indirect_dma semaphore(%arg23 : memref<!tpu.dma_semaphore, #tpu.memory_space<semaphore_mem>>) src(%dma_wait3A_603 : memref<10240x128xf32, #tpu.memory_space<hbm>>) dst(%arg14 : memref<80x128xf32, #tpu.memory_space<vmem>>)
    %dma_start3A_604 = arith.constant 0 : i32
    %dma_start3A_605 = arith.constant 0 : i32
    %dma_start3A_606 = tpu.memref_slice %arg18[%dma_start3A_604, %dma_start3A_605] : memref<10248x128xf32, #tpu.memory_space<vmem_shared>> -> memref<10248x128xf32, #tpu.memory_space<vmem_shared>>
    tpu.enqueue_indirect_dma source(%arg14 : memref<80x128xf32, #tpu.memory_space<vmem>>) target(%dma_start3A_606 : memref<10248x128xf32, #tpu.memory_space<vmem_shared>>) offsets(%arg10 : memref<80xi32, #tpu.memory_space<vmem>>) semaphore(%arg27 : memref<!tpu.dma_semaphore, #tpu.memory_space<semaphore_mem>>) {add = true}
    %dma_wait3A_607 = arith.constant 0 : i32
    %dma_wait3A_608 = arith.constant 0 : i32
    %dma_wait3A_609 = tpu.memref_slice %arg18[%dma_wait3A_607, %dma_wait3A_608] : memref<10248x128xf32, #tpu.memory_space<vmem_shared>> -> memref<10248x128xf32, #tpu.memory_space<vmem_shared>>
    tpu.wait_indirect_dma semaphore(%arg27 : memref<!tpu.dma_semaphore, #tpu.memory_space<semaphore_mem>>) src(%arg14 : memref<80x128xf32, #tpu.memory_space<vmem>>) dst(%dma_wait3A_609 : memref<10248x128xf32, #tpu.memory_space<vmem_shared>>)
    %dma_wait3A_610 = arith.constant 0 : i32
    %dma_wait3A_611 = arith.constant 0 : i32
    %dma_wait3A_612 = tpu.memref_slice %arg18[%dma_wait3A_610, %dma_wait3A_611] : memref<10248x128xf32, #tpu.memory_space<vmem_shared>> -> memref<10248x128xf32, #tpu.memory_space<vmem_shared>>
    tpu.wait_indirect_dma semaphore(%arg28 : memref<!tpu.dma_semaphore, #tpu.memory_space<semaphore_mem>>) src(%arg15 : memref<80x128xf32, #tpu.memory_space<vmem>>) dst(%dma_wait3A_612 : memref<10248x128xf32, #tpu.memory_space<vmem_shared>>)
    %dma_wait3A_613 = arith.constant 0 : i32
    %dma_wait3A_614 = arith.constant 0 : i32
    %dma_wait3A_615 = tpu.memref_slice %arg18[%dma_wait3A_613, %dma_wait3A_614] : memref<10248x128xf32, #tpu.memory_space<vmem_shared>> -> memref<10248x128xf32, #tpu.memory_space<vmem_shared>>
    tpu.wait_indirect_dma semaphore(%arg29 : memref<!tpu.dma_semaphore, #tpu.memory_space<semaphore_mem>>) src(%arg16 : memref<80x128xf32, #tpu.memory_space<vmem>>) dst(%dma_wait3A_615 : memref<10248x128xf32, #tpu.memory_space<vmem_shared>>)
    %dma_wait3A_616 = arith.constant 0 : i32
    %dma_wait3A_617 = arith.constant 0 : i32
    %dma_wait3A_618 = tpu.memref_slice %arg18[%dma_wait3A_616, %dma_wait3A_617] : memref<10248x128xf32, #tpu.memory_space<vmem_shared>> -> memref<10248x128xf32, #tpu.memory_space<vmem_shared>>
    tpu.wait_indirect_dma semaphore(%arg30 : memref<!tpu.dma_semaphore, #tpu.memory_space<semaphore_mem>>) src(%arg17 : memref<80x128xf32, #tpu.memory_space<vmem>>) dst(%dma_wait3A_618 : memref<10248x128xf32, #tpu.memory_space<vmem_shared>>)
    %barrier3A_619 = arith.constant 0 : index
    tpu.barrier barrier_id(%barrier3A_619)
    %mul3A_620 = arith.constant 640 : i32
    %mul3A_621 = arith.muli %arg1, %mul3A_620 : i32
    %mul3A_622 = arith.constant 640 : i32
    %mul3A_623 = arith.muli %arg1, %mul3A_622 : i32
    "tpu.region"() ({
      %run_scoped3A = tpu.sem_alloc : memref<!tpu.dma_semaphore, #tpu.memory_space<semaphore_mem>>
      %dma_start3A_624 = arith.constant 0 : i32
      %dma_start3A_625 = tpu.memref_slice %arg5[%arg0, %mul3A_623, %dma_start3A_624] : memref<2x10240x128xf32, #tpu.memory_space<hbm>> -> memref<1x640x128xf32, #tpu.memory_space<hbm>>
      %dma_start3A_626 = tpu.memref_squeeze %dma_start3A_625 : memref<1x640x128xf32, #tpu.memory_space<hbm>> -> memref<640x128xf32, #tpu.memory_space<hbm>>
      %dma_start3A_627 = arith.constant 0 : i32
      %dma_start3A_628 = tpu.memref_slice %arg18[%mul3A_621, %dma_start3A_627] : memref<10248x128xf32, #tpu.memory_space<vmem_shared>> -> memref<640x128xf32, #tpu.memory_space<vmem_shared>>
      tpu.enqueue_dma source(%dma_start3A_628 : memref<640x128xf32, #tpu.memory_space<vmem_shared>>) target(%dma_start3A_626 : memref<640x128xf32, #tpu.memory_space<hbm>>) target_semaphore(%run_scoped3A : memref<!tpu.dma_semaphore, #tpu.memory_space<semaphore_mem>>)
      %dma_wait3A_629 = arith.constant 0 : i32
      %dma_wait3A_630 = tpu.memref_slice %arg5[%arg0, %mul3A_623, %dma_wait3A_629] : memref<2x10240x128xf32, #tpu.memory_space<hbm>> -> memref<1x640x128xf32, #tpu.memory_space<hbm>>
      %dma_wait3A_631 = tpu.memref_squeeze %dma_wait3A_630 : memref<1x640x128xf32, #tpu.memory_space<hbm>> -> memref<640x128xf32, #tpu.memory_space<hbm>>
      %dma_wait3A_632 = arith.constant 0 : i32
      %dma_wait3A_633 = tpu.memref_slice %arg18[%mul3A_621, %dma_wait3A_632] : memref<10248x128xf32, #tpu.memory_space<vmem_shared>> -> memref<640x128xf32, #tpu.memory_space<vmem_shared>>
      tpu.wait_dma2 semaphore(%run_scoped3A : memref<!tpu.dma_semaphore, #tpu.memory_space<semaphore_mem>>) src(%dma_wait3A_633 : memref<640x128xf32, #tpu.memory_space<vmem_shared>>) dst(%dma_wait3A_631 : memref<640x128xf32, #tpu.memory_space<hbm>>)
      tpu.yield
    }) : () -> ()
    return
  }
}

module attributes {stable_mosaic.version = 14 : i64} {
  func.func @_tc0_body(%arg0: i32, %arg1: memref<5120x128xf32, #tpu.memory_space<vmem>>, %arg2: memref<256x128xf32, #tpu.memory_space<vmem>>, %arg3: memref<2x5120xf32, #tpu.memory_space<vmem>>, %arg4: memref<5120x128xf32, #tpu.memory_space<vmem>>, %arg5: memref<5120x128xf32, #tpu.memory_space<vmem>>) attributes {dimension_semantics = [#tpu.dimension_semantics<arbitrary>], iteration_bounds = array<i64: 2>, scalar_prefetch = 0 : i64, scratch_operands = 0 : i64, tpu.core_type = #tpu.core_type<tc>, window_params = [{transform_indices = @transform_0, window_bounds = array<i64: 5120, 128>}, {pipeline_mode = #tpu.pipeline_mode<synchronous>, transform_indices = @transform_1, window_bounds = array<i64: 256, 128>}, {transform_indices = @transform_2, window_bounds = array<i64: 2, 5120>}, {transform_indices = @transform_3, window_bounds = array<i64: 5120, 128>}, {transform_indices = @transform_4, window_bounds = array<i64: 5120, 128>}]} {
    %get3A = arith.constant 0 : index
    %get3A_0 = arith.constant 0 : index
    %get3A_1 = vector.load %arg1[%get3A, %get3A_0] : memref<5120x128xf32, #tpu.memory_space<vmem>>, vector<5120x128xf32>
    %get3A_2 = arith.constant 0 : index
    %get3A_3 = arith.constant 0 : index
    %get3A_4 = vector.load %arg3[%get3A_2, %get3A_3] : memref<2x5120xf32, #tpu.memory_space<vmem>>, vector<2x5120xf32>
    %slice3A = vector.extract_strided_slice %get3A_4 {offsets = [0, 0], sizes = [1, 5120], strides = [1, 1]} : vector<2x5120xf32> to vector<1x5120xf32>
    %slice3A_5 = vector.extract_strided_slice %get3A_4 {offsets = [1, 0], sizes = [1, 5120], strides = [1, 1]} : vector<2x5120xf32> to vector<1x5120xf32>
    %add3A = arith.addf %slice3A, %slice3A_5 : vector<1x5120xf32>
    %gt3A = arith.constant 0.000000e+00 : f32
    %gt3A_6 = vector.broadcast %gt3A : f32 to vector<1x5120xf32>
    %gt3A_7 = arith.cmpf ogt, %add3A, %gt3A_6 : vector<1x5120xf32>
    %rsqrt3A = math.rsqrt %add3A : vector<1x5120xf32>
    %jit3A = arith.constant 0.000000e+00 : f32
    %broadcast_in_dim3A = vector.broadcast %jit3A : f32 to vector<1x5120xf32>
    %select_n3A = arith.select %gt3A_7, %rsqrt3A, %broadcast_in_dim3A : vector<1x5120xi1>, vector<1x5120xf32>
    %reshape3A = vector.shape_cast %select_n3A : vector<1x5120xf32> to vector<5120x1xf32>
    %get3A_8 = arith.constant 0 : index
    %get3A_9 = arith.constant 0 : index
    %get3A_10 = vector.load %arg2[%get3A_8, %get3A_9] : memref<256x128xf32, #tpu.memory_space<vmem>>, vector<256x128xf32>
    %dot_general3A = arith.constant dense<0.000000e+00> : vector<5120x256xf32>
    %dot_general3A_11 = tpu.matmul %get3A_1, %get3A_10, %dot_general3A {dimension_numbers = #tpu.dot_dimension_numbers<[1], [1], [0], [0], [0, 0, 1, 0], [], []>, transpose_lhs_hint = false} : vector<5120x128xf32>, vector<256x128xf32>, vector<5120x256xf32> -> vector<5120x256xf32>
    %slice3A_12 = vector.extract_strided_slice %dot_general3A_11 {offsets = [0, 0], sizes = [5120, 128], strides = [1, 1]} : vector<5120x256xf32> to vector<5120x128xf32>
    %swap3A = arith.constant 0 : index
    %swap3A_13 = arith.constant 0 : index
    %swap3A_14 = vector.load %arg4[%swap3A, %swap3A_13] : memref<5120x128xf32, #tpu.memory_space<vmem>>, vector<5120x128xf32>
    tpu.vector_store %arg4[%swap3A, %swap3A_13], %slice3A_12 {strides = array<i32>} : memref<5120x128xf32, #tpu.memory_space<vmem>>, vector<5120x128xf32>,
    %slice3A_15 = vector.extract_strided_slice %dot_general3A_11 {offsets = [0, 128], sizes = [5120, 128], strides = [1, 1]} : vector<5120x256xf32> to vector<5120x128xf32>
    %mul3A = vector.broadcast %reshape3A : vector<5120x1xf32> to vector<5120x128xf32>
    %mul3A_16 = arith.mulf %slice3A_15, %mul3A : vector<5120x128xf32>
    %swap3A_17 = arith.constant 0 : index
    %swap3A_18 = arith.constant 0 : index
    %swap3A_19 = vector.load %arg5[%swap3A_17, %swap3A_18] : memref<5120x128xf32, #tpu.memory_space<vmem>>, vector<5120x128xf32>
    tpu.vector_store %arg5[%swap3A_17, %swap3A_18], %mul3A_16 {strides = array<i32>} : memref<5120x128xf32, #tpu.memory_space<vmem>>, vector<5120x128xf32>,
    return
  }
  func.func @transform_0(%arg0: i32) -> (i32, i32) {
    %c0_i32 = arith.constant 0 : i32
    %c0_i32_0 = arith.constant 0 : i32
    return %arg0, %c0_i32 : i32, i32
  }
  func.func @transform_1(%arg0: i32) -> (i32, i32) {
    %c0_i32 = arith.constant 0 : i32
    %c0_i32_0 = arith.constant 0 : i32
    %c0_i32_1 = arith.constant 0 : i32
    return %c0_i32, %c0_i32_0 : i32, i32
  }
  func.func @transform_2(%arg0: i32) -> (i32, i32) {
    %c0_i32 = arith.constant 0 : i32
    %c0_i32_0 = arith.constant 0 : i32
    return %c0_i32, %arg0 : i32, i32
  }
  func.func @transform_3(%arg0: i32) -> (i32, i32) {
    %c0_i32 = arith.constant 0 : i32
    %c0_i32_0 = arith.constant 0 : i32
    return %arg0, %c0_i32 : i32, i32
  }
  func.func @transform_4(%arg0: i32) -> (i32, i32) {
    %c0_i32 = arith.constant 0 : i32
    %c0_i32_0 = arith.constant 0 : i32
    return %arg0, %c0_i32 : i32, i32
  }
}

module attributes {stable_mosaic.version = 14 : i64} {
  func.func @_tc1_body(%arg0: i32, %arg1: memref<5120x128xf32, #tpu.memory_space<vmem>>, %arg2: memref<2x5120x128xf32, #tpu.memory_space<vmem>>, %arg3: memref<2x5120xf32, #tpu.memory_space<vmem>>, %arg4: memref<1x128xf32, #tpu.memory_space<vmem>>, %arg5: memref<256x128xf32, #tpu.memory_space<vmem>>, %arg6: memref<5120x128xf32, #tpu.memory_space<vmem>>, %arg7: memref<5120x128xf32, #tpu.memory_space<vmem>>) attributes {dimension_semantics = [#tpu.dimension_semantics<arbitrary>], iteration_bounds = array<i64: 2>, scalar_prefetch = 0 : i64, scratch_operands = 0 : i64, tpu.core_type = #tpu.core_type<tc>, window_params = [{transform_indices = @transform_0, window_bounds = array<i64: 5120, 128>}, {transform_indices = @transform_1, window_bounds = array<i64: 2, 5120, 128>}, {transform_indices = @transform_2, window_bounds = array<i64: 2, 5120>}, {pipeline_mode = #tpu.pipeline_mode<synchronous>, transform_indices = @transform_3, window_bounds = array<i64: 1, 128>}, {pipeline_mode = #tpu.pipeline_mode<synchronous>, transform_indices = @transform_4, window_bounds = array<i64: 256, 128>}, {transform_indices = @transform_5, window_bounds = array<i64: 5120, 128>}, {transform_indices = @transform_6, window_bounds = array<i64: 5120, 128>}]} {
    %get3A = arith.constant 0 : index
    %get3A_0 = arith.constant 0 : index
    %get3A_1 = vector.load %arg3[%get3A, %get3A_0] : memref<2x5120xf32, #tpu.memory_space<vmem>>, vector<2x5120xf32>
    %slice3A = vector.extract_strided_slice %get3A_1 {offsets = [0, 0], sizes = [1, 5120], strides = [1, 1]} : vector<2x5120xf32> to vector<1x5120xf32>
    %slice3A_2 = vector.extract_strided_slice %get3A_1 {offsets = [1, 0], sizes = [1, 5120], strides = [1, 1]} : vector<2x5120xf32> to vector<1x5120xf32>
    %add3A = arith.addf %slice3A, %slice3A_2 : vector<1x5120xf32>
    %gt3A = arith.constant 0.000000e+00 : f32
    %gt3A_3 = vector.broadcast %gt3A : f32 to vector<1x5120xf32>
    %gt3A_4 = arith.cmpf ogt, %add3A, %gt3A_3 : vector<1x5120xf32>
    %rsqrt3A = math.rsqrt %add3A : vector<1x5120xf32>
    %jit3A = arith.constant 0.000000e+00 : f32
    %broadcast_in_dim3A = vector.broadcast %jit3A : f32 to vector<1x5120xf32>
    %select_n3A = arith.select %gt3A_4, %rsqrt3A, %broadcast_in_dim3A : vector<1x5120xi1>, vector<1x5120xf32>
    %reshape3A = vector.shape_cast %select_n3A : vector<1x5120xf32> to vector<5120x1xf32>
    %get3A_5 = arith.constant 0 : index
    %get3A_6 = arith.constant 0 : index
    %get3A_7 = arith.constant 0 : index
    %get3A_8 = vector.load %arg2[%get3A_5, %get3A_6, %get3A_7] : memref<2x5120x128xf32, #tpu.memory_space<vmem>>, vector<1x5120x128xf32>
    %get3A_9 = vector.shape_cast %get3A_8 : vector<1x5120x128xf32> to vector<5120x128xf32>
    %get3A_10 = arith.constant 1 : index
    %get3A_11 = arith.constant 0 : index
    %get3A_12 = arith.constant 0 : index
    %get3A_13 = vector.load %arg2[%get3A_10, %get3A_11, %get3A_12] : memref<2x5120x128xf32, #tpu.memory_space<vmem>>, vector<1x5120x128xf32>
    %get3A_14 = vector.shape_cast %get3A_13 : vector<1x5120x128xf32> to vector<5120x128xf32>
    %add3A_15 = arith.addf %get3A_9, %get3A_14 : vector<5120x128xf32>
    %get3A_16 = arith.constant 0 : index
    %get3A_17 = arith.constant 0 : index
    %get3A_18 = vector.load %arg1[%get3A_16, %get3A_17] : memref<5120x128xf32, #tpu.memory_space<vmem>>, vector<5120x128xf32>
    %mul3A = vector.broadcast %reshape3A : vector<5120x1xf32> to vector<5120x128xf32>
    %mul3A_19 = arith.mulf %mul3A, %add3A_15 : vector<5120x128xf32>
    %add3A_20 = arith.addf %get3A_18, %mul3A_19 : vector<5120x128xf32>
    %get3A_21 = arith.constant 0 : index
    %get3A_22 = arith.constant 0 : index
    %get3A_23 = vector.load %arg4[%get3A_21, %get3A_22] : memref<1x128xf32, #tpu.memory_space<vmem>>, vector<1x128xf32>
    %add3A_24 = vector.broadcast %get3A_23 : vector<1x128xf32> to vector<5120x128xf32>
    %add3A_25 = arith.addf %add3A_20, %add3A_24 : vector<5120x128xf32>
    %max3A = arith.constant 0.000000e+00 : f32
    %max3A_26 = vector.broadcast %max3A : f32 to vector<5120x128xf32>
    %max3A_27 = arith.maximumf %add3A_25, %max3A_26 : vector<5120x128xf32>
    %get3A_28 = arith.constant 0 : index
    %get3A_29 = arith.constant 0 : index
    %get3A_30 = vector.load %arg5[%get3A_28, %get3A_29] : memref<256x128xf32, #tpu.memory_space<vmem>>, vector<256x128xf32>
    %dot_general3A = arith.constant dense<0.000000e+00> : vector<5120x256xf32>
    %dot_general3A_31 = tpu.matmul %max3A_27, %get3A_30, %dot_general3A {dimension_numbers = #tpu.dot_dimension_numbers<[1], [1], [0], [0], [0, 0, 1, 0], [], []>, transpose_lhs_hint = false} : vector<5120x128xf32>, vector<256x128xf32>, vector<5120x256xf32> -> vector<5120x256xf32>
    %slice3A_32 = vector.extract_strided_slice %dot_general3A_31 {offsets = [0, 0], sizes = [5120, 128], strides = [1, 1]} : vector<5120x256xf32> to vector<5120x128xf32>
    %swap3A = arith.constant 0 : index
    %swap3A_33 = arith.constant 0 : index
    %swap3A_34 = vector.load %arg6[%swap3A, %swap3A_33] : memref<5120x128xf32, #tpu.memory_space<vmem>>, vector<5120x128xf32>
    tpu.vector_store %arg6[%swap3A, %swap3A_33], %slice3A_32 {strides = array<i32>} : memref<5120x128xf32, #tpu.memory_space<vmem>>, vector<5120x128xf32>,
    %slice3A_35 = vector.extract_strided_slice %dot_general3A_31 {offsets = [0, 128], sizes = [5120, 128], strides = [1, 1]} : vector<5120x256xf32> to vector<5120x128xf32>
    %mul3A_36 = vector.broadcast %reshape3A : vector<5120x1xf32> to vector<5120x128xf32>
    %mul3A_37 = arith.mulf %slice3A_35, %mul3A_36 : vector<5120x128xf32>
    %swap3A_38 = arith.constant 0 : index
    %swap3A_39 = arith.constant 0 : index
    %swap3A_40 = vector.load %arg7[%swap3A_38, %swap3A_39] : memref<5120x128xf32, #tpu.memory_space<vmem>>, vector<5120x128xf32>
    tpu.vector_store %arg7[%swap3A_38, %swap3A_39], %mul3A_37 {strides = array<i32>} : memref<5120x128xf32, #tpu.memory_space<vmem>>, vector<5120x128xf32>,
    return
  }
  func.func @transform_0(%arg0: i32) -> (i32, i32) {
    %c0_i32 = arith.constant 0 : i32
    %c0_i32_0 = arith.constant 0 : i32
    return %arg0, %c0_i32 : i32, i32
  }
  func.func @transform_1(%arg0: i32) -> (i32, i32, i32) {
    %c0_i32 = arith.constant 0 : i32
    %c0_i32_0 = arith.constant 0 : i32
    %c0_i32_1 = arith.constant 0 : i32
    return %c0_i32, %arg0, %c0_i32_0 : i32, i32, i32
  }
  func.func @transform_2(%arg0: i32) -> (i32, i32) {
    %c0_i32 = arith.constant 0 : i32
    %c0_i32_0 = arith.constant 0 : i32
    return %c0_i32, %arg0 : i32, i32
  }
  func.func @transform_3(%arg0: i32) -> (i32, i32) {
    %c0_i32 = arith.constant 0 : i32
    %c0_i32_0 = arith.constant 0 : i32
    %c0_i32_1 = arith.constant 0 : i32
    return %c0_i32, %c0_i32_0 : i32, i32
  }
  func.func @transform_4(%arg0: i32) -> (i32, i32) {
    %c0_i32 = arith.constant 0 : i32
    %c0_i32_0 = arith.constant 0 : i32
    %c0_i32_1 = arith.constant 0 : i32
    return %c0_i32, %c0_i32_0 : i32, i32
  }
  func.func @transform_5(%arg0: i32) -> (i32, i32) {
    %c0_i32 = arith.constant 0 : i32
    %c0_i32_0 = arith.constant 0 : i32
    return %arg0, %c0_i32 : i32, i32
  }
  func.func @transform_6(%arg0: i32) -> (i32, i32) {
    %c0_i32 = arith.constant 0 : i32
    %c0_i32_0 = arith.constant 0 : i32
    return %arg0, %c0_i32 : i32, i32
  }
}

module attributes {stable_mosaic.version = 14 : i64} {
  func.func @_tc2_body(%arg0: i32, %arg1: memref<5120x128xf32, #tpu.memory_space<vmem>>, %arg2: memref<2x5120x128xf32, #tpu.memory_space<vmem>>, %arg3: memref<2x5120xf32, #tpu.memory_space<vmem>>, %arg4: memref<1x128xf32, #tpu.memory_space<vmem>>, %arg5: memref<128x128xf32, #tpu.memory_space<vmem>>, %arg6: memref<1x128xf32, #tpu.memory_space<vmem>>, %arg7: memref<5120x128xf32, #tpu.memory_space<vmem>>) attributes {dimension_semantics = [#tpu.dimension_semantics<arbitrary>], iteration_bounds = array<i64: 2>, scalar_prefetch = 0 : i64, scratch_operands = 0 : i64, tpu.core_type = #tpu.core_type<tc>, window_params = [{transform_indices = @transform_0, window_bounds = array<i64: 5120, 128>}, {transform_indices = @transform_1, window_bounds = array<i64: 2, 5120, 128>}, {transform_indices = @transform_2, window_bounds = array<i64: 2, 5120>}, {pipeline_mode = #tpu.pipeline_mode<synchronous>, transform_indices = @transform_3, window_bounds = array<i64: 1, 128>}, {pipeline_mode = #tpu.pipeline_mode<synchronous>, transform_indices = @transform_4, window_bounds = array<i64: 128, 128>}, {pipeline_mode = #tpu.pipeline_mode<synchronous>, transform_indices = @transform_5, window_bounds = array<i64: 1, 128>}, {transform_indices = @transform_6, window_bounds = array<i64: 5120, 128>}]} {
    %get3A = arith.constant 0 : index
    %get3A_0 = arith.constant 0 : index
    %get3A_1 = vector.load %arg3[%get3A, %get3A_0] : memref<2x5120xf32, #tpu.memory_space<vmem>>, vector<2x5120xf32>
    %slice3A = vector.extract_strided_slice %get3A_1 {offsets = [0, 0], sizes = [1, 5120], strides = [1, 1]} : vector<2x5120xf32> to vector<1x5120xf32>
    %slice3A_2 = vector.extract_strided_slice %get3A_1 {offsets = [1, 0], sizes = [1, 5120], strides = [1, 1]} : vector<2x5120xf32> to vector<1x5120xf32>
    %add3A = arith.addf %slice3A, %slice3A_2 : vector<1x5120xf32>
    %gt3A = arith.constant 0.000000e+00 : f32
    %gt3A_3 = vector.broadcast %gt3A : f32 to vector<1x5120xf32>
    %gt3A_4 = arith.cmpf ogt, %add3A, %gt3A_3 : vector<1x5120xf32>
    %rsqrt3A = math.rsqrt %add3A : vector<1x5120xf32>
    %jit3A = arith.constant 0.000000e+00 : f32
    %broadcast_in_dim3A = vector.broadcast %jit3A : f32 to vector<1x5120xf32>
    %select_n3A = arith.select %gt3A_4, %rsqrt3A, %broadcast_in_dim3A : vector<1x5120xi1>, vector<1x5120xf32>
    %reshape3A = vector.shape_cast %select_n3A : vector<1x5120xf32> to vector<5120x1xf32>
    %get3A_5 = arith.constant 0 : index
    %get3A_6 = arith.constant 0 : index
    %get3A_7 = arith.constant 0 : index
    %get3A_8 = vector.load %arg2[%get3A_5, %get3A_6, %get3A_7] : memref<2x5120x128xf32, #tpu.memory_space<vmem>>, vector<1x5120x128xf32>
    %get3A_9 = vector.shape_cast %get3A_8 : vector<1x5120x128xf32> to vector<5120x128xf32>
    %get3A_10 = arith.constant 1 : index
    %get3A_11 = arith.constant 0 : index
    %get3A_12 = arith.constant 0 : index
    %get3A_13 = vector.load %arg2[%get3A_10, %get3A_11, %get3A_12] : memref<2x5120x128xf32, #tpu.memory_space<vmem>>, vector<1x5120x128xf32>
    %get3A_14 = vector.shape_cast %get3A_13 : vector<1x5120x128xf32> to vector<5120x128xf32>
    %add3A_15 = arith.addf %get3A_9, %get3A_14 : vector<5120x128xf32>
    %get3A_16 = arith.constant 0 : index
    %get3A_17 = arith.constant 0 : index
    %get3A_18 = vector.load %arg1[%get3A_16, %get3A_17] : memref<5120x128xf32, #tpu.memory_space<vmem>>, vector<5120x128xf32>
    %mul3A = vector.broadcast %reshape3A : vector<5120x1xf32> to vector<5120x128xf32>
    %mul3A_19 = arith.mulf %mul3A, %add3A_15 : vector<5120x128xf32>
    %add3A_20 = arith.addf %get3A_18, %mul3A_19 : vector<5120x128xf32>
    %get3A_21 = arith.constant 0 : index
    %get3A_22 = arith.constant 0 : index
    %get3A_23 = vector.load %arg4[%get3A_21, %get3A_22] : memref<1x128xf32, #tpu.memory_space<vmem>>, vector<1x128xf32>
    %add3A_24 = vector.broadcast %get3A_23 : vector<1x128xf32> to vector<5120x128xf32>
    %add3A_25 = arith.addf %add3A_20, %add3A_24 : vector<5120x128xf32>
    %max3A = arith.constant 0.000000e+00 : f32
    %max3A_26 = vector.broadcast %max3A : f32 to vector<5120x128xf32>
    %max3A_27 = arith.maximumf %add3A_25, %max3A_26 : vector<5120x128xf32>
    %get3A_28 = arith.constant 0 : index
    %get3A_29 = arith.constant 0 : index
    %get3A_30 = vector.load %arg5[%get3A_28, %get3A_29] : memref<128x128xf32, #tpu.memory_space<vmem>>, vector<128x128xf32>
    %dot_general3A = arith.constant dense<0.000000e+00> : vector<5120x128xf32>
    %dot_general3A_31 = tpu.matmul %max3A_27, %get3A_30, %dot_general3A {dimension_numbers = #tpu.dot_dimension_numbers<[1], [1], [0], [0], [0, 0, 1, 0], [], []>, transpose_lhs_hint = false} : vector<5120x128xf32>, vector<128x128xf32>, vector<5120x128xf32> -> vector<5120x128xf32>
    %get3A_32 = arith.constant 0 : index
    %get3A_33 = arith.constant 0 : index
    %get3A_34 = vector.load %arg6[%get3A_32, %get3A_33] : memref<1x128xf32, #tpu.memory_space<vmem>>, vector<1x128xf32>
    %add3A_35 = vector.broadcast %get3A_34 : vector<1x128xf32> to vector<5120x128xf32>
    %add3A_36 = arith.addf %dot_general3A_31, %add3A_35 : vector<5120x128xf32>
    %swap3A = arith.constant 0 : index
    %swap3A_37 = arith.constant 0 : index
    %swap3A_38 = vector.load %arg7[%swap3A, %swap3A_37] : memref<5120x128xf32, #tpu.memory_space<vmem>>, vector<5120x128xf32>
    tpu.vector_store %arg7[%swap3A, %swap3A_37], %add3A_36 {strides = array<i32>} : memref<5120x128xf32, #tpu.memory_space<vmem>>, vector<5120x128xf32>,
    return
  }
  func.func @transform_0(%arg0: i32) -> (i32, i32) {
    %c0_i32 = arith.constant 0 : i32
    %c0_i32_0 = arith.constant 0 : i32
    return %arg0, %c0_i32 : i32, i32
  }
  func.func @transform_1(%arg0: i32) -> (i32, i32, i32) {
    %c0_i32 = arith.constant 0 : i32
    %c0_i32_0 = arith.constant 0 : i32
    %c0_i32_1 = arith.constant 0 : i32
    return %c0_i32, %arg0, %c0_i32_0 : i32, i32, i32
  }
  func.func @transform_2(%arg0: i32) -> (i32, i32) {
    %c0_i32 = arith.constant 0 : i32
    %c0_i32_0 = arith.constant 0 : i32
    return %c0_i32, %arg0 : i32, i32
  }
  func.func @transform_3(%arg0: i32) -> (i32, i32) {
    %c0_i32 = arith.constant 0 : i32
    %c0_i32_0 = arith.constant 0 : i32
    %c0_i32_1 = arith.constant 0 : i32
    return %c0_i32, %c0_i32_0 : i32, i32
  }
  func.func @transform_4(%arg0: i32) -> (i32, i32) {
    %c0_i32 = arith.constant 0 : i32
    %c0_i32_0 = arith.constant 0 : i32
    %c0_i32_1 = arith.constant 0 : i32
    return %c0_i32, %c0_i32_0 : i32, i32
  }
  func.func @transform_5(%arg0: i32) -> (i32, i32) {
    %c0_i32 = arith.constant 0 : i32
    %c0_i32_0 = arith.constant 0 : i32
    %c0_i32_1 = arith.constant 0 : i32
    return %c0_i32, %c0_i32_0 : i32, i32
  }
  func.func @transform_6(%arg0: i32) -> (i32, i32) {
    %c0_i32 = arith.constant 0 : i32
    %c0_i32_0 = arith.constant 0 : i32
    return %arg0, %c0_i32 : i32, i32
  }
}

</mosaic_0001>

<sc_bundles>
// kernel: kernel.11.cloned.1.call-start
scs
__scs_entry_jumppad:
0x0: {  	(pc) =	sbr.rel $0x88, $3  }
0x1: {  	(tag) =	ssettag $0x0;
	lr =	simm.s32 $0x1  }
0x2: {  	[smem:$0x3F97] =	sst lr;
	_ =	strace $0xD0000000  }
0x3: {  	_ = 	snop  }
0x4: {  	_ = 	snop  }
0x5: {  	_ = 	snop  }
0x6: {  	_ = 	snop  }
0x7: {  	_ = 	snop  }
__scs_overlays_trampoline_lowered:
0x8: {  	[smem:$0x3FA6] =	sst s0  }
0x9: {  	[smem:$0x3FA7] =	sst s1  }
0xa: {  	[smem:$0x3FA8] =	sst s2  }
0xb: {  	[smem:$0x3FA9] =	sst s3  }
0xc: {  	[smem:$0x3FAA] =	sst s4  }
0xd: {  	[smem:$0x3FAB] =	sst s5  }
0xe: {  	[smem:$0x3FAC] =	sst s6  }
0xf: {  	[smem:$0x3FAD] =	sst s7  }
0x10: {  	[smem:$0x3FAE] =	sst s8  }
0x11: {  	[smem:$0x3FAF] =	sst s9;
	s0 =	simm.s32 @!p0 $0x0  }
0x12: {  	s1 =	sld [smem:$0x3F95];
	s0 =	simm.s32 @p0 $0x1  }
0x13: {  	[smem:$0x3FB0] =	sst s0;
	s0 =	simm.s32 @!p1 $0x0  }
0x14: {  	s2 =	sld [smem:$0x3F94];
	s0 =	simm.s32 @p1 $0x1  }
0x15: {  	[smem:$0x3FB1] =	sst s0;
	s0 =	simm.s32 @!p2 $0x0  }
0x16: {  	s3 =	sld [smem:$0x3FDB];
	s0 =	simm.s32 @p2 $0x1  }
0x17: {  	s4 =	simm.s32 $0x1BF5;
	[smem:$0x3FB3] =	sst s0  }
0x18: {  	s0 =	sld [smem:$0x3F96];
	_ =	swait.ge [sflag:s4], $0x0  }
0x19: {  	s7 =	sld [smem:$0x3F97]  }
0x1a: {  	s8 =	sadd.s32 $0xFFFFE003, lr  }
0x1b: {  	s9 =	sadd.s32 $0xFFFFFEF7, lr;
	s5 =	simm.s32 $0xFFFFFFFF;
	p2 =	slt.u32 s8, $0xFFFFF086  }
0x1c: {  	p1 =	slt.u32 s9, $0xF7A;
	s5 =	simm.s32 @!p2 $0x0  }
0x1d: {  	s5 =	simm.s32 @p1 $0x1;
	p0 =	seq.s32 s7, s2  }
0x1e: {  	s7 =	smul.u32 @!p0 $0xF7A, s2;
	p2 =	seq.s32 @!p0 s5, $0x0  }
0x1f: {  	s9 =	smul.u32 $0xF7A, s1;
	s8 =	simm.s32 @!p0 $0x1BF5;
	p2 =	por !p2, p0  }
0x20: {  	[sflag:s8] =	ssyncset.s32 @!p0 $0xFFFFF086;
	s6 =	sadd.s32 @!p0 s3, s7;
	s7 =	simm.s32 @!p0 $0x108  }
0x21: {  	s3 =	sadd.s32 s3, s9;
	s6 =	sadd.s32 @!p0 $0x88, s6;
	s7 =	simm.s32 @p2 $0x1082  }
0x22: {  	[simem:s7], [sflag:s8] =	dma.local @!p0 [hbm:s6], $0xF7A  }
0x23: {  	s9 =	sor.u32 $0xD0000000, s2;
	s6 =	simm.s32 $0x108;
	_ =	swait.ge @!p0 [sflag:s8], $0x0  }
0x24: {  	s3 =	sadd.s32 $0x88, s3;
	s6 =	simm.s32 @!p1 $0x1082;
	[sflag:s4] =	ssyncset.s32 $0xFFFFF086  }
0x25: {  	[simem:s6], [sflag:s4] =	dma.local [hbm:s3], $0xF7A  }
0x26: {  	[smem:$0x3F97] =	sst s1;
	(tag) =	ssettag s2;
	_ =	strace s9  }
0x27: {  	s1 =	sld [smem:$0x3FA7]  }
0x28: {  	s2 =	sld [smem:$0x3FA8]  }
0x29: {  	s4 =	sld [smem:$0x3FAA]  }
0x2a: {  	p0 =	seq.s32 s5, $0x0;
	s5 =	sld [smem:$0x3FAB]  }
0x2b: {  	s6 =	sld [smem:$0x3FAC]  }
0x2c: {  	s7 =	sld [smem:$0x3FAD]  }
0x2d: {  	s3 =	simm.s32 $0x108;
	s8 =	sld [smem:$0x3FAE]  }
0x2e: {  	s3 =	simm.s32 @!p0 $0x1082;
	s9 =	sld [smem:$0x3FAF]  }
0x2f: {  	lr =	sadd.s32 s0, s3;
	s0 =	sld [smem:$0x3FA6]  }
0x30: {  	s3 =	sld [smem:$0x3FA9]  }
0x31: {  	[smem:$0x3FB2] =	sst s10  }
0x32: {  	s10 =	sld [smem:$0x3FB0];
	_ =	sdelay $0x3  }
0x33: {  	p0 =	seq.s32 s10, $0x1;
	s10 =	sld [smem:$0x3FB2];
	_ =	sdelay $0x3  }
0x34: {  	[smem:$0x3FB2] =	sst s10  }
0x35: {  	s10 =	sld [smem:$0x3FB1];
	_ =	sdelay $0x3  }
0x36: {  	p1 =	seq.s32 s10, $0x1;
	s10 =	sld [smem:$0x3FB2];
	_ =	sdelay $0x3  }
0x37: {  	[smem:$0x3FB2] =	sst s10  }
0x38: {  	s10 =	sld [smem:$0x3FB3]  }
0x39: {  	_ = 	snop;
	(pc) =	sbr.ind lr, $3  }
0x3a: {  	_ = 	snop  }
0x3b: {  	_ = 	snop  }
0x3c: {  	p2 =	seq.s32 s10, $0x1;
	s10 =	sld [smem:$0x3FB2]  }
0x3d: {  	_ =	shalt  }
0x3e: {  	_ =	shalt  }
0x3f: {  	_ =	shalt  }
0x40: {  	_ =	shalt  }
0x41: {  	_ =	shalt  }
0x42: {  	_ =	shalt  }
0x43: {  	_ =	shalt  }
0x44: {  	_ =	shalt  }
0x45: {  	_ =	shalt  }
0x46: {  	_ =	shalt  }
0x47: {  	_ =	shalt  }
0x48: {  	_ =	shalt  }
0x49: {  	_ =	shalt  }
0x4a: {  	_ =	shalt  }
0x4b: {  	_ =	shalt  }
0x4c: {  	_ =	shalt  }
0x4d: {  	_ =	shalt  }
0x4e: {  	_ =	shalt  }
0x4f: {  	_ =	shalt  }
0x50: {  	_ =	shalt  }
0x51: {  	_ =	shalt  }
0x52: {  	_ =	shalt  }
0x53: {  	_ =	shalt  }
0x54: {  	_ =	shalt  }
0x55: {  	_ =	shalt  }
0x56: {  	_ =	shalt  }
0x57: {  	_ =	shalt  }
0x58: {  	_ =	shalt  }
0x59: {  	_ =	shalt  }
0x5a: {  	_ =	shalt  }
0x5b: {  	_ =	shalt  }
0x5c: {  	_ =	shalt  }
0x5d: {  	_ =	shalt  }
0x5e: {  	_ =	shalt  }
0x5f: {  	_ =	shalt  }
0x60: {  	_ =	shalt  }
0x61: {  	_ =	shalt  }
0x62: {  	_ =	shalt  }
0x63: {  	_ =	shalt  }
0x64: {  	_ =	shalt  }
0x65: {  	_ =	shalt  }
0x66: {  	_ =	shalt  }
0x67: {  	_ =	shalt  }
0x68: {  	_ =	shalt  }
0x69: {  	_ =	shalt  }
0x6a: {  	_ =	shalt  }
0x6b: {  	_ =	shalt  }
0x6c: {  	_ =	shalt  }
0x6d: {  	_ =	shalt  }
0x6e: {  	_ =	shalt  }
0x6f: {  	_ =	shalt  }
0x70: {  	_ =	shalt  }
0x71: {  	_ =	shalt  }
0x72: {  	_ =	shalt  }
0x73: {  	_ =	shalt  }
0x74: {  	_ =	shalt  }
0x75: {  	_ =	shalt  }
0x76: {  	_ =	shalt  }
0x77: {  	_ =	shalt  }
0x78: {  	_ =	shalt  }
0x79: {  	_ =	shalt  }
0x7a: {  	_ =	shalt  }
0x7b: {  	_ =	shalt  }
0x7c: {  	_ =	shalt  }
0x7d: {  	_ =	shalt  }
0x7e: {  	_ =	shalt  }
0x7f: {  	_ =	shalt  }
0x80: {  	_ =	shalt  }
0x81: {  	_ =	shalt  }
0x82: {  	_ =	shalt  }
0x83: {  	_ =	shalt  }
0x84: {  	_ =	shalt  }
0x85: {  	_ =	shalt  }
0x86: {  	_ =	shalt  }
0x87: {  	_ =	shalt  }
.Lfunc_end0:
.L_simem_size_0:
called_computation.1_lowered:
.L_overlay_start_0:
0x88: {  	s2 =	sld [smem:$0x3FD9]  }
0x89: {  	s3 =	sld [smem:$0x3FFE];
	_ =	sdelay $0x1  }
0x8a: {  	s1 =	srdreg.scid  }
0x8b: {  	s0 =	sand.u32 $0x1, s1  }
0x8c: {  	s17 =	sshll.u32 s0, $0xA;
	s2 =	sadd.s32 s3, s2  }
0x8d: {  	s2 =	sadd.s32 s2, s17  }
0x8e: {  	[smem:$0x3FBE] =	sst s2  }
0x8f: {  	_ = 	snop  }
0x90: {  	s2 =	sld [smem:$0x3FD0];
	(tm) =	ssettm $0x1  }
0x91: {  	s18 =	sld [smem:$0x3FFB];
	_ =	sdelay $0x3  }
0x92: {  	_ =	strace s18  }
0x93: {  	s3 =	sld [smem:$0x3FFC];
	_ =	sdelay $0x3  }
0x94: {  	_ =	strace s3  }
0x95: {  	s3 =	sld [smem:$0x3FFD];
	_ =	sdelay $0x3  }
0x96: {  	_ =	strace s3  }
0x97: {  	_ =	strace $0x8FFFFFFF  }
0x98: {  	s19 =	sld [smem:$0x3FDB];
	_ =	sdelay $0x1  }
0x99: {  	s4 =	simm.s32 $_scs_section_size  }
0x9a: {  	s5 =	simm.s32 $_size__tile_overlayer_lowered;
	s6 =	simm.s32 $_tile_overlayer_lowered  }
0x9b: {  	s22 =	simm.s32 $0x1BFF;
	s21 =	sshll.u32 s6, $0x1;
	s3 =	sadd.s32 s4, s19  }
0x9c: {  	s7 =	simm.s32 $0x0;
	s20 =	sshll.u32 s5, $0x1;
	s5 =	sadd.s32 s21, s3  }
0x9d: {  	[timem:s7], [sflag:s22] =	dma.local [hbm:s5], s20  }
0x9e: {  	_ =	swait.ge [sflag:s22], s20  }
0x9f: {  	s4 =	ssub.s32 $0x0, s20;
	[sflag:s22] =	ssyncset.done $0x0  }
0xa0: {  	[sflag:s22] =	ssyncadd.s32 s4;
	_ =	sdelay $0x1  }
0xa1: {  	s23 =	simm.s32 $0x1B8B  }
0xa2: {  	_ =	swait.ge [sflag:s23], $0x1  }
0xa3: {  	[sflag:s23] =	ssyncset.done $0x0  }
0xa4: {  	s25 =	simm.s32 $0x1B8E;
	s24 =	sld [smem:$0x3FFE];
	[sflag:s23] =	ssyncadd.s32 $0xFFFFFFFF  }
0xa5: {  	s26 =	simm.s32 $execute0_lowered;
	[smem:$0x3FD2] =	sst s25  }
0xa6: {  	s5 =	sshll.u32 s26, $0x1;
	_ =	strace $0x80000049;
	[dreg:$0x1] =	wrdreg $0xFFFFFFFF  }
0xa7: {  	s28 =	simm.s32 $_size_execute0_lowered;
	s3 =	sadd.s32 s3, s5;
	[dreg:$0x0] =	wrdreg $0x0  }
0xa8: {  	s5 =	sshll.u32 s28, $0x1;
	[dreg:$0x2] =	wrdreg s3  }
0xa9: {  	[dreg:$0x3] =	wrdreg s5  }
0xaa: {  	[dreg:$0x4] =	wrdreg $0xC0  }
0xab: {  	_ =	task [dreg:s7], $0x5FFFF  }
0xac: {  	[dreg:$0x1] =	wrdreg $0xFFFFFFFF  }
0xad: {  	[dreg:$0x0] =	wrdreg $0x60  }
0xae: {  	[dreg:$0x2] =	wrdreg s24  }
0xaf: {  	[dreg:$0x3] =	wrdreg s2  }
0xb0: {  	[dreg:$0x4] =	wrdreg $0xA4000  }
0xb1: {  	[dreg:$0x5] =	wrdreg $0x9  }
0xb2: {  	_ =	task.clear_ibuf [dreg:s7], $0x6FFFF;
	_ =	strace $0x90000049  }
0xb3: {  	s29 =	simm.s32 $0x9;
	_ =	strace $0x8000004B  }
0xb4: {  	_ =	swait.ge [sflag:s29], $0x1  }
0xb5: {  	[sflag:s29] =	ssyncadd.s32 $0xFFFFFFFF  }
0xb6: {  	_ =	strace $0x9000004B  }
0xb7: {  	_ =	sfence  }
0xb8: {  	s30 =	sld [smem:$0x0];
	_ =	sdelay $0x2  }
0xb9: {  	s31 =	sshll.u32 s1, $0xD;
	s1 =	sshrl.u32 s1, $0x2  }
0xba: {  	s3 =	sand.u32 $0x4000, s31;
	s1 =	sadd.s32 s1, s30  }
0xbb: {  	s0 =	sor.u32 s3, s0;
	s1 =	sshll.u32 s1, $0x11  }
0xbc: {  	s0 =	sor.u32 s1, s0  }
0xbd: {  	s0 =	sadd.s32 $0x8F2B, s0  }
0xbe: {  	[sflag:s0] =	ssyncadd.remote.s32 $0x1  }
0xbf: {  	_ =	sfence.sel $0xFFFF  }
0xc0: {  	[dreg:$0x0] =	wrdreg $0xFFFFFFFF;
	(pc) =	sbr.abs _section_cstart, $3  }
0xc1: {  	[dreg:$0x1] =	wrdreg $0xFFFFFFFF  }
0xc2: {  	_ =	task.clear_ibuf [dreg:s7], $0x2FFFF;
	_ =	strace $0x9FFFFFFF  }
0xc3: {  	(tm) =	ssettm $0x7FFFFFFF  }
tec
execute0_lowered:
.L_overlay_start_1:
0x0: {  	(tag) =	ssettag $0x1  }
0x1: {  	s0 =	rddreg [dreg:$0x0]  }
0x2: {  	s31 =	rddreg [dreg:$0x1];
	s6 =	stileid.u32  }
0x3: {  	s1 =	srdreg.scid;
	s5 =	smul.u32 $0x14000, s6  }
0x4: {  	s2 =	rddreg [dreg:$0x2];
	s7 =	smul.u32 $0x50000, s6  }
0x5: {  	s4 =	simm.s32 $0x0;
	s1 =	sand.u32 $0x1, s1;
	s16 =	smul.u32 $0x2710, s6  }
0x6: {  	[smem:$0x7FF] =	sst s4;
	s25 =	sadd.s32 $0x2800, s0;
	s3 =	smul.u32 $0x140000, s1  }
0x7: {  	s12 =	sshll.u32 s1, $0x4;
	s8 =	ssub.s32 $0x2, s1;
	s1 =	smul.u32 $0x27100, s1  }
0x8: {  	_ =	strace $0x8000004A;
	[dreg:$0xa] =	wrdreg s25;
	s7 =	sshrl.u32 s7, $0x2  }
0x9: {  	s9 =	sshrl.u32 s8, $0x1;
	s3 =	sadd.s32 s5, s3;
	s1 =	sadd.s32 s16, s1  }
0xa: {  	s5 =	sadd.s32 $0xC600, s0;
	s3 =	sshrl.u32 s3, $0x3;
	s23 =	sadd.s32 $0x230, s1  }
0xb: {  	s0 =	sadd.s32 s3, s0;
	s3 =	sor.u32 s6, s12;
	s12 =	sadd.s32 s7, s2  }
0xc: {  	s7 =	ssub.s32 s8, s9;
	s8 =	sshrl.u32 s23, $0x3;
	s23 =	sadd.s32 $0x140, s1  }
0xd: {  	[dreg:$0x1d] =	wrdreg s23  }
0xe: {  	s13 =	sadd.s32 $0x2800, s12;
	[dreg:$0xb] =	wrdreg s12  }
0xf: {  	s14 =	sadd.s32 $0x5000, s12;
	[dreg:$0xc] =	wrdreg s13  }
0x10: {  	s15 =	sadd.s32 $0x7800, s12;
	[dreg:$0xd] =	wrdreg s14  }
0x11: {  	s28 =	simm.s32 $0x4;
	s17 =	sadd.s32 $0xA000, s12;
	[dreg:$0xe] =	wrdreg s15  }
0x12: {  	s29 =	simm.s32 $0x100;
	s18 =	sadd.s32 $0xC800, s12;
	[dreg:$0xf] =	wrdreg s17  }
0x13: {  	s11 =	sadd.s32 $0x1E0, s1;
	s26 =	sadd.s32 s8, s31;
	[dreg:$0x10] =	wrdreg s18  }
0x14: {  	s30 =	sshrl.u32 s11, $0x3;
	s8 =	sadd.s32 s8, s25;
	[dreg:$0x4] =	wrdreg s26  }
0x15: {  	p0 =	sne.s32 s6, $0x0;
	s11 =	sadd.s32 s30, s31;
	[dreg:$0x5] =	wrdreg s8  }
0x16: {  	s6 =	simm.s32 $0x400;
	s0 =	sadd.s32 $0x34600, s0;
	[dreg:$0x6] =	wrdreg s11  }
0x17: {  	s3 =	smul.u32 $0x2710, s3;
	s14 =	sadd.s32 s30, s25;
	[dreg:$0x1b] =	wrdreg s0  }
0x18: {  	s13 =	sadd.s32 $0x190, s1;
	s26 =	sadd.s32 $0x11800, s12;
	[dreg:$0x7] =	wrdreg s14  }
0x19: {  	s30 =	sadd.s32 $0x140000, s2;
	s3 =	sshrl.u32 s3, $0x3;
	[dreg:$0x1f] =	wrdreg s26  }
0x1a: {  	s15 =	sshrl.u32 s13, $0x3;
	[smem:$0x7FD] =	sst s30;
	s19 =	sadd.s32 s25, s3  }
0x1b: {  	s13 =	simm.s32 $0x6;
	s21 =	sadd.s32 s31, s3;
	[dreg:$0x11] =	wrdreg s19  }
0x1c: {  	s20 =	sadd.s32 $0xA, s3;
	s17 =	sadd.s32 s15, s31;
	[dreg:$0x12] =	wrdreg s21  }
0x1d: {  	s14 =	simm.s32 $0x7;
	s22 =	sadd.s32 s25, s20;
	[dreg:$0x8] =	wrdreg s17  }
0x1e: {  	s24 =	sadd.s32 $0x14, s3;
	s9 =	sadd.s32 s31, s20;
	[dreg:$0x13] =	wrdreg s22  }
0x1f: {  	s16 =	sadd.s32 $0x1E, s3;
	s10 =	sadd.s32 s25, s24;
	[dreg:$0x14] =	wrdreg s9  }
0x20: {  	s3 =	sadd.s32 $0x4D8, s3;
	s18 =	sadd.s32 s25, s16;
	[dreg:$0x15] =	wrdreg s10  }
0x21: {  	s19 =	sadd.s32 s31, s16;
	s20 =	sadd.s32 s15, s25;
	[dreg:$0x17] =	wrdreg s18  }
0x22: {  	s21 =	sadd.s32 s25, s3;
	s3 =	sadd.s32 s31, s3;
	[dreg:$0x18] =	wrdreg s19  }
0x23: {  	s15 =	simm.s32 $0x8;
	s16 =	simm.s32 $0x9;
	[dreg:$0x9] =	wrdreg s20  }
0x24: {  	s17 =	simm.s32 $0xA;
	s9 =	sadd.s32 s31, s24;
	[dreg:$0x19] =	wrdreg s21  }
0x25: {  	[dreg:$0x1a] =	wrdreg s3;
	s22 =	smax.u32 s7, $0x1;
	s24 =	sadd.s32 $0xF000, s12  }
0x26: {  	s3 =	simm.s32 $0x200;
	s12 =	simm.s32 $0x5;
	s18 =	simm.s32 $0xB  }
0x27: {  	s19 =	simm.s32 $0xC;
	s20 =	simm.s32 $0x1;
	[dreg:$0x16] =	wrdreg s9  }
0x28: {  	s21 =	simm.s32 $0x50;
	s7 =	simm.s32 $0x0;
	[dreg:$0x1c] =	wrdreg s22  }
0x29: {  	v0 =	vimm.f32 $0.0e+00;
	[dreg:$0x1e] =	wrdreg s24;
	s22 =	simm.s32 $0x2;
	s24 =	simm.s32 $0x3  }
.LBB2_1:
0x2a: {  	[smem:$0x7FC] =	sst s7;
	s0 =	simm.s32 $0x0;
	s7 =	simm.s32 $0x200  }
.LBB2_2:
0x2b: {  	p1 =	sne.s32 s7, $0x9E00;
	[tilespmem:s0+$0x470] =	vst v0  }
0x2c: {  	[tilespmem:s0+$0x400] =	vst v0  }
0x2d: {  	[tilespmem:s0+$0x410] =	vst v0  }
.Ltmp0:
0x2e: {  	[tilespmem:s0+$0x420] =	vst v0;
	(pc) =	sbr.rel @p1 .LBB2_2-.Ltmp0, $4  }
0x2f: {  	[tilespmem:s0+$0x430] =	vst v0  }
0x30: {  	[tilespmem:s0+$0x440] =	vst v0  }
0x31: {  	[tilespmem:s0+$0x450] =	vst v0  }
0x32: {  	[tilespmem:s0+$0x460] =	vst v0;
	s0 =	sshra.s32 s7, $0x2;
	s7 =	sadd.s32 $0x200, s7  }
0x33: {  	[tilespmem:s0+$0x470] =	vst v0  }
0x34: {  	[tilespmem:s0+$0x400] =	vst v0  }
0x35: {  	[tilespmem:s0+$0x410] =	vst v0  }
0x36: {  	[tilespmem:s0+$0x420] =	vst v0  }
0x37: {  	[tilespmem:s0+$0x430] =	vst v0  }
0x38: {  	[tilespmem:s0+$0x440] =	vst v0  }
0x39: {  	[tilespmem:s0+$0x450] =	vst v0;
	s8 =	rddreg [dreg:$0xb]  }
0x3a: {  	[tilespmem:s0+$0x460] =	vst v0;
	s9 =	rddreg [dreg:$0xc]  }
0x3b: {  	[spmem:s8] =	stream.linear.scatter [tilespmem:s6], [sflag:$0x5], $0x2800, $0x38;
	[tilespmem:$0x1E440] =	vst v63  }
0x3c: {  	s10 =	rddreg [dreg:$0xd]  }
0x3d: {  	[spmem:s9] =	stream.linear.scatter [tilespmem:s6], [sflag:$0x6], $0x2800, $0x38;
	[tilespmem:$0x1E440] =	vst v63  }
0x3e: {  	s11 =	rddreg [dreg:$0xe]  }
0x3f: {  	[spmem:s10] =	stream.linear.scatter [tilespmem:s6], [sflag:$0x7], $0x2800, $0x38;
	[tilespmem:$0x1E440] =	vst v63  }
0x40: {  	s23 =	rddreg [dreg:$0xf]  }
0x41: {  	[spmem:s11] =	stream.linear.scatter [tilespmem:s6], [sflag:$0x8], $0x2800, $0x38;
	[tilespmem:$0x1E440] =	vst v63  }
0x42: {  	s26 =	rddreg [dreg:$0x10]  }
0x43: {  	[spmem:s23] =	stream.linear.scatter [tilespmem:s6], [sflag:$0x9], $0x2800, $0x38;
	[tilespmem:$0x1E440] =	vst v63  }
0x44: {  	s1 =	rddreg [dreg:$0x1e]  }
0x45: {  	[spmem:s26] =	stream.linear.scatter [tilespmem:s6], [sflag:$0xA], $0x2800, $0x38;
	[tilespmem:$0x1E440] =	vst v63  }
0x46: {  	s7 =	rddreg [dreg:$0x1f]  }
0x47: {  	[spmem:s1] =	stream.linear.scatter [tilespmem:s6], [sflag:$0xB], $0x2800, $0x38;
	[tilespmem:$0x1E440] =	vst v63  }
0x48: {  	s1 =	sld [smem:$0x7FD]  }
0x49: {  	[spmem:s7] =	stream.linear.scatter [tilespmem:s6], [sflag:$0xC], $0x2800, $0x38;
	[tilespmem:$0x1E440] =	vst v63  }
0x4a: {  	s0 =	simm.s32 @!p0 $0x400  }
0x4b: {  	[spmem:s1] =	stream.linear.scatter @!p0 [tilespmem:s0], [sflag:$0xD], $0x400, $0x38;
	[tilespmem:$0x1E440] =	vst v63  }
0x4c: {  	s0 =	simm.s32 @!p0 $0xD  }
0x4d: {  	_ =	swait.ge @!p0 [sflag:s0], $0x400  }
0x4e: {  	[sflag:s0] =	ssyncset.done @!p0 $0x0  }
0x4f: {  	s7 =	simm.s32 $0x0;
	s8 =	rddreg [dreg:$0x11];
	[sflag:s0] =	ssyncadd.s32 @!p0 $0xFFFFFC00  }
0x50: {  	[tilespmem:s7], [sflag:$0x1] =	stream.linear.gather [hbm4b:s8+s7], $0x50, $0x38;
	[tilespmem:$0x1E440] =	vst v63  }
0x51: {  	s9 =	rddreg [dreg:$0x12]  }
0x52: {  	[tilespmem:s3], [sflag:$0x1] =	stream.linear.gather [hbm4b:s9+s7], $0x50, $0x38;
	[tilespmem:$0x1E440] =	vst v63  }
0x53: {  	s1 =	simm.s32 $0x80;
	s10 =	rddreg [dreg:$0x13]  }
0x54: {  	[tilespmem:s1], [sflag:$0x2] =	stream.linear.gather [hbm4b:s10+s7], $0x50, $0x38;
	[tilespmem:$0x1E440] =	vst v63  }
0x55: {  	s30 =	simm.s32 $0x280;
	s11 =	rddreg [dreg:$0x14]  }
0x56: {  	[tilespmem:s30], [sflag:$0x2] =	stream.linear.gather [hbm4b:s11+s7], $0x50, $0x38;
	[tilespmem:$0x1E440] =	vst v63  }
0x57: {  	s23 =	rddreg [dreg:$0x15];
	s8 =	simm.s32 $0x100  }
0x58: {  	[tilespmem:s8], [sflag:$0x3] =	stream.linear.gather [hbm4b:s23+s7], $0x50, $0x38;
	[tilespmem:$0x1E440] =	vst v63  }
0x59: {  	s26 =	rddreg [dreg:$0x16];
	s10 =	simm.s32 $0x300  }
0x5a: {  	[tilespmem:s10], [sflag:$0x3] =	stream.linear.gather [hbm4b:s26+s7], $0x50, $0x38;
	[tilespmem:$0x1E440] =	vst v63  }
0x5b: {  	s9 =	rddreg [dreg:$0x17];
	s11 =	simm.s32 $0x180  }
0x5c: {  	[tilespmem:s11], [sflag:$0x4] =	stream.linear.gather [hbm4b:s9+s7], $0x50, $0x38;
	[tilespmem:$0x1E440] =	vst v63  }
0x5d: {  	s23 =	rddreg [dreg:$0x18];
	s9 =	simm.s32 $0x380  }
0x5e: {  	[tilespmem:s9], [sflag:$0x4] =	stream.linear.gather [hbm4b:s23+s7], $0x50, $0x38;
	[tilespmem:$0x1E440] =	vst v63  }
0x5f: {  	_ =	swait.ge [sflag:s12], $0x2800  }
0x60: {  	[sflag:s12] =	ssyncset.done $0x0  }
0x61: {  	[sflag:s12] =	ssyncadd.s32 $0xFFFFD800  }
0x62: {  	_ =	swait.ge [sflag:s13], $0x2800  }
0x63: {  	[sflag:s13] =	ssyncset.done $0x0  }
0x64: {  	[sflag:s13] =	ssyncadd.s32 $0xFFFFD800  }
0x65: {  	_ =	swait.ge [sflag:s14], $0x2800  }
0x66: {  	[sflag:s14] =	ssyncset.done $0x0  }
0x67: {  	[sflag:s14] =	ssyncadd.s32 $0xFFFFD800  }
0x68: {  	_ =	swait.ge [sflag:s15], $0x2800  }
0x69: {  	[sflag:s15] =	ssyncset.done $0x0  }
0x6a: {  	[sflag:s15] =	ssyncadd.s32 $0xFFFFD800  }
0x6b: {  	_ =	swait.ge [sflag:s16], $0x2800  }
0x6c: {  	[sflag:s16] =	ssyncset.done $0x0  }
0x6d: {  	[sflag:s16] =	ssyncadd.s32 $0xFFFFD800  }
0x6e: {  	_ =	swait.ge [sflag:s17], $0x2800  }
0x6f: {  	[sflag:s17] =	ssyncset.done $0x0  }
0x70: {  	[sflag:s17] =	ssyncadd.s32 $0xFFFFD800  }
0x71: {  	_ =	swait.ge [sflag:s18], $0x2800  }
0x72: {  	[sflag:s18] =	ssyncset.done $0x0  }
0x73: {  	[sflag:s18] =	ssyncadd.s32 $0xFFFFD800  }
0x74: {  	_ =	swait.ge [sflag:s19], $0x2800  }
0x75: {  	[sflag:s19] =	ssyncset.done $0x0  }
0x76: {  	[sflag:s19] =	ssyncadd.s32 $0xFFFFD800  }
0x77: {  	[bflag:$0x0] =	sbarrier.arrive $0xFFFF  }
0x78: {  	_ =	swait.ge [sflag:s20], $0x50  }
0x79: {  	[sflag:s20] =	ssyncset.done $0x0  }
0x7a: {  	[sflag:s20] =	ssyncadd.s32 $0xFFFFFFB0  }
0x7b: {  	_ =	swait.ge [sflag:s20], $0x50  }
0x7c: {  	[sflag:s20] =	ssyncset.done $0x0  }
0x7d: {  	[sflag:s20] =	ssyncadd.s32 $0xFFFFFFB0  }
0x7e: {  	v1 =	vld [tilespmem:$0x0]  }
0x7f: {  	v2 =	vld [tilespmem:$0x200]  }
0x80: {  	v3 =	vld [tilespmem:$0x10]  }
0x81: {  	v4 =	vld [tilespmem:$0x210]  }
0x82: {  	v5 =	vld [tilespmem:$0x20]  }
0x83: {  	v6 =	vld [tilespmem:$0x220]  }
0x84: {  	v7 =	vld [tilespmem:$0x30]  }
0x85: {  	v8 =	vld [tilespmem:$0x230]  }
0x86: {  	v9 =	vld [tilespmem:$0x40]  }
0x87: {  	v10 =	vld [tilespmem:$0x240]  }
0x88: {  	vm0 =	veq.s32 v1, v2  }
0x89: {  	vm5 =	veq.s32 v3, v4;
	v1 =	vsel vm0, $0x2800, v2  }
0x8a: {  	vm6 =	veq.s32 v5, v6;
	[tilespmem:$0x200] =	vst v1;
	v1 =	vsel vm5, $0x2800, v4  }
0x8b: {  	vm7 =	veq.s32 v7, v8;
	[tilespmem:$0x210] =	vst v1;
	v1 =	vsel vm6, $0x2800, v6  }
0x8c: {  	vm8 =	veq.s32 v9, v10;
	[tilespmem:$0x220] =	vst v1;
	v1 =	vsel vm7, $0x2800, v8  }
0x8d: {  	[tilespmem:$0x230] =	vst v1;
	v1 =	vsel vm8, $0x2800, v10  }
0x8e: {  	[tilespmem:$0x240] =	vst v1  }
0x8f: {  	[tilespmem:s6], [sflag:$0x5] =	stream.indirect.gather [hbm4b:s5+s21], $0x80, s7, s21, $0xb8;
	[tilespmem:$0x1E440] =	vst v63  }
0x90: {  	_ =	swait.ge [sflag:s22], $0x50  }
0x91: {  	[sflag:s22] =	ssyncset.done $0x0  }
0x92: {  	[sflag:s22] =	ssyncadd.s32 $0xFFFFFFB0  }
0x93: {  	_ =	swait.ge [sflag:s22], $0x50  }
0x94: {  	[sflag:s22] =	ssyncset.done $0x0  }
0x95: {  	[sflag:s22] =	ssyncadd.s32 $0xFFFFFFB0  }
0x96: {  	v1 =	vld [tilespmem:$0x80]  }
0x97: {  	v2 =	vld [tilespmem:$0x280]  }
0x98: {  	v3 =	vld [tilespmem:$0x90]  }
0x99: {  	v4 =	vld [tilespmem:$0x290]  }
0x9a: {  	v5 =	vld [tilespmem:$0xA0]  }
0x9b: {  	v6 =	vld [tilespmem:$0x2A0]  }
0x9c: {  	v7 =	vld [tilespmem:$0xB0]  }
0x9d: {  	v8 =	vld [tilespmem:$0x2B0]  }
0x9e: {  	v9 =	vld [tilespmem:$0xC0]  }
0x9f: {  	v10 =	vld [tilespmem:$0x2C0]  }
0xa0: {  	vm9 =	veq.s32 v1, v2  }
0xa1: {  	vm10 =	veq.s32 v3, v4;
	v1 =	vsel vm9, $0x2800, v2  }
0xa2: {  	vm11 =	veq.s32 v5, v6;
	[tilespmem:$0x280] =	vst v1;
	v1 =	vsel vm10, $0x2800, v4  }
0xa3: {  	vm12 =	veq.s32 v7, v8;
	[tilespmem:$0x290] =	vst v1;
	v1 =	vsel vm11, $0x2800, v6  }
0xa4: {  	vm13 =	veq.s32 v9, v10;
	[tilespmem:$0x2A0] =	vst v1;
	v1 =	vsel vm12, $0x2800, v8  }
0xa5: {  	[tilespmem:$0x2B0] =	vst v1;
	v1 =	vsel vm13, $0x2800, v10  }
0xa6: {  	s26 =	simm.s32 $0x2C00;
	[tilespmem:$0x2C0] =	vst v1  }
0xa7: {  	[tilespmem:s26], [sflag:$0x6] =	stream.indirect.gather [hbm4b:s5+s21], $0x80, s1, s21, $0xb8;
	[tilespmem:$0x1E440] =	vst v63  }
0xa8: {  	_ =	swait.ge [sflag:s12], $0x2800  }
0xa9: {  	[sflag:s12] =	ssyncset.done $0x0  }
0xaa: {  	[sflag:s12] =	ssyncadd.s32 $0xFFFFD800  }
0xab: {  	[spmem:s2] =	stream.indirect.scatter.add.f32 [tilespmem:s6], [sflag:$0x9], $0x80, s3, s21, $0xb8;
	[tilespmem:$0x1E440] =	vst v63  }
0xac: {  	_ =	swait.ge [sflag:s24], $0x50  }
0xad: {  	[sflag:s24] =	ssyncset.done $0x0  }
0xae: {  	[sflag:s24] =	ssyncadd.s32 $0xFFFFFFB0  }
0xaf: {  	_ =	swait.ge [sflag:s24], $0x50  }
0xb0: {  	[sflag:s24] =	ssyncset.done $0x0  }
0xb1: {  	[sflag:s24] =	ssyncadd.s32 $0xFFFFFFB0  }
0xb2: {  	v1 =	vld [tilespmem:$0x100]  }
0xb3: {  	v2 =	vld [tilespmem:$0x300]  }
0xb4: {  	v3 =	vld [tilespmem:$0x110]  }
0xb5: {  	v4 =	vld [tilespmem:$0x310]  }
0xb6: {  	v5 =	vld [tilespmem:$0x120]  }
0xb7: {  	v6 =	vld [tilespmem:$0x320]  }
0xb8: {  	v7 =	vld [tilespmem:$0x130]  }
0xb9: {  	v8 =	vld [tilespmem:$0x330]  }
0xba: {  	v9 =	vld [tilespmem:$0x140]  }
0xbb: {  	v10 =	vld [tilespmem:$0x340]  }
0xbc: {  	vm14 =	veq.s32 v1, v2  }
0xbd: {  	vm15 =	veq.s32 v3, v4;
	v1 =	vsel vm14, $0x2800, v2  }
0xbe: {  	vm4 =	veq.s32 v5, v6;
	[tilespmem:$0x300] =	vst v1;
	v1 =	vsel vm15, $0x2800, v4  }
0xbf: {  	vm5 =	veq.s32 v7, v8;
	[tilespmem:$0x310] =	vst v1;
	v1 =	vsel vm4, $0x2800, v6  }
0xc0: {  	vm6 =	veq.s32 v9, v10;
	[tilespmem:$0x320] =	vst v1;
	v1 =	vsel vm5, $0x2800, v8  }
0xc1: {  	[tilespmem:$0x330] =	vst v1;
	v1 =	vsel vm6, $0x2800, v10  }
0xc2: {  	s23 =	simm.s32 $0x5400;
	[tilespmem:$0x340] =	vst v1  }
0xc3: {  	[tilespmem:s23], [sflag:$0x7] =	stream.indirect.gather [hbm4b:s5+s21], $0x80, s8, s21, $0xb8;
	[tilespmem:$0x1E440] =	vst v63  }
0xc4: {  	_ =	swait.ge [sflag:s13], $0x2800  }
0xc5: {  	[sflag:s13] =	ssyncset.done $0x0  }
0xc6: {  	[sflag:s13] =	ssyncadd.s32 $0xFFFFD800  }
0xc7: {  	[spmem:s2] =	stream.indirect.scatter.add.f32 [tilespmem:s26], [sflag:$0xA], $0x80, s30, s21, $0xb8;
	[tilespmem:$0x1E440] =	vst v63  }
0xc8: {  	_ =	swait.ge [sflag:s16], $0x2800  }
0xc9: {  	s1 =	rddreg [dreg:$0x1d]  }
0xca: {  	[sflag:s16] =	ssyncset.done $0x0;
	s26 =	sshrl.u32 s1, $0x3  }
0xcb: {  	[sflag:s16] =	ssyncadd.s32 $0xFFFFD800;
	s25 =	sadd.s32 s25, s26  }
0xcc: {  	[tilespmem:s4], [sflag:$0x1] =	stream.linear.gather [hbm4b:s25+s4], $0x50, $0x38;
	[tilespmem:$0x1E440] =	vst v63  }
0xcd: {  	s0 =	sadd.s32 s31, s26  }
0xce: {  	[tilespmem:s3], [sflag:$0x1] =	stream.linear.gather [hbm4b:s0+s4], $0x50, $0x38;
	[tilespmem:$0x1E440] =	vst v63  }
0xcf: {  	_ =	swait.ge [sflag:s28], $0x50  }
0xd0: {  	[sflag:s28] =	ssyncset.done $0x0  }
0xd1: {  	[sflag:s28] =	ssyncadd.s32 $0xFFFFFFB0  }
0xd2: {  	_ =	swait.ge [sflag:s28], $0x50  }
0xd3: {  	[sflag:s28] =	ssyncset.done $0x0  }
0xd4: {  	[sflag:s28] =	ssyncadd.s32 $0xFFFFFFB0  }
0xd5: {  	v1 =	vld [tilespmem:$0x3C0]  }
0xd6: {  	v2 =	vld [tilespmem:$0x3A0]  }
0xd7: {  	v3 =	vld [tilespmem:$0x390]  }
0xd8: {  	v4 =	vld [tilespmem:$0x1A0]  }
0xd9: {  	v5 =	vld [tilespmem:$0x1B0]  }
0xda: {  	v6 =	vld [tilespmem:$0x3B0]  }
0xdb: {  	v7 =	vld [tilespmem:$0x1C0]  }
0xdc: {  	v8 =	vld [tilespmem:$0x180]  }
0xdd: {  	v9 =	vld [tilespmem:$0x190]  }
0xde: {  	v10 =	vld [tilespmem:$0x380]  }
0xdf: {  	vm7 =	veq.s32 v4, v2  }
0xe0: {  	vm9 =	veq.s32 v7, v1;
	v2 =	vsel vm7, $0x2800, v2  }
0xe1: {  	vm8 =	veq.s32 v5, v6;
	v1 =	vsel vm9, $0x2800, v1;
	[tilespmem:$0x3A0] =	vst v2  }
0xe2: {  	vm10 =	veq.s32 v9, v3;
	v2 =	vsel vm8, $0x2800, v6;
	[tilespmem:$0x3C0] =	vst v1  }
0xe3: {  	vm1 =	veq.s32 v8, v10;
	v1 =	vsel vm10, $0x2800, v3;
	[tilespmem:$0x3B0] =	vst v2  }
0xe4: {  	v2 =	vsel vm1, $0x2800, v10;
	[tilespmem:$0x390] =	vst v1  }
0xe5: {  	s26 =	simm.s32 $0x7C00;
	[tilespmem:$0x380] =	vst v2  }
0xe6: {  	[tilespmem:s26], [sflag:$0x8] =	stream.indirect.gather [hbm4b:s5+s21], $0x80, s11, s21, $0xb8;
	[tilespmem:$0x1E440] =	vst v63  }
0xe7: {  	_ =	swait.ge [sflag:s14], $0x2800  }
0xe8: {  	[sflag:s14] =	ssyncset.done $0x0  }
0xe9: {  	[sflag:s14] =	ssyncadd.s32 $0xFFFFD800  }
0xea: {  	[spmem:s2] =	stream.indirect.scatter.add.f32 [tilespmem:s23], [sflag:$0xB], $0x80, s10, s21, $0xb8;
	[tilespmem:$0x1E440] =	vst v63  }
0xeb: {  	_ =	swait.ge [sflag:s17], $0x2800  }
0xec: {  	s3 =	simm.s32 $0x80;
	s11 =	rddreg [dreg:$0x9];
	[sflag:s17] =	ssyncset.done $0x0  }
0xed: {  	s23 =	rddreg [dreg:$0x8];
	[sflag:s17] =	ssyncadd.s32 $0xFFFFD800;
	s0 =	sadd.s32 $0x0, s11  }
0xee: {  	[tilespmem:s3], [sflag:$0x2] =	stream.linear.gather [hbm4b:s0+s4], $0x50, $0x38;
	[tilespmem:$0x1E440] =	vst v63  }
0xef: {  	s25 =	sadd.s32 $0x0, s23  }
0xf0: {  	[tilespmem:s30], [sflag:$0x2] =	stream.linear.gather [hbm4b:s25+s4], $0x50, $0x38;
	[tilespmem:$0x1E440] =	vst v63  }
0xf1: {  	_ =	swait.ge [sflag:s20], $0x50  }
0xf2: {  	[sflag:s20] =	ssyncset.done $0x0  }
0xf3: {  	[sflag:s20] =	ssyncadd.s32 $0xFFFFFFB0  }
0xf4: {  	_ =	swait.ge [sflag:s20], $0x50  }
0xf5: {  	[sflag:s20] =	ssyncset.done $0x0  }
0xf6: {  	[sflag:s20] =	ssyncadd.s32 $0xFFFFFFB0  }
0xf7: {  	v1 =	vld [tilespmem:$0x200]  }
0xf8: {  	v2 =	vld [tilespmem:$0x30]  }
0xf9: {  	v3 =	vld [tilespmem:$0x10]  }
0xfa: {  	v4 =	vld [tilespmem:$0x230]  }
0xfb: {  	v5 =	vld [tilespmem:$0x40]  }
0xfc: {  	v6 =	vld [tilespmem:$0x240]  }
0xfd: {  	v7 =	vld [tilespmem:$0x210]  }
0xfe: {  	v10 =	vld [tilespmem:$0x0]  }
0xff: {  	v8 =	vld [tilespmem:$0x20]  }
0x100: {  	v9 =	vld [tilespmem:$0x220]  }
0x101: {  	vm11 =	veq.s32 v2, v4  }
0x102: {  	vm12 =	veq.s32 v3, v7;
	v2 =	vsel vm11, $0x2800, v4  }
0x103: {  	vm15 =	veq.s32 v10, v1;
	v3 =	vsel vm12, $0x2800, v7;
	[tilespmem:$0x230] =	vst v2  }
0x104: {  	vm13 =	veq.s32 v5, v6;
	v1 =	vsel vm15, $0x2800, v1;
	[tilespmem:$0x210] =	vst v3  }
0x105: {  	vm14 =	veq.s32 v8, v9;
	v2 =	vsel vm13, $0x2800, v6;
	[tilespmem:$0x200] =	vst v1  }
0x106: {  	v3 =	vsel vm14, $0x2800, v9;
	[tilespmem:$0x240] =	vst v2  }
0x107: {  	[tilespmem:$0x220] =	vst v3  }
0x108: {  	[tilespmem:s6], [sflag:$0x5] =	stream.indirect.gather [hbm4b:s5+s21], $0x80, s4, s21, $0xb8;
	[tilespmem:$0x1E440] =	vst v63  }
0x109: {  	_ =	swait.ge [sflag:s15], $0x2800  }
0x10a: {  	[sflag:s15] =	ssyncset.done $0x0  }
0x10b: {  	[sflag:s15] =	ssyncadd.s32 $0xFFFFD800  }
0x10c: {  	[spmem:s2] =	stream.indirect.scatter.add.f32 [tilespmem:s26], [sflag:$0xC], $0x80, s9, s21, $0xb8;
	[tilespmem:$0x1E440] =	vst v63  }
0x10d: {  	_ =	swait.ge [sflag:s18], $0x2800  }
0x10e: {  	s11 =	rddreg [dreg:$0x7];
	[sflag:s18] =	ssyncset.done $0x0  }
0x10f: {  	s23 =	rddreg [dreg:$0x6];
	[sflag:s18] =	ssyncadd.s32 $0xFFFFD800;
	s0 =	sadd.s32 $0x0, s11  }
0x110: {  	[tilespmem:s8], [sflag:$0x3] =	stream.linear.gather [hbm4b:s0+s4], $0x50, $0x38;
	[tilespmem:$0x1E440] =	vst v63  }
0x111: {  	s26 =	sadd.s32 $0x0, s23  }
0x112: {  	[tilespmem:s10], [sflag:$0x3] =	stream.linear.gather [hbm4b:s26+s4], $0x50, $0x38;
	[tilespmem:$0x1E440] =	vst v63  }
0x113: {  	_ =	swait.ge [sflag:s22], $0x50  }
0x114: {  	[sflag:s22] =	ssyncset.done $0x0  }
0x115: {  	[sflag:s22] =	ssyncadd.s32 $0xFFFFFFB0  }
0x116: {  	_ =	swait.ge [sflag:s22], $0x50  }
0x117: {  	[sflag:s22] =	ssyncset.done $0x0  }
0x118: {  	[sflag:s22] =	ssyncadd.s32 $0xFFFFFFB0  }
0x119: {  	v4 =	vld [tilespmem:$0xC0]  }
0x11a: {  	v5 =	vld [tilespmem:$0xA0]  }
0x11b: {  	v2 =	vld [tilespmem:$0xB0]  }
0x11c: {  	v6 =	vld [tilespmem:$0x2A0]  }
0x11d: {  	v3 =	vld [tilespmem:$0x90]  }
0x11e: {  	v9 =	vld [tilespmem:$0x2C0]  }
0x11f: {  	v1 =	vld [tilespmem:$0x280]  }
0x120: {  	s25 =	simm.s32 $0x28;
	v8 =	vld [tilespmem:$0x2B0]  }
0x121: {  	s30 =	simm.s32 $0x200;
	s9 =	simm.s32 $0x400;
	s0 =	smov.u32 s1;
	v7 =	vld [tilespmem:$0x290]  }
.LBB2_4:
0x122: {  	v10 =	vld [tilespmem:$0x80]  }
0x123: {  	vm0 =	veq.s32 v4, v9  }
0x124: {  	vm1 =	veq.s32 v5, v6;
	v4 =	vsel vm0, $0x2800, v9  }
0x125: {  	vm11 =	veq.s32 v2, v8;
	v5 =	vsel vm1, $0x2800, v6;
	[tilespmem:$0x2C0] =	vst v4  }
0x126: {  	vm12 =	veq.s32 v3, v7;
	v2 =	vsel vm11, $0x2800, v8;
	[tilespmem:$0x2A0] =	vst v5  }
0x127: {  	vm13 =	veq.s32 v10, v1;
	v3 =	vsel vm12, $0x2800, v7;
	[tilespmem:$0x2B0] =	vst v2  }
0x128: {  	v1 =	vsel vm13, $0x2800, v1;
	[tilespmem:$0x290] =	vst v3  }
0x129: {  	s26 =	simm.s32 $0x2C00;
	[tilespmem:$0x280] =	vst v1  }
0x12a: {  	[tilespmem:s26], [sflag:$0x6] =	stream.indirect.gather [hbm4b:s5+s21], $0x80, s3, s21, $0xb8;
	[tilespmem:$0x1E440] =	vst v63  }
0x12b: {  	_ =	swait.ge [sflag:s12], $0x2800  }
0x12c: {  	[sflag:s12] =	ssyncset.done $0x0  }
0x12d: {  	[sflag:s12] =	ssyncadd.s32 $0xFFFFD800  }
0x12e: {  	[spmem:s2] =	stream.indirect.scatter.add.f32 [tilespmem:s9], [sflag:$0x9], $0x80, s30, s21, $0xb8;
	[tilespmem:$0x1E440] =	vst v63  }
0x12f: {  	s23 =	smov.u32 s31;
	_ =	swait.ge [sflag:s19], $0x2800  }
0x130: {  	s11 =	simm.s32 $0x180;
	s31 =	rddreg [dreg:$0x5];
	[sflag:s19] =	ssyncset.done $0x0  }
0x131: {  	s1 =	rddreg [dreg:$0x4];
	[sflag:s19] =	ssyncadd.s32 $0xFFFFD800;
	s31 =	sadd.s32 s7, s31  }
0x132: {  	[tilespmem:s11], [sflag:$0x4] =	stream.linear.gather [hbm4b:s31+s4], $0x50, $0x38;
	[tilespmem:$0x1E440] =	vst v63  }
0x133: {  	s10 =	simm.s32 $0x380;
	s1 =	sadd.s32 s7, s1  }
0x134: {  	[tilespmem:s10], [sflag:$0x4] =	stream.linear.gather [hbm4b:s1+s4], $0x50, $0x38;
	[tilespmem:$0x1E440] =	vst v63  }
0x135: {  	_ =	swait.ge [sflag:s24], $0x50  }
0x136: {  	[sflag:s24] =	ssyncset.done $0x0  }
0x137: {  	[sflag:s24] =	ssyncadd.s32 $0xFFFFFFB0  }
0x138: {  	_ =	swait.ge [sflag:s24], $0x50  }
0x139: {  	[sflag:s24] =	ssyncset.done $0x0  }
0x13a: {  	[sflag:s24] =	ssyncadd.s32 $0xFFFFFFB0  }
0x13b: {  	v1 =	vld [tilespmem:$0x100]  }
0x13c: {  	v2 =	vld [tilespmem:$0x300]  }
0x13d: {  	v3 =	vld [tilespmem:$0x110]  }
0x13e: {  	v4 =	vld [tilespmem:$0x120]  }
0x13f: {  	v5 =	vld [tilespmem:$0x320]  }
0x140: {  	v6 =	vld [tilespmem:$0x130]  }
0x141: {  	v7 =	vld [tilespmem:$0x140];
	vm14 =	veq.s32 v1, v2  }
0x142: {  	v1 =	vld [tilespmem:$0x330];
	v2 =	vsel vm14, $0x2800, v2  }
0x143: {  	[tilespmem:$0x300] =	vst v2;
	v2 =	vld [tilespmem:$0x340]  }
0x144: {  	v8 =	vld [tilespmem:$0x310];
	_ =	sdelay $0x1  }
0x145: {  	vm15 =	veq.s32 v4, v5  }
0x146: {  	v4 =	vsel vm15, $0x2800, v5;
	vm4 =	veq.s32 v6, v1  }
0x147: {  	[tilespmem:$0x320] =	vst v4;
	v1 =	vsel vm4, $0x2800, v1;
	vm5 =	veq.s32 v7, v2  }
0x148: {  	vm6 =	veq.s32 v3, v8;
	[tilespmem:$0x330] =	vst v1;
	v1 =	vsel vm5, $0x2800, v2  }
0x149: {  	v2 =	vsel vm6, $0x2800, v8;
	[tilespmem:$0x340] =	vst v1  }
0x14a: {  	s8 =	simm.s32 $0x5400;
	[tilespmem:$0x310] =	vst v2  }
0x14b: {  	[tilespmem:s8], [sflag:$0x7] =	stream.indirect.gather [hbm4b:s5+s21], $0x80, s29, s21, $0xb8;
	[tilespmem:$0x1E440] =	vst v63  }
0x14c: {  	_ =	swait.ge [sflag:s13], $0x2800  }
0x14d: {  	[sflag:s13] =	ssyncset.done $0x0  }
0x14e: {  	s31 =	smov.u32 s23;
	s23 =	simm.s32 $0x280;
	[sflag:s13] =	ssyncadd.s32 $0xFFFFD800  }
0x14f: {  	[spmem:s2] =	stream.indirect.scatter.add.f32 [tilespmem:s26], [sflag:$0xA], $0x80, s23, s21, $0xb8;
	[tilespmem:$0x1E440] =	vst v63  }
0x150: {  	s0 =	sadd.s32 $0x140, s0;
	s6 =	smov.u32 s25;
	_ =	swait.ge [sflag:s16], $0x2800  }
0x151: {  	s1 =	sshrl.u32 s0, $0x3;
	[sflag:s16] =	ssyncset.done $0x0;
	s26 =	rddreg [dreg:$0xa]  }
0x152: {  	s7 =	smov.u32 s6;
	[sflag:s16] =	ssyncadd.s32 $0xFFFFD800;
	s6 =	sadd.s32 s26, s1  }
0x153: {  	[tilespmem:s4], [sflag:$0x1] =	stream.linear.gather [hbm4b:s6+s4], $0x50, $0x38;
	[tilespmem:$0x1E440] =	vst v63  }
0x154: {  	s1 =	sadd.s32 s31, s1  }
0x155: {  	[tilespmem:s30], [sflag:$0x1] =	stream.linear.gather [hbm4b:s1+s4], $0x50, $0x38;
	[tilespmem:$0x1E440] =	vst v63  }
0x156: {  	_ =	swait.ge [sflag:s28], $0x50  }
0x157: {  	[sflag:s28] =	ssyncset.done $0x0  }
0x158: {  	[sflag:s28] =	ssyncadd.s32 $0xFFFFFFB0  }
0x159: {  	_ =	swait.ge [sflag:s28], $0x50  }
0x15a: {  	[sflag:s28] =	ssyncset.done $0x0  }
0x15b: {  	[sflag:s28] =	ssyncadd.s32 $0xFFFFFFB0  }
0x15c: {  	v1 =	vld [tilespmem:$0x3C0]  }
0x15d: {  	v2 =	vld [tilespmem:$0x3A0]  }
0x15e: {  	v3 =	vld [tilespmem:$0x390]  }
0x15f: {  	v4 =	vld [tilespmem:$0x1A0]  }
0x160: {  	v5 =	vld [tilespmem:$0x1B0]  }
0x161: {  	v6 =	vld [tilespmem:$0x3B0]  }
0x162: {  	v7 =	vld [tilespmem:$0x1C0]  }
0x163: {  	v8 =	vld [tilespmem:$0x180]  }
0x164: {  	v9 =	vld [tilespmem:$0x190]  }
0x165: {  	vm7 =	veq.s32 v4, v2;
	v4 =	vld [tilespmem:$0x380];
	_ =	sdelay $0x1  }
0x166: {  	vm9 =	veq.s32 v7, v1;
	v2 =	vsel vm7, $0x2800, v2  }
0x167: {  	vm8 =	veq.s32 v5, v6;
	v1 =	vsel vm9, $0x2800, v1;
	[tilespmem:$0x3A0] =	vst v2  }
0x168: {  	vm10 =	veq.s32 v9, v3;
	v2 =	vsel vm8, $0x2800, v6;
	[tilespmem:$0x3C0] =	vst v1  }
0x169: {  	v1 =	vsel vm10, $0x2800, v3;
	[tilespmem:$0x3B0] =	vst v2;
	vm11 =	veq.s32 v8, v4  }
0x16a: {  	[tilespmem:$0x390] =	vst v1;
	v2 =	vsel vm11, $0x2800, v4  }
0x16b: {  	s26 =	simm.s32 $0x7C00;
	[tilespmem:$0x380] =	vst v2  }
0x16c: {  	[tilespmem:s26], [sflag:$0x8] =	stream.indirect.gather [hbm4b:s5+s21], $0x80, s11, s21, $0xb8;
	[tilespmem:$0x1E440] =	vst v63  }
0x16d: {  	_ =	swait.ge [sflag:s14], $0x2800  }
0x16e: {  	[sflag:s14] =	ssyncset.done $0x0  }
0x16f: {  	s11 =	simm.s32 $0x300;
	[sflag:s14] =	ssyncadd.s32 $0xFFFFD800  }
0x170: {  	[spmem:s2] =	stream.indirect.scatter.add.f32 [tilespmem:s8], [sflag:$0xB], $0x80, s11, s21, $0xb8;
	[tilespmem:$0x1E440] =	vst v63  }
0x171: {  	_ =	swait.ge [sflag:s17], $0x2800  }
0x172: {  	s3 =	simm.s32 $0x80;
	s6 =	rddreg [dreg:$0x9];
	[sflag:s17] =	ssyncset.done $0x0  }
0x173: {  	s8 =	rddreg [dreg:$0x8];
	[sflag:s17] =	ssyncadd.s32 $0xFFFFD800;
	s1 =	sadd.s32 s7, s6  }
0x174: {  	[tilespmem:s3], [sflag:$0x2] =	stream.linear.gather [hbm4b:s1+s4], $0x50, $0x38;
	[tilespmem:$0x1E440] =	vst v63  }
0x175: {  	s6 =	sadd.s32 s7, s8  }
0x176: {  	[tilespmem:s23], [sflag:$0x2] =	stream.linear.gather [hbm4b:s6+s4], $0x50, $0x38;
	[tilespmem:$0x1E440] =	vst v63  }
0x177: {  	_ =	swait.ge [sflag:s20], $0x50  }
0x178: {  	[sflag:s20] =	ssyncset.done $0x0  }
0x179: {  	[sflag:s20] =	ssyncadd.s32 $0xFFFFFFB0  }
0x17a: {  	_ =	swait.ge [sflag:s20], $0x50  }
0x17b: {  	[sflag:s20] =	ssyncset.done $0x0  }
0x17c: {  	[sflag:s20] =	ssyncadd.s32 $0xFFFFFFB0  }
0x17d: {  	v1 =	vld [tilespmem:$0x200]  }
0x17e: {  	v2 =	vld [tilespmem:$0x30]  }
0x17f: {  	v3 =	vld [tilespmem:$0x10]  }
0x180: {  	v4 =	vld [tilespmem:$0x230]  }
0x181: {  	v5 =	vld [tilespmem:$0x40]  }
0x182: {  	v6 =	vld [tilespmem:$0x240]  }
0x183: {  	v8 =	vld [tilespmem:$0x210]  }
0x184: {  	v9 =	vld [tilespmem:$0x0]  }
0x185: {  	v7 =	vld [tilespmem:$0x20]  }
0x186: {  	v10 =	vld [tilespmem:$0x220]  }
0x187: {  	vm12 =	veq.s32 v2, v4  }
0x188: {  	vm13 =	veq.s32 v3, v8;
	v2 =	vsel vm12, $0x2800, v4  }
0x189: {  	vm2 =	veq.s32 v9, v1;
	v3 =	vsel vm13, $0x2800, v8;
	[tilespmem:$0x230] =	vst v2  }
0x18a: {  	vm14 =	veq.s32 v5, v6;
	v1 =	vsel vm2, $0x2800, v1;
	[tilespmem:$0x210] =	vst v3  }
0x18b: {  	vm15 =	veq.s32 v7, v10;
	v2 =	vsel vm14, $0x2800, v6;
	[tilespmem:$0x200] =	vst v1  }
0x18c: {  	v3 =	vsel vm15, $0x2800, v10;
	[tilespmem:$0x240] =	vst v2  }
0x18d: {  	[tilespmem:$0x220] =	vst v3  }
0x18e: {  	[tilespmem:s9], [sflag:$0x5] =	stream.indirect.gather [hbm4b:s5+s21], $0x80, s4, s21, $0xb8;
	[tilespmem:$0x1E440] =	vst v63  }
0x18f: {  	_ =	swait.ge [sflag:s15], $0x2800  }
0x190: {  	[sflag:s15] =	ssyncset.done $0x0  }
0x191: {  	[sflag:s15] =	ssyncadd.s32 $0xFFFFD800  }
0x192: {  	[spmem:s2] =	stream.indirect.scatter.add.f32 [tilespmem:s26], [sflag:$0xC], $0x80, s10, s21, $0xb8;
	[tilespmem:$0x1E440] =	vst v63  }
0x193: {  	_ =	swait.ge [sflag:s18], $0x2800  }
0x194: {  	s10 =	rddreg [dreg:$0x7];
	[sflag:s18] =	ssyncset.done $0x0  }
0x195: {  	s23 =	rddreg [dreg:$0x6];
	[sflag:s18] =	ssyncadd.s32 $0xFFFFD800;
	s1 =	sadd.s32 s7, s10  }
0x196: {  	[tilespmem:s29], [sflag:$0x3] =	stream.linear.gather [hbm4b:s1+s4], $0x50, $0x38;
	[tilespmem:$0x1E440] =	vst v63  }
0x197: {  	s26 =	sadd.s32 s7, s23  }
0x198: {  	[tilespmem:s11], [sflag:$0x3] =	stream.linear.gather [hbm4b:s26+s4], $0x50, $0x38;
	[tilespmem:$0x1E440] =	vst v63  }
0x199: {  	_ =	swait.ge [sflag:s22], $0x50  }
0x19a: {  	[sflag:s22] =	ssyncset.done $0x0  }
0x19b: {  	[sflag:s22] =	ssyncadd.s32 $0xFFFFFFB0  }
0x19c: {  	_ =	swait.ge [sflag:s22], $0x50  }
0x19d: {  	[sflag:s22] =	ssyncset.done $0x0  }
0x19e: {  	[sflag:s22] =	ssyncadd.s32 $0xFFFFFFB0  }
0x19f: {  	v4 =	vld [tilespmem:$0xC0]  }
0x1a0: {  	v5 =	vld [tilespmem:$0xA0]  }
0x1a1: {  	v2 =	vld [tilespmem:$0xB0]  }
0x1a2: {  	p1 =	sne.s32 s25, $0x488;
	v6 =	vld [tilespmem:$0x2A0]  }
.Ltmp1:
0x1a3: {  	v3 =	vld [tilespmem:$0x90];
	(pc) =	sbr.rel @p1 .LBB2_4-.Ltmp1, $4  }
0x1a4: {  	v9 =	vld [tilespmem:$0x2C0]  }
0x1a5: {  	v1 =	vld [tilespmem:$0x280]  }
0x1a6: {  	s25 =	sadd.s32 $0x28, s25;
	v8 =	vld [tilespmem:$0x2B0]  }
0x1a7: {  	s8 =	simm.s32 $0x280;
	s6 =	simm.s32 $0x300;
	s10 =	simm.s32 $0x100;
	v7 =	vld [tilespmem:$0x290]  }
0x1a8: {  	v10 =	vld [tilespmem:$0x80]  }
0x1a9: {  	vm1 =	veq.s32 v5, v6  }
0x1aa: {  	vm0 =	veq.s32 v4, v9;
	v5 =	vsel vm1, $0x2800, v6  }
0x1ab: {  	v4 =	vsel vm0, $0x2800, v9;
	[tilespmem:$0x2A0] =	vst v5;
	vm10 =	veq.s32 v2, v8  }
0x1ac: {  	[tilespmem:$0x2C0] =	vst v4;
	vm11 =	veq.s32 v3, v7;
	v2 =	vsel vm10, $0x2800, v8  }
0x1ad: {  	vm12 =	veq.s32 v10, v1;
	v3 =	vsel vm11, $0x2800, v7;
	[tilespmem:$0x2B0] =	vst v2  }
0x1ae: {  	v1 =	vsel vm12, $0x2800, v1;
	[tilespmem:$0x290] =	vst v3  }
0x1af: {  	s11 =	simm.s32 $0x2C00;
	[tilespmem:$0x280] =	vst v1  }
0x1b0: {  	[tilespmem:s11], [sflag:$0x6] =	stream.indirect.gather [hbm4b:s5+s21], $0x80, s3, s21, $0xb8;
	[tilespmem:$0x1E440] =	vst v63  }
0x1b1: {  	_ =	swait.ge [sflag:s12], $0x2800  }
0x1b2: {  	[sflag:s12] =	ssyncset.done $0x0  }
0x1b3: {  	[sflag:s12] =	ssyncadd.s32 $0xFFFFD800  }
0x1b4: {  	[spmem:s2] =	stream.indirect.scatter.add.f32 [tilespmem:s9], [sflag:$0x9], $0x80, s30, s21, $0xb8;
	[tilespmem:$0x1E440] =	vst v63  }
0x1b5: {  	_ =	swait.ge [sflag:s19], $0x2800  }
0x1b6: {  	s3 =	simm.s32 $0x180;
	s0 =	rddreg [dreg:$0x5];
	[sflag:s19] =	ssyncset.done $0x0  }
0x1b7: {  	s1 =	rddreg [dreg:$0x4];
	[sflag:s19] =	ssyncadd.s32 $0xFFFFD800;
	s0 =	sadd.s32 s7, s0  }
0x1b8: {  	[tilespmem:s3], [sflag:$0x4] =	stream.linear.gather [hbm4b:s0+s4], $0x50, $0x38;
	[tilespmem:$0x1E440] =	vst v63  }
0x1b9: {  	s7 =	sadd.s32 s7, s1;
	s1 =	simm.s32 $0x380  }
0x1ba: {  	[tilespmem:s1], [sflag:$0x4] =	stream.linear.gather [hbm4b:s7+s4], $0x50, $0x38;
	[tilespmem:$0x1E440] =	vst v63  }
0x1bb: {  	_ =	swait.ge [sflag:s24], $0x50  }
0x1bc: {  	[sflag:s24] =	ssyncset.done $0x0  }
0x1bd: {  	[sflag:s24] =	ssyncadd.s32 $0xFFFFFFB0  }
0x1be: {  	_ =	swait.ge [sflag:s24], $0x50  }
0x1bf: {  	[sflag:s24] =	ssyncset.done $0x0  }
0x1c0: {  	[sflag:s24] =	ssyncadd.s32 $0xFFFFFFB0  }
0x1c1: {  	v1 =	vld [tilespmem:$0x100]  }
0x1c2: {  	v2 =	vld [tilespmem:$0x300]  }
0x1c3: {  	v3 =	vld [tilespmem:$0x110]  }
0x1c4: {  	v43 =	vld [tilespmem:$0x120]  }
0x1c5: {  	v44 =	vld [tilespmem:$0x320]  }
0x1c6: {  	v45 =	vld [tilespmem:$0x130]  }
0x1c7: {  	v49 =	vld [tilespmem:$0x310]  }
0x1c8: {  	v46 =	vld [tilespmem:$0x330]  }
0x1c9: {  	v47 =	vld [tilespmem:$0x140]  }
0x1ca: {  	v48 =	vld [tilespmem:$0x340]  }
0x1cb: {  	vm13 =	veq.s32 v1, v2  }
0x1cc: {  	vm5 =	veq.s32 v3, v49;
	v1 =	vsel vm13, $0x2800, v2  }
0x1cd: {  	vm14 =	veq.s32 v43, v44;
	v2 =	vsel vm5, $0x2800, v49;
	[tilespmem:$0x300] =	vst v1  }
0x1ce: {  	vm15 =	veq.s32 v45, v46;
	v1 =	vsel vm14, $0x2800, v44;
	[tilespmem:$0x310] =	vst v2  }
0x1cf: {  	vm4 =	veq.s32 v47, v48;
	[tilespmem:$0x320] =	vst v1;
	v1 =	vsel vm15, $0x2800, v46  }
0x1d0: {  	[tilespmem:$0x330] =	vst v1;
	v1 =	vsel vm4, $0x2800, v48  }
0x1d1: {  	s23 =	simm.s32 $0x5400;
	[tilespmem:$0x340] =	vst v1  }
0x1d2: {  	[tilespmem:s23], [sflag:$0x7] =	stream.indirect.gather [hbm4b:s5+s21], $0x80, s10, s21, $0xb8;
	[tilespmem:$0x1E440] =	vst v63  }
0x1d3: {  	_ =	swait.ge [sflag:s13], $0x2800  }
0x1d4: {  	[sflag:s13] =	ssyncset.done $0x0  }
0x1d5: {  	[sflag:s13] =	ssyncadd.s32 $0xFFFFD800  }
0x1d6: {  	[spmem:s2] =	stream.indirect.scatter.add.f32 [tilespmem:s11], [sflag:$0xA], $0x80, s8, s21, $0xb8;
	[tilespmem:$0x1E440] =	vst v63  }
0x1d7: {  	_ =	swait.ge [sflag:s16], $0x2800  }
0x1d8: {  	[sflag:s16] =	ssyncset.done $0x0  }
0x1d9: {  	s25 =	rddreg [dreg:$0x19];
	[sflag:s16] =	ssyncadd.s32 $0xFFFFD800  }
0x1da: {  	[tilespmem:s4], [sflag:$0x1] =	stream.linear.gather [hbm4b:s25+s4], $0x50, $0x38;
	[tilespmem:$0x1E440] =	vst v63  }
0x1db: {  	s26 =	rddreg [dreg:$0x1a]  }
0x1dc: {  	[tilespmem:s30], [sflag:$0x1] =	stream.linear.gather [hbm4b:s26+s4], $0x50, $0x38;
	[tilespmem:$0x1E440] =	vst v63  }
0x1dd: {  	_ =	swait.ge [sflag:s28], $0x50  }
0x1de: {  	[sflag:s28] =	ssyncset.done $0x0  }
0x1df: {  	[sflag:s28] =	ssyncadd.s32 $0xFFFFFFB0  }
0x1e0: {  	_ =	swait.ge [sflag:s28], $0x50  }
0x1e1: {  	[sflag:s28] =	ssyncset.done $0x0  }
0x1e2: {  	[sflag:s28] =	ssyncadd.s32 $0xFFFFFFB0  }
0x1e3: {  	v1 =	vld [tilespmem:$0x180]  }
0x1e4: {  	v2 =	vld [tilespmem:$0x380]  }
0x1e5: {  	v3 =	vld [tilespmem:$0x190]  }
0x1e6: {  	v50 =	vld [tilespmem:$0x390]  }
0x1e7: {  	v51 =	vld [tilespmem:$0x1A0]  }
0x1e8: {  	v52 =	vld [tilespmem:$0x3A0]  }
0x1e9: {  	v53 =	vld [tilespmem:$0x1B0]  }
0x1ea: {  	v54 =	vld [tilespmem:$0x3B0]  }
0x1eb: {  	v55 =	vld [tilespmem:$0x1C0]  }
0x1ec: {  	v56 =	vld [tilespmem:$0x3C0]  }
0x1ed: {  	vm6 =	veq.s32 v1, v2  }
0x1ee: {  	vm7 =	veq.s32 v3, v50;
	v1 =	vsel vm6, $0x2800, v2  }
0x1ef: {  	vm8 =	veq.s32 v51, v52;
	[tilespmem:$0x380] =	vst v1;
	v1 =	vsel vm7, $0x2800, v50  }
0x1f0: {  	vm9 =	veq.s32 v53, v54;
	[tilespmem:$0x390] =	vst v1;
	v1 =	vsel vm8, $0x2800, v52  }
0x1f1: {  	vm10 =	veq.s32 v55, v56;
	[tilespmem:$0x3A0] =	vst v1;
	v1 =	vsel vm9, $0x2800, v54  }
0x1f2: {  	[tilespmem:$0x3B0] =	vst v1;
	v1 =	vsel vm10, $0x2800, v56  }
0x1f3: {  	s8 =	simm.s32 $0x7C00;
	[tilespmem:$0x3C0] =	vst v1  }
0x1f4: {  	[tilespmem:s8], [sflag:$0x8] =	stream.indirect.gather [hbm4b:s5+s21], $0x80, s3, s21, $0xb8;
	[tilespmem:$0x1E440] =	vst v63  }
0x1f5: {  	_ =	swait.ge [sflag:s14], $0x2800  }
0x1f6: {  	[sflag:s14] =	ssyncset.done $0x0  }
0x1f7: {  	[sflag:s14] =	ssyncadd.s32 $0xFFFFD800  }
0x1f8: {  	[spmem:s2] =	stream.indirect.scatter.add.f32 [tilespmem:s23], [sflag:$0xB], $0x80, s6, s21, $0xb8;
	[tilespmem:$0x1E440] =	vst v63  }
0x1f9: {  	_ =	swait.ge [sflag:s20], $0x50  }
0x1fa: {  	[sflag:s20] =	ssyncset.done $0x0  }
0x1fb: {  	[sflag:s20] =	ssyncadd.s32 $0xFFFFFFB0  }
0x1fc: {  	_ =	swait.ge [sflag:s20], $0x50  }
0x1fd: {  	[sflag:s20] =	ssyncset.done $0x0  }
0x1fe: {  	[sflag:s20] =	ssyncadd.s32 $0xFFFFFFB0  }
0x1ff: {  	v1 =	vld [tilespmem:$0x0]  }
0x200: {  	v2 =	vld [tilespmem:$0x200]  }
0x201: {  	v3 =	vld [tilespmem:$0x10]  }
0x202: {  	v57 =	vld [tilespmem:$0x210]  }
0x203: {  	v58 =	vld [tilespmem:$0x20]  }
0x204: {  	v59 =	vld [tilespmem:$0x220]  }
0x205: {  	v60 =	vld [tilespmem:$0x30]  }
0x206: {  	v61 =	vld [tilespmem:$0x230]  }
0x207: {  	v62 =	vld [tilespmem:$0x40]  }
0x208: {  	v63 =	vld [tilespmem:$0x240]  }
0x209: {  	vm11 =	veq.s32 v1, v2  }
0x20a: {  	vm12 =	veq.s32 v3, v57;
	v1 =	vsel vm11, $0x2800, v2  }
0x20b: {  	vm13 =	veq.s32 v58, v59;
	[tilespmem:$0x200] =	vst v1;
	v1 =	vsel vm12, $0x2800, v57  }
0x20c: {  	vm14 =	veq.s32 v60, v61;
	[tilespmem:$0x210] =	vst v1;
	v1 =	vsel vm13, $0x2800, v59  }
0x20d: {  	vm15 =	veq.s32 v62, v63;
	[tilespmem:$0x220] =	vst v1;
	v1 =	vsel vm14, $0x2800, v61  }
0x20e: {  	[tilespmem:$0x230] =	vst v1;
	v1 =	vsel vm15, $0x2800, v63  }
0x20f: {  	[tilespmem:$0x240] =	vst v1  }
0x210: {  	[tilespmem:s9], [sflag:$0x5] =	stream.indirect.gather [hbm4b:s5+s21], $0x80, s4, s21, $0xb8;
	[tilespmem:$0x1E440] =	vst v63  }
0x211: {  	_ =	swait.ge [sflag:s15], $0x2800  }
0x212: {  	[sflag:s15] =	ssyncset.done $0x0  }
0x213: {  	[sflag:s15] =	ssyncadd.s32 $0xFFFFD800  }
0x214: {  	[spmem:s2] =	stream.indirect.scatter.add.f32 [tilespmem:s8], [sflag:$0xC], $0x80, s1, s21, $0xb8;
	[tilespmem:$0x1E440] =	vst v63  }
0x215: {  	_ =	swait.ge [sflag:s12], $0x2800  }
0x216: {  	[sflag:s12] =	ssyncset.done $0x0  }
0x217: {  	[sflag:s12] =	ssyncadd.s32 $0xFFFFD800  }
0x218: {  	[spmem:s2] =	stream.indirect.scatter.add.f32 [tilespmem:s9], [sflag:$0x9], $0x80, s30, s21, $0xb8;
	[tilespmem:$0x1E440] =	vst v63  }
0x219: {  	_ =	swait.ge [sflag:s16], $0x2800  }
0x21a: {  	[sflag:s16] =	ssyncset.done $0x0  }
0x21b: {  	[sflag:s16] =	ssyncadd.s32 $0xFFFFD800  }
0x21c: {  	_ =	swait.ge [sflag:s17], $0x2800  }
0x21d: {  	[sflag:s17] =	ssyncset.done $0x0  }
0x21e: {  	[sflag:s17] =	ssyncadd.s32 $0xFFFFD800  }
0x21f: {  	_ =	swait.ge [sflag:s18], $0x2800  }
0x220: {  	[sflag:s18] =	ssyncset.done $0x0  }
0x221: {  	[sflag:s18] =	ssyncadd.s32 $0xFFFFD800  }
0x222: {  	_ =	swait.ge [sflag:s19], $0x2800  }
0x223: {  	[sflag:s19] =	ssyncset.done $0x0  }
0x224: {  	s10 =	stileid.u32;
	[sflag:s19] =	ssyncadd.s32 $0xFFFFD800  }
0x225: {  	s0 =	sshll.u32 s10, $0x6;
	[bflag:$0x0] =	sbarrier.arrive $0xFFFF  }
0x226: {  	s0 =	sor.u32 $0x1C0D, s0;
	s11 =	rddreg [dreg:$0xb]  }
0x227: {  	s25 =	simm.s32 $0xD;
	s23 =	rddreg [dreg:$0x1b];
	s1 =	sshrl.u32 s11, $0x3  }
0x228: {  	[hbm:s23], [sflag:s0] =	dma.local [spmem:s1], $0x2800  }
0x229: {  	_ =	swait.ge [sflag:s25], $0x2800  }
0x22a: {  	s26 =	sld [smem:$0x7FC];
	_ =	sdelay $0x2  }
0x22b: {  	s30 =	rddreg [dreg:$0x1c];
	s7 =	sadd.s32 $0x1, s26  }
0x22c: {  	p1 =	sne.s32 s7, s30  }
.Ltmp2:
0x22d: {  	_ = 	snop;
	(pc) =	sbr.rel @p1 .LBB2_1-.Ltmp2, $3  }
0x22e: {  	_ =	sdelay $0x1  }
0x22f: {  	s3 =	simm.s32 $0x200;
	[sflag:s25] =	ssyncset.done $0x0  }
0x230: {  	s6 =	simm.s32 $0x400;
	[sflag:s25] =	ssyncadd.s32 $0xFFFFD800;
	s25 =	rddreg [dreg:$0xa]  }
0x231: {  	_ =	sfence.sel $0x180000  }
0x232: {  	[bflag:$0x0] =	sbarrier.arrive $0xFFFF  }
0x233: {  	_ =	strace $0x9000004A  }
0x234: {  	[bflag:$0x2] =	sbarrier.arrive $0xFFFF  }
0x235: {  	s0 =	rddreg [dreg:$0x3]  }
0x236: {  	s0 =	sadd.s32 @!p0 $0x100000, s0  }
0x237: {  	[sflag:s0] =	ssyncadd.tile.s32 @!p0 $0x1;
	_ =	shalt  }
.Lfunc_end2:
_tile_overlayer_lowered:
.L_overlay_start_2:
0x238: {  	(tag) =	ssettag $0x2  }
0x239: {  	s0 =	rddreg [dreg:$0x0];
	s2 =	stileid.u32  }
0x23a: {  	s1 =	rddreg [dreg:$0x1];
	p0 =	sne.s32 s2, $0x0  }
0x23b: {  	s3 =	rddreg [dreg:$0x2];
	[bflag:$0x3] =	sbarrier.arrive $0xFFFF;
	s2 =	simm.s32 @!p0 $0x1C0D  }
0x23c: {  	[timem:s3], [sflag:s2] =	dma.local @!p0 [hbm:s0], s1  }
0x23d: {  	s0 =	simm.s32 @!p0 $0xD  }
0x23e: {  	_ =	swait.ge @!p0 [sflag:s0], s1  }
0x23f: {  	s1 =	ssub.s32 @!p0 $0x0, s1;
	[sflag:s0] =	ssyncset.done @!p0 $0x0  }
0x240: {  	[sflag:s0] =	ssyncadd.s32 @!p0 s1  }
0x241: {  	[bflag:$0x3] =	sbarrier.arrive $0xFFFF  }
0x242: {  	_ =	shalt  }

// kernel: kernel.14.cloned.1.call-start
scs
__scs_entry_jumppad:
0x0: {  	(pc) =	sbr.rel $0x88, $3  }
0x1: {  	(tag) =	ssettag $0x0;
	lr =	simm.s32 $0x1  }
0x2: {  	[smem:$0x3F97] =	sst lr;
	_ =	strace $0xD0000000  }
0x3: {  	_ = 	snop  }
0x4: {  	_ = 	snop  }
0x5: {  	_ = 	snop  }
0x6: {  	_ = 	snop  }
0x7: {  	_ = 	snop  }
__scs_overlays_trampoline_lowered:
0x8: {  	[smem:$0x3FA6] =	sst s0  }
0x9: {  	[smem:$0x3FA7] =	sst s1  }
0xa: {  	[smem:$0x3FA8] =	sst s2  }
0xb: {  	[smem:$0x3FA9] =	sst s3  }
0xc: {  	[smem:$0x3FAA] =	sst s4  }
0xd: {  	[smem:$0x3FAB] =	sst s5  }
0xe: {  	[smem:$0x3FAC] =	sst s6  }
0xf: {  	[smem:$0x3FAD] =	sst s7  }
0x10: {  	[smem:$0x3FAE] =	sst s8  }
0x11: {  	[smem:$0x3FAF] =	sst s9;
	s0 =	simm.s32 @!p0 $0x0  }
0x12: {  	s1 =	sld [smem:$0x3F95];
	s0 =	simm.s32 @p0 $0x1  }
0x13: {  	[smem:$0x3FB0] =	sst s0;
	s0 =	simm.s32 @!p1 $0x0  }
0x14: {  	s2 =	sld [smem:$0x3F94];
	s0 =	simm.s32 @p1 $0x1  }
0x15: {  	[smem:$0x3FB1] =	sst s0;
	s0 =	simm.s32 @!p2 $0x0  }
0x16: {  	s3 =	sld [smem:$0x3FDB];
	s0 =	simm.s32 @p2 $0x1  }
0x17: {  	s4 =	simm.s32 $0x1BF5;
	[smem:$0x3FB3] =	sst s0  }
0x18: {  	s0 =	sld [smem:$0x3F96];
	_ =	swait.ge [sflag:s4], $0x0  }
0x19: {  	s7 =	sld [smem:$0x3F97]  }
0x1a: {  	s8 =	sadd.s32 $0xFFFFE003, lr  }
0x1b: {  	s9 =	sadd.s32 $0xFFFFFEF7, lr;
	s5 =	simm.s32 $0xFFFFFFFF;
	p2 =	slt.u32 s8, $0xFFFFF086  }
0x1c: {  	p1 =	slt.u32 s9, $0xF7A;
	s5 =	simm.s32 @!p2 $0x0  }
0x1d: {  	s5 =	simm.s32 @p1 $0x1;
	p0 =	seq.s32 s7, s2  }
0x1e: {  	s7 =	smul.u32 @!p0 $0xF7A, s2;
	p2 =	seq.s32 @!p0 s5, $0x0  }
0x1f: {  	s9 =	smul.u32 $0xF7A, s1;
	s8 =	simm.s32 @!p0 $0x1BF5;
	p2 =	por !p2, p0  }
0x20: {  	[sflag:s8] =	ssyncset.s32 @!p0 $0xFFFFF086;
	s6 =	sadd.s32 @!p0 s3, s7;
	s7 =	simm.s32 @!p0 $0x108  }
0x21: {  	s3 =	sadd.s32 s3, s9;
	s6 =	sadd.s32 @!p0 $0x88, s6;
	s7 =	simm.s32 @p2 $0x1082  }
0x22: {  	[simem:s7], [sflag:s8] =	dma.local @!p0 [hbm:s6], $0xF7A  }
0x23: {  	s9 =	sor.u32 $0xD0000000, s2;
	s6 =	simm.s32 $0x108;
	_ =	swait.ge @!p0 [sflag:s8], $0x0  }
0x24: {  	s3 =	sadd.s32 $0x88, s3;
	s6 =	simm.s32 @!p1 $0x1082;
	[sflag:s4] =	ssyncset.s32 $0xFFFFF086  }
0x25: {  	[simem:s6], [sflag:s4] =	dma.local [hbm:s3], $0xF7A  }
0x26: {  	[smem:$0x3F97] =	sst s1;
	(tag) =	ssettag s2;
	_ =	strace s9  }
0x27: {  	s1 =	sld [smem:$0x3FA7]  }
0x28: {  	s2 =	sld [smem:$0x3FA8]  }
0x29: {  	s4 =	sld [smem:$0x3FAA]  }
0x2a: {  	p0 =	seq.s32 s5, $0x0;
	s5 =	sld [smem:$0x3FAB]  }
0x2b: {  	s6 =	sld [smem:$0x3FAC]  }
0x2c: {  	s7 =	sld [smem:$0x3FAD]  }
0x2d: {  	s3 =	simm.s32 $0x108;
	s8 =	sld [smem:$0x3FAE]  }
0x2e: {  	s3 =	simm.s32 @!p0 $0x1082;
	s9 =	sld [smem:$0x3FAF]  }
0x2f: {  	lr =	sadd.s32 s0, s3;
	s0 =	sld [smem:$0x3FA6]  }
0x30: {  	s3 =	sld [smem:$0x3FA9]  }
0x31: {  	[smem:$0x3FB2] =	sst s10  }
0x32: {  	s10 =	sld [smem:$0x3FB0];
	_ =	sdelay $0x3  }
0x33: {  	p0 =	seq.s32 s10, $0x1;
	s10 =	sld [smem:$0x3FB2];
	_ =	sdelay $0x3  }
0x34: {  	[smem:$0x3FB2] =	sst s10  }
0x35: {  	s10 =	sld [smem:$0x3FB1];
	_ =	sdelay $0x3  }
0x36: {  	p1 =	seq.s32 s10, $0x1;
	s10 =	sld [smem:$0x3FB2];
	_ =	sdelay $0x3  }
0x37: {  	[smem:$0x3FB2] =	sst s10  }
0x38: {  	s10 =	sld [smem:$0x3FB3]  }
0x39: {  	_ = 	snop;
	(pc) =	sbr.ind lr, $3  }
0x3a: {  	_ = 	snop  }
0x3b: {  	_ = 	snop  }
0x3c: {  	p2 =	seq.s32 s10, $0x1;
	s10 =	sld [smem:$0x3FB2]  }
0x3d: {  	_ =	shalt  }
0x3e: {  	_ =	shalt  }
0x3f: {  	_ =	shalt  }
0x40: {  	_ =	shalt  }
0x41: {  	_ =	shalt  }
0x42: {  	_ =	shalt  }
0x43: {  	_ =	shalt  }
0x44: {  	_ =	shalt  }
0x45: {  	_ =	shalt  }
0x46: {  	_ =	shalt  }
0x47: {  	_ =	shalt  }
0x48: {  	_ =	shalt  }
0x49: {  	_ =	shalt  }
0x4a: {  	_ =	shalt  }
0x4b: {  	_ =	shalt  }
0x4c: {  	_ =	shalt  }
0x4d: {  	_ =	shalt  }
0x4e: {  	_ =	shalt  }
0x4f: {  	_ =	shalt  }
0x50: {  	_ =	shalt  }
0x51: {  	_ =	shalt  }
0x52: {  	_ =	shalt  }
0x53: {  	_ =	shalt  }
0x54: {  	_ =	shalt  }
0x55: {  	_ =	shalt  }
0x56: {  	_ =	shalt  }
0x57: {  	_ =	shalt  }
0x58: {  	_ =	shalt  }
0x59: {  	_ =	shalt  }
0x5a: {  	_ =	shalt  }
0x5b: {  	_ =	shalt  }
0x5c: {  	_ =	shalt  }
0x5d: {  	_ =	shalt  }
0x5e: {  	_ =	shalt  }
0x5f: {  	_ =	shalt  }
0x60: {  	_ =	shalt  }
0x61: {  	_ =	shalt  }
0x62: {  	_ =	shalt  }
0x63: {  	_ =	shalt  }
0x64: {  	_ =	shalt  }
0x65: {  	_ =	shalt  }
0x66: {  	_ =	shalt  }
0x67: {  	_ =	shalt  }
0x68: {  	_ =	shalt  }
0x69: {  	_ =	shalt  }
0x6a: {  	_ =	shalt  }
0x6b: {  	_ =	shalt  }
0x6c: {  	_ =	shalt  }
0x6d: {  	_ =	shalt  }
0x6e: {  	_ =	shalt  }
0x6f: {  	_ =	shalt  }
0x70: {  	_ =	shalt  }
0x71: {  	_ =	shalt  }
0x72: {  	_ =	shalt  }
0x73: {  	_ =	shalt  }
0x74: {  	_ =	shalt  }
0x75: {  	_ =	shalt  }
0x76: {  	_ =	shalt  }
0x77: {  	_ =	shalt  }
0x78: {  	_ =	shalt  }
0x79: {  	_ =	shalt  }
0x7a: {  	_ =	shalt  }
0x7b: {  	_ =	shalt  }
0x7c: {  	_ =	shalt  }
0x7d: {  	_ =	shalt  }
0x7e: {  	_ =	shalt  }
0x7f: {  	_ =	shalt  }
0x80: {  	_ =	shalt  }
0x81: {  	_ =	shalt  }
0x82: {  	_ =	shalt  }
0x83: {  	_ =	shalt  }
0x84: {  	_ =	shalt  }
0x85: {  	_ =	shalt  }
0x86: {  	_ =	shalt  }
0x87: {  	_ =	shalt  }
.Lfunc_end0:
.L_simem_size_0:
called_computation.2_lowered:
.L_overlay_start_0:
0x88: {  	s2 =	sld [smem:$0x3FD9]  }
0x89: {  	s3 =	sld [smem:$0x3FFE];
	_ =	sdelay $0x1  }
0x8a: {  	s1 =	srdreg.scid  }
0x8b: {  	s0 =	sand.u32 $0x1, s1  }
0x8c: {  	s17 =	sshll.u32 s0, $0xA;
	s2 =	sadd.s32 s3, s2  }
0x8d: {  	s2 =	sadd.s32 s2, s17  }
0x8e: {  	[smem:$0x3FBE] =	sst s2  }
0x8f: {  	_ = 	snop  }
0x90: {  	s2 =	sld [smem:$0x3FD0];
	(tm) =	ssettm $0x1  }
0x91: {  	s18 =	sld [smem:$0x3FFB];
	_ =	sdelay $0x3  }
0x92: {  	_ =	strace s18  }
0x93: {  	s3 =	sld [smem:$0x3FFC];
	_ =	sdelay $0x3  }
0x94: {  	_ =	strace s3  }
0x95: {  	s3 =	sld [smem:$0x3FFD];
	_ =	sdelay $0x3  }
0x96: {  	_ =	strace s3  }
0x97: {  	_ =	strace $0x8FFFFFFF  }
0x98: {  	s19 =	sld [smem:$0x3FDB];
	_ =	sdelay $0x1  }
0x99: {  	s4 =	simm.s32 $_scs_section_size  }
0x9a: {  	s5 =	simm.s32 $_size__tile_overlayer_lowered;
	s6 =	simm.s32 $_tile_overlayer_lowered  }
0x9b: {  	s22 =	simm.s32 $0x1BFF;
	s21 =	sshll.u32 s6, $0x1;
	s3 =	sadd.s32 s4, s19  }
0x9c: {  	s7 =	simm.s32 $0x0;
	s20 =	sshll.u32 s5, $0x1;
	s5 =	sadd.s32 s21, s3  }
0x9d: {  	[timem:s7], [sflag:s22] =	dma.local [hbm:s5], s20  }
0x9e: {  	_ =	swait.ge [sflag:s22], s20  }
0x9f: {  	s4 =	ssub.s32 $0x0, s20;
	[sflag:s22] =	ssyncset.done $0x0  }
0xa0: {  	[sflag:s22] =	ssyncadd.s32 s4;
	_ =	sdelay $0x1  }
0xa1: {  	s23 =	simm.s32 $0x1B8B  }
0xa2: {  	_ =	swait.ge [sflag:s23], $0x1  }
0xa3: {  	[sflag:s23] =	ssyncset.done $0x0  }
0xa4: {  	s25 =	simm.s32 $0x1B8E;
	s24 =	sld [smem:$0x3FFE];
	[sflag:s23] =	ssyncadd.s32 $0xFFFFFFFF  }
0xa5: {  	s26 =	simm.s32 $execute0_lowered;
	[smem:$0x3FD2] =	sst s25  }
0xa6: {  	s5 =	sshll.u32 s26, $0x1;
	_ =	strace $0x8000004C;
	[dreg:$0x1] =	wrdreg $0xFFFFFFFF  }
0xa7: {  	s28 =	simm.s32 $_size_execute0_lowered;
	s3 =	sadd.s32 s3, s5;
	[dreg:$0x0] =	wrdreg $0x0  }
0xa8: {  	s5 =	sshll.u32 s28, $0x1;
	[dreg:$0x2] =	wrdreg s3  }
0xa9: {  	[dreg:$0x3] =	wrdreg s5  }
0xaa: {  	[dreg:$0x4] =	wrdreg $0xC0  }
0xab: {  	_ =	task [dreg:s7], $0x5FFFF  }
0xac: {  	[dreg:$0x1] =	wrdreg $0xFFFFFFFF  }
0xad: {  	[dreg:$0x0] =	wrdreg $0x60  }
0xae: {  	[dreg:$0x2] =	wrdreg s24  }
0xaf: {  	[dreg:$0x3] =	wrdreg s2  }
0xb0: {  	[dreg:$0x4] =	wrdreg $0xA4000  }
0xb1: {  	[dreg:$0x5] =	wrdreg $0x9  }
0xb2: {  	_ =	task.clear_ibuf [dreg:s7], $0x6FFFF;
	_ =	strace $0x9000004C  }
0xb3: {  	s29 =	simm.s32 $0x9;
	_ =	strace $0x8000004E  }
0xb4: {  	_ =	swait.ge [sflag:s29], $0x1  }
0xb5: {  	[sflag:s29] =	ssyncadd.s32 $0xFFFFFFFF  }
0xb6: {  	_ =	strace $0x9000004E  }
0xb7: {  	_ =	sfence  }
0xb8: {  	s30 =	sld [smem:$0x0];
	_ =	sdelay $0x2  }
0xb9: {  	s31 =	sshll.u32 s1, $0xD;
	s1 =	sshrl.u32 s1, $0x2  }
0xba: {  	s3 =	sand.u32 $0x4000, s31;
	s1 =	sadd.s32 s1, s30  }
0xbb: {  	s0 =	sor.u32 s3, s0;
	s1 =	sshll.u32 s1, $0x11  }
0xbc: {  	s0 =	sor.u32 s1, s0  }
0xbd: {  	s0 =	sadd.s32 $0x8F2B, s0  }
0xbe: {  	[sflag:s0] =	ssyncadd.remote.s32 $0x1  }
0xbf: {  	_ =	sfence.sel $0xFFFF  }
0xc0: {  	[dreg:$0x0] =	wrdreg $0xFFFFFFFF;
	(pc) =	sbr.abs _section_cstart, $3  }
0xc1: {  	[dreg:$0x1] =	wrdreg $0xFFFFFFFF  }
0xc2: {  	_ =	task.clear_ibuf [dreg:s7], $0x2FFFF;
	_ =	strace $0x9FFFFFFF  }
0xc3: {  	(tm) =	ssettm $0x7FFFFFFF  }
tec
execute0_lowered:
.L_overlay_start_1:
0x0: {  	(tag) =	ssettag $0x1  }
0x1: {  	s0 =	rddreg [dreg:$0x0]  }
0x2: {  	s31 =	rddreg [dreg:$0x1];
	s6 =	stileid.u32  }
0x3: {  	s1 =	srdreg.scid;
	s5 =	smul.u32 $0x14000, s6  }
0x4: {  	s2 =	rddreg [dreg:$0x2];
	s7 =	smul.u32 $0x50000, s6  }
0x5: {  	s4 =	simm.s32 $0x0;
	s1 =	sand.u32 $0x1, s1;
	s16 =	smul.u32 $0x2710, s6  }
0x6: {  	[smem:$0x7FF] =	sst s4;
	s25 =	sadd.s32 $0x2800, s0;
	s3 =	smul.u32 $0x140000, s1  }
0x7: {  	s12 =	sshll.u32 s1, $0x4;
	s8 =	ssub.s32 $0x2, s1;
	s1 =	smul.u32 $0x27100, s1  }
0x8: {  	_ =	strace $0x8000004D;
	[dreg:$0xa] =	wrdreg s25;
	s7 =	sshrl.u32 s7, $0x2  }
0x9: {  	s9 =	sshrl.u32 s8, $0x1;
	s3 =	sadd.s32 s5, s3;
	s1 =	sadd.s32 s16, s1  }
0xa: {  	s5 =	sadd.s32 $0xC600, s0;
	s3 =	sshrl.u32 s3, $0x3;
	s23 =	sadd.s32 $0x230, s1  }
0xb: {  	s0 =	sadd.s32 s3, s0;
	s3 =	sor.u32 s6, s12;
	s12 =	sadd.s32 s7, s2  }
0xc: {  	s7 =	ssub.s32 s8, s9;
	s8 =	sshrl.u32 s23, $0x3;
	s23 =	sadd.s32 $0x140, s1  }
0xd: {  	[dreg:$0x1d] =	wrdreg s23  }
0xe: {  	s13 =	sadd.s32 $0x2800, s12;
	[dreg:$0xb] =	wrdreg s12  }
0xf: {  	s14 =	sadd.s32 $0x5000, s12;
	[dreg:$0xc] =	wrdreg s13  }
0x10: {  	s15 =	sadd.s32 $0x7800, s12;
	[dreg:$0xd] =	wrdreg s14  }
0x11: {  	s28 =	simm.s32 $0x4;
	s17 =	sadd.s32 $0xA000, s12;
	[dreg:$0xe] =	wrdreg s15  }
0x12: {  	s29 =	simm.s32 $0x100;
	s18 =	sadd.s32 $0xC800, s12;
	[dreg:$0xf] =	wrdreg s17  }
0x13: {  	s11 =	sadd.s32 $0x1E0, s1;
	s26 =	sadd.s32 s8, s31;
	[dreg:$0x10] =	wrdreg s18  }
0x14: {  	s30 =	sshrl.u32 s11, $0x3;
	s8 =	sadd.s32 s8, s25;
	[dreg:$0x4] =	wrdreg s26  }
0x15: {  	p0 =	sne.s32 s6, $0x0;
	s11 =	sadd.s32 s30, s31;
	[dreg:$0x5] =	wrdreg s8  }
0x16: {  	s6 =	simm.s32 $0x400;
	s0 =	sadd.s32 $0x34600, s0;
	[dreg:$0x6] =	wrdreg s11  }
0x17: {  	s3 =	smul.u32 $0x2710, s3;
	s14 =	sadd.s32 s30, s25;
	[dreg:$0x1b] =	wrdreg s0  }
0x18: {  	s13 =	sadd.s32 $0x190, s1;
	s26 =	sadd.s32 $0x11800, s12;
	[dreg:$0x7] =	wrdreg s14  }
0x19: {  	s30 =	sadd.s32 $0x140000, s2;
	s3 =	sshrl.u32 s3, $0x3;
	[dreg:$0x1f] =	wrdreg s26  }
0x1a: {  	s15 =	sshrl.u32 s13, $0x3;
	[smem:$0x7FD] =	sst s30;
	s19 =	sadd.s32 s25, s3  }
0x1b: {  	s13 =	simm.s32 $0x6;
	s21 =	sadd.s32 s31, s3;
	[dreg:$0x11] =	wrdreg s19  }
0x1c: {  	s20 =	sadd.s32 $0xA, s3;
	s17 =	sadd.s32 s15, s31;
	[dreg:$0x12] =	wrdreg s21  }
0x1d: {  	s14 =	simm.s32 $0x7;
	s22 =	sadd.s32 s25, s20;
	[dreg:$0x8] =	wrdreg s17  }
0x1e: {  	s24 =	sadd.s32 $0x14, s3;
	s9 =	sadd.s32 s31, s20;
	[dreg:$0x13] =	wrdreg s22  }
0x1f: {  	s16 =	sadd.s32 $0x1E, s3;
	s10 =	sadd.s32 s25, s24;
	[dreg:$0x14] =	wrdreg s9  }
0x20: {  	s3 =	sadd.s32 $0x4D8, s3;
	s18 =	sadd.s32 s25, s16;
	[dreg:$0x15] =	wrdreg s10  }
0x21: {  	s19 =	sadd.s32 s31, s16;
	s20 =	sadd.s32 s15, s25;
	[dreg:$0x17] =	wrdreg s18  }
0x22: {  	s21 =	sadd.s32 s25, s3;
	s3 =	sadd.s32 s31, s3;
	[dreg:$0x18] =	wrdreg s19  }
0x23: {  	s15 =	simm.s32 $0x8;
	s16 =	simm.s32 $0x9;
	[dreg:$0x9] =	wrdreg s20  }
0x24: {  	s17 =	simm.s32 $0xA;
	s9 =	sadd.s32 s31, s24;
	[dreg:$0x19] =	wrdreg s21  }
0x25: {  	[dreg:$0x1a] =	wrdreg s3;
	s22 =	smax.u32 s7, $0x1;
	s24 =	sadd.s32 $0xF000, s12  }
0x26: {  	s3 =	simm.s32 $0x200;
	s12 =	simm.s32 $0x5;
	s18 =	simm.s32 $0xB  }
0x27: {  	s19 =	simm.s32 $0xC;
	s20 =	simm.s32 $0x1;
	[dreg:$0x16] =	wrdreg s9  }
0x28: {  	s21 =	simm.s32 $0x50;
	s7 =	simm.s32 $0x0;
	[dreg:$0x1c] =	wrdreg s22  }
0x29: {  	v0 =	vimm.f32 $0.0e+00;
	[dreg:$0x1e] =	wrdreg s24;
	s22 =	simm.s32 $0x2;
	s24 =	simm.s32 $0x3  }
.LBB2_1:
0x2a: {  	[smem:$0x7FC] =	sst s7;
	s0 =	simm.s32 $0x0;
	s7 =	simm.s32 $0x200  }
.LBB2_2:
0x2b: {  	p1 =	sne.s32 s7, $0x9E00;
	[tilespmem:s0+$0x470] =	vst v0  }
0x2c: {  	[tilespmem:s0+$0x400] =	vst v0  }
0x2d: {  	[tilespmem:s0+$0x410] =	vst v0  }
.Ltmp0:
0x2e: {  	[tilespmem:s0+$0x420] =	vst v0;
	(pc) =	sbr.rel @p1 .LBB2_2-.Ltmp0, $4  }
0x2f: {  	[tilespmem:s0+$0x430] =	vst v0  }
0x30: {  	[tilespmem:s0+$0x440] =	vst v0  }
0x31: {  	[tilespmem:s0+$0x450] =	vst v0  }
0x32: {  	[tilespmem:s0+$0x460] =	vst v0;
	s0 =	sshra.s32 s7, $0x2;
	s7 =	sadd.s32 $0x200, s7  }
0x33: {  	[tilespmem:s0+$0x470] =	vst v0  }
0x34: {  	[tilespmem:s0+$0x400] =	vst v0  }
0x35: {  	[tilespmem:s0+$0x410] =	vst v0  }
0x36: {  	[tilespmem:s0+$0x420] =	vst v0  }
0x37: {  	[tilespmem:s0+$0x430] =	vst v0  }
0x38: {  	[tilespmem:s0+$0x440] =	vst v0  }
0x39: {  	[tilespmem:s0+$0x450] =	vst v0;
	s8 =	rddreg [dreg:$0xb]  }
0x3a: {  	[tilespmem:s0+$0x460] =	vst v0;
	s9 =	rddreg [dreg:$0xc]  }
0x3b: {  	[spmem:s8] =	stream.linear.scatter [tilespmem:s6], [sflag:$0x5], $0x2800, $0x38;
	[tilespmem:$0x1E440] =	vst v63  }
0x3c: {  	s10 =	rddreg [dreg:$0xd]  }
0x3d: {  	[spmem:s9] =	stream.linear.scatter [tilespmem:s6], [sflag:$0x6], $0x2800, $0x38;
	[tilespmem:$0x1E440] =	vst v63  }
0x3e: {  	s11 =	rddreg [dreg:$0xe]  }
0x3f: {  	[spmem:s10] =	stream.linear.scatter [tilespmem:s6], [sflag:$0x7], $0x2800, $0x38;
	[tilespmem:$0x1E440] =	vst v63  }
0x40: {  	s23 =	rddreg [dreg:$0xf]  }
0x41: {  	[spmem:s11] =	stream.linear.scatter [tilespmem:s6], [sflag:$0x8], $0x2800, $0x38;
	[tilespmem:$0x1E440] =	vst v63  }
0x42: {  	s26 =	rddreg [dreg:$0x10]  }
0x43: {  	[spmem:s23] =	stream.linear.scatter [tilespmem:s6], [sflag:$0x9], $0x2800, $0x38;
	[tilespmem:$0x1E440] =	vst v63  }
0x44: {  	s1 =	rddreg [dreg:$0x1e]  }
0x45: {  	[spmem:s26] =	stream.linear.scatter [tilespmem:s6], [sflag:$0xA], $0x2800, $0x38;
	[tilespmem:$0x1E440] =	vst v63  }
0x46: {  	s7 =	rddreg [dreg:$0x1f]  }
0x47: {  	[spmem:s1] =	stream.linear.scatter [tilespmem:s6], [sflag:$0xB], $0x2800, $0x38;
	[tilespmem:$0x1E440] =	vst v63  }
0x48: {  	s1 =	sld [smem:$0x7FD]  }
0x49: {  	[spmem:s7] =	stream.linear.scatter [tilespmem:s6], [sflag:$0xC], $0x2800, $0x38;
	[tilespmem:$0x1E440] =	vst v63  }
0x4a: {  	s0 =	simm.s32 @!p0 $0x400  }
0x4b: {  	[spmem:s1] =	stream.linear.scatter @!p0 [tilespmem:s0], [sflag:$0xD], $0x400, $0x38;
	[tilespmem:$0x1E440] =	vst v63  }
0x4c: {  	s0 =	simm.s32 @!p0 $0xD  }
0x4d: {  	_ =	swait.ge @!p0 [sflag:s0], $0x400  }
0x4e: {  	[sflag:s0] =	ssyncset.done @!p0 $0x0  }
0x4f: {  	s7 =	simm.s32 $0x0;
	s8 =	rddreg [dreg:$0x11];
	[sflag:s0] =	ssyncadd.s32 @!p0 $0xFFFFFC00  }
0x50: {  	[tilespmem:s7], [sflag:$0x1] =	stream.linear.gather [hbm4b:s8+s7], $0x50, $0x38;
	[tilespmem:$0x1E440] =	vst v63  }
0x51: {  	s9 =	rddreg [dreg:$0x12]  }
0x52: {  	[tilespmem:s3], [sflag:$0x1] =	stream.linear.gather [hbm4b:s9+s7], $0x50, $0x38;
	[tilespmem:$0x1E440] =	vst v63  }
0x53: {  	s1 =	simm.s32 $0x80;
	s10 =	rddreg [dreg:$0x13]  }
0x54: {  	[tilespmem:s1], [sflag:$0x2] =	stream.linear.gather [hbm4b:s10+s7], $0x50, $0x38;
	[tilespmem:$0x1E440] =	vst v63  }
0x55: {  	s30 =	simm.s32 $0x280;
	s11 =	rddreg [dreg:$0x14]  }
0x56: {  	[tilespmem:s30], [sflag:$0x2] =	stream.linear.gather [hbm4b:s11+s7], $0x50, $0x38;
	[tilespmem:$0x1E440] =	vst v63  }
0x57: {  	s23 =	rddreg [dreg:$0x15];
	s8 =	simm.s32 $0x100  }
0x58: {  	[tilespmem:s8], [sflag:$0x3] =	stream.linear.gather [hbm4b:s23+s7], $0x50, $0x38;
	[tilespmem:$0x1E440] =	vst v63  }
0x59: {  	s26 =	rddreg [dreg:$0x16];
	s10 =	simm.s32 $0x300  }
0x5a: {  	[tilespmem:s10], [sflag:$0x3] =	stream.linear.gather [hbm4b:s26+s7], $0x50, $0x38;
	[tilespmem:$0x1E440] =	vst v63  }
0x5b: {  	s9 =	rddreg [dreg:$0x17];
	s11 =	simm.s32 $0x180  }
0x5c: {  	[tilespmem:s11], [sflag:$0x4] =	stream.linear.gather [hbm4b:s9+s7], $0x50, $0x38;
	[tilespmem:$0x1E440] =	vst v63  }
0x5d: {  	s23 =	rddreg [dreg:$0x18];
	s9 =	simm.s32 $0x380  }
0x5e: {  	[tilespmem:s9], [sflag:$0x4] =	stream.linear.gather [hbm4b:s23+s7], $0x50, $0x38;
	[tilespmem:$0x1E440] =	vst v63  }
0x5f: {  	_ =	swait.ge [sflag:s12], $0x2800  }
0x60: {  	[sflag:s12] =	ssyncset.done $0x0  }
0x61: {  	[sflag:s12] =	ssyncadd.s32 $0xFFFFD800  }
0x62: {  	_ =	swait.ge [sflag:s13], $0x2800  }
0x63: {  	[sflag:s13] =	ssyncset.done $0x0  }
0x64: {  	[sflag:s13] =	ssyncadd.s32 $0xFFFFD800  }
0x65: {  	_ =	swait.ge [sflag:s14], $0x2800  }
0x66: {  	[sflag:s14] =	ssyncset.done $0x0  }
0x67: {  	[sflag:s14] =	ssyncadd.s32 $0xFFFFD800  }
0x68: {  	_ =	swait.ge [sflag:s15], $0x2800  }
0x69: {  	[sflag:s15] =	ssyncset.done $0x0  }
0x6a: {  	[sflag:s15] =	ssyncadd.s32 $0xFFFFD800  }
0x6b: {  	_ =	swait.ge [sflag:s16], $0x2800  }
0x6c: {  	[sflag:s16] =	ssyncset.done $0x0  }
0x6d: {  	[sflag:s16] =	ssyncadd.s32 $0xFFFFD800  }
0x6e: {  	_ =	swait.ge [sflag:s17], $0x2800  }
0x6f: {  	[sflag:s17] =	ssyncset.done $0x0  }
0x70: {  	[sflag:s17] =	ssyncadd.s32 $0xFFFFD800  }
0x71: {  	_ =	swait.ge [sflag:s18], $0x2800  }
0x72: {  	[sflag:s18] =	ssyncset.done $0x0  }
0x73: {  	[sflag:s18] =	ssyncadd.s32 $0xFFFFD800  }
0x74: {  	_ =	swait.ge [sflag:s19], $0x2800  }
0x75: {  	[sflag:s19] =	ssyncset.done $0x0  }
0x76: {  	[sflag:s19] =	ssyncadd.s32 $0xFFFFD800  }
0x77: {  	[bflag:$0x0] =	sbarrier.arrive $0xFFFF  }
0x78: {  	_ =	swait.ge [sflag:s20], $0x50  }
0x79: {  	[sflag:s20] =	ssyncset.done $0x0  }
0x7a: {  	[sflag:s20] =	ssyncadd.s32 $0xFFFFFFB0  }
0x7b: {  	_ =	swait.ge [sflag:s20], $0x50  }
0x7c: {  	[sflag:s20] =	ssyncset.done $0x0  }
0x7d: {  	[sflag:s20] =	ssyncadd.s32 $0xFFFFFFB0  }
0x7e: {  	v1 =	vld [tilespmem:$0x0]  }
0x7f: {  	v2 =	vld [tilespmem:$0x200]  }
0x80: {  	v3 =	vld [tilespmem:$0x10]  }
0x81: {  	v4 =	vld [tilespmem:$0x210]  }
0x82: {  	v5 =	vld [tilespmem:$0x20]  }
0x83: {  	v6 =	vld [tilespmem:$0x220]  }
0x84: {  	v7 =	vld [tilespmem:$0x30]  }
0x85: {  	v8 =	vld [tilespmem:$0x230]  }
0x86: {  	v9 =	vld [tilespmem:$0x40]  }
0x87: {  	v10 =	vld [tilespmem:$0x240]  }
0x88: {  	vm0 =	veq.s32 v1, v2  }
0x89: {  	vm5 =	veq.s32 v3, v4;
	v1 =	vsel vm0, $0x2800, v2  }
0x8a: {  	vm6 =	veq.s32 v5, v6;
	[tilespmem:$0x200] =	vst v1;
	v1 =	vsel vm5, $0x2800, v4  }
0x8b: {  	vm7 =	veq.s32 v7, v8;
	[tilespmem:$0x210] =	vst v1;
	v1 =	vsel vm6, $0x2800, v6  }
0x8c: {  	vm8 =	veq.s32 v9, v10;
	[tilespmem:$0x220] =	vst v1;
	v1 =	vsel vm7, $0x2800, v8  }
0x8d: {  	[tilespmem:$0x230] =	vst v1;
	v1 =	vsel vm8, $0x2800, v10  }
0x8e: {  	[tilespmem:$0x240] =	vst v1  }
0x8f: {  	[tilespmem:s6], [sflag:$0x5] =	stream.indirect.gather [hbm4b:s5+s21], $0x80, s7, s21, $0xb8;
	[tilespmem:$0x1E440] =	vst v63  }
0x90: {  	_ =	swait.ge [sflag:s22], $0x50  }
0x91: {  	[sflag:s22] =	ssyncset.done $0x0  }
0x92: {  	[sflag:s22] =	ssyncadd.s32 $0xFFFFFFB0  }
0x93: {  	_ =	swait.ge [sflag:s22], $0x50  }
0x94: {  	[sflag:s22] =	ssyncset.done $0x0  }
0x95: {  	[sflag:s22] =	ssyncadd.s32 $0xFFFFFFB0  }
0x96: {  	v1 =	vld [tilespmem:$0x80]  }
0x97: {  	v2 =	vld [tilespmem:$0x280]  }
0x98: {  	v3 =	vld [tilespmem:$0x90]  }
0x99: {  	v4 =	vld [tilespmem:$0x290]  }
0x9a: {  	v5 =	vld [tilespmem:$0xA0]  }
0x9b: {  	v6 =	vld [tilespmem:$0x2A0]  }
0x9c: {  	v7 =	vld [tilespmem:$0xB0]  }
0x9d: {  	v8 =	vld [tilespmem:$0x2B0]  }
0x9e: {  	v9 =	vld [tilespmem:$0xC0]  }
0x9f: {  	v10 =	vld [tilespmem:$0x2C0]  }
0xa0: {  	vm9 =	veq.s32 v1, v2  }
0xa1: {  	vm10 =	veq.s32 v3, v4;
	v1 =	vsel vm9, $0x2800, v2  }
0xa2: {  	vm11 =	veq.s32 v5, v6;
	[tilespmem:$0x280] =	vst v1;
	v1 =	vsel vm10, $0x2800, v4  }
0xa3: {  	vm12 =	veq.s32 v7, v8;
	[tilespmem:$0x290] =	vst v1;
	v1 =	vsel vm11, $0x2800, v6  }
0xa4: {  	vm13 =	veq.s32 v9, v10;
	[tilespmem:$0x2A0] =	vst v1;
	v1 =	vsel vm12, $0x2800, v8  }
0xa5: {  	[tilespmem:$0x2B0] =	vst v1;
	v1 =	vsel vm13, $0x2800, v10  }
0xa6: {  	s26 =	simm.s32 $0x2C00;
	[tilespmem:$0x2C0] =	vst v1  }
0xa7: {  	[tilespmem:s26], [sflag:$0x6] =	stream.indirect.gather [hbm4b:s5+s21], $0x80, s1, s21, $0xb8;
	[tilespmem:$0x1E440] =	vst v63  }
0xa8: {  	_ =	swait.ge [sflag:s12], $0x2800  }
0xa9: {  	[sflag:s12] =	ssyncset.done $0x0  }
0xaa: {  	[sflag:s12] =	ssyncadd.s32 $0xFFFFD800  }
0xab: {  	[spmem:s2] =	stream.indirect.scatter.add.f32 [tilespmem:s6], [sflag:$0x9], $0x80, s3, s21, $0xb8;
	[tilespmem:$0x1E440] =	vst v63  }
0xac: {  	_ =	swait.ge [sflag:s24], $0x50  }
0xad: {  	[sflag:s24] =	ssyncset.done $0x0  }
0xae: {  	[sflag:s24] =	ssyncadd.s32 $0xFFFFFFB0  }
0xaf: {  	_ =	swait.ge [sflag:s24], $0x50  }
0xb0: {  	[sflag:s24] =	ssyncset.done $0x0  }
0xb1: {  	[sflag:s24] =	ssyncadd.s32 $0xFFFFFFB0  }
0xb2: {  	v1 =	vld [tilespmem:$0x100]  }
0xb3: {  	v2 =	vld [tilespmem:$0x300]  }
0xb4: {  	v3 =	vld [tilespmem:$0x110]  }
0xb5: {  	v4 =	vld [tilespmem:$0x310]  }
0xb6: {  	v5 =	vld [tilespmem:$0x120]  }
0xb7: {  	v6 =	vld [tilespmem:$0x320]  }
0xb8: {  	v7 =	vld [tilespmem:$0x130]  }
0xb9: {  	v8 =	vld [tilespmem:$0x330]  }
0xba: {  	v9 =	vld [tilespmem:$0x140]  }
0xbb: {  	v10 =	vld [tilespmem:$0x340]  }
0xbc: {  	vm14 =	veq.s32 v1, v2  }
0xbd: {  	vm15 =	veq.s32 v3, v4;
	v1 =	vsel vm14, $0x2800, v2  }
0xbe: {  	vm4 =	veq.s32 v5, v6;
	[tilespmem:$0x300] =	vst v1;
	v1 =	vsel vm15, $0x2800, v4  }
0xbf: {  	vm5 =	veq.s32 v7, v8;
	[tilespmem:$0x310] =	vst v1;
	v1 =	vsel vm4, $0x2800, v6  }
0xc0: {  	vm6 =	veq.s32 v9, v10;
	[tilespmem:$0x320] =	vst v1;
	v1 =	vsel vm5, $0x2800, v8  }
0xc1: {  	[tilespmem:$0x330] =	vst v1;
	v1 =	vsel vm6, $0x2800, v10  }
0xc2: {  	s23 =	simm.s32 $0x5400;
	[tilespmem:$0x340] =	vst v1  }
0xc3: {  	[tilespmem:s23], [sflag:$0x7] =	stream.indirect.gather [hbm4b:s5+s21], $0x80, s8, s21, $0xb8;
	[tilespmem:$0x1E440] =	vst v63  }
0xc4: {  	_ =	swait.ge [sflag:s13], $0x2800  }
0xc5: {  	[sflag:s13] =	ssyncset.done $0x0  }
0xc6: {  	[sflag:s13] =	ssyncadd.s32 $0xFFFFD800  }
0xc7: {  	[spmem:s2] =	stream.indirect.scatter.add.f32 [tilespmem:s26], [sflag:$0xA], $0x80, s30, s21, $0xb8;
	[tilespmem:$0x1E440] =	vst v63  }
0xc8: {  	_ =	swait.ge [sflag:s16], $0x2800  }
0xc9: {  	s1 =	rddreg [dreg:$0x1d]  }
0xca: {  	[sflag:s16] =	ssyncset.done $0x0;
	s26 =	sshrl.u32 s1, $0x3  }
0xcb: {  	[sflag:s16] =	ssyncadd.s32 $0xFFFFD800;
	s25 =	sadd.s32 s25, s26  }
0xcc: {  	[tilespmem:s4], [sflag:$0x1] =	stream.linear.gather [hbm4b:s25+s4], $0x50, $0x38;
	[tilespmem:$0x1E440] =	vst v63  }
0xcd: {  	s0 =	sadd.s32 s31, s26  }
0xce: {  	[tilespmem:s3], [sflag:$0x1] =	stream.linear.gather [hbm4b:s0+s4], $0x50, $0x38;
	[tilespmem:$0x1E440] =	vst v63  }
0xcf: {  	_ =	swait.ge [sflag:s28], $0x50  }
0xd0: {  	[sflag:s28] =	ssyncset.done $0x0  }
0xd1: {  	[sflag:s28] =	ssyncadd.s32 $0xFFFFFFB0  }
0xd2: {  	_ =	swait.ge [sflag:s28], $0x50  }
0xd3: {  	[sflag:s28] =	ssyncset.done $0x0  }
0xd4: {  	[sflag:s28] =	ssyncadd.s32 $0xFFFFFFB0  }
0xd5: {  	v1 =	vld [tilespmem:$0x3C0]  }
0xd6: {  	v2 =	vld [tilespmem:$0x3A0]  }
0xd7: {  	v3 =	vld [tilespmem:$0x390]  }
0xd8: {  	v4 =	vld [tilespmem:$0x1A0]  }
0xd9: {  	v5 =	vld [tilespmem:$0x1B0]  }
0xda: {  	v6 =	vld [tilespmem:$0x3B0]  }
0xdb: {  	v7 =	vld [tilespmem:$0x1C0]  }
0xdc: {  	v8 =	vld [tilespmem:$0x180]  }
0xdd: {  	v9 =	vld [tilespmem:$0x190]  }
0xde: {  	v10 =	vld [tilespmem:$0x380]  }
0xdf: {  	vm7 =	veq.s32 v4, v2  }
0xe0: {  	vm9 =	veq.s32 v7, v1;
	v2 =	vsel vm7, $0x2800, v2  }
0xe1: {  	vm8 =	veq.s32 v5, v6;
	v1 =	vsel vm9, $0x2800, v1;
	[tilespmem:$0x3A0] =	vst v2  }
0xe2: {  	vm10 =	veq.s32 v9, v3;
	v2 =	vsel vm8, $0x2800, v6;
	[tilespmem:$0x3C0] =	vst v1  }
0xe3: {  	vm1 =	veq.s32 v8, v10;
	v1 =	vsel vm10, $0x2800, v3;
	[tilespmem:$0x3B0] =	vst v2  }
0xe4: {  	v2 =	vsel vm1, $0x2800, v10;
	[tilespmem:$0x390] =	vst v1  }
0xe5: {  	s26 =	simm.s32 $0x7C00;
	[tilespmem:$0x380] =	vst v2  }
0xe6: {  	[tilespmem:s26], [sflag:$0x8] =	stream.indirect.gather [hbm4b:s5+s21], $0x80, s11, s21, $0xb8;
	[tilespmem:$0x1E440] =	vst v63  }
0xe7: {  	_ =	swait.ge [sflag:s14], $0x2800  }
0xe8: {  	[sflag:s14] =	ssyncset.done $0x0  }
0xe9: {  	[sflag:s14] =	ssyncadd.s32 $0xFFFFD800  }
0xea: {  	[spmem:s2] =	stream.indirect.scatter.add.f32 [tilespmem:s23], [sflag:$0xB], $0x80, s10, s21, $0xb8;
	[tilespmem:$0x1E440] =	vst v63  }
0xeb: {  	_ =	swait.ge [sflag:s17], $0x2800  }
0xec: {  	s3 =	simm.s32 $0x80;
	s11 =	rddreg [dreg:$0x9];
	[sflag:s17] =	ssyncset.done $0x0  }
0xed: {  	s23 =	rddreg [dreg:$0x8];
	[sflag:s17] =	ssyncadd.s32 $0xFFFFD800;
	s0 =	sadd.s32 $0x0, s11  }
0xee: {  	[tilespmem:s3], [sflag:$0x2] =	stream.linear.gather [hbm4b:s0+s4], $0x50, $0x38;
	[tilespmem:$0x1E440] =	vst v63  }
0xef: {  	s25 =	sadd.s32 $0x0, s23  }
0xf0: {  	[tilespmem:s30], [sflag:$0x2] =	stream.linear.gather [hbm4b:s25+s4], $0x50, $0x38;
	[tilespmem:$0x1E440] =	vst v63  }
0xf1: {  	_ =	swait.ge [sflag:s20], $0x50  }
0xf2: {  	[sflag:s20] =	ssyncset.done $0x0  }
0xf3: {  	[sflag:s20] =	ssyncadd.s32 $0xFFFFFFB0  }
0xf4: {  	_ =	swait.ge [sflag:s20], $0x50  }
0xf5: {  	[sflag:s20] =	ssyncset.done $0x0  }
0xf6: {  	[sflag:s20] =	ssyncadd.s32 $0xFFFFFFB0  }
0xf7: {  	v1 =	vld [tilespmem:$0x200]  }
0xf8: {  	v2 =	vld [tilespmem:$0x30]  }
0xf9: {  	v3 =	vld [tilespmem:$0x10]  }
0xfa: {  	v4 =	vld [tilespmem:$0x230]  }
0xfb: {  	v5 =	vld [tilespmem:$0x40]  }
0xfc: {  	v6 =	vld [tilespmem:$0x240]  }
0xfd: {  	v7 =	vld [tilespmem:$0x210]  }
0xfe: {  	v10 =	vld [tilespmem:$0x0]  }
0xff: {  	v8 =	vld [tilespmem:$0x20]  }
0x100: {  	v9 =	vld [tilespmem:$0x220]  }
0x101: {  	vm11 =	veq.s32 v2, v4  }
0x102: {  	vm12 =	veq.s32 v3, v7;
	v2 =	vsel vm11, $0x2800, v4  }
0x103: {  	vm15 =	veq.s32 v10, v1;
	v3 =	vsel vm12, $0x2800, v7;
	[tilespmem:$0x230] =	vst v2  }
0x104: {  	vm13 =	veq.s32 v5, v6;
	v1 =	vsel vm15, $0x2800, v1;
	[tilespmem:$0x210] =	vst v3  }
0x105: {  	vm14 =	veq.s32 v8, v9;
	v2 =	vsel vm13, $0x2800, v6;
	[tilespmem:$0x200] =	vst v1  }
0x106: {  	v3 =	vsel vm14, $0x2800, v9;
	[tilespmem:$0x240] =	vst v2  }
0x107: {  	[tilespmem:$0x220] =	vst v3  }
0x108: {  	[tilespmem:s6], [sflag:$0x5] =	stream.indirect.gather [hbm4b:s5+s21], $0x80, s4, s21, $0xb8;
	[tilespmem:$0x1E440] =	vst v63  }
0x109: {  	_ =	swait.ge [sflag:s15], $0x2800  }
0x10a: {  	[sflag:s15] =	ssyncset.done $0x0  }
0x10b: {  	[sflag:s15] =	ssyncadd.s32 $0xFFFFD800  }
0x10c: {  	[spmem:s2] =	stream.indirect.scatter.add.f32 [tilespmem:s26], [sflag:$0xC], $0x80, s9, s21, $0xb8;
	[tilespmem:$0x1E440] =	vst v63  }
0x10d: {  	_ =	swait.ge [sflag:s18], $0x2800  }
0x10e: {  	s11 =	rddreg [dreg:$0x7];
	[sflag:s18] =	ssyncset.done $0x0  }
0x10f: {  	s23 =	rddreg [dreg:$0x6];
	[sflag:s18] =	ssyncadd.s32 $0xFFFFD800;
	s0 =	sadd.s32 $0x0, s11  }
0x110: {  	[tilespmem:s8], [sflag:$0x3] =	stream.linear.gather [hbm4b:s0+s4], $0x50, $0x38;
	[tilespmem:$0x1E440] =	vst v63  }
0x111: {  	s26 =	sadd.s32 $0x0, s23  }
0x112: {  	[tilespmem:s10], [sflag:$0x3] =	stream.linear.gather [hbm4b:s26+s4], $0x50, $0x38;
	[tilespmem:$0x1E440] =	vst v63  }
0x113: {  	_ =	swait.ge [sflag:s22], $0x50  }
0x114: {  	[sflag:s22] =	ssyncset.done $0x0  }
0x115: {  	[sflag:s22] =	ssyncadd.s32 $0xFFFFFFB0  }
0x116: {  	_ =	swait.ge [sflag:s22], $0x50  }
0x117: {  	[sflag:s22] =	ssyncset.done $0x0  }
0x118: {  	[sflag:s22] =	ssyncadd.s32 $0xFFFFFFB0  }
0x119: {  	v4 =	vld [tilespmem:$0xC0]  }
0x11a: {  	v5 =	vld [tilespmem:$0xA0]  }
0x11b: {  	v2 =	vld [tilespmem:$0xB0]  }
0x11c: {  	v6 =	vld [tilespmem:$0x2A0]  }
0x11d: {  	v3 =	vld [tilespmem:$0x90]  }
0x11e: {  	v9 =	vld [tilespmem:$0x2C0]  }
0x11f: {  	v1 =	vld [tilespmem:$0x280]  }
0x120: {  	s25 =	simm.s32 $0x28;
	v8 =	vld [tilespmem:$0x2B0]  }
0x121: {  	s30 =	simm.s32 $0x200;
	s9 =	simm.s32 $0x400;
	s0 =	smov.u32 s1;
	v7 =	vld [tilespmem:$0x290]  }
.LBB2_4:
0x122: {  	v10 =	vld [tilespmem:$0x80]  }
0x123: {  	vm0 =	veq.s32 v4, v9  }
0x124: {  	vm1 =	veq.s32 v5, v6;
	v4 =	vsel vm0, $0x2800, v9  }
0x125: {  	vm11 =	veq.s32 v2, v8;
	v5 =	vsel vm1, $0x2800, v6;
	[tilespmem:$0x2C0] =	vst v4  }
0x126: {  	vm12 =	veq.s32 v3, v7;
	v2 =	vsel vm11, $0x2800, v8;
	[tilespmem:$0x2A0] =	vst v5  }
0x127: {  	vm13 =	veq.s32 v10, v1;
	v3 =	vsel vm12, $0x2800, v7;
	[tilespmem:$0x2B0] =	vst v2  }
0x128: {  	v1 =	vsel vm13, $0x2800, v1;
	[tilespmem:$0x290] =	vst v3  }
0x129: {  	s26 =	simm.s32 $0x2C00;
	[tilespmem:$0x280] =	vst v1  }
0x12a: {  	[tilespmem:s26], [sflag:$0x6] =	stream.indirect.gather [hbm4b:s5+s21], $0x80, s3, s21, $0xb8;
	[tilespmem:$0x1E440] =	vst v63  }
0x12b: {  	_ =	swait.ge [sflag:s12], $0x2800  }
0x12c: {  	[sflag:s12] =	ssyncset.done $0x0  }
0x12d: {  	[sflag:s12] =	ssyncadd.s32 $0xFFFFD800  }
0x12e: {  	[spmem:s2] =	stream.indirect.scatter.add.f32 [tilespmem:s9], [sflag:$0x9], $0x80, s30, s21, $0xb8;
	[tilespmem:$0x1E440] =	vst v63  }
0x12f: {  	s23 =	smov.u32 s31;
	_ =	swait.ge [sflag:s19], $0x2800  }
0x130: {  	s11 =	simm.s32 $0x180;
	s31 =	rddreg [dreg:$0x5];
	[sflag:s19] =	ssyncset.done $0x0  }
0x131: {  	s1 =	rddreg [dreg:$0x4];
	[sflag:s19] =	ssyncadd.s32 $0xFFFFD800;
	s31 =	sadd.s32 s7, s31  }
0x132: {  	[tilespmem:s11], [sflag:$0x4] =	stream.linear.gather [hbm4b:s31+s4], $0x50, $0x38;
	[tilespmem:$0x1E440] =	vst v63  }
0x133: {  	s10 =	simm.s32 $0x380;
	s1 =	sadd.s32 s7, s1  }
0x134: {  	[tilespmem:s10], [sflag:$0x4] =	stream.linear.gather [hbm4b:s1+s4], $0x50, $0x38;
	[tilespmem:$0x1E440] =	vst v63  }
0x135: {  	_ =	swait.ge [sflag:s24], $0x50  }
0x136: {  	[sflag:s24] =	ssyncset.done $0x0  }
0x137: {  	[sflag:s24] =	ssyncadd.s32 $0xFFFFFFB0  }
0x138: {  	_ =	swait.ge [sflag:s24], $0x50  }
0x139: {  	[sflag:s24] =	ssyncset.done $0x0  }
0x13a: {  	[sflag:s24] =	ssyncadd.s32 $0xFFFFFFB0  }
0x13b: {  	v1 =	vld [tilespmem:$0x100]  }
0x13c: {  	v2 =	vld [tilespmem:$0x300]  }
0x13d: {  	v3 =	vld [tilespmem:$0x110]  }
0x13e: {  	v4 =	vld [tilespmem:$0x120]  }
0x13f: {  	v5 =	vld [tilespmem:$0x320]  }
0x140: {  	v6 =	vld [tilespmem:$0x130]  }
0x141: {  	v7 =	vld [tilespmem:$0x140];
	vm14 =	veq.s32 v1, v2  }
0x142: {  	v1 =	vld [tilespmem:$0x330];
	v2 =	vsel vm14, $0x2800, v2  }
0x143: {  	[tilespmem:$0x300] =	vst v2;
	v2 =	vld [tilespmem:$0x340]  }
0x144: {  	v8 =	vld [tilespmem:$0x310];
	_ =	sdelay $0x1  }
0x145: {  	vm15 =	veq.s32 v4, v5  }
0x146: {  	v4 =	vsel vm15, $0x2800, v5;
	vm4 =	veq.s32 v6, v1  }
0x147: {  	[tilespmem:$0x320] =	vst v4;
	v1 =	vsel vm4, $0x2800, v1;
	vm5 =	veq.s32 v7, v2  }
0x148: {  	vm6 =	veq.s32 v3, v8;
	[tilespmem:$0x330] =	vst v1;
	v1 =	vsel vm5, $0x2800, v2  }
0x149: {  	v2 =	vsel vm6, $0x2800, v8;
	[tilespmem:$0x340] =	vst v1  }
0x14a: {  	s8 =	simm.s32 $0x5400;
	[tilespmem:$0x310] =	vst v2  }
0x14b: {  	[tilespmem:s8], [sflag:$0x7] =	stream.indirect.gather [hbm4b:s5+s21], $0x80, s29, s21, $0xb8;
	[tilespmem:$0x1E440] =	vst v63  }
0x14c: {  	_ =	swait.ge [sflag:s13], $0x2800  }
0x14d: {  	[sflag:s13] =	ssyncset.done $0x0  }
0x14e: {  	s31 =	smov.u32 s23;
	s23 =	simm.s32 $0x280;
	[sflag:s13] =	ssyncadd.s32 $0xFFFFD800  }
0x14f: {  	[spmem:s2] =	stream.indirect.scatter.add.f32 [tilespmem:s26], [sflag:$0xA], $0x80, s23, s21, $0xb8;
	[tilespmem:$0x1E440] =	vst v63  }
0x150: {  	s0 =	sadd.s32 $0x140, s0;
	s6 =	smov.u32 s25;
	_ =	swait.ge [sflag:s16], $0x2800  }
0x151: {  	s1 =	sshrl.u32 s0, $0x3;
	[sflag:s16] =	ssyncset.done $0x0;
	s26 =	rddreg [dreg:$0xa]  }
0x152: {  	s7 =	smov.u32 s6;
	[sflag:s16] =	ssyncadd.s32 $0xFFFFD800;
	s6 =	sadd.s32 s26, s1  }
0x153: {  	[tilespmem:s4], [sflag:$0x1] =	stream.linear.gather [hbm4b:s6+s4], $0x50, $0x38;
	[tilespmem:$0x1E440] =	vst v63  }
0x154: {  	s1 =	sadd.s32 s31, s1  }
0x155: {  	[tilespmem:s30], [sflag:$0x1] =	stream.linear.gather [hbm4b:s1+s4], $0x50, $0x38;
	[tilespmem:$0x1E440] =	vst v63  }
0x156: {  	_ =	swait.ge [sflag:s28], $0x50  }
0x157: {  	[sflag:s28] =	ssyncset.done $0x0  }
0x158: {  	[sflag:s28] =	ssyncadd.s32 $0xFFFFFFB0  }
0x159: {  	_ =	swait.ge [sflag:s28], $0x50  }
0x15a: {  	[sflag:s28] =	ssyncset.done $0x0  }
0x15b: {  	[sflag:s28] =	ssyncadd.s32 $0xFFFFFFB0  }
0x15c: {  	v1 =	vld [tilespmem:$0x3C0]  }
0x15d: {  	v2 =	vld [tilespmem:$0x3A0]  }
0x15e: {  	v3 =	vld [tilespmem:$0x390]  }
0x15f: {  	v4 =	vld [tilespmem:$0x1A0]  }
0x160: {  	v5 =	vld [tilespmem:$0x1B0]  }
0x161: {  	v6 =	vld [tilespmem:$0x3B0]  }
0x162: {  	v7 =	vld [tilespmem:$0x1C0]  }
0x163: {  	v8 =	vld [tilespmem:$0x180]  }
0x164: {  	v9 =	vld [tilespmem:$0x190]  }
0x165: {  	vm7 =	veq.s32 v4, v2;
	v4 =	vld [tilespmem:$0x380];
	_ =	sdelay $0x1  }
0x166: {  	vm9 =	veq.s32 v7, v1;
	v2 =	vsel vm7, $0x2800, v2  }
0x167: {  	vm8 =	veq.s32 v5, v6;
	v1 =	vsel vm9, $0x2800, v1;
	[tilespmem:$0x3A0] =	vst v2  }
0x168: {  	vm10 =	veq.s32 v9, v3;
	v2 =	vsel vm8, $0x2800, v6;
	[tilespmem:$0x3C0] =	vst v1  }
0x169: {  	v1 =	vsel vm10, $0x2800, v3;
	[tilespmem:$0x3B0] =	vst v2;
	vm11 =	veq.s32 v8, v4  }
0x16a: {  	[tilespmem:$0x390] =	vst v1;
	v2 =	vsel vm11, $0x2800, v4  }
0x16b: {  	s26 =	simm.s32 $0x7C00;
	[tilespmem:$0x380] =	vst v2  }
0x16c: {  	[tilespmem:s26], [sflag:$0x8] =	stream.indirect.gather [hbm4b:s5+s21], $0x80, s11, s21, $0xb8;
	[tilespmem:$0x1E440] =	vst v63  }
0x16d: {  	_ =	swait.ge [sflag:s14], $0x2800  }
0x16e: {  	[sflag:s14] =	ssyncset.done $0x0  }
0x16f: {  	s11 =	simm.s32 $0x300;
	[sflag:s14] =	ssyncadd.s32 $0xFFFFD800  }
0x170: {  	[spmem:s2] =	stream.indirect.scatter.add.f32 [tilespmem:s8], [sflag:$0xB], $0x80, s11, s21, $0xb8;
	[tilespmem:$0x1E440] =	vst v63  }
0x171: {  	_ =	swait.ge [sflag:s17], $0x2800  }
0x172: {  	s3 =	simm.s32 $0x80;
	s6 =	rddreg [dreg:$0x9];
	[sflag:s17] =	ssyncset.done $0x0  }
0x173: {  	s8 =	rddreg [dreg:$0x8];
	[sflag:s17] =	ssyncadd.s32 $0xFFFFD800;
	s1 =	sadd.s32 s7, s6  }
0x174: {  	[tilespmem:s3], [sflag:$0x2] =	stream.linear.gather [hbm4b:s1+s4], $0x50, $0x38;
	[tilespmem:$0x1E440] =	vst v63  }
0x175: {  	s6 =	sadd.s32 s7, s8  }
0x176: {  	[tilespmem:s23], [sflag:$0x2] =	stream.linear.gather [hbm4b:s6+s4], $0x50, $0x38;
	[tilespmem:$0x1E440] =	vst v63  }
0x177: {  	_ =	swait.ge [sflag:s20], $0x50  }
0x178: {  	[sflag:s20] =	ssyncset.done $0x0  }
0x179: {  	[sflag:s20] =	ssyncadd.s32 $0xFFFFFFB0  }
0x17a: {  	_ =	swait.ge [sflag:s20], $0x50  }
0x17b: {  	[sflag:s20] =	ssyncset.done $0x0  }
0x17c: {  	[sflag:s20] =	ssyncadd.s32 $0xFFFFFFB0  }
0x17d: {  	v1 =	vld [tilespmem:$0x200]  }
0x17e: {  	v2 =	vld [tilespmem:$0x30]  }
0x17f: {  	v3 =	vld [tilespmem:$0x10]  }
0x180: {  	v4 =	vld [tilespmem:$0x230]  }
0x181: {  	v5 =	vld [tilespmem:$0x40]  }
0x182: {  	v6 =	vld [tilespmem:$0x240]  }
0x183: {  	v8 =	vld [tilespmem:$0x210]  }
0x184: {  	v9 =	vld [tilespmem:$0x0]  }
0x185: {  	v7 =	vld [tilespmem:$0x20]  }
0x186: {  	v10 =	vld [tilespmem:$0x220]  }
0x187: {  	vm12 =	veq.s32 v2, v4  }
0x188: {  	vm13 =	veq.s32 v3, v8;
	v2 =	vsel vm12, $0x2800, v4  }
0x189: {  	vm2 =	veq.s32 v9, v1;
	v3 =	vsel vm13, $0x2800, v8;
	[tilespmem:$0x230] =	vst v2  }
0x18a: {  	vm14 =	veq.s32 v5, v6;
	v1 =	vsel vm2, $0x2800, v1;
	[tilespmem:$0x210] =	vst v3  }
0x18b: {  	vm15 =	veq.s32 v7, v10;
	v2 =	vsel vm14, $0x2800, v6;
	[tilespmem:$0x200] =	vst v1  }
0x18c: {  	v3 =	vsel vm15, $0x2800, v10;
	[tilespmem:$0x240] =	vst v2  }
0x18d: {  	[tilespmem:$0x220] =	vst v3  }
0x18e: {  	[tilespmem:s9], [sflag:$0x5] =	stream.indirect.gather [hbm4b:s5+s21], $0x80, s4, s21, $0xb8;
	[tilespmem:$0x1E440] =	vst v63  }
0x18f: {  	_ =	swait.ge [sflag:s15], $0x2800  }
0x190: {  	[sflag:s15] =	ssyncset.done $0x0  }
0x191: {  	[sflag:s15] =	ssyncadd.s32 $0xFFFFD800  }
0x192: {  	[spmem:s2] =	stream.indirect.scatter.add.f32 [tilespmem:s26], [sflag:$0xC], $0x80, s10, s21, $0xb8;
	[tilespmem:$0x1E440] =	vst v63  }
0x193: {  	_ =	swait.ge [sflag:s18], $0x2800  }
0x194: {  	s10 =	rddreg [dreg:$0x7];
	[sflag:s18] =	ssyncset.done $0x0  }
0x195: {  	s23 =	rddreg [dreg:$0x6];
	[sflag:s18] =	ssyncadd.s32 $0xFFFFD800;
	s1 =	sadd.s32 s7, s10  }
0x196: {  	[tilespmem:s29], [sflag:$0x3] =	stream.linear.gather [hbm4b:s1+s4], $0x50, $0x38;
	[tilespmem:$0x1E440] =	vst v63  }
0x197: {  	s26 =	sadd.s32 s7, s23  }
0x198: {  	[tilespmem:s11], [sflag:$0x3] =	stream.linear.gather [hbm4b:s26+s4], $0x50, $0x38;
	[tilespmem:$0x1E440] =	vst v63  }
0x199: {  	_ =	swait.ge [sflag:s22], $0x50  }
0x19a: {  	[sflag:s22] =	ssyncset.done $0x0  }
0x19b: {  	[sflag:s22] =	ssyncadd.s32 $0xFFFFFFB0  }
0x19c: {  	_ =	swait.ge [sflag:s22], $0x50  }
0x19d: {  	[sflag:s22] =	ssyncset.done $0x0  }
0x19e: {  	[sflag:s22] =	ssyncadd.s32 $0xFFFFFFB0  }
0x19f: {  	v4 =	vld [tilespmem:$0xC0]  }
0x1a0: {  	v5 =	vld [tilespmem:$0xA0]  }
0x1a1: {  	v2 =	vld [tilespmem:$0xB0]  }
0x1a2: {  	p1 =	sne.s32 s25, $0x488;
	v6 =	vld [tilespmem:$0x2A0]  }
.Ltmp1:
0x1a3: {  	v3 =	vld [tilespmem:$0x90];
	(pc) =	sbr.rel @p1 .LBB2_4-.Ltmp1, $4  }
0x1a4: {  	v9 =	vld [tilespmem:$0x2C0]  }
0x1a5: {  	v1 =	vld [tilespmem:$0x280]  }
0x1a6: {  	s25 =	sadd.s32 $0x28, s25;
	v8 =	vld [tilespmem:$0x2B0]  }
0x1a7: {  	s8 =	simm.s32 $0x280;
	s6 =	simm.s32 $0x300;
	s10 =	simm.s32 $0x100;
	v7 =	vld [tilespmem:$0x290]  }
0x1a8: {  	v10 =	vld [tilespmem:$0x80]  }
0x1a9: {  	vm1 =	veq.s32 v5, v6  }
0x1aa: {  	vm0 =	veq.s32 v4, v9;
	v5 =	vsel vm1, $0x2800, v6  }
0x1ab: {  	v4 =	vsel vm0, $0x2800, v9;
	[tilespmem:$0x2A0] =	vst v5;
	vm10 =	veq.s32 v2, v8  }
0x1ac: {  	[tilespmem:$0x2C0] =	vst v4;
	vm11 =	veq.s32 v3, v7;
	v2 =	vsel vm10, $0x2800, v8  }
0x1ad: {  	vm12 =	veq.s32 v10, v1;
	v3 =	vsel vm11, $0x2800, v7;
	[tilespmem:$0x2B0] =	vst v2  }
0x1ae: {  	v1 =	vsel vm12, $0x2800, v1;
	[tilespmem:$0x290] =	vst v3  }
0x1af: {  	s11 =	simm.s32 $0x2C00;
	[tilespmem:$0x280] =	vst v1  }
0x1b0: {  	[tilespmem:s11], [sflag:$0x6] =	stream.indirect.gather [hbm4b:s5+s21], $0x80, s3, s21, $0xb8;
	[tilespmem:$0x1E440] =	vst v63  }
0x1b1: {  	_ =	swait.ge [sflag:s12], $0x2800  }
0x1b2: {  	[sflag:s12] =	ssyncset.done $0x0  }
0x1b3: {  	[sflag:s12] =	ssyncadd.s32 $0xFFFFD800  }
0x1b4: {  	[spmem:s2] =	stream.indirect.scatter.add.f32 [tilespmem:s9], [sflag:$0x9], $0x80, s30, s21, $0xb8;
	[tilespmem:$0x1E440] =	vst v63  }
0x1b5: {  	_ =	swait.ge [sflag:s19], $0x2800  }
0x1b6: {  	s3 =	simm.s32 $0x180;
	s0 =	rddreg [dreg:$0x5];
	[sflag:s19] =	ssyncset.done $0x0  }
0x1b7: {  	s1 =	rddreg [dreg:$0x4];
	[sflag:s19] =	ssyncadd.s32 $0xFFFFD800;
	s0 =	sadd.s32 s7, s0  }
0x1b8: {  	[tilespmem:s3], [sflag:$0x4] =	stream.linear.gather [hbm4b:s0+s4], $0x50, $0x38;
	[tilespmem:$0x1E440] =	vst v63  }
0x1b9: {  	s7 =	sadd.s32 s7, s1;
	s1 =	simm.s32 $0x380  }
0x1ba: {  	[tilespmem:s1], [sflag:$0x4] =	stream.linear.gather [hbm4b:s7+s4], $0x50, $0x38;
	[tilespmem:$0x1E440] =	vst v63  }
0x1bb: {  	_ =	swait.ge [sflag:s24], $0x50  }
0x1bc: {  	[sflag:s24] =	ssyncset.done $0x0  }
0x1bd: {  	[sflag:s24] =	ssyncadd.s32 $0xFFFFFFB0  }
0x1be: {  	_ =	swait.ge [sflag:s24], $0x50  }
0x1bf: {  	[sflag:s24] =	ssyncset.done $0x0  }
0x1c0: {  	[sflag:s24] =	ssyncadd.s32 $0xFFFFFFB0  }
0x1c1: {  	v1 =	vld [tilespmem:$0x100]  }
0x1c2: {  	v2 =	vld [tilespmem:$0x300]  }
0x1c3: {  	v3 =	vld [tilespmem:$0x110]  }
0x1c4: {  	v43 =	vld [tilespmem:$0x120]  }
0x1c5: {  	v44 =	vld [tilespmem:$0x320]  }
0x1c6: {  	v45 =	vld [tilespmem:$0x130]  }
0x1c7: {  	v49 =	vld [tilespmem:$0x310]  }
0x1c8: {  	v46 =	vld [tilespmem:$0x330]  }
0x1c9: {  	v47 =	vld [tilespmem:$0x140]  }
0x1ca: {  	v48 =	vld [tilespmem:$0x340]  }
0x1cb: {  	vm13 =	veq.s32 v1, v2  }
0x1cc: {  	vm5 =	veq.s32 v3, v49;
	v1 =	vsel vm13, $0x2800, v2  }
0x1cd: {  	vm14 =	veq.s32 v43, v44;
	v2 =	vsel vm5, $0x2800, v49;
	[tilespmem:$0x300] =	vst v1  }
0x1ce: {  	vm15 =	veq.s32 v45, v46;
	v1 =	vsel vm14, $0x2800, v44;
	[tilespmem:$0x310] =	vst v2  }
0x1cf: {  	vm4 =	veq.s32 v47, v48;
	[tilespmem:$0x320] =	vst v1;
	v1 =	vsel vm15, $0x2800, v46  }
0x1d0: {  	[tilespmem:$0x330] =	vst v1;
	v1 =	vsel vm4, $0x2800, v48  }
0x1d1: {  	s23 =	simm.s32 $0x5400;
	[tilespmem:$0x340] =	vst v1  }
0x1d2: {  	[tilespmem:s23], [sflag:$0x7] =	stream.indirect.gather [hbm4b:s5+s21], $0x80, s10, s21, $0xb8;
	[tilespmem:$0x1E440] =	vst v63  }
0x1d3: {  	_ =	swait.ge [sflag:s13], $0x2800  }
0x1d4: {  	[sflag:s13] =	ssyncset.done $0x0  }
0x1d5: {  	[sflag:s13] =	ssyncadd.s32 $0xFFFFD800  }
0x1d6: {  	[spmem:s2] =	stream.indirect.scatter.add.f32 [tilespmem:s11], [sflag:$0xA], $0x80, s8, s21, $0xb8;
	[tilespmem:$0x1E440] =	vst v63  }
0x1d7: {  	_ =	swait.ge [sflag:s16], $0x2800  }
0x1d8: {  	[sflag:s16] =	ssyncset.done $0x0  }
0x1d9: {  	s25 =	rddreg [dreg:$0x19];
	[sflag:s16] =	ssyncadd.s32 $0xFFFFD800  }
0x1da: {  	[tilespmem:s4], [sflag:$0x1] =	stream.linear.gather [hbm4b:s25+s4], $0x50, $0x38;
	[tilespmem:$0x1E440] =	vst v63  }
0x1db: {  	s26 =	rddreg [dreg:$0x1a]  }
0x1dc: {  	[tilespmem:s30], [sflag:$0x1] =	stream.linear.gather [hbm4b:s26+s4], $0x50, $0x38;
	[tilespmem:$0x1E440] =	vst v63  }
0x1dd: {  	_ =	swait.ge [sflag:s28], $0x50  }
0x1de: {  	[sflag:s28] =	ssyncset.done $0x0  }
0x1df: {  	[sflag:s28] =	ssyncadd.s32 $0xFFFFFFB0  }
0x1e0: {  	_ =	swait.ge [sflag:s28], $0x50  }
0x1e1: {  	[sflag:s28] =	ssyncset.done $0x0  }
0x1e2: {  	[sflag:s28] =	ssyncadd.s32 $0xFFFFFFB0  }
0x1e3: {  	v1 =	vld [tilespmem:$0x180]  }
0x1e4: {  	v2 =	vld [tilespmem:$0x380]  }
0x1e5: {  	v3 =	vld [tilespmem:$0x190]  }
0x1e6: {  	v50 =	vld [tilespmem:$0x390]  }
0x1e7: {  	v51 =	vld [tilespmem:$0x1A0]  }
0x1e8: {  	v52 =	vld [tilespmem:$0x3A0]  }
0x1e9: {  	v53 =	vld [tilespmem:$0x1B0]  }
0x1ea: {  	v54 =	vld [tilespmem:$0x3B0]  }
0x1eb: {  	v55 =	vld [tilespmem:$0x1C0]  }
0x1ec: {  	v56 =	vld [tilespmem:$0x3C0]  }
0x1ed: {  	vm6 =	veq.s32 v1, v2  }
0x1ee: {  	vm7 =	veq.s32 v3, v50;
	v1 =	vsel vm6, $0x2800, v2  }
0x1ef: {  	vm8 =	veq.s32 v51, v52;
	[tilespmem:$0x380] =	vst v1;
	v1 =	vsel vm7, $0x2800, v50  }
0x1f0: {  	vm9 =	veq.s32 v53, v54;
	[tilespmem:$0x390] =	vst v1;
	v1 =	vsel vm8, $0x2800, v52  }
0x1f1: {  	vm10 =	veq.s32 v55, v56;
	[tilespmem:$0x3A0] =	vst v1;
	v1 =	vsel vm9, $0x2800, v54  }
0x1f2: {  	[tilespmem:$0x3B0] =	vst v1;
	v1 =	vsel vm10, $0x2800, v56  }
0x1f3: {  	s8 =	simm.s32 $0x7C00;
	[tilespmem:$0x3C0] =	vst v1  }
0x1f4: {  	[tilespmem:s8], [sflag:$0x8] =	stream.indirect.gather [hbm4b:s5+s21], $0x80, s3, s21, $0xb8;
	[tilespmem:$0x1E440] =	vst v63  }
0x1f5: {  	_ =	swait.ge [sflag:s14], $0x2800  }
0x1f6: {  	[sflag:s14] =	ssyncset.done $0x0  }
0x1f7: {  	[sflag:s14] =	ssyncadd.s32 $0xFFFFD800  }
0x1f8: {  	[spmem:s2] =	stream.indirect.scatter.add.f32 [tilespmem:s23], [sflag:$0xB], $0x80, s6, s21, $0xb8;
	[tilespmem:$0x1E440] =	vst v63  }
0x1f9: {  	_ =	swait.ge [sflag:s20], $0x50  }
0x1fa: {  	[sflag:s20] =	ssyncset.done $0x0  }
0x1fb: {  	[sflag:s20] =	ssyncadd.s32 $0xFFFFFFB0  }
0x1fc: {  	_ =	swait.ge [sflag:s20], $0x50  }
0x1fd: {  	[sflag:s20] =	ssyncset.done $0x0  }
0x1fe: {  	[sflag:s20] =	ssyncadd.s32 $0xFFFFFFB0  }
0x1ff: {  	v1 =	vld [tilespmem:$0x0]  }
0x200: {  	v2 =	vld [tilespmem:$0x200]  }
0x201: {  	v3 =	vld [tilespmem:$0x10]  }
0x202: {  	v57 =	vld [tilespmem:$0x210]  }
0x203: {  	v58 =	vld [tilespmem:$0x20]  }
0x204: {  	v59 =	vld [tilespmem:$0x220]  }
0x205: {  	v60 =	vld [tilespmem:$0x30]  }
0x206: {  	v61 =	vld [tilespmem:$0x230]  }
0x207: {  	v62 =	vld [tilespmem:$0x40]  }
0x208: {  	v63 =	vld [tilespmem:$0x240]  }
0x209: {  	vm11 =	veq.s32 v1, v2  }
0x20a: {  	vm12 =	veq.s32 v3, v57;
	v1 =	vsel vm11, $0x2800, v2  }
0x20b: {  	vm13 =	veq.s32 v58, v59;
	[tilespmem:$0x200] =	vst v1;
	v1 =	vsel vm12, $0x2800, v57  }
0x20c: {  	vm14 =	veq.s32 v60, v61;
	[tilespmem:$0x210] =	vst v1;
	v1 =	vsel vm13, $0x2800, v59  }
0x20d: {  	vm15 =	veq.s32 v62, v63;
	[tilespmem:$0x220] =	vst v1;
	v1 =	vsel vm14, $0x2800, v61  }
0x20e: {  	[tilespmem:$0x230] =	vst v1;
	v1 =	vsel vm15, $0x2800, v63  }
0x20f: {  	[tilespmem:$0x240] =	vst v1  }
0x210: {  	[tilespmem:s9], [sflag:$0x5] =	stream.indirect.gather [hbm4b:s5+s21], $0x80, s4, s21, $0xb8;
	[tilespmem:$0x1E440] =	vst v63  }
0x211: {  	_ =	swait.ge [sflag:s15], $0x2800  }
0x212: {  	[sflag:s15] =	ssyncset.done $0x0  }
0x213: {  	[sflag:s15] =	ssyncadd.s32 $0xFFFFD800  }
0x214: {  	[spmem:s2] =	stream.indirect.scatter.add.f32 [tilespmem:s8], [sflag:$0xC], $0x80, s1, s21, $0xb8;
	[tilespmem:$0x1E440] =	vst v63  }
0x215: {  	_ =	swait.ge [sflag:s12], $0x2800  }
0x216: {  	[sflag:s12] =	ssyncset.done $0x0  }
0x217: {  	[sflag:s12] =	ssyncadd.s32 $0xFFFFD800  }
0x218: {  	[spmem:s2] =	stream.indirect.scatter.add.f32 [tilespmem:s9], [sflag:$0x9], $0x80, s30, s21, $0xb8;
	[tilespmem:$0x1E440] =	vst v63  }
0x219: {  	_ =	swait.ge [sflag:s16], $0x2800  }
0x21a: {  	[sflag:s16] =	ssyncset.done $0x0  }
0x21b: {  	[sflag:s16] =	ssyncadd.s32 $0xFFFFD800  }
0x21c: {  	_ =	swait.ge [sflag:s17], $0x2800  }
0x21d: {  	[sflag:s17] =	ssyncset.done $0x0  }
0x21e: {  	[sflag:s17] =	ssyncadd.s32 $0xFFFFD800  }
0x21f: {  	_ =	swait.ge [sflag:s18], $0x2800  }
0x220: {  	[sflag:s18] =	ssyncset.done $0x0  }
0x221: {  	[sflag:s18] =	ssyncadd.s32 $0xFFFFD800  }
0x222: {  	_ =	swait.ge [sflag:s19], $0x2800  }
0x223: {  	[sflag:s19] =	ssyncset.done $0x0  }
0x224: {  	s10 =	stileid.u32;
	[sflag:s19] =	ssyncadd.s32 $0xFFFFD800  }
0x225: {  	s0 =	sshll.u32 s10, $0x6;
	[bflag:$0x0] =	sbarrier.arrive $0xFFFF  }
0x226: {  	s0 =	sor.u32 $0x1C0D, s0;
	s11 =	rddreg [dreg:$0xb]  }
0x227: {  	s25 =	simm.s32 $0xD;
	s23 =	rddreg [dreg:$0x1b];
	s1 =	sshrl.u32 s11, $0x3  }
0x228: {  	[hbm:s23], [sflag:s0] =	dma.local [spmem:s1], $0x2800  }
0x229: {  	_ =	swait.ge [sflag:s25], $0x2800  }
0x22a: {  	s26 =	sld [smem:$0x7FC];
	_ =	sdelay $0x2  }
0x22b: {  	s30 =	rddreg [dreg:$0x1c];
	s7 =	sadd.s32 $0x1, s26  }
0x22c: {  	p1 =	sne.s32 s7, s30  }
.Ltmp2:
0x22d: {  	_ = 	snop;
	(pc) =	sbr.rel @p1 .LBB2_1-.Ltmp2, $3  }
0x22e: {  	_ =	sdelay $0x1  }
0x22f: {  	s3 =	simm.s32 $0x200;
	[sflag:s25] =	ssyncset.done $0x0  }
0x230: {  	s6 =	simm.s32 $0x400;
	[sflag:s25] =	ssyncadd.s32 $0xFFFFD800;
	s25 =	rddreg [dreg:$0xa]  }
0x231: {  	_ =	sfence.sel $0x180000  }
0x232: {  	[bflag:$0x0] =	sbarrier.arrive $0xFFFF  }
0x233: {  	_ =	strace $0x9000004D  }
0x234: {  	[bflag:$0x2] =	sbarrier.arrive $0xFFFF  }
0x235: {  	s0 =	rddreg [dreg:$0x3]  }
0x236: {  	s0 =	sadd.s32 @!p0 $0x100000, s0  }
0x237: {  	[sflag:s0] =	ssyncadd.tile.s32 @!p0 $0x1;
	_ =	shalt  }
.Lfunc_end2:
_tile_overlayer_lowered:
.L_overlay_start_2:
0x238: {  	(tag) =	ssettag $0x2  }
0x239: {  	s0 =	rddreg [dreg:$0x0];
	s2 =	stileid.u32  }
0x23a: {  	s1 =	rddreg [dreg:$0x1];
	p0 =	sne.s32 s2, $0x0  }
0x23b: {  	s3 =	rddreg [dreg:$0x2];
	[bflag:$0x3] =	sbarrier.arrive $0xFFFF;
	s2 =	simm.s32 @!p0 $0x1C0D  }
0x23c: {  	[timem:s3], [sflag:s2] =	dma.local @!p0 [hbm:s0], s1  }
0x23d: {  	s0 =	simm.s32 @!p0 $0xD  }
0x23e: {  	_ =	swait.ge @!p0 [sflag:s0], s1  }
0x23f: {  	s1 =	ssub.s32 @!p0 $0x0, s1;
	[sflag:s0] =	ssyncset.done @!p0 $0x0  }
0x240: {  	[sflag:s0] =	ssyncadd.s32 @!p0 s1  }
0x241: {  	[bflag:$0x3] =	sbarrier.arrive $0xFFFF  }
0x242: {  	_ =	shalt  }

// kernel: kernel.8.cloned.1.call-start
scs
__scs_entry_jumppad:
0x0: {  	(pc) =	sbr.rel $0x88, $3  }
0x1: {  	(tag) =	ssettag $0x0;
	lr =	simm.s32 $0x1  }
0x2: {  	[smem:$0x3F97] =	sst lr;
	_ =	strace $0xD0000000  }
0x3: {  	_ = 	snop  }
0x4: {  	_ = 	snop  }
0x5: {  	_ = 	snop  }
0x6: {  	_ = 	snop  }
0x7: {  	_ = 	snop  }
__scs_overlays_trampoline_lowered:
0x8: {  	[smem:$0x3FA6] =	sst s0  }
0x9: {  	[smem:$0x3FA7] =	sst s1  }
0xa: {  	[smem:$0x3FA8] =	sst s2  }
0xb: {  	[smem:$0x3FA9] =	sst s3  }
0xc: {  	[smem:$0x3FAA] =	sst s4  }
0xd: {  	[smem:$0x3FAB] =	sst s5  }
0xe: {  	[smem:$0x3FAC] =	sst s6  }
0xf: {  	[smem:$0x3FAD] =	sst s7  }
0x10: {  	[smem:$0x3FAE] =	sst s8  }
0x11: {  	[smem:$0x3FAF] =	sst s9;
	s0 =	simm.s32 @!p0 $0x0  }
0x12: {  	s1 =	sld [smem:$0x3F95];
	s0 =	simm.s32 @p0 $0x1  }
0x13: {  	[smem:$0x3FB0] =	sst s0;
	s0 =	simm.s32 @!p1 $0x0  }
0x14: {  	s2 =	sld [smem:$0x3F94];
	s0 =	simm.s32 @p1 $0x1  }
0x15: {  	[smem:$0x3FB1] =	sst s0;
	s0 =	simm.s32 @!p2 $0x0  }
0x16: {  	s3 =	sld [smem:$0x3FDB];
	s0 =	simm.s32 @p2 $0x1  }
0x17: {  	s4 =	simm.s32 $0x1BF5;
	[smem:$0x3FB3] =	sst s0  }
0x18: {  	s0 =	sld [smem:$0x3F96];
	_ =	swait.ge [sflag:s4], $0x0  }
0x19: {  	s7 =	sld [smem:$0x3F97]  }
0x1a: {  	s8 =	sadd.s32 $0xFFFFE003, lr  }
0x1b: {  	s9 =	sadd.s32 $0xFFFFFEF7, lr;
	s5 =	simm.s32 $0xFFFFFFFF;
	p2 =	slt.u32 s8, $0xFFFFF086  }
0x1c: {  	p1 =	slt.u32 s9, $0xF7A;
	s5 =	simm.s32 @!p2 $0x0  }
0x1d: {  	s5 =	simm.s32 @p1 $0x1;
	p0 =	seq.s32 s7, s2  }
0x1e: {  	s7 =	smul.u32 @!p0 $0xF7A, s2;
	p2 =	seq.s32 @!p0 s5, $0x0  }
0x1f: {  	s9 =	smul.u32 $0xF7A, s1;
	s8 =	simm.s32 @!p0 $0x1BF5;
	p2 =	por !p2, p0  }
0x20: {  	[sflag:s8] =	ssyncset.s32 @!p0 $0xFFFFF086;
	s6 =	sadd.s32 @!p0 s3, s7;
	s7 =	simm.s32 @!p0 $0x108  }
0x21: {  	s3 =	sadd.s32 s3, s9;
	s6 =	sadd.s32 @!p0 $0x88, s6;
	s7 =	simm.s32 @p2 $0x1082  }
0x22: {  	[simem:s7], [sflag:s8] =	dma.local @!p0 [hbm:s6], $0xF7A  }
0x23: {  	s9 =	sor.u32 $0xD0000000, s2;
	s6 =	simm.s32 $0x108;
	_ =	swait.ge @!p0 [sflag:s8], $0x0  }
0x24: {  	s3 =	sadd.s32 $0x88, s3;
	s6 =	simm.s32 @!p1 $0x1082;
	[sflag:s4] =	ssyncset.s32 $0xFFFFF086  }
0x25: {  	[simem:s6], [sflag:s4] =	dma.local [hbm:s3], $0xF7A  }
0x26: {  	[smem:$0x3F97] =	sst s1;
	(tag) =	ssettag s2;
	_ =	strace s9  }
0x27: {  	s1 =	sld [smem:$0x3FA7]  }
0x28: {  	s2 =	sld [smem:$0x3FA8]  }
0x29: {  	s4 =	sld [smem:$0x3FAA]  }
0x2a: {  	p0 =	seq.s32 s5, $0x0;
	s5 =	sld [smem:$0x3FAB]  }
0x2b: {  	s6 =	sld [smem:$0x3FAC]  }
0x2c: {  	s7 =	sld [smem:$0x3FAD]  }
0x2d: {  	s3 =	simm.s32 $0x108;
	s8 =	sld [smem:$0x3FAE]  }
0x2e: {  	s3 =	simm.s32 @!p0 $0x1082;
	s9 =	sld [smem:$0x3FAF]  }
0x2f: {  	lr =	sadd.s32 s0, s3;
	s0 =	sld [smem:$0x3FA6]  }
0x30: {  	s3 =	sld [smem:$0x3FA9]  }
0x31: {  	[smem:$0x3FB2] =	sst s10  }
0x32: {  	s10 =	sld [smem:$0x3FB0];
	_ =	sdelay $0x3  }
0x33: {  	p0 =	seq.s32 s10, $0x1;
	s10 =	sld [smem:$0x3FB2];
	_ =	sdelay $0x3  }
0x34: {  	[smem:$0x3FB2] =	sst s10  }
0x35: {  	s10 =	sld [smem:$0x3FB1];
	_ =	sdelay $0x3  }
0x36: {  	p1 =	seq.s32 s10, $0x1;
	s10 =	sld [smem:$0x3FB2];
	_ =	sdelay $0x3  }
0x37: {  	[smem:$0x3FB2] =	sst s10  }
0x38: {  	s10 =	sld [smem:$0x3FB3]  }
0x39: {  	_ = 	snop;
	(pc) =	sbr.ind lr, $3  }
0x3a: {  	_ = 	snop  }
0x3b: {  	_ = 	snop  }
0x3c: {  	p2 =	seq.s32 s10, $0x1;
	s10 =	sld [smem:$0x3FB2]  }
0x3d: {  	_ =	shalt  }
0x3e: {  	_ =	shalt  }
0x3f: {  	_ =	shalt  }
0x40: {  	_ =	shalt  }
0x41: {  	_ =	shalt  }
0x42: {  	_ =	shalt  }
0x43: {  	_ =	shalt  }
0x44: {  	_ =	shalt  }
0x45: {  	_ =	shalt  }
0x46: {  	_ =	shalt  }
0x47: {  	_ =	shalt  }
0x48: {  	_ =	shalt  }
0x49: {  	_ =	shalt  }
0x4a: {  	_ =	shalt  }
0x4b: {  	_ =	shalt  }
0x4c: {  	_ =	shalt  }
0x4d: {  	_ =	shalt  }
0x4e: {  	_ =	shalt  }
0x4f: {  	_ =	shalt  }
0x50: {  	_ =	shalt  }
0x51: {  	_ =	shalt  }
0x52: {  	_ =	shalt  }
0x53: {  	_ =	shalt  }
0x54: {  	_ =	shalt  }
0x55: {  	_ =	shalt  }
0x56: {  	_ =	shalt  }
0x57: {  	_ =	shalt  }
0x58: {  	_ =	shalt  }
0x59: {  	_ =	shalt  }
0x5a: {  	_ =	shalt  }
0x5b: {  	_ =	shalt  }
0x5c: {  	_ =	shalt  }
0x5d: {  	_ =	shalt  }
0x5e: {  	_ =	shalt  }
0x5f: {  	_ =	shalt  }
0x60: {  	_ =	shalt  }
0x61: {  	_ =	shalt  }
0x62: {  	_ =	shalt  }
0x63: {  	_ =	shalt  }
0x64: {  	_ =	shalt  }
0x65: {  	_ =	shalt  }
0x66: {  	_ =	shalt  }
0x67: {  	_ =	shalt  }
0x68: {  	_ =	shalt  }
0x69: {  	_ =	shalt  }
0x6a: {  	_ =	shalt  }
0x6b: {  	_ =	shalt  }
0x6c: {  	_ =	shalt  }
0x6d: {  	_ =	shalt  }
0x6e: {  	_ =	shalt  }
0x6f: {  	_ =	shalt  }
0x70: {  	_ =	shalt  }
0x71: {  	_ =	shalt  }
0x72: {  	_ =	shalt  }
0x73: {  	_ =	shalt  }
0x74: {  	_ =	shalt  }
0x75: {  	_ =	shalt  }
0x76: {  	_ =	shalt  }
0x77: {  	_ =	shalt  }
0x78: {  	_ =	shalt  }
0x79: {  	_ =	shalt  }
0x7a: {  	_ =	shalt  }
0x7b: {  	_ =	shalt  }
0x7c: {  	_ =	shalt  }
0x7d: {  	_ =	shalt  }
0x7e: {  	_ =	shalt  }
0x7f: {  	_ =	shalt  }
0x80: {  	_ =	shalt  }
0x81: {  	_ =	shalt  }
0x82: {  	_ =	shalt  }
0x83: {  	_ =	shalt  }
0x84: {  	_ =	shalt  }
0x85: {  	_ =	shalt  }
0x86: {  	_ =	shalt  }
0x87: {  	_ =	shalt  }
.Lfunc_end0:
.L_simem_size_0:
called_computation_lowered:
.L_overlay_start_0:
0x88: {  	s2 =	sld [smem:$0x3FD9]  }
0x89: {  	s3 =	sld [smem:$0x3FFE];
	_ =	sdelay $0x1  }
0x8a: {  	s1 =	srdreg.scid  }
0x8b: {  	s0 =	sand.u32 $0x1, s1  }
0x8c: {  	s16 =	sshll.u32 s0, $0xA;
	s2 =	sadd.s32 s3, s2  }
0x8d: {  	s2 =	sadd.s32 s2, s16  }
0x8e: {  	[smem:$0x3FBE] =	sst s2  }
0x8f: {  	_ = 	snop  }
0x90: {  	(tm) =	ssettm $0x1  }
0x91: {  	s17 =	sld [smem:$0x3FFB];
	_ =	sdelay $0x3  }
0x92: {  	_ =	strace s17  }
0x93: {  	s2 =	sld [smem:$0x3FFC];
	_ =	sdelay $0x3  }
0x94: {  	_ =	strace s2  }
0x95: {  	s2 =	sld [smem:$0x3FFD];
	_ =	sdelay $0x3  }
0x96: {  	_ =	strace s2  }
0x97: {  	_ =	strace $0x8FFFFFFF  }
0x98: {  	s18 =	sld [smem:$0x3FDB];
	_ =	sdelay $0x1  }
0x99: {  	s19 =	simm.s32 $_scs_section_size  }
0x9a: {  	s4 =	simm.s32 $_size__tile_overlayer_lowered;
	s5 =	simm.s32 $_tile_overlayer_lowered  }
0x9b: {  	s22 =	simm.s32 $0x1BFF;
	s21 =	sshll.u32 s5, $0x1;
	s2 =	sadd.s32 s19, s18  }
0x9c: {  	s6 =	simm.s32 $0x0;
	s20 =	sshll.u32 s4, $0x1;
	s4 =	sadd.s32 s21, s2  }
0x9d: {  	[timem:s6], [sflag:s22] =	dma.local [hbm:s4], s20  }
0x9e: {  	_ =	swait.ge [sflag:s22], s20  }
0x9f: {  	s3 =	ssub.s32 $0x0, s20;
	[sflag:s22] =	ssyncset.done $0x0  }
0xa0: {  	[sflag:s22] =	ssyncadd.s32 s3;
	_ =	sdelay $0x1  }
0xa1: {  	s23 =	simm.s32 $0x1B8B  }
0xa2: {  	_ =	swait.ge [sflag:s23], $0x1  }
0xa3: {  	[sflag:s23] =	ssyncset.done $0x0  }
0xa4: {  	s25 =	simm.s32 $0x1B8E;
	s24 =	sld [smem:$0x3FFE];
	[sflag:s23] =	ssyncadd.s32 $0xFFFFFFFF  }
0xa5: {  	s26 =	simm.s32 $execute0_lowered;
	[smem:$0x3FD2] =	sst s25  }
0xa6: {  	s4 =	sshll.u32 s26, $0x1;
	_ =	strace $0x80000046;
	[dreg:$0x1] =	wrdreg $0xFFFFFFFF  }
0xa7: {  	s28 =	simm.s32 $_size_execute0_lowered;
	s2 =	sadd.s32 s2, s4;
	[dreg:$0x0] =	wrdreg $0x0  }
0xa8: {  	s4 =	sshll.u32 s28, $0x1;
	[dreg:$0x2] =	wrdreg s2  }
0xa9: {  	[dreg:$0x3] =	wrdreg s4  }
0xaa: {  	[dreg:$0x4] =	wrdreg $0xC0  }
0xab: {  	_ =	task [dreg:s6], $0x5FFFF  }
0xac: {  	[dreg:$0x1] =	wrdreg $0xFFFFFFFF  }
0xad: {  	[dreg:$0x0] =	wrdreg $0x60  }
0xae: {  	[dreg:$0x2] =	wrdreg s24  }
0xaf: {  	[dreg:$0x3] =	wrdreg $0x2C800  }
0xb0: {  	[dreg:$0x4] =	wrdreg $0x9  }
0xb1: {  	_ =	task.clear_ibuf [dreg:s6], $0x5FFFF;
	_ =	strace $0x90000046  }
0xb2: {  	s29 =	simm.s32 $0x9;
	_ =	strace $0x80000048  }
0xb3: {  	_ =	swait.ge [sflag:s29], $0x1  }
0xb4: {  	[sflag:s29] =	ssyncadd.s32 $0xFFFFFFFF  }
0xb5: {  	_ =	strace $0x90000048  }
0xb6: {  	_ =	sfence  }
0xb7: {  	s30 =	sld [smem:$0x0];
	_ =	sdelay $0x2  }
0xb8: {  	s31 =	sshll.u32 s1, $0xD;
	s1 =	sshrl.u32 s1, $0x2  }
0xb9: {  	s3 =	sand.u32 $0x4000, s31;
	s1 =	sadd.s32 s1, s30  }
0xba: {  	s0 =	sor.u32 s3, s0;
	s1 =	sshll.u32 s1, $0x11  }
0xbb: {  	s0 =	sor.u32 s1, s0  }
0xbc: {  	s0 =	sadd.s32 $0x8F2B, s0  }
0xbd: {  	[sflag:s0] =	ssyncadd.remote.s32 $0x1  }
0xbe: {  	_ =	sfence.sel $0xFFFF  }
0xbf: {  	[dreg:$0x0] =	wrdreg $0xFFFFFFFF;
	(pc) =	sbr.abs _section_cstart, $3  }
0xc0: {  	[dreg:$0x1] =	wrdreg $0xFFFFFFFF  }
0xc1: {  	_ =	task.clear_ibuf [dreg:s6], $0x2FFFF;
	_ =	strace $0x9FFFFFFF  }
0xc2: {  	(tm) =	ssettm $0x7FFFFFFF  }
0xc3: {  	_ =	shalt  }
tec
execute0_lowered:
.L_overlay_start_1:
0x0: {  	(tag) =	ssettag $0x1  }
0x1: {  	s5 =	rddreg [dreg:$0x0]  }
0x2: {  	s0 =	srdreg.scid;
	s2 =	rddreg [dreg:$0x1]  }
0x3: {  	s3 =	simm.s32 $0x0;
	s10 =	simm.s32 $0x50;
	s11 =	simm.s32 $0x2780  }
0x4: {  	s12 =	simm.s32 $0x2980;
	s13 =	simm.s32 $0x2800;
	s14 =	simm.s32 $0x2880  }
0x5: {  	s15 =	simm.s32 $0x2900;
	s16 =	simm.s32 $0x1;
	s17 =	simm.s32 $0x2  }
0x6: {  	s18 =	simm.s32 $0x3;
	s19 =	simm.s32 $0x4;
	s22 =	simm.s32 $0x20  }
0x7: {  	s23 =	simm.s32 $0x10;
	s4 =	sand.u32 $0x1, s0;
	s0 =	stileid.u32  }
0x8: {  	s24 =	simm.s32 $0x0;
	[smem:$0x7FF] =	sst s3;
	s7 =	smul.u32 $0x500, s0  }
0x9: {  	s1 =	sshll.u32 s4, $0x4;
	s8 =	sshll.u32 s4, $0x7;
	s9 =	smul.u32 $0xA00, s0  }
0xa: {  	s4 =	ssub.s32 $0x2, s4;
	s20 =	sshll.u32 s0, $0x6;
	s6 =	sor.u32 s0, s1  }
0xb: {  	s1 =	rddreg [dreg:$0x2];
	_ =	strace $0x80000047;
	s31 =	sshrl.u32 s4, $0x1  }
0xc: {  	s20 =	sor.u32 $0x1C05, s20;
	s6 =	smul.u32 $0x4E2, s6;
	s7 =	sor.u32 s8, s7  }
0xd: {  	s9 =	sshrl.u32 s9, $0x2;
	s8 =	ssub.s32 s4, s31;
	s7 =	sshrl.u32 s7, $0x3  }
0xe: {  	s4 =	sadd.s32 s9, s2;
	s9 =	simm.s32 $0x5;
	s6 =	sadd.s32 s6, s5  }
0xf: {  	s7 =	sadd.s32 s7, s5;
	s21 =	sshrl.u32 s4, $0x3;
	s5 =	sadd.s32 $0x2800, s6  }
0x10: {  	v0 =	vimm.f32 $1.000000000e+00;
	v1 =	vimm.f32 $0.0e+00;
	s6 =	sadd.s32 $0xC600, s7;
	s7 =	smax.u32 s8, $0x1;
	s8 =	simm.s32 $0x2A00  }
.LBB2_1:
0x11: {  	[tilespmem:$0x2980] =	vst v0  }
0x12: {  	[tilespmem:$0x2990] =	vst v0  }
0x13: {  	[tilespmem:$0x29A0] =	vst v0  }
0x14: {  	[tilespmem:$0x29B0] =	vst v0  }
0x15: {  	[tilespmem:$0x29C0] =	vst v0  }
0x16: {  	[tilespmem:$0x2A00] =	vst v1  }
0x17: {  	[tilespmem:$0x2A10] =	vst v1  }
0x18: {  	[tilespmem:$0x2A20] =	vst v1  }
0x19: {  	[tilespmem:$0x2A30] =	vst v1  }
0x1a: {  	[tilespmem:$0x2A40] =	vst v1  }
0x1b: {  	[tilespmem:$0x2A50] =	vst v1  }
0x1c: {  	[tilespmem:$0x2A60] =	vst v1  }
0x1d: {  	[tilespmem:$0x2A70] =	vst v1  }
0x1e: {  	[tilespmem:$0x2A80] =	vst v1  }
0x1f: {  	[tilespmem:$0x2A90] =	vst v1  }
0x20: {  	[tilespmem:$0x2AA0] =	vst v1  }
0x21: {  	[tilespmem:$0x2AB0] =	vst v1  }
0x22: {  	[tilespmem:$0x2AC0] =	vst v1  }
0x23: {  	[tilespmem:$0x2AD0] =	vst v1  }
0x24: {  	[tilespmem:$0x2AE0] =	vst v1  }
0x25: {  	[tilespmem:$0x2AF0] =	vst v1  }
0x26: {  	[tilespmem:$0x2B00] =	vst v1  }
0x27: {  	[tilespmem:$0x2B10] =	vst v1  }
0x28: {  	[tilespmem:$0x2B20] =	vst v1  }
0x29: {  	[tilespmem:$0x2B30] =	vst v1  }
0x2a: {  	[tilespmem:$0x2B40] =	vst v1  }
0x2b: {  	[tilespmem:$0x2B50] =	vst v1  }
0x2c: {  	[tilespmem:$0x2B60] =	vst v1  }
0x2d: {  	[tilespmem:$0x2B70] =	vst v1  }
0x2e: {  	[tilespmem:$0x2B80] =	vst v1  }
0x2f: {  	[tilespmem:$0x2B90] =	vst v1  }
0x30: {  	[tilespmem:$0x2BA0] =	vst v1  }
0x31: {  	[tilespmem:$0x2BB0] =	vst v1  }
0x32: {  	[tilespmem:$0x2BC0] =	vst v1  }
0x33: {  	[tilespmem:$0x2BD0] =	vst v1  }
0x34: {  	[tilespmem:$0x2BE0] =	vst v1  }
0x35: {  	[tilespmem:$0x2BF0] =	vst v1  }
0x36: {  	[tilespmem:$0x2C00] =	vst v1  }
0x37: {  	[tilespmem:$0x2C10] =	vst v1  }
0x38: {  	[tilespmem:$0x2C20] =	vst v1  }
0x39: {  	[tilespmem:$0x2C30] =	vst v1  }
0x3a: {  	[tilespmem:$0x2C40] =	vst v1  }
0x3b: {  	[tilespmem:$0x2C50] =	vst v1  }
0x3c: {  	[tilespmem:$0x2C60] =	vst v1  }
0x3d: {  	[tilespmem:$0x2C70] =	vst v1  }
0x3e: {  	[spmem:s4] =	stream.linear.scatter [tilespmem:s8], [sflag:$0x5], $0x280, $0x38;
	[tilespmem:$0x2F00] =	vst v63  }
0x3f: {  	_ =	swait.ge [sflag:s9], $0x280  }
0x40: {  	[sflag:s9] =	ssyncset.done $0x0  }
0x41: {  	[sflag:s9] =	ssyncadd.s32 $0xFFFFFD80  }
0x42: {  	[bflag:$0x0] =	sbarrier.arrive $0xFFFF  }
0x43: {  	[tilespmem:s3], [sflag:$0x5] =	stream.linear.gather [hbm4b:s5+s3], $0x2710, $0x38;
	[tilespmem:$0x2F00] =	vst v63  }
0x44: {  	_ =	swait.ge [sflag:s9], $0x2710  }
0x45: {  	[sflag:s9] =	ssyncset.done $0x0  }
0x46: {  	[sflag:s9] =	ssyncadd.s32 $0xFFFFD8F0  }
0x47: {  	v2 =	vld [tilespmem:$0x0]  }
0x48: {  	v3 =	vld [tilespmem:$0x10]  }
0x49: {  	v4 =	vld [tilespmem:$0x20]  }
0x4a: {  	v5 =	vld [tilespmem:$0x30]  }
0x4b: {  	v6 =	vld [tilespmem:$0x40]  }
0x4c: {  	[tilespmem:$0x2780] =	vst v2  }
0x4d: {  	[tilespmem:$0x2790] =	vst v3  }
0x4e: {  	[tilespmem:$0x27A0] =	vst v4  }
0x4f: {  	[tilespmem:$0x27B0] =	vst v5  }
0x50: {  	[tilespmem:$0x27C0] =	vst v6  }
0x51: {  	[spmem:s2] =	stream.indirect.scatter.add.f32 [tilespmem:s12], [sflag:$0x1], $0x1, s11, s10, $0xb8;
	[tilespmem:$0x2F00] =	vst v63  }
0x52: {  	v2 =	vld [tilespmem:$0x50]  }
0x53: {  	v3 =	vld [tilespmem:$0x60]  }
0x54: {  	v55 =	vld [tilespmem:$0x70]  }
0x55: {  	v56 =	vld [tilespmem:$0x80]  }
0x56: {  	v57 =	vld [tilespmem:$0x90]  }
0x57: {  	[tilespmem:$0x2800] =	vst v2  }
0x58: {  	[tilespmem:$0x2810] =	vst v3  }
0x59: {  	[tilespmem:$0x2820] =	vst v55  }
0x5a: {  	[tilespmem:$0x2830] =	vst v56  }
0x5b: {  	[tilespmem:$0x2840] =	vst v57  }
0x5c: {  	[spmem:s2] =	stream.indirect.scatter.add.f32 [tilespmem:s12], [sflag:$0x2], $0x1, s13, s10, $0xb8;
	[tilespmem:$0x2F00] =	vst v63  }
0x5d: {  	v2 =	vld [tilespmem:$0xA0]  }
0x5e: {  	v3 =	vld [tilespmem:$0xB0]  }
0x5f: {  	v58 =	vld [tilespmem:$0xC0]  }
0x60: {  	v59 =	vld [tilespmem:$0xD0]  }
0x61: {  	v60 =	vld [tilespmem:$0xE0]  }
0x62: {  	[tilespmem:$0x2880] =	vst v2  }
0x63: {  	[tilespmem:$0x2890] =	vst v3  }
0x64: {  	[tilespmem:$0x28A0] =	vst v58  }
0x65: {  	[tilespmem:$0x28B0] =	vst v59  }
0x66: {  	[tilespmem:$0x28C0] =	vst v60  }
0x67: {  	[spmem:s2] =	stream.indirect.scatter.add.f32 [tilespmem:s12], [sflag:$0x3], $0x1, s14, s10, $0xb8;
	[tilespmem:$0x2F00] =	vst v63  }
0x68: {  	v2 =	vld [tilespmem:$0xF0]  }
0x69: {  	v3 =	vld [tilespmem:$0x100]  }
0x6a: {  	v61 =	vld [tilespmem:$0x110]  }
0x6b: {  	v62 =	vld [tilespmem:$0x120]  }
0x6c: {  	v63 =	vld [tilespmem:$0x130]  }
0x6d: {  	[tilespmem:$0x2900] =	vst v2  }
0x6e: {  	[tilespmem:$0x2910] =	vst v3  }
0x6f: {  	[tilespmem:$0x2920] =	vst v61  }
0x70: {  	[tilespmem:$0x2930] =	vst v62  }
0x71: {  	[tilespmem:$0x2940] =	vst v63  }
0x72: {  	[spmem:s2] =	stream.indirect.scatter.add.f32 [tilespmem:s12], [sflag:$0x4], $0x1, s15, s10, $0xb8;
	[tilespmem:$0x2F00] =	vst v63  }
0x73: {  	_ =	swait.ge [sflag:s16], $0x50  }
0x74: {  	[sflag:s16] =	ssyncset.done $0x0  }
0x75: {  	s25 =	simm.s32 $0x270;
	[sflag:s16] =	ssyncadd.s32 $0xFFFFFFB0  }
0x76: {  	v2 =	vld [tilespmem:s25+$0xFFFFFED0];
	_ =	sdelay $0x4  }
0x77: {  	[tilespmem:$0x2780] =	vst v2  }
0x78: {  	v2 =	vld [tilespmem:s25+$0xFFFFFEE0];
	_ =	sdelay $0x4  }
0x79: {  	[tilespmem:$0x2790] =	vst v2  }
0x7a: {  	v2 =	vld [tilespmem:s25+$0xFFFFFEF0];
	_ =	sdelay $0x4  }
0x7b: {  	[tilespmem:$0x27A0] =	vst v2  }
0x7c: {  	v2 =	vld [tilespmem:s25+$0xFFFFFF00];
	_ =	sdelay $0x4  }
0x7d: {  	[tilespmem:$0x27B0] =	vst v2  }
0x7e: {  	v2 =	vld [tilespmem:s25+$0xFFFFFF10];
	_ =	sdelay $0x4  }
0x7f: {  	[tilespmem:$0x27C0] =	vst v2  }
0x80: {  	[spmem:s2] =	stream.indirect.scatter.add.f32 [tilespmem:s12], [sflag:$0x1], $0x1, s11, s10, $0xb8;
	[tilespmem:$0x2F00] =	vst v63  }
0x81: {  	_ =	swait.ge [sflag:s17], $0x50  }
0x82: {  	[sflag:s17] =	ssyncset.done $0x0  }
0x83: {  	[sflag:s17] =	ssyncadd.s32 $0xFFFFFFB0  }
0x84: {  	v2 =	vld [tilespmem:s25+$0xFFFFFF20];
	_ =	sdelay $0x4  }
0x85: {  	[tilespmem:$0x2800] =	vst v2  }
0x86: {  	v2 =	vld [tilespmem:s25+$0xFFFFFF30];
	_ =	sdelay $0x4  }
0x87: {  	[tilespmem:$0x2810] =	vst v2  }
0x88: {  	v2 =	vld [tilespmem:s25+$0xFFFFFF40];
	_ =	sdelay $0x3  }
0x89: {  	s26 =	simm.s32 $0x140  }
0x8a: {  	s26 =	sand.u32 $0x3FC0, s26;
	[tilespmem:$0x2820] =	vst v2  }
0x8b: {  	v2 =	vld [tilespmem:s26+$0x80];
	_ =	sdelay $0x4  }
0x8c: {  	[tilespmem:$0x2830] =	vst v2  }
0x8d: {  	v2 =	vld [tilespmem:s25+$0xFFFFFF60];
	_ =	sdelay $0x4  }
0x8e: {  	[tilespmem:$0x2840] =	vst v2  }
0x8f: {  	[spmem:s2] =	stream.indirect.scatter.add.f32 [tilespmem:s12], [sflag:$0x2], $0x1, s13, s10, $0xb8;
	[tilespmem:$0x2F00] =	vst v63  }
0x90: {  	_ =	swait.ge [sflag:s18], $0x50  }
0x91: {  	[sflag:s18] =	ssyncset.done $0x0  }
0x92: {  	[sflag:s18] =	ssyncadd.s32 $0xFFFFFFB0  }
0x93: {  	v2 =	vld [tilespmem:s25+$0xFFFFFF70];
	_ =	sdelay $0x4  }
0x94: {  	[tilespmem:$0x2880] =	vst v2  }
0x95: {  	v2 =	vld [tilespmem:s25+$0xFFFFFF80];
	_ =	sdelay $0x4  }
0x96: {  	[tilespmem:$0x2890] =	vst v2  }
0x97: {  	v2 =	vld [tilespmem:s25+$0xFFFFFF90];
	_ =	sdelay $0x4  }
0x98: {  	[tilespmem:$0x28A0] =	vst v2  }
0x99: {  	v2 =	vld [tilespmem:s25+$0xFFFFFFA0];
	_ =	sdelay $0x4  }
0x9a: {  	[tilespmem:$0x28B0] =	vst v2  }
0x9b: {  	v2 =	vld [tilespmem:s25+$0xFFFFFFB0];
	_ =	sdelay $0x4  }
0x9c: {  	[tilespmem:$0x28C0] =	vst v2  }
0x9d: {  	[spmem:s2] =	stream.indirect.scatter.add.f32 [tilespmem:s12], [sflag:$0x3], $0x1, s14, s10, $0xb8;
	[tilespmem:$0x2F00] =	vst v63  }
0x9e: {  	_ =	swait.ge [sflag:s19], $0x50  }
0x9f: {  	[sflag:s19] =	ssyncset.done $0x0  }
0xa0: {  	[sflag:s19] =	ssyncadd.s32 $0xFFFFFFB0  }
0xa1: {  	v2 =	vld [tilespmem:s25+$0xFFFFFFC0];
	_ =	sdelay $0x4  }
0xa2: {  	[tilespmem:$0x2900] =	vst v2  }
0xa3: {  	v2 =	vld [tilespmem:s26+$0x100];
	_ =	sdelay $0x4  }
0xa4: {  	[tilespmem:$0x2910] =	vst v2  }
0xa5: {  	v2 =	vld [tilespmem:s25+$0xFFFFFFE0];
	_ =	sdelay $0x4  }
0xa6: {  	[tilespmem:$0x2920] =	vst v2  }
0xa7: {  	v2 =	vld [tilespmem:s25+$0xFFFFFFF0];
	_ =	sdelay $0x4  }
0xa8: {  	[tilespmem:$0x2930] =	vst v2  }
0xa9: {  	v2 =	vld [tilespmem:s25+$0x0];
	_ =	sdelay $0x4  }
0xaa: {  	s26 =	simm.s32 $0x3B0;
	s25 =	simm.s32 $0x280;
	[tilespmem:$0x2940] =	vst v2  }
.LBB2_2:
0xab: {  	[spmem:s2] =	stream.indirect.scatter.add.f32 [tilespmem:s12], [sflag:$0x4], $0x1, s15, s10, $0xb8;
	[tilespmem:$0x2F00] =	vst v63  }
0xac: {  	s28 =	smov.u32 s25  }
0xad: {  	p0 =	sne.s32 s25, $0x2580;
	s25 =	sadd.s32 $0x140, s25;
	_ =	swait.ge [sflag:s16], $0x50  }
0xae: {  	[sflag:s16] =	ssyncset.done $0x0  }
0xaf: {  	[sflag:s16] =	ssyncadd.s32 $0xFFFFFFB0  }
0xb0: {  	v2 =	vld [tilespmem:s26+$0xFFFFFED0];
	_ =	sdelay $0x4  }
0xb1: {  	[tilespmem:$0x2780] =	vst v2  }
0xb2: {  	v2 =	vld [tilespmem:s26+$0xFFFFFEE0];
	_ =	sdelay $0x4  }
0xb3: {  	[tilespmem:$0x2790] =	vst v2  }
0xb4: {  	v2 =	vld [tilespmem:s26+$0xFFFFFEF0];
	_ =	sdelay $0x4  }
0xb5: {  	[tilespmem:$0x27A0] =	vst v2  }
0xb6: {  	v2 =	vld [tilespmem:s26+$0xFFFFFF00];
	_ =	sdelay $0x4  }
0xb7: {  	[tilespmem:$0x27B0] =	vst v2  }
0xb8: {  	v2 =	vld [tilespmem:s26+$0xFFFFFF10];
	_ =	sdelay $0x4  }
0xb9: {  	[tilespmem:$0x27C0] =	vst v2  }
0xba: {  	[spmem:s2] =	stream.indirect.scatter.add.f32 [tilespmem:s12], [sflag:$0x1], $0x1, s11, s10, $0xb8;
	[tilespmem:$0x2F00] =	vst v63  }
0xbb: {  	_ =	swait.ge [sflag:s17], $0x50  }
0xbc: {  	[sflag:s17] =	ssyncset.done $0x0  }
0xbd: {  	[sflag:s17] =	ssyncadd.s32 $0xFFFFFFB0  }
0xbe: {  	v2 =	vld [tilespmem:s26+$0xFFFFFF20];
	_ =	sdelay $0x4  }
0xbf: {  	[tilespmem:$0x2800] =	vst v2  }
0xc0: {  	v2 =	vld [tilespmem:s26+$0xFFFFFF30];
	_ =	sdelay $0x4  }
0xc1: {  	[tilespmem:$0x2810] =	vst v2  }
0xc2: {  	v2 =	vld [tilespmem:s26+$0xFFFFFF40];
	_ =	sdelay $0x4  }
0xc3: {  	s28 =	sand.u32 $0x3FC0, s28;
	[tilespmem:$0x2820] =	vst v2  }
0xc4: {  	v2 =	vld [tilespmem:s28+$0x80];
	_ =	sdelay $0x4  }
0xc5: {  	[tilespmem:$0x2830] =	vst v2  }
0xc6: {  	v2 =	vld [tilespmem:s26+$0xFFFFFF60];
	_ =	sdelay $0x4  }
0xc7: {  	[tilespmem:$0x2840] =	vst v2  }
0xc8: {  	[spmem:s2] =	stream.indirect.scatter.add.f32 [tilespmem:s12], [sflag:$0x2], $0x1, s13, s10, $0xb8;
	[tilespmem:$0x2F00] =	vst v63  }
0xc9: {  	_ =	swait.ge [sflag:s18], $0x50  }
0xca: {  	[sflag:s18] =	ssyncset.done $0x0  }
0xcb: {  	[sflag:s18] =	ssyncadd.s32 $0xFFFFFFB0  }
0xcc: {  	v2 =	vld [tilespmem:s26+$0xFFFFFF70];
	_ =	sdelay $0x4  }
0xcd: {  	[tilespmem:$0x2880] =	vst v2  }
0xce: {  	v2 =	vld [tilespmem:s26+$0xFFFFFF80];
	_ =	sdelay $0x4  }
0xcf: {  	[tilespmem:$0x2890] =	vst v2  }
0xd0: {  	v2 =	vld [tilespmem:s26+$0xFFFFFF90];
	_ =	sdelay $0x4  }
0xd1: {  	[tilespmem:$0x28A0] =	vst v2  }
0xd2: {  	v2 =	vld [tilespmem:s26+$0xFFFFFFA0];
	_ =	sdelay $0x4  }
0xd3: {  	[tilespmem:$0x28B0] =	vst v2  }
0xd4: {  	v2 =	vld [tilespmem:s26+$0xFFFFFFB0];
	_ =	sdelay $0x4  }
0xd5: {  	[tilespmem:$0x28C0] =	vst v2  }
0xd6: {  	[spmem:s2] =	stream.indirect.scatter.add.f32 [tilespmem:s12], [sflag:$0x3], $0x1, s14, s10, $0xb8;
	[tilespmem:$0x2F00] =	vst v63  }
0xd7: {  	_ =	swait.ge [sflag:s19], $0x50  }
0xd8: {  	[sflag:s19] =	ssyncset.done $0x0  }
0xd9: {  	[sflag:s19] =	ssyncadd.s32 $0xFFFFFFB0  }
0xda: {  	v2 =	vld [tilespmem:s26+$0xFFFFFFC0];
	_ =	sdelay $0x4  }
0xdb: {  	[tilespmem:$0x2900] =	vst v2  }
0xdc: {  	v2 =	vld [tilespmem:s28+$0x100];
	_ =	sdelay $0x4  }
0xdd: {  	[tilespmem:$0x2910] =	vst v2  }
0xde: {  	v2 =	vld [tilespmem:s26+$0xFFFFFFE0];
	_ =	sdelay $0x4  }
0xdf: {  	[tilespmem:$0x2920] =	vst v2  }
0xe0: {  	v2 =	vld [tilespmem:s26+$0xFFFFFFF0];
	_ =	sdelay $0x4  }
0xe1: {  	[tilespmem:$0x2930] =	vst v2  }
0xe2: {  	v2 =	vld [tilespmem:s26+$0x0]  }
.Ltmp0:
0xe3: {  	(pc) =	sbr.rel @p0 .LBB2_2-.Ltmp0, $2  }
0xe4: {  	_ =	sdelay $0x2  }
0xe5: {  	s26 =	sadd.s32 $0x140, s26;
	[tilespmem:$0x2940] =	vst v2  }
0xe6: {  	[spmem:s2] =	stream.indirect.scatter.add.f32 [tilespmem:s12], [sflag:$0x4], $0x1, s15, s10, $0xb8;
	[tilespmem:$0x2F00] =	vst v63  }
0xe7: {  	_ =	swait.ge [sflag:s16], $0x50  }
0xe8: {  	[sflag:s16] =	ssyncset.done $0x0  }
0xe9: {  	[sflag:s16] =	ssyncadd.s32 $0xFFFFFFB0  }
0xea: {  	v2 =	vld [tilespmem:$0x26C0]  }
0xeb: {  	v3 =	vld [tilespmem:$0x26D0]  }
0xec: {  	v4 =	vld [tilespmem:$0x26E0]  }
0xed: {  	v5 =	vld [tilespmem:$0x26F0]  }
0xee: {  	v6 =	vld [tilespmem:$0x2700]  }
0xef: {  	[tilespmem:$0x2780] =	vst v2  }
0xf0: {  	[tilespmem:$0x2790] =	vst v3  }
0xf1: {  	[tilespmem:$0x27A0] =	vst v4  }
0xf2: {  	[tilespmem:$0x27B0] =	vst v5  }
0xf3: {  	[tilespmem:$0x27C0] =	vst v6  }
0xf4: {  	[spmem:s2] =	stream.indirect.scatter.add.f32 [tilespmem:s12], [sflag:$0x1], $0x1, s11, s10, $0xb8;
	[tilespmem:$0x2F00] =	vst v63  }
0xf5: {  	_ =	swait.ge [sflag:s16], $0x50  }
0xf6: {  	[sflag:s16] =	ssyncset.done $0x0  }
0xf7: {  	[sflag:s16] =	ssyncadd.s32 $0xFFFFFFB0  }
0xf8: {  	_ =	swait.ge [sflag:s17], $0x50  }
0xf9: {  	[sflag:s17] =	ssyncset.done $0x0  }
0xfa: {  	[sflag:s17] =	ssyncadd.s32 $0xFFFFFFB0  }
0xfb: {  	_ =	swait.ge [sflag:s18], $0x50  }
0xfc: {  	[sflag:s18] =	ssyncset.done $0x0  }
0xfd: {  	[sflag:s18] =	ssyncadd.s32 $0xFFFFFFB0  }
0xfe: {  	_ =	swait.ge [sflag:s19], $0x50  }
0xff: {  	s24 =	sadd.s32 $0x1, s24;
	[sflag:s19] =	ssyncset.done $0x0  }
0x100: {  	p0 =	sne.s32 s24, s7;
	[sflag:s19] =	ssyncadd.s32 $0xFFFFFFB0  }
.Ltmp1:
0x101: {  	[bflag:$0x0] =	sbarrier.arrive $0xFFFF;
	(pc) =	sbr.rel @p0 .LBB2_1-.Ltmp1, $4  }
0x102: {  	[hbm:s6@s22], [sflag:s20] =	dma.strided [spmem:s21@s23], $0x50, s16, $0x10   }
0x103: {  	_ =	swait.ge [sflag:s9], $0x50  }
0x104: {  	[sflag:s9] =	ssyncset.done $0x0  }
0x105: {  	[sflag:s9] =	ssyncadd.s32 $0xFFFFFFB0  }
0x106: {  	_ =	sfence.sel $0x180000  }
0x107: {  	[bflag:$0x0] =	sbarrier.arrive $0xFFFF  }
0x108: {  	p0 =	sne.s32 s0, $0x0;
	_ =	strace $0x90000047  }
0x109: {  	s0 =	sadd.s32 @!p0 $0x100000, s1;
	[bflag:$0x2] =	sbarrier.arrive $0xFFFF  }
0x10a: {  	[sflag:s0] =	ssyncadd.tile.s32 @!p0 $0x1;
	_ =	shalt  }
.Lfunc_end2:
_tile_overlayer_lowered:
.L_overlay_start_2:
0x10b: {  	(tag) =	ssettag $0x2  }
0x10c: {  	s0 =	rddreg [dreg:$0x0];
	s2 =	stileid.u32  }
0x10d: {  	s1 =	rddreg [dreg:$0x1];
	p0 =	sne.s32 s2, $0x0  }
0x10e: {  	s3 =	rddreg [dreg:$0x2];
	[bflag:$0x3] =	sbarrier.arrive $0xFFFF;
	s2 =	simm.s32 @!p0 $0x1C05  }
0x10f: {  	[timem:s3], [sflag:s2] =	dma.local @!p0 [hbm:s0], s1  }
0x110: {  	s0 =	simm.s32 @!p0 $0x5  }
0x111: {  	_ =	swait.ge @!p0 [sflag:s0], s1  }
0x112: {  	s1 =	ssub.s32 @!p0 $0x0, s1;
	[sflag:s0] =	ssyncset.done @!p0 $0x0  }
0x113: {  	[sflag:s0] =	ssyncadd.s32 @!p0 s1  }
0x114: {  	[bflag:$0x3] =	sbarrier.arrive $0xFFFF  }
0x115: {  	_ =	shalt  }

</sc_bundles>
